<compile_context>
chip_gen: v7x
topology: tpu7x:2x2x1
jax: 0.10.2.dev20260603
libtpu: 0.0.44.dev20260713+nightly
codegen_flags: <defaults>
</compile_context>

<pallas_src>
import dataclasses
import functools

import jax
import jax.numpy as jnp
from jax import lax
from jax.experimental import pallas as pl
from jax.experimental.pallas import tpu as pltpu
from jax.experimental.pallas import tpu_sc as plsc

NW = 32
CHUNK_ROWS = 4


@functools.partial(jax.jit, static_argnums=(4, 5))
def _sc_forward(idx, emb_table, i_emb_table, g_emb_table, B, F):
    D = emb_table.shape[1]
    rows_per_w = B // NW
    chunk_idx = CHUNK_ROWS * F
    nchunk = rows_per_w // CHUNK_ROWS

    mesh = plsc.VectorSubcoreMesh(core_axis_name="c", subcore_axis_name="s")

    cp = pltpu.CompilerParams()
    if "needs_layout_passes" in pltpu.CompilerParams.__dataclass_fields__:
        cp = dataclasses.replace(cp, needs_layout_passes=False)
    if "use_tc_tiling_on_sc" in pltpu.CompilerParams.__dataclass_fields__:
        cp = dataclasses.replace(cp, use_tc_tiling_on_sc=False)

    groups_per_w = rows_per_w // D

    @functools.partial(
        pl.kernel,
        out_type=jax.ShapeDtypeStruct((B // D, D), jnp.float32),
        mesh=mesh,
        compiler_params=cp,
        scratch_types=[
            pltpu.VMEM((nchunk, chunk_idx), jnp.int32),
            pltpu.VMEM((chunk_idx, D), jnp.float32),
            pltpu.VMEM((chunk_idx, D), jnp.float32),
            pltpu.VMEM((chunk_idx, D), jnp.float32),
            pltpu.VMEM((chunk_idx, D), jnp.float32),
            pltpu.VMEM((chunk_idx, D), jnp.float32),
            pltpu.VMEM((chunk_idx, D), jnp.float32),
            pltpu.VMEM((groups_per_w, D), jnp.float32),
            pltpu.SemaphoreType.DMA,
            pltpu.SemaphoreType.DMA,
            pltpu.SemaphoreType.DMA,
            pltpu.SemaphoreType.DMA,
            pltpu.SemaphoreType.DMA,
            pltpu.SemaphoreType.DMA,
        ],
    )
    def sc_kernel(idx_hbm, e_hbm, i_hbm, g_hbm, out_hbm,
                  idx_v, e0, i0, g0, e1, i1, g1, out_v,
                  se0, si0, sg0, se1, si1, sg1):
        cid = lax.axis_index("c")
        sid = lax.axis_index("s")
        wid = sid * 2 + cid

        pltpu.sync_copy(idx_hbm.at[wid], idx_v)

        def issue(j, eb, ib, gb, se, si, sg):
            row = idx_v.at[j]
            pltpu.async_copy(e_hbm.at[row], eb, se)
            pltpu.async_copy(i_hbm.at[row], ib, si)
            pltpu.async_copy(g_hbm.at[row], gb, sg)

        def wait(j, eb, ib, gb, se, si, sg):
            row = idx_v.at[j]
            pltpu.make_async_copy(e_hbm.at[row], eb, se).wait()
            pltpu.make_async_copy(i_hbm.at[row], ib, si).wait()
            pltpu.make_async_copy(g_hbm.at[row], gb, sg).wait()

        chunks_per_group = D // CHUNK_ROWS
        lanes = lax.iota(jnp.int32, 16)

        def compute(j, eb, ib, gb):
            g = j // chunks_per_group
            q = j % chunks_per_group
            vec = out_v[g]
            for r in range(CHUNK_ROWS):
                acc = eb[r * F] * ib[r * F] * gb[r * F]
                for f in range(1, F):
                    k = r * F + f
                    acc = acc + eb[k] * ib[k] * gb[k]
                s = jnp.sum(acc)
                vec = jnp.where(lanes == q * CHUNK_ROWS + r, s, vec)
            out_v[g] = vec

        issue(0, e0, i0, g0, se0, si0, sg0)

        @pl.loop(0, nchunk, step=2)
        def _(j):
            issue(j + 1, e1, i1, g1, se1, si1, sg1)
            wait(j, e0, i0, g0, se0, si0, sg0)
            compute(j, e0, i0, g0)

            @pl.when(j + 2 < nchunk)
            def _():
                issue(j + 2, e0, i0, g0, se0, si0, sg0)

            wait(j + 1, e1, i1, g1, se1, si1, sg1)
            compute(j + 1, e1, i1, g1)

        pltpu.sync_copy(out_v, out_hbm.at[pl.ds(wid * groups_per_w, groups_per_w)])

    return sc_kernel(idx, emb_table, i_emb_table, g_emb_table)


def _row_major(table):
    V, D = table.shape
    packed = table.reshape(V * D // 128, 128)
    packed = jax.lax.optimization_barrier(packed)
    return packed.reshape(V, D)


def kernel(sparse_input, emb_table, i_emb_table, g_emb_table):
    B, F = sparse_input.shape
    rows_per_w = B // NW
    chunk_idx = CHUNK_ROWS * F
    nchunk = rows_per_w // CHUNK_ROWS
    idx = sparse_input.astype(jnp.int32).reshape(NW, nchunk, chunk_idx)
    out = _sc_forward(idx, _row_major(emb_table), _row_major(i_emb_table),
                      _row_major(g_emb_table), B, F)
    return out.reshape(B)

# --- scband reference (transcript-rebuilt; emitter-appended) ---
"""Pipeline reference for scband-basic-model-74534862455385 (READ-ONLY COPY).

The authoritative reference and input builder live on the scoring server;
editing this copy changes nothing except your own understanding.
"""

import jax, jax.numpy as jnp
import numpy as np

VOCAB = 1000000
DIM = 16
BATCH = 4096
FIELDS = 26

def setup_inputs(seed: int = 0) -> dict:
    key = jax.random.key(seed)
    k1, k2, k3, k4 = jax.random.split(key, 4)
    sparse_input = jax.random.randint(k1, (BATCH, FIELDS), 0, VOCAB, dtype=jnp.int64 if jax.config.jax_enable_x64 else jnp.int32)
    emb_table = jax.random.normal(k2, (VOCAB, DIM), dtype=jnp.float32) * 0.01
    i_emb_table = jax.random.normal(k3, (VOCAB, DIM), dtype=jnp.float32) * 0.01
    g_emb_table = jax.random.normal(k4, (VOCAB, DIM), dtype=jnp.float32) * 0.01
    return {"sparse_input": sparse_input, "emb_table": emb_table, "i_emb_table": i_emb_table, "g_emb_table": g_emb_table}

def reference(sparse_input, emb_table, i_emb_table, g_emb_table):
    # self.dense_input = self.embedding_layer(sparse_input)
    dense_input = jnp.take(emb_table, sparse_input, axis=0)        # [B, F, D]
    # i_embedding_layer(sparse_input, 'no_id')
    i_emb = jnp.take(i_emb_table, sparse_input, axis=0)            # [B, F, D]
    # g_embedding_layer(sparse_input)
    g_emb = jnp.take(g_emb_table, sparse_input, axis=0)            # [B, F, D]
    # concrete FeatureInteraction (abstract in base class): elementwise
    # interaction of the three embedding views, reduced to a logit per example
    interaction = dense_input * i_emb * g_emb                      # [B, F, D]
    predict = jnp.sum(interaction, axis=(1, 2))                    # [B]
    return predict

if __name__ == "__main__":
    import jax
    _d = setup_inputs()
    print(jax.jit(kernel)(*tuple(_d.values())))

</pallas_src>

<mosaic_0001>
#map = affine_map<(d0, d1) -> (0, 0, 0)>
#map1 = affine_map<(d0, d1) -> (0, 0)>
module attributes {stable_mosaic.version = 14 : i64} {
  func.func @sc_kernel(%arg0: i32, %arg1: i32, %arg2: memref<32x32x104xi32, #tpu.memory_space<hbm>>, %arg3: memref<1000000x16xf32, #tpu.memory_space<hbm>>, %arg4: memref<1000000x16xf32, #tpu.memory_space<hbm>>, %arg5: memref<1000000x16xf32, #tpu.memory_space<hbm>>, %arg6: memref<256x16xf32, #tpu.memory_space<hbm>>, %arg7: memref<32x104xi32, #tpu.memory_space<vmem>>, %arg8: memref<104x16xf32, #tpu.memory_space<vmem>>, %arg9: memref<104x16xf32, #tpu.memory_space<vmem>>, %arg10: memref<104x16xf32, #tpu.memory_space<vmem>>, %arg11: memref<104x16xf32, #tpu.memory_space<vmem>>, %arg12: memref<104x16xf32, #tpu.memory_space<vmem>>, %arg13: memref<104x16xf32, #tpu.memory_space<vmem>>, %arg14: memref<8x16xf32, #tpu.memory_space<vmem>>, %arg15: memref<!tpu.dma_semaphore, #tpu.memory_space<semaphore_mem>>, %arg16: memref<!tpu.dma_semaphore, #tpu.memory_space<semaphore_mem>>, %arg17: memref<!tpu.dma_semaphore, #tpu.memory_space<semaphore_mem>>, %arg18: memref<!tpu.dma_semaphore, #tpu.memory_space<semaphore_mem>>, %arg19: memref<!tpu.dma_semaphore, #tpu.memory_space<semaphore_mem>>, %arg20: memref<!tpu.dma_semaphore, #tpu.memory_space<semaphore_mem>>) attributes {dimension_semantics = [#tpu.dimension_semantics<core_parallel>, #tpu.dimension_semantics<subcore_parallel>], iteration_bounds = array<i64: 2, 16>, scalar_prefetch = 0 : i64, scratch_operands = 14 : i64, tpu.core_type = #tpu.core_type<sc_vector_subcore>, window_params = [{transform_indices = #map}, {transform_indices = #map1}, {transform_indices = #map1}, {transform_indices = #map1}, {transform_indices = #map1}]} {
    %mul3A = arith.constant 2 : i32
    %mul3A_0 = arith.muli %arg1, %mul3A : i32
    %add3A = arith.addi %mul3A_0, %arg0 : i32
    "tpu.region"() ({
      %run_scoped3A = tpu.sem_alloc : memref<!tpu.dma_semaphore, #tpu.memory_space<semaphore_mem>>
      %dma_start3A_27 = arith.constant 0 : i32
      %dma_start3A_28 = arith.constant 0 : i32
      %dma_start3A_29 = tpu.memref_slice %arg2[%add3A, %dma_start3A_27, %dma_start3A_28] : memref<32x32x104xi32, #tpu.memory_space<hbm>> -> memref<1x32x104xi32, #tpu.memory_space<hbm>>
      %dma_start3A_30 = tpu.memref_squeeze %dma_start3A_29 : memref<1x32x104xi32, #tpu.memory_space<hbm>> -> memref<32x104xi32, #tpu.memory_space<hbm>>
      %dma_start3A_31 = arith.constant 0 : i32
      %dma_start3A_32 = arith.constant 0 : i32
      %dma_start3A_33 = tpu.memref_slice %arg2[%add3A, %dma_start3A_31, %dma_start3A_32] : memref<32x32x104xi32, #tpu.memory_space<hbm>> -> memref<1x32x104xi32, #tpu.memory_space<hbm>>
      %dma_start3A_34 = tpu.memref_squeeze %dma_start3A_33 : memref<1x32x104xi32, #tpu.memory_space<hbm>> -> memref<32x104xi32, #tpu.memory_space<hbm>>
      tpu.enqueue_dma source(%dma_start3A_34 : memref<32x104xi32, #tpu.memory_space<hbm>>) target(%arg7 : memref<32x104xi32, #tpu.memory_space<vmem>>) target_semaphore(%run_scoped3A : memref<!tpu.dma_semaphore, #tpu.memory_space<semaphore_mem>>)
      %dma_wait3A = arith.constant 0 : i32
      %dma_wait3A_35 = arith.constant 0 : i32
      %dma_wait3A_36 = tpu.memref_slice %arg2[%add3A, %dma_wait3A, %dma_wait3A_35] : memref<32x32x104xi32, #tpu.memory_space<hbm>> -> memref<1x32x104xi32, #tpu.memory_space<hbm>>
      %dma_wait3A_37 = tpu.memref_squeeze %dma_wait3A_36 : memref<1x32x104xi32, #tpu.memory_space<hbm>> -> memref<32x104xi32, #tpu.memory_space<hbm>>
      %dma_wait3A_38 = arith.constant 0 : i32
      %dma_wait3A_39 = arith.constant 0 : i32
      %dma_wait3A_40 = tpu.memref_slice %arg2[%add3A, %dma_wait3A_38, %dma_wait3A_39] : memref<32x32x104xi32, #tpu.memory_space<hbm>> -> memref<1x32x104xi32, #tpu.memory_space<hbm>>
      %dma_wait3A_41 = tpu.memref_squeeze %dma_wait3A_40 : memref<1x32x104xi32, #tpu.memory_space<hbm>> -> memref<32x104xi32, #tpu.memory_space<hbm>>
      tpu.wait_dma2 semaphore(%run_scoped3A : memref<!tpu.dma_semaphore, #tpu.memory_space<semaphore_mem>>) src(%dma_wait3A_41 : memref<32x104xi32, #tpu.memory_space<hbm>>) dst(%arg7 : memref<32x104xi32, #tpu.memory_space<vmem>>)
      tpu.yield
    }) : () -> ()
    %iota3A = tpu.iota {dimensions = array<i32: 0>} : vector<16xi32>
    %dma_start3A = arith.constant 0 : i32
    %dma_start3A_1 = arith.constant 0 : i32
    %dma_start3A_2 = tpu.memref_slice %arg7[%dma_start3A, %dma_start3A_1] : memref<32x104xi32, #tpu.memory_space<vmem>> -> memref<1x104xi32, #tpu.memory_space<vmem>>
    %dma_start3A_3 = tpu.memref_squeeze %dma_start3A_2 : memref<1x104xi32, #tpu.memory_space<vmem>> -> memref<104xi32, #tpu.memory_space<vmem>>
    %dma_start3A_4 = arith.constant 0 : i32
    %dma_start3A_5 = arith.constant 0 : i32
    %dma_start3A_6 = tpu.memref_slice %arg3[%dma_start3A_4, %dma_start3A_5] : memref<1000000x16xf32, #tpu.memory_space<hbm>> -> memref<1000000x16xf32, #tpu.memory_space<hbm>>
    tpu.enqueue_indirect_dma source(%dma_start3A_6 : memref<1000000x16xf32, #tpu.memory_space<hbm>>) target(%arg8 : memref<104x16xf32, #tpu.memory_space<vmem>>) offsets(%dma_start3A_3 : memref<104xi32, #tpu.memory_space<vmem>>) semaphore(%arg15 : memref<!tpu.dma_semaphore, #tpu.memory_space<semaphore_mem>>)
    %dma_start3A_7 = arith.constant 0 : i32
    %dma_start3A_8 = arith.constant 0 : i32
    %dma_start3A_9 = tpu.memref_slice %arg7[%dma_start3A_7, %dma_start3A_8] : memref<32x104xi32, #tpu.memory_space<vmem>> -> memref<1x104xi32, #tpu.memory_space<vmem>>
    %dma_start3A_10 = tpu.memref_squeeze %dma_start3A_9 : memref<1x104xi32, #tpu.memory_space<vmem>> -> memref<104xi32, #tpu.memory_space<vmem>>
    %dma_start3A_11 = arith.constant 0 : i32
    %dma_start3A_12 = arith.constant 0 : i32
    %dma_start3A_13 = tpu.memref_slice %arg4[%dma_start3A_11, %dma_start3A_12] : memref<1000000x16xf32, #tpu.memory_space<hbm>> -> memref<1000000x16xf32, #tpu.memory_space<hbm>>
    tpu.enqueue_indirect_dma source(%dma_start3A_13 : memref<1000000x16xf32, #tpu.memory_space<hbm>>) target(%arg9 : memref<104x16xf32, #tpu.memory_space<vmem>>) offsets(%dma_start3A_10 : memref<104xi32, #tpu.memory_space<vmem>>) semaphore(%arg16 : memref<!tpu.dma_semaphore, #tpu.memory_space<semaphore_mem>>)
    %dma_start3A_14 = arith.constant 0 : i32
    %dma_start3A_15 = arith.constant 0 : i32
    %dma_start3A_16 = tpu.memref_slice %arg7[%dma_start3A_14, %dma_start3A_15] : memref<32x104xi32, #tpu.memory_space<vmem>> -> memref<1x104xi32, #tpu.memory_space<vmem>>
    %dma_start3A_17 = tpu.memref_squeeze %dma_start3A_16 : memref<1x104xi32, #tpu.memory_space<vmem>> -> memref<104xi32, #tpu.memory_space<vmem>>
    %dma_start3A_18 = arith.constant 0 : i32
    %dma_start3A_19 = arith.constant 0 : i32
    %dma_start3A_20 = tpu.memref_slice %arg5[%dma_start3A_18, %dma_start3A_19] : memref<1000000x16xf32, #tpu.memory_space<hbm>> -> memref<1000000x16xf32, #tpu.memory_space<hbm>>
    tpu.enqueue_indirect_dma source(%dma_start3A_20 : memref<1000000x16xf32, #tpu.memory_space<hbm>>) target(%arg10 : memref<104x16xf32, #tpu.memory_space<vmem>>) offsets(%dma_start3A_17 : memref<104xi32, #tpu.memory_space<vmem>>) semaphore(%arg17 : memref<!tpu.dma_semaphore, #tpu.memory_space<semaphore_mem>>)
    %scan3A = arith.constant 0 : i32
    %scan3A_21 = arith.constant 16 : i32
    %scan3A_22 = arith.addi %scan3A, %scan3A_21 : i32
    %scan3A_23 = arith.constant 1 : i32
    scf.for %scan3A_27 = %scan3A to %scan3A_22 step %scan3A_23  : i32 {
      %mul3A_28 = arith.constant 2 : i32
      %mul3A_29 = arith.muli %scan3A_27, %mul3A_28 : i32
      %add3A_30 = arith.constant 0 : i32
      %add3A_31 = arith.addi %add3A_30, %mul3A_29 : i32
      %add3A_32 = arith.constant 1 : i32
      %add3A_33 = arith.addi %add3A_31, %add3A_32 : i32
      %dma_start3A_34 = arith.constant 0 : i32
      %dma_start3A_35 = tpu.memref_slice %arg7[%add3A_33, %dma_start3A_34] : memref<32x104xi32, #tpu.memory_space<vmem>> -> memref<1x104xi32, #tpu.memory_space<vmem>>
      %dma_start3A_36 = tpu.memref_squeeze %dma_start3A_35 : memref<1x104xi32, #tpu.memory_space<vmem>> -> memref<104xi32, #tpu.memory_space<vmem>>
      %dma_start3A_37 = arith.constant 0 : i32
      %dma_start3A_38 = arith.constant 0 : i32
      %dma_start3A_39 = tpu.memref_slice %arg3[%dma_start3A_37, %dma_start3A_38] : memref<1000000x16xf32, #tpu.memory_space<hbm>> -> memref<1000000x16xf32, #tpu.memory_space<hbm>>
      tpu.enqueue_indirect_dma source(%dma_start3A_39 : memref<1000000x16xf32, #tpu.memory_space<hbm>>) target(%arg11 : memref<104x16xf32, #tpu.memory_space<vmem>>) offsets(%dma_start3A_36 : memref<104xi32, #tpu.memory_space<vmem>>) semaphore(%arg18 : memref<!tpu.dma_semaphore, #tpu.memory_space<semaphore_mem>>)
      %dma_start3A_40 = arith.constant 0 : i32
      %dma_start3A_41 = tpu.memref_slice %arg7[%add3A_33, %dma_start3A_40] : memref<32x104xi32, #tpu.memory_space<vmem>> -> memref<1x104xi32, #tpu.memory_space<vmem>>
      %dma_start3A_42 = tpu.memref_squeeze %dma_start3A_41 : memref<1x104xi32, #tpu.memory_space<vmem>> -> memref<104xi32, #tpu.memory_space<vmem>>
      %dma_start3A_43 = arith.constant 0 : i32
      %dma_start3A_44 = arith.constant 0 : i32
      %dma_start3A_45 = tpu.memref_slice %arg4[%dma_start3A_43, %dma_start3A_44] : memref<1000000x16xf32, #tpu.memory_space<hbm>> -> memref<1000000x16xf32, #tpu.memory_space<hbm>>
      tpu.enqueue_indirect_dma source(%dma_start3A_45 : memref<1000000x16xf32, #tpu.memory_space<hbm>>) target(%arg12 : memref<104x16xf32, #tpu.memory_space<vmem>>) offsets(%dma_start3A_42 : memref<104xi32, #tpu.memory_space<vmem>>) semaphore(%arg19 : memref<!tpu.dma_semaphore, #tpu.memory_space<semaphore_mem>>)
      %dma_start3A_46 = arith.constant 0 : i32
      %dma_start3A_47 = tpu.memref_slice %arg7[%add3A_33, %dma_start3A_46] : memref<32x104xi32, #tpu.memory_space<vmem>> -> memref<1x104xi32, #tpu.memory_space<vmem>>
      %dma_start3A_48 = tpu.memref_squeeze %dma_start3A_47 : memref<1x104xi32, #tpu.memory_space<vmem>> -> memref<104xi32, #tpu.memory_space<vmem>>
      %dma_start3A_49 = arith.constant 0 : i32
      %dma_start3A_50 = arith.constant 0 : i32
      %dma_start3A_51 = tpu.memref_slice %arg5[%dma_start3A_49, %dma_start3A_50] : memref<1000000x16xf32, #tpu.memory_space<hbm>> -> memref<1000000x16xf32, #tpu.memory_space<hbm>>
      tpu.enqueue_indirect_dma source(%dma_start3A_51 : memref<1000000x16xf32, #tpu.memory_space<hbm>>) target(%arg13 : memref<104x16xf32, #tpu.memory_space<vmem>>) offsets(%dma_start3A_48 : memref<104xi32, #tpu.memory_space<vmem>>) semaphore(%arg20 : memref<!tpu.dma_semaphore, #tpu.memory_space<semaphore_mem>>)
      %dma_wait3A = arith.constant 0 : i32
      %dma_wait3A_52 = tpu.memref_slice %arg7[%add3A_31, %dma_wait3A] : memref<32x104xi32, #tpu.memory_space<vmem>> -> memref<1x104xi32, #tpu.memory_space<vmem>>
      %dma_wait3A_53 = tpu.memref_squeeze %dma_wait3A_52 : memref<1x104xi32, #tpu.memory_space<vmem>> -> memref<104xi32, #tpu.memory_space<vmem>>
      %dma_wait3A_54 = arith.constant 0 : i32
      %dma_wait3A_55 = arith.constant 0 : i32
      %dma_wait3A_56 = tpu.memref_slice %arg3[%dma_wait3A_54, %dma_wait3A_55] : memref<1000000x16xf32, #tpu.memory_space<hbm>> -> memref<1000000x16xf32, #tpu.memory_space<hbm>>
      tpu.wait_indirect_dma semaphore(%arg15 : memref<!tpu.dma_semaphore, #tpu.memory_space<semaphore_mem>>) src(%dma_wait3A_56 : memref<1000000x16xf32, #tpu.memory_space<hbm>>) dst(%arg8 : memref<104x16xf32, #tpu.memory_space<vmem>>)
      %dma_wait3A_57 = arith.constant 0 : i32
      %dma_wait3A_58 = tpu.memref_slice %arg7[%add3A_31, %dma_wait3A_57] : memref<32x104xi32, #tpu.memory_space<vmem>> -> memref<1x104xi32, #tpu.memory_space<vmem>>
      %dma_wait3A_59 = tpu.memref_squeeze %dma_wait3A_58 : memref<1x104xi32, #tpu.memory_space<vmem>> -> memref<104xi32, #tpu.memory_space<vmem>>
      %dma_wait3A_60 = arith.constant 0 : i32
      %dma_wait3A_61 = arith.constant 0 : i32
      %dma_wait3A_62 = tpu.memref_slice %arg4[%dma_wait3A_60, %dma_wait3A_61] : memref<1000000x16xf32, #tpu.memory_space<hbm>> -> memref<1000000x16xf32, #tpu.memory_space<hbm>>
      tpu.wait_indirect_dma semaphore(%arg16 : memref<!tpu.dma_semaphore, #tpu.memory_space<semaphore_mem>>) src(%dma_wait3A_62 : memref<1000000x16xf32, #tpu.memory_space<hbm>>) dst(%arg9 : memref<104x16xf32, #tpu.memory_space<vmem>>)
      %dma_wait3A_63 = arith.constant 0 : i32
      %dma_wait3A_64 = tpu.memref_slice %arg7[%add3A_31, %dma_wait3A_63] : memref<32x104xi32, #tpu.memory_space<vmem>> -> memref<1x104xi32, #tpu.memory_space<vmem>>
      %dma_wait3A_65 = tpu.memref_squeeze %dma_wait3A_64 : memref<1x104xi32, #tpu.memory_space<vmem>> -> memref<104xi32, #tpu.memory_space<vmem>>
      %dma_wait3A_66 = arith.constant 0 : i32
      %dma_wait3A_67 = arith.constant 0 : i32
      %dma_wait3A_68 = tpu.memref_slice %arg5[%dma_wait3A_66, %dma_wait3A_67] : memref<1000000x16xf32, #tpu.memory_space<hbm>> -> memref<1000000x16xf32, #tpu.memory_space<hbm>>
      tpu.wait_indirect_dma semaphore(%arg17 : memref<!tpu.dma_semaphore, #tpu.memory_space<semaphore_mem>>) src(%dma_wait3A_68 : memref<1000000x16xf32, #tpu.memory_space<hbm>>) dst(%arg10 : memref<104x16xf32, #tpu.memory_space<vmem>>)
      %jit3A = arith.constant 4 : i32
      %div3A = arith.divsi %add3A_31, %jit3A : i32
      %sign3A = arith.constant 0 : i32
      %sign3A_69 = arith.cmpi sgt, %add3A_31, %sign3A : i32
      %sign3A_70 = arith.extui %sign3A_69 : i1 to i32
      %sign3A_71 = arith.constant 0 : i32
      %sign3A_72 = arith.cmpi slt, %add3A_31, %sign3A_71 : i32
      %sign3A_73 = arith.extui %sign3A_72 : i1 to i32
      %sign3A_74 = arith.subi %sign3A_70, %sign3A_73 : i32
      %sign3A_75 = arith.constant 0 : i32
      %sign3A_76 = arith.cmpi sgt, %jit3A, %sign3A_75 : i32
      %sign3A_77 = arith.extui %sign3A_76 : i1 to i32
      %sign3A_78 = arith.constant 0 : i32
      %sign3A_79 = arith.cmpi slt, %jit3A, %sign3A_78 : i32
      %sign3A_80 = arith.extui %sign3A_79 : i1 to i32
      %sign3A_81 = arith.subi %sign3A_77, %sign3A_80 : i32
      %ne3A = arith.cmpi ne, %sign3A_74, %sign3A_81 : i32
      %rem3A = arith.remsi %add3A_31, %jit3A : i32
      %ne3A_82 = arith.constant 0 : i32
      %ne3A_83 = arith.cmpi ne, %rem3A, %ne3A_82 : i32
      %and3A = arith.andi %ne3A, %ne3A_83 : i1
      %sub3A = arith.constant 1 : i32
      %sub3A_84 = arith.subi %div3A, %sub3A : i32
      %select_n3A = arith.select %and3A, %sub3A_84, %div3A : i32
      %jit3A_85 = arith.constant 4 : i32
      %eq3A = arith.constant 0 : i32
      %eq3A_86 = arith.cmpi eq, %jit3A_85, %eq3A : i32
      %jit3A_87 = arith.constant 1 : i32
      %select_n3A_88 = arith.select %eq3A_86, %jit3A_87, %jit3A_85 : i32
      %rem3A_89 = arith.remsi %add3A_31, %select_n3A_88 : i32
      %ne3A_90 = arith.constant 0 : i32
      %ne3A_91 = arith.cmpi ne, %rem3A_89, %ne3A_90 : i32
      %lt3A = arith.constant 0 : i32
      %lt3A_92 = arith.cmpi slt, %rem3A_89, %lt3A : i32
      %lt3A_93 = arith.constant 0 : i32
      %lt3A_94 = arith.cmpi slt, %select_n3A_88, %lt3A_93 : i32
      %ne3A_95 = arith.xori %lt3A_92, %lt3A_94 : i1
      %and3A_96 = arith.andi %ne3A_95, %ne3A_91 : i1
      %add3A_97 = arith.addi %rem3A_89, %select_n3A_88 : i32
      %select_n3A_98 = arith.select %and3A_96, %add3A_97, %rem3A_89 : i32
      %get3A = arith.index_cast %select_n3A : i32 to index
      %get3A_99 = arith.constant 0 : index
      %get3A_100 = tpu.vector_load %arg14[%get3A, %get3A_99] {strides = array<i32>} : memref<8x16xf32, #tpu.memory_space<vmem>>, vector<16xf32>,
      %get3A_101 = arith.constant 0 : i32
      %get3A_102 = arith.index_cast %get3A_101 : i32 to index
      %get3A_103 = arith.constant 0 : index
      %get3A_104 = tpu.vector_load %arg8[%get3A_102, %get3A_103] {strides = array<i32>} : memref<104x16xf32, #tpu.memory_space<vmem>>, vector<16xf32>,
      %get3A_105 = arith.constant 0 : i32
      %get3A_106 = arith.index_cast %get3A_105 : i32 to index
      %get3A_107 = arith.constant 0 : index
      %get3A_108 = tpu.vector_load %arg9[%get3A_106, %get3A_107] {strides = array<i32>} : memref<104x16xf32, #tpu.memory_space<vmem>>, vector<16xf32>,
      %mul3A_109 = arith.mulf %get3A_104, %get3A_108 : vector<16xf32>
      %get3A_110 = arith.constant 0 : i32
      %get3A_111 = arith.index_cast %get3A_110 : i32 to index
      %get3A_112 = arith.constant 0 : index
      %get3A_113 = tpu.vector_load %arg10[%get3A_111, %get3A_112] {strides = array<i32>} : memref<104x16xf32, #tpu.memory_space<vmem>>, vector<16xf32>,
      %mul3A_114 = arith.mulf %mul3A_109, %get3A_113 : vector<16xf32>
      %get3A_115 = arith.constant 1 : i32
      %get3A_116 = arith.index_cast %get3A_115 : i32 to index
      %get3A_117 = arith.constant 0 : index
      %get3A_118 = tpu.vector_load %arg8[%get3A_116, %get3A_117] {strides = array<i32>} : memref<104x16xf32, #tpu.memory_space<vmem>>, vector<16xf32>,
      %get3A_119 = arith.constant 1 : i32
      %get3A_120 = arith.index_cast %get3A_119 : i32 to index
      %get3A_121 = arith.constant 0 : index
      %get3A_122 = tpu.vector_load %arg9[%get3A_120, %get3A_121] {strides = array<i32>} : memref<104x16xf32, #tpu.memory_space<vmem>>, vector<16xf32>,
      %mul3A_123 = arith.mulf %get3A_118, %get3A_122 : vector<16xf32>
      %get3A_124 = arith.constant 1 : i32
      %get3A_125 = arith.index_cast %get3A_124 : i32 to index
      %get3A_126 = arith.constant 0 : index
      %get3A_127 = tpu.vector_load %arg10[%get3A_125, %get3A_126] {strides = array<i32>} : memref<104x16xf32, #tpu.memory_space<vmem>>, vector<16xf32>,
      %mul3A_128 = arith.mulf %mul3A_123, %get3A_127 : vector<16xf32>
      %add3A_129 = arith.addf %mul3A_114, %mul3A_128 : vector<16xf32>
      %get3A_130 = arith.constant 2 : i32
      %get3A_131 = arith.index_cast %get3A_130 : i32 to index
      %get3A_132 = arith.constant 0 : index
      %get3A_133 = tpu.vector_load %arg8[%get3A_131, %get3A_132] {strides = array<i32>} : memref<104x16xf32, #tpu.memory_space<vmem>>, vector<16xf32>,
      %get3A_134 = arith.constant 2 : i32
      %get3A_135 = arith.index_cast %get3A_134 : i32 to index
      %get3A_136 = arith.constant 0 : index
      %get3A_137 = tpu.vector_load %arg9[%get3A_135, %get3A_136] {strides = array<i32>} : memref<104x16xf32, #tpu.memory_space<vmem>>, vector<16xf32>,
      %mul3A_138 = arith.mulf %get3A_133, %get3A_137 : vector<16xf32>
      %get3A_139 = arith.constant 2 : i32
      %get3A_140 = arith.index_cast %get3A_139 : i32 to index
      %get3A_141 = arith.constant 0 : index
      %get3A_142 = tpu.vector_load %arg10[%get3A_140, %get3A_141] {strides = array<i32>} : memref<104x16xf32, #tpu.memory_space<vmem>>, vector<16xf32>,
      %mul3A_143 = arith.mulf %mul3A_138, %get3A_142 : vector<16xf32>
      %add3A_144 = arith.addf %add3A_129, %mul3A_143 : vector<16xf32>
      %get3A_145 = arith.constant 3 : i32
      %get3A_146 = arith.index_cast %get3A_145 : i32 to index
      %get3A_147 = arith.constant 0 : index
      %get3A_148 = tpu.vector_load %arg8[%get3A_146, %get3A_147] {strides = array<i32>} : memref<104x16xf32, #tpu.memory_space<vmem>>, vector<16xf32>,
      %get3A_149 = arith.constant 3 : i32
      %get3A_150 = arith.index_cast %get3A_149 : i32 to index
      %get3A_151 = arith.constant 0 : index
      %get3A_152 = tpu.vector_load %arg9[%get3A_150, %get3A_151] {strides = array<i32>} : memref<104x16xf32, #tpu.memory_space<vmem>>, vector<16xf32>,
      %mul3A_153 = arith.mulf %get3A_148, %get3A_152 : vector<16xf32>
      %get3A_154 = arith.constant 3 : i32
      %get3A_155 = arith.index_cast %get3A_154 : i32 to index
      %get3A_156 = arith.constant 0 : index
      %get3A_157 = tpu.vector_load %arg10[%get3A_155, %get3A_156] {strides = array<i32>} : memref<104x16xf32, #tpu.memory_space<vmem>>, vector<16xf32>,
      %mul3A_158 = arith.mulf %mul3A_153, %get3A_157 : vector<16xf32>
      %add3A_159 = arith.addf %add3A_144, %mul3A_158 : vector<16xf32>
      %get3A_160 = arith.constant 4 : i32
      %get3A_161 = arith.index_cast %get3A_160 : i32 to index
      %get3A_162 = arith.constant 0 : index
      %get3A_163 = tpu.vector_load %arg8[%get3A_161, %get3A_162] {strides = array<i32>} : memref<104x16xf32, #tpu.memory_space<vmem>>, vector<16xf32>,
      %get3A_164 = arith.constant 4 : i32
      %get3A_165 = arith.index_cast %get3A_164 : i32 to index
      %get3A_166 = arith.constant 0 : index
      %get3A_167 = tpu.vector_load %arg9[%get3A_165, %get3A_166] {strides = array<i32>} : memref<104x16xf32, #tpu.memory_space<vmem>>, vector<16xf32>,
      %mul3A_168 = arith.mulf %get3A_163, %get3A_167 : vector<16xf32>
      %get3A_169 = arith.constant 4 : i32
      %get3A_170 = arith.index_cast %get3A_169 : i32 to index
      %get3A_171 = arith.constant 0 : index
      %get3A_172 = tpu.vector_load %arg10[%get3A_170, %get3A_171] {strides = array<i32>} : memref<104x16xf32, #tpu.memory_space<vmem>>, vector<16xf32>,
      %mul3A_173 = arith.mulf %mul3A_168, %get3A_172 : vector<16xf32>
      %add3A_174 = arith.addf %add3A_159, %mul3A_173 : vector<16xf32>
      %get3A_175 = arith.constant 5 : i32
      %get3A_176 = arith.index_cast %get3A_175 : i32 to index
      %get3A_177 = arith.constant 0 : index
      %get3A_178 = tpu.vector_load %arg8[%get3A_176, %get3A_177] {strides = array<i32>} : memref<104x16xf32, #tpu.memory_space<vmem>>, vector<16xf32>,
      %get3A_179 = arith.constant 5 : i32
      %get3A_180 = arith.index_cast %get3A_179 : i32 to index
      %get3A_181 = arith.constant 0 : index
      %get3A_182 = tpu.vector_load %arg9[%get3A_180, %get3A_181] {strides = array<i32>} : memref<104x16xf32, #tpu.memory_space<vmem>>, vector<16xf32>,
      %mul3A_183 = arith.mulf %get3A_178, %get3A_182 : vector<16xf32>
      %get3A_184 = arith.constant 5 : i32
      %get3A_185 = arith.index_cast %get3A_184 : i32 to index
      %get3A_186 = arith.constant 0 : index
      %get3A_187 = tpu.vector_load %arg10[%get3A_185, %get3A_186] {strides = array<i32>} : memref<104x16xf32, #tpu.memory_space<vmem>>, vector<16xf32>,
      %mul3A_188 = arith.mulf %mul3A_183, %get3A_187 : vector<16xf32>
      %add3A_189 = arith.addf %add3A_174, %mul3A_188 : vector<16xf32>
      %get3A_190 = arith.constant 6 : i32
      %get3A_191 = arith.index_cast %get3A_190 : i32 to index
      %get3A_192 = arith.constant 0 : index
      %get3A_193 = tpu.vector_load %arg8[%get3A_191, %get3A_192] {strides = array<i32>} : memref<104x16xf32, #tpu.memory_space<vmem>>, vector<16xf32>,
      %get3A_194 = arith.constant 6 : i32
      %get3A_195 = arith.index_cast %get3A_194 : i32 to index
      %get3A_196 = arith.constant 0 : index
      %get3A_197 = tpu.vector_load %arg9[%get3A_195, %get3A_196] {strides = array<i32>} : memref<104x16xf32, #tpu.memory_space<vmem>>, vector<16xf32>,
      %mul3A_198 = arith.mulf %get3A_193, %get3A_197 : vector<16xf32>
      %get3A_199 = arith.constant 6 : i32
      %get3A_200 = arith.index_cast %get3A_199 : i32 to index
      %get3A_201 = arith.constant 0 : index
      %get3A_202 = tpu.vector_load %arg10[%get3A_200, %get3A_201] {strides = array<i32>} : memref<104x16xf32, #tpu.memory_space<vmem>>, vector<16xf32>,
      %mul3A_203 = arith.mulf %mul3A_198, %get3A_202 : vector<16xf32>
      %add3A_204 = arith.addf %add3A_189, %mul3A_203 : vector<16xf32>
      %get3A_205 = arith.constant 7 : i32
      %get3A_206 = arith.index_cast %get3A_205 : i32 to index
      %get3A_207 = arith.constant 0 : index
      %get3A_208 = tpu.vector_load %arg8[%get3A_206, %get3A_207] {strides = array<i32>} : memref<104x16xf32, #tpu.memory_space<vmem>>, vector<16xf32>,
      %get3A_209 = arith.constant 7 : i32
      %get3A_210 = arith.index_cast %get3A_209 : i32 to index
      %get3A_211 = arith.constant 0 : index
      %get3A_212 = tpu.vector_load %arg9[%get3A_210, %get3A_211] {strides = array<i32>} : memref<104x16xf32, #tpu.memory_space<vmem>>, vector<16xf32>,
      %mul3A_213 = arith.mulf %get3A_208, %get3A_212 : vector<16xf32>
      %get3A_214 = arith.constant 7 : i32
      %get3A_215 = arith.index_cast %get3A_214 : i32 to index
      %get3A_216 = arith.constant 0 : index
      %get3A_217 = tpu.vector_load %arg10[%get3A_215, %get3A_216] {strides = array<i32>} : memref<104x16xf32, #tpu.memory_space<vmem>>, vector<16xf32>,
      %mul3A_218 = arith.mulf %mul3A_213, %get3A_217 : vector<16xf32>
      %add3A_219 = arith.addf %add3A_204, %mul3A_218 : vector<16xf32>
      %get3A_220 = arith.constant 8 : i32
      %get3A_221 = arith.index_cast %get3A_220 : i32 to index
      %get3A_222 = arith.constant 0 : index
      %get3A_223 = tpu.vector_load %arg8[%get3A_221, %get3A_222] {strides = array<i32>} : memref<104x16xf32, #tpu.memory_space<vmem>>, vector<16xf32>,
      %get3A_224 = arith.constant 8 : i32
      %get3A_225 = arith.index_cast %get3A_224 : i32 to index
      %get3A_226 = arith.constant 0 : index
      %get3A_227 = tpu.vector_load %arg9[%get3A_225, %get3A_226] {strides = array<i32>} : memref<104x16xf32, #tpu.memory_space<vmem>>, vector<16xf32>,
      %mul3A_228 = arith.mulf %get3A_223, %get3A_227 : vector<16xf32>
      %get3A_229 = arith.constant 8 : i32
      %get3A_230 = arith.index_cast %get3A_229 : i32 to index
      %get3A_231 = arith.constant 0 : index
      %get3A_232 = tpu.vector_load %arg10[%get3A_230, %get3A_231] {strides = array<i32>} : memref<104x16xf32, #tpu.memory_space<vmem>>, vector<16xf32>,
      %mul3A_233 = arith.mulf %mul3A_228, %get3A_232 : vector<16xf32>
      %add3A_234 = arith.addf %add3A_219, %mul3A_233 : vector<16xf32>
      %get3A_235 = arith.constant 9 : i32
      %get3A_236 = arith.index_cast %get3A_235 : i32 to index
      %get3A_237 = arith.constant 0 : index
      %get3A_238 = tpu.vector_load %arg8[%get3A_236, %get3A_237] {strides = array<i32>} : memref<104x16xf32, #tpu.memory_space<vmem>>, vector<16xf32>,
      %get3A_239 = arith.constant 9 : i32
      %get3A_240 = arith.index_cast %get3A_239 : i32 to index
      %get3A_241 = arith.constant 0 : index
      %get3A_242 = tpu.vector_load %arg9[%get3A_240, %get3A_241] {strides = array<i32>} : memref<104x16xf32, #tpu.memory_space<vmem>>, vector<16xf32>,
      %mul3A_243 = arith.mulf %get3A_238, %get3A_242 : vector<16xf32>
      %get3A_244 = arith.constant 9 : i32
      %get3A_245 = arith.index_cast %get3A_244 : i32 to index
      %get3A_246 = arith.constant 0 : index
      %get3A_247 = tpu.vector_load %arg10[%get3A_245, %get3A_246] {strides = array<i32>} : memref<104x16xf32, #tpu.memory_space<vmem>>, vector<16xf32>,
      %mul3A_248 = arith.mulf %mul3A_243, %get3A_247 : vector<16xf32>
      %add3A_249 = arith.addf %add3A_234, %mul3A_248 : vector<16xf32>
      %get3A_250 = arith.constant 10 : i32
      %get3A_251 = arith.index_cast %get3A_250 : i32 to index
      %get3A_252 = arith.constant 0 : index
      %get3A_253 = tpu.vector_load %arg8[%get3A_251, %get3A_252] {strides = array<i32>} : memref<104x16xf32, #tpu.memory_space<vmem>>, vector<16xf32>,
      %get3A_254 = arith.constant 10 : i32
      %get3A_255 = arith.index_cast %get3A_254 : i32 to index
      %get3A_256 = arith.constant 0 : index
      %get3A_257 = tpu.vector_load %arg9[%get3A_255, %get3A_256] {strides = array<i32>} : memref<104x16xf32, #tpu.memory_space<vmem>>, vector<16xf32>,
      %mul3A_258 = arith.mulf %get3A_253, %get3A_257 : vector<16xf32>
      %get3A_259 = arith.constant 10 : i32
      %get3A_260 = arith.index_cast %get3A_259 : i32 to index
      %get3A_261 = arith.constant 0 : index
      %get3A_262 = tpu.vector_load %arg10[%get3A_260, %get3A_261] {strides = array<i32>} : memref<104x16xf32, #tpu.memory_space<vmem>>, vector<16xf32>,
      %mul3A_263 = arith.mulf %mul3A_258, %get3A_262 : vector<16xf32>
      %add3A_264 = arith.addf %add3A_249, %mul3A_263 : vector<16xf32>
      %get3A_265 = arith.constant 11 : i32
      %get3A_266 = arith.index_cast %get3A_265 : i32 to index
      %get3A_267 = arith.constant 0 : index
      %get3A_268 = tpu.vector_load %arg8[%get3A_266, %get3A_267] {strides = array<i32>} : memref<104x16xf32, #tpu.memory_space<vmem>>, vector<16xf32>,
      %get3A_269 = arith.constant 11 : i32
      %get3A_270 = arith.index_cast %get3A_269 : i32 to index
      %get3A_271 = arith.constant 0 : index
      %get3A_272 = tpu.vector_load %arg9[%get3A_270, %get3A_271] {strides = array<i32>} : memref<104x16xf32, #tpu.memory_space<vmem>>, vector<16xf32>,
      %mul3A_273 = arith.mulf %get3A_268, %get3A_272 : vector<16xf32>
      %get3A_274 = arith.constant 11 : i32
      %get3A_275 = arith.index_cast %get3A_274 : i32 to index
      %get3A_276 = arith.constant 0 : index
      %get3A_277 = tpu.vector_load %arg10[%get3A_275, %get3A_276] {strides = array<i32>} : memref<104x16xf32, #tpu.memory_space<vmem>>, vector<16xf32>,
      %mul3A_278 = arith.mulf %mul3A_273, %get3A_277 : vector<16xf32>
      %add3A_279 = arith.addf %add3A_264, %mul3A_278 : vector<16xf32>
      %get3A_280 = arith.constant 12 : i32
      %get3A_281 = arith.index_cast %get3A_280 : i32 to index
      %get3A_282 = arith.constant 0 : index
      %get3A_283 = tpu.vector_load %arg8[%get3A_281, %get3A_282] {strides = array<i32>} : memref<104x16xf32, #tpu.memory_space<vmem>>, vector<16xf32>,
      %get3A_284 = arith.constant 12 : i32
      %get3A_285 = arith.index_cast %get3A_284 : i32 to index
      %get3A_286 = arith.constant 0 : index
      %get3A_287 = tpu.vector_load %arg9[%get3A_285, %get3A_286] {strides = array<i32>} : memref<104x16xf32, #tpu.memory_space<vmem>>, vector<16xf32>,
      %mul3A_288 = arith.mulf %get3A_283, %get3A_287 : vector<16xf32>
      %get3A_289 = arith.constant 12 : i32
      %get3A_290 = arith.index_cast %get3A_289 : i32 to index
      %get3A_291 = arith.constant 0 : index
      %get3A_292 = tpu.vector_load %arg10[%get3A_290, %get3A_291] {strides = array<i32>} : memref<104x16xf32, #tpu.memory_space<vmem>>, vector<16xf32>,
      %mul3A_293 = arith.mulf %mul3A_288, %get3A_292 : vector<16xf32>
      %add3A_294 = arith.addf %add3A_279, %mul3A_293 : vector<16xf32>
      %get3A_295 = arith.constant 13 : i32
      %get3A_296 = arith.index_cast %get3A_295 : i32 to index
      %get3A_297 = arith.constant 0 : index
      %get3A_298 = tpu.vector_load %arg8[%get3A_296, %get3A_297] {strides = array<i32>} : memref<104x16xf32, #tpu.memory_space<vmem>>, vector<16xf32>,
      %get3A_299 = arith.constant 13 : i32
      %get3A_300 = arith.index_cast %get3A_299 : i32 to index
      %get3A_301 = arith.constant 0 : index
      %get3A_302 = tpu.vector_load %arg9[%get3A_300, %get3A_301] {strides = array<i32>} : memref<104x16xf32, #tpu.memory_space<vmem>>, vector<16xf32>,
      %mul3A_303 = arith.mulf %get3A_298, %get3A_302 : vector<16xf32>
      %get3A_304 = arith.constant 13 : i32
      %get3A_305 = arith.index_cast %get3A_304 : i32 to index
      %get3A_306 = arith.constant 0 : index
      %get3A_307 = tpu.vector_load %arg10[%get3A_305, %get3A_306] {strides = array<i32>} : memref<104x16xf32, #tpu.memory_space<vmem>>, vector<16xf32>,
      %mul3A_308 = arith.mulf %mul3A_303, %get3A_307 : vector<16xf32>
      %add3A_309 = arith.addf %add3A_294, %mul3A_308 : vector<16xf32>
      %get3A_310 = arith.constant 14 : i32
      %get3A_311 = arith.index_cast %get3A_310 : i32 to index
      %get3A_312 = arith.constant 0 : index
      %get3A_313 = tpu.vector_load %arg8[%get3A_311, %get3A_312] {strides = array<i32>} : memref<104x16xf32, #tpu.memory_space<vmem>>, vector<16xf32>,
      %get3A_314 = arith.constant 14 : i32
      %get3A_315 = arith.index_cast %get3A_314 : i32 to index
      %get3A_316 = arith.constant 0 : index
      %get3A_317 = tpu.vector_load %arg9[%get3A_315, %get3A_316] {strides = array<i32>} : memref<104x16xf32, #tpu.memory_space<vmem>>, vector<16xf32>,
      %mul3A_318 = arith.mulf %get3A_313, %get3A_317 : vector<16xf32>
      %get3A_319 = arith.constant 14 : i32
      %get3A_320 = arith.index_cast %get3A_319 : i32 to index
      %get3A_321 = arith.constant 0 : index
      %get3A_322 = tpu.vector_load %arg10[%get3A_320, %get3A_321] {strides = array<i32>} : memref<104x16xf32, #tpu.memory_space<vmem>>, vector<16xf32>,
      %mul3A_323 = arith.mulf %mul3A_318, %get3A_322 : vector<16xf32>
      %add3A_324 = arith.addf %add3A_309, %mul3A_323 : vector<16xf32>
      %get3A_325 = arith.constant 15 : i32
      %get3A_326 = arith.index_cast %get3A_325 : i32 to index
      %get3A_327 = arith.constant 0 : index
      %get3A_328 = tpu.vector_load %arg8[%get3A_326, %get3A_327] {strides = array<i32>} : memref<104x16xf32, #tpu.memory_space<vmem>>, vector<16xf32>,
      %get3A_329 = arith.constant 15 : i32
      %get3A_330 = arith.index_cast %get3A_329 : i32 to index
      %get3A_331 = arith.constant 0 : index
      %get3A_332 = tpu.vector_load %arg9[%get3A_330, %get3A_331] {strides = array<i32>} : memref<104x16xf32, #tpu.memory_space<vmem>>, vector<16xf32>,
      %mul3A_333 = arith.mulf %get3A_328, %get3A_332 : vector<16xf32>
      %get3A_334 = arith.constant 15 : i32
      %get3A_335 = arith.index_cast %get3A_334 : i32 to index
      %get3A_336 = arith.constant 0 : index
      %get3A_337 = tpu.vector_load %arg10[%get3A_335, %get3A_336] {strides = array<i32>} : memref<104x16xf32, #tpu.memory_space<vmem>>, vector<16xf32>,
      %mul3A_338 = arith.mulf %mul3A_333, %get3A_337 : vector<16xf32>
      %add3A_339 = arith.addf %add3A_324, %mul3A_338 : vector<16xf32>
      %get3A_340 = arith.constant 16 : i32
      %get3A_341 = arith.index_cast %get3A_340 : i32 to index
      %get3A_342 = arith.constant 0 : index
      %get3A_343 = tpu.vector_load %arg8[%get3A_341, %get3A_342] {strides = array<i32>} : memref<104x16xf32, #tpu.memory_space<vmem>>, vector<16xf32>,
      %get3A_344 = arith.constant 16 : i32
      %get3A_345 = arith.index_cast %get3A_344 : i32 to index
      %get3A_346 = arith.constant 0 : index
      %get3A_347 = tpu.vector_load %arg9[%get3A_345, %get3A_346] {strides = array<i32>} : memref<104x16xf32, #tpu.memory_space<vmem>>, vector<16xf32>,
      %mul3A_348 = arith.mulf %get3A_343, %get3A_347 : vector<16xf32>
      %get3A_349 = arith.constant 16 : i32
      %get3A_350 = arith.index_cast %get3A_349 : i32 to index
      %get3A_351 = arith.constant 0 : index
      %get3A_352 = tpu.vector_load %arg10[%get3A_350, %get3A_351] {strides = array<i32>} : memref<104x16xf32, #tpu.memory_space<vmem>>, vector<16xf32>,
      %mul3A_353 = arith.mulf %mul3A_348, %get3A_352 : vector<16xf32>
      %add3A_354 = arith.addf %add3A_339, %mul3A_353 : vector<16xf32>
      %get3A_355 = arith.constant 17 : i32
      %get3A_356 = arith.index_cast %get3A_355 : i32 to index
      %get3A_357 = arith.constant 0 : index
      %get3A_358 = tpu.vector_load %arg8[%get3A_356, %get3A_357] {strides = array<i32>} : memref<104x16xf32, #tpu.memory_space<vmem>>, vector<16xf32>,
      %get3A_359 = arith.constant 17 : i32
      %get3A_360 = arith.index_cast %get3A_359 : i32 to index
      %get3A_361 = arith.constant 0 : index
      %get3A_362 = tpu.vector_load %arg9[%get3A_360, %get3A_361] {strides = array<i32>} : memref<104x16xf32, #tpu.memory_space<vmem>>, vector<16xf32>,
      %mul3A_363 = arith.mulf %get3A_358, %get3A_362 : vector<16xf32>
      %get3A_364 = arith.constant 17 : i32
      %get3A_365 = arith.index_cast %get3A_364 : i32 to index
      %get3A_366 = arith.constant 0 : index
      %get3A_367 = tpu.vector_load %arg10[%get3A_365, %get3A_366] {strides = array<i32>} : memref<104x16xf32, #tpu.memory_space<vmem>>, vector<16xf32>,
      %mul3A_368 = arith.mulf %mul3A_363, %get3A_367 : vector<16xf32>
      %add3A_369 = arith.addf %add3A_354, %mul3A_368 : vector<16xf32>
      %get3A_370 = arith.constant 18 : i32
      %get3A_371 = arith.index_cast %get3A_370 : i32 to index
      %get3A_372 = arith.constant 0 : index
      %get3A_373 = tpu.vector_load %arg8[%get3A_371, %get3A_372] {strides = array<i32>} : memref<104x16xf32, #tpu.memory_space<vmem>>, vector<16xf32>,
      %get3A_374 = arith.constant 18 : i32
      %get3A_375 = arith.index_cast %get3A_374 : i32 to index
      %get3A_376 = arith.constant 0 : index
      %get3A_377 = tpu.vector_load %arg9[%get3A_375, %get3A_376] {strides = array<i32>} : memref<104x16xf32, #tpu.memory_space<vmem>>, vector<16xf32>,
      %mul3A_378 = arith.mulf %get3A_373, %get3A_377 : vector<16xf32>
      %get3A_379 = arith.constant 18 : i32
      %get3A_380 = arith.index_cast %get3A_379 : i32 to index
      %get3A_381 = arith.constant 0 : index
      %get3A_382 = tpu.vector_load %arg10[%get3A_380, %get3A_381] {strides = array<i32>} : memref<104x16xf32, #tpu.memory_space<vmem>>, vector<16xf32>,
      %mul3A_383 = arith.mulf %mul3A_378, %get3A_382 : vector<16xf32>
      %add3A_384 = arith.addf %add3A_369, %mul3A_383 : vector<16xf32>
      %get3A_385 = arith.constant 19 : i32
      %get3A_386 = arith.index_cast %get3A_385 : i32 to index
      %get3A_387 = arith.constant 0 : index
      %get3A_388 = tpu.vector_load %arg8[%get3A_386, %get3A_387] {strides = array<i32>} : memref<104x16xf32, #tpu.memory_space<vmem>>, vector<16xf32>,
      %get3A_389 = arith.constant 19 : i32
      %get3A_390 = arith.index_cast %get3A_389 : i32 to index
      %get3A_391 = arith.constant 0 : index
      %get3A_392 = tpu.vector_load %arg9[%get3A_390, %get3A_391] {strides = array<i32>} : memref<104x16xf32, #tpu.memory_space<vmem>>, vector<16xf32>,
      %mul3A_393 = arith.mulf %get3A_388, %get3A_392 : vector<16xf32>
      %get3A_394 = arith.constant 19 : i32
      %get3A_395 = arith.index_cast %get3A_394 : i32 to index
      %get3A_396 = arith.constant 0 : index
      %get3A_397 = tpu.vector_load %arg10[%get3A_395, %get3A_396] {strides = array<i32>} : memref<104x16xf32, #tpu.memory_space<vmem>>, vector<16xf32>,
      %mul3A_398 = arith.mulf %mul3A_393, %get3A_397 : vector<16xf32>
      %add3A_399 = arith.addf %add3A_384, %mul3A_398 : vector<16xf32>
      %get3A_400 = arith.constant 20 : i32
      %get3A_401 = arith.index_cast %get3A_400 : i32 to index
      %get3A_402 = arith.constant 0 : index
      %get3A_403 = tpu.vector_load %arg8[%get3A_401, %get3A_402] {strides = array<i32>} : memref<104x16xf32, #tpu.memory_space<vmem>>, vector<16xf32>,
      %get3A_404 = arith.constant 20 : i32
      %get3A_405 = arith.index_cast %get3A_404 : i32 to index
      %get3A_406 = arith.constant 0 : index
      %get3A_407 = tpu.vector_load %arg9[%get3A_405, %get3A_406] {strides = array<i32>} : memref<104x16xf32, #tpu.memory_space<vmem>>, vector<16xf32>,
      %mul3A_408 = arith.mulf %get3A_403, %get3A_407 : vector<16xf32>
      %get3A_409 = arith.constant 20 : i32
      %get3A_410 = arith.index_cast %get3A_409 : i32 to index
      %get3A_411 = arith.constant 0 : index
      %get3A_412 = tpu.vector_load %arg10[%get3A_410, %get3A_411] {strides = array<i32>} : memref<104x16xf32, #tpu.memory_space<vmem>>, vector<16xf32>,
      %mul3A_413 = arith.mulf %mul3A_408, %get3A_412 : vector<16xf32>
      %add3A_414 = arith.addf %add3A_399, %mul3A_413 : vector<16xf32>
      %get3A_415 = arith.constant 21 : i32
      %get3A_416 = arith.index_cast %get3A_415 : i32 to index
      %get3A_417 = arith.constant 0 : index
      %get3A_418 = tpu.vector_load %arg8[%get3A_416, %get3A_417] {strides = array<i32>} : memref<104x16xf32, #tpu.memory_space<vmem>>, vector<16xf32>,
      %get3A_419 = arith.constant 21 : i32
      %get3A_420 = arith.index_cast %get3A_419 : i32 to index
      %get3A_421 = arith.constant 0 : index
      %get3A_422 = tpu.vector_load %arg9[%get3A_420, %get3A_421] {strides = array<i32>} : memref<104x16xf32, #tpu.memory_space<vmem>>, vector<16xf32>,
      %mul3A_423 = arith.mulf %get3A_418, %get3A_422 : vector<16xf32>
      %get3A_424 = arith.constant 21 : i32
      %get3A_425 = arith.index_cast %get3A_424 : i32 to index
      %get3A_426 = arith.constant 0 : index
      %get3A_427 = tpu.vector_load %arg10[%get3A_425, %get3A_426] {strides = array<i32>} : memref<104x16xf32, #tpu.memory_space<vmem>>, vector<16xf32>,
      %mul3A_428 = arith.mulf %mul3A_423, %get3A_427 : vector<16xf32>
      %add3A_429 = arith.addf %add3A_414, %mul3A_428 : vector<16xf32>
      %get3A_430 = arith.constant 22 : i32
      %get3A_431 = arith.index_cast %get3A_430 : i32 to index
      %get3A_432 = arith.constant 0 : index
      %get3A_433 = tpu.vector_load %arg8[%get3A_431, %get3A_432] {strides = array<i32>} : memref<104x16xf32, #tpu.memory_space<vmem>>, vector<16xf32>,
      %get3A_434 = arith.constant 22 : i32
      %get3A_435 = arith.index_cast %get3A_434 : i32 to index
      %get3A_436 = arith.constant 0 : index
      %get3A_437 = tpu.vector_load %arg9[%get3A_435, %get3A_436] {strides = array<i32>} : memref<104x16xf32, #tpu.memory_space<vmem>>, vector<16xf32>,
      %mul3A_438 = arith.mulf %get3A_433, %get3A_437 : vector<16xf32>
      %get3A_439 = arith.constant 22 : i32
      %get3A_440 = arith.index_cast %get3A_439 : i32 to index
      %get3A_441 = arith.constant 0 : index
      %get3A_442 = tpu.vector_load %arg10[%get3A_440, %get3A_441] {strides = array<i32>} : memref<104x16xf32, #tpu.memory_space<vmem>>, vector<16xf32>,
      %mul3A_443 = arith.mulf %mul3A_438, %get3A_442 : vector<16xf32>
      %add3A_444 = arith.addf %add3A_429, %mul3A_443 : vector<16xf32>
      %get3A_445 = arith.constant 23 : i32
      %get3A_446 = arith.index_cast %get3A_445 : i32 to index
      %get3A_447 = arith.constant 0 : index
      %get3A_448 = tpu.vector_load %arg8[%get3A_446, %get3A_447] {strides = array<i32>} : memref<104x16xf32, #tpu.memory_space<vmem>>, vector<16xf32>,
      %get3A_449 = arith.constant 23 : i32
      %get3A_450 = arith.index_cast %get3A_449 : i32 to index
      %get3A_451 = arith.constant 0 : index
      %get3A_452 = tpu.vector_load %arg9[%get3A_450, %get3A_451] {strides = array<i32>} : memref<104x16xf32, #tpu.memory_space<vmem>>, vector<16xf32>,
      %mul3A_453 = arith.mulf %get3A_448, %get3A_452 : vector<16xf32>
      %get3A_454 = arith.constant 23 : i32
      %get3A_455 = arith.index_cast %get3A_454 : i32 to index
      %get3A_456 = arith.constant 0 : index
      %get3A_457 = tpu.vector_load %arg10[%get3A_455, %get3A_456] {strides = array<i32>} : memref<104x16xf32, #tpu.memory_space<vmem>>, vector<16xf32>,
      %mul3A_458 = arith.mulf %mul3A_453, %get3A_457 : vector<16xf32>
      %add3A_459 = arith.addf %add3A_444, %mul3A_458 : vector<16xf32>
      %get3A_460 = arith.constant 24 : i32
      %get3A_461 = arith.index_cast %get3A_460 : i32 to index
      %get3A_462 = arith.constant 0 : index
      %get3A_463 = tpu.vector_load %arg8[%get3A_461, %get3A_462] {strides = array<i32>} : memref<104x16xf32, #tpu.memory_space<vmem>>, vector<16xf32>,
      %get3A_464 = arith.constant 24 : i32
      %get3A_465 = arith.index_cast %get3A_464 : i32 to index
      %get3A_466 = arith.constant 0 : index
      %get3A_467 = tpu.vector_load %arg9[%get3A_465, %get3A_466] {strides = array<i32>} : memref<104x16xf32, #tpu.memory_space<vmem>>, vector<16xf32>,
      %mul3A_468 = arith.mulf %get3A_463, %get3A_467 : vector<16xf32>
      %get3A_469 = arith.constant 24 : i32
      %get3A_470 = arith.index_cast %get3A_469 : i32 to index
      %get3A_471 = arith.constant 0 : index
      %get3A_472 = tpu.vector_load %arg10[%get3A_470, %get3A_471] {strides = array<i32>} : memref<104x16xf32, #tpu.memory_space<vmem>>, vector<16xf32>,
      %mul3A_473 = arith.mulf %mul3A_468, %get3A_472 : vector<16xf32>
      %add3A_474 = arith.addf %add3A_459, %mul3A_473 : vector<16xf32>
      %get3A_475 = arith.constant 25 : i32
      %get3A_476 = arith.index_cast %get3A_475 : i32 to index
      %get3A_477 = arith.constant 0 : index
      %get3A_478 = tpu.vector_load %arg8[%get3A_476, %get3A_477] {strides = array<i32>} : memref<104x16xf32, #tpu.memory_space<vmem>>, vector<16xf32>,
      %get3A_479 = arith.constant 25 : i32
      %get3A_480 = arith.index_cast %get3A_479 : i32 to index
      %get3A_481 = arith.constant 0 : index
      %get3A_482 = tpu.vector_load %arg9[%get3A_480, %get3A_481] {strides = array<i32>} : memref<104x16xf32, #tpu.memory_space<vmem>>, vector<16xf32>,
      %mul3A_483 = arith.mulf %get3A_478, %get3A_482 : vector<16xf32>
      %get3A_484 = arith.constant 25 : i32
      %get3A_485 = arith.index_cast %get3A_484 : i32 to index
      %get3A_486 = arith.constant 0 : index
      %get3A_487 = tpu.vector_load %arg10[%get3A_485, %get3A_486] {strides = array<i32>} : memref<104x16xf32, #tpu.memory_space<vmem>>, vector<16xf32>,
      %mul3A_488 = arith.mulf %mul3A_483, %get3A_487 : vector<16xf32>
      %add3A_489 = arith.addf %add3A_474, %mul3A_488 : vector<16xf32>
      %reduce_sum3A = arith.constant true
      %reduce_sum3A_490 = vector.broadcast %reduce_sum3A : i1 to vector<16xi1>
      %reduce_sum3A_491 = tpu.scan <sum>, %add3A_489 masked %reduce_sum3A_490 : vector<16xf32>, vector<16xi1> -> vector<16xf32>
      %reduce_sum3A_492 = vector.extract %reduce_sum3A_491[15] : f32 from vector<16xf32>
      %mul3A_493 = arith.constant 4 : i32
      %mul3A_494 = arith.muli %select_n3A_98, %mul3A_493 : i32
      %add3A_495 = arith.constant 0 : i32
      %add3A_496 = arith.addi %mul3A_494, %add3A_495 : i32
      %eq3A_497 = vector.broadcast %add3A_496 : i32 to vector<16xi32>
      %eq3A_498 = arith.cmpi eq, %iota3A, %eq3A_497 : vector<16xi32>
      %broadcast_in_dim3A = vector.broadcast %reduce_sum3A_492 : f32 to vector<16xf32>
      %select_n3A_499 = arith.select %eq3A_498, %broadcast_in_dim3A, %get3A_100 : vector<16xi1>, vector<16xf32>
      %get3A_500 = arith.constant 26 : i32
      %get3A_501 = arith.index_cast %get3A_500 : i32 to index
      %get3A_502 = arith.constant 0 : index
      %get3A_503 = tpu.vector_load %arg8[%get3A_501, %get3A_502] {strides = array<i32>} : memref<104x16xf32, #tpu.memory_space<vmem>>, vector<16xf32>,
      %get3A_504 = arith.constant 26 : i32
      %get3A_505 = arith.index_cast %get3A_504 : i32 to index
      %get3A_506 = arith.constant 0 : index
      %get3A_507 = tpu.vector_load %arg9[%get3A_505, %get3A_506] {strides = array<i32>} : memref<104x16xf32, #tpu.memory_space<vmem>>, vector<16xf32>,
      %mul3A_508 = arith.mulf %get3A_503, %get3A_507 : vector<16xf32>
      %get3A_509 = arith.constant 26 : i32
      %get3A_510 = arith.index_cast %get3A_509 : i32 to index
      %get3A_511 = arith.constant 0 : index
      %get3A_512 = tpu.vector_load %arg10[%get3A_510, %get3A_511] {strides = array<i32>} : memref<104x16xf32, #tpu.memory_space<vmem>>, vector<16xf32>,
      %mul3A_513 = arith.mulf %mul3A_508, %get3A_512 : vector<16xf32>
      %get3A_514 = arith.constant 27 : i32
      %get3A_515 = arith.index_cast %get3A_514 : i32 to index
      %get3A_516 = arith.constant 0 : index
      %get3A_517 = tpu.vector_load %arg8[%get3A_515, %get3A_516] {strides = array<i32>} : memref<104x16xf32, #tpu.memory_space<vmem>>, vector<16xf32>,
      %get3A_518 = arith.constant 27 : i32
      %get3A_519 = arith.index_cast %get3A_518 : i32 to index
      %get3A_520 = arith.constant 0 : index
      %get3A_521 = tpu.vector_load %arg9[%get3A_519, %get3A_520] {strides = array<i32>} : memref<104x16xf32, #tpu.memory_space<vmem>>, vector<16xf32>,
      %mul3A_522 = arith.mulf %get3A_517, %get3A_521 : vector<16xf32>
      %get3A_523 = arith.constant 27 : i32
      %get3A_524 = arith.index_cast %get3A_523 : i32 to index
      %get3A_525 = arith.constant 0 : index
      %get3A_526 = tpu.vector_load %arg10[%get3A_524, %get3A_525] {strides = array<i32>} : memref<104x16xf32, #tpu.memory_space<vmem>>, vector<16xf32>,
      %mul3A_527 = arith.mulf %mul3A_522, %get3A_526 : vector<16xf32>
      %add3A_528 = arith.addf %mul3A_513, %mul3A_527 : vector<16xf32>
      %get3A_529 = arith.constant 28 : i32
      %get3A_530 = arith.index_cast %get3A_529 : i32 to index
      %get3A_531 = arith.constant 0 : index
      %get3A_532 = tpu.vector_load %arg8[%get3A_530, %get3A_531] {strides = array<i32>} : memref<104x16xf32, #tpu.memory_space<vmem>>, vector<16xf32>,
      %get3A_533 = arith.constant 28 : i32
      %get3A_534 = arith.index_cast %get3A_533 : i32 to index
      %get3A_535 = arith.constant 0 : index
      %get3A_536 = tpu.vector_load %arg9[%get3A_534, %get3A_535] {strides = array<i32>} : memref<104x16xf32, #tpu.memory_space<vmem>>, vector<16xf32>,
      %mul3A_537 = arith.mulf %get3A_532, %get3A_536 : vector<16xf32>
      %get3A_538 = arith.constant 28 : i32
      %get3A_539 = arith.index_cast %get3A_538 : i32 to index
      %get3A_540 = arith.constant 0 : index
      %get3A_541 = tpu.vector_load %arg10[%get3A_539, %get3A_540] {strides = array<i32>} : memref<104x16xf32, #tpu.memory_space<vmem>>, vector<16xf32>,
      %mul3A_542 = arith.mulf %mul3A_537, %get3A_541 : vector<16xf32>
      %add3A_543 = arith.addf %add3A_528, %mul3A_542 : vector<16xf32>
      %get3A_544 = arith.constant 29 : i32
      %get3A_545 = arith.index_cast %get3A_544 : i32 to index
      %get3A_546 = arith.constant 0 : index
      %get3A_547 = tpu.vector_load %arg8[%get3A_545, %get3A_546] {strides = array<i32>} : memref<104x16xf32, #tpu.memory_space<vmem>>, vector<16xf32>,
      %get3A_548 = arith.constant 29 : i32
      %get3A_549 = arith.index_cast %get3A_548 : i32 to index
      %get3A_550 = arith.constant 0 : index
      %get3A_551 = tpu.vector_load %arg9[%get3A_549, %get3A_550] {strides = array<i32>} : memref<104x16xf32, #tpu.memory_space<vmem>>, vector<16xf32>,
      %mul3A_552 = arith.mulf %get3A_547, %get3A_551 : vector<16xf32>
      %get3A_553 = arith.constant 29 : i32
      %get3A_554 = arith.index_cast %get3A_553 : i32 to index
      %get3A_555 = arith.constant 0 : index
      %get3A_556 = tpu.vector_load %arg10[%get3A_554, %get3A_555] {strides = array<i32>} : memref<104x16xf32, #tpu.memory_space<vmem>>, vector<16xf32>,
      %mul3A_557 = arith.mulf %mul3A_552, %get3A_556 : vector<16xf32>
      %add3A_558 = arith.addf %add3A_543, %mul3A_557 : vector<16xf32>
      %get3A_559 = arith.constant 30 : i32
      %get3A_560 = arith.index_cast %get3A_559 : i32 to index
      %get3A_561 = arith.constant 0 : index
      %get3A_562 = tpu.vector_load %arg8[%get3A_560, %get3A_561] {strides = array<i32>} : memref<104x16xf32, #tpu.memory_space<vmem>>, vector<16xf32>,
      %get3A_563 = arith.constant 30 : i32
      %get3A_564 = arith.index_cast %get3A_563 : i32 to index
      %get3A_565 = arith.constant 0 : index
      %get3A_566 = tpu.vector_load %arg9[%get3A_564, %get3A_565] {strides = array<i32>} : memref<104x16xf32, #tpu.memory_space<vmem>>, vector<16xf32>,
      %mul3A_567 = arith.mulf %get3A_562, %get3A_566 : vector<16xf32>
      %get3A_568 = arith.constant 30 : i32
      %get3A_569 = arith.index_cast %get3A_568 : i32 to index
      %get3A_570 = arith.constant 0 : index
      %get3A_571 = tpu.vector_load %arg10[%get3A_569, %get3A_570] {strides = array<i32>} : memref<104x16xf32, #tpu.memory_space<vmem>>, vector<16xf32>,
      %mul3A_572 = arith.mulf %mul3A_567, %get3A_571 : vector<16xf32>
      %add3A_573 = arith.addf %add3A_558, %mul3A_572 : vector<16xf32>
      %get3A_574 = arith.constant 31 : i32
      %get3A_575 = arith.index_cast %get3A_574 : i32 to index
      %get3A_576 = arith.constant 0 : index
      %get3A_577 = tpu.vector_load %arg8[%get3A_575, %get3A_576] {strides = array<i32>} : memref<104x16xf32, #tpu.memory_space<vmem>>, vector<16xf32>,
      %get3A_578 = arith.constant 31 : i32
      %get3A_579 = arith.index_cast %get3A_578 : i32 to index
      %get3A_580 = arith.constant 0 : index
      %get3A_581 = tpu.vector_load %arg9[%get3A_579, %get3A_580] {strides = array<i32>} : memref<104x16xf32, #tpu.memory_space<vmem>>, vector<16xf32>,
      %mul3A_582 = arith.mulf %get3A_577, %get3A_581 : vector<16xf32>
      %get3A_583 = arith.constant 31 : i32
      %get3A_584 = arith.index_cast %get3A_583 : i32 to index
      %get3A_585 = arith.constant 0 : index
      %get3A_586 = tpu.vector_load %arg10[%get3A_584, %get3A_585] {strides = array<i32>} : memref<104x16xf32, #tpu.memory_space<vmem>>, vector<16xf32>,
      %mul3A_587 = arith.mulf %mul3A_582, %get3A_586 : vector<16xf32>
      %add3A_588 = arith.addf %add3A_573, %mul3A_587 : vector<16xf32>
      %get3A_589 = arith.constant 32 : i32
      %get3A_590 = arith.index_cast %get3A_589 : i32 to index
      %get3A_591 = arith.constant 0 : index
      %get3A_592 = tpu.vector_load %arg8[%get3A_590, %get3A_591] {strides = array<i32>} : memref<104x16xf32, #tpu.memory_space<vmem>>, vector<16xf32>,
      %get3A_593 = arith.constant 32 : i32
      %get3A_594 = arith.index_cast %get3A_593 : i32 to index
      %get3A_595 = arith.constant 0 : index
      %get3A_596 = tpu.vector_load %arg9[%get3A_594, %get3A_595] {strides = array<i32>} : memref<104x16xf32, #tpu.memory_space<vmem>>, vector<16xf32>,
      %mul3A_597 = arith.mulf %get3A_592, %get3A_596 : vector<16xf32>
      %get3A_598 = arith.constant 32 : i32
      %get3A_599 = arith.index_cast %get3A_598 : i32 to index
      %get3A_600 = arith.constant 0 : index
      %get3A_601 = tpu.vector_load %arg10[%get3A_599, %get3A_600] {strides = array<i32>} : memref<104x16xf32, #tpu.memory_space<vmem>>, vector<16xf32>,
      %mul3A_602 = arith.mulf %mul3A_597, %get3A_601 : vector<16xf32>
      %add3A_603 = arith.addf %add3A_588, %mul3A_602 : vector<16xf32>
      %get3A_604 = arith.constant 33 : i32
      %get3A_605 = arith.index_cast %get3A_604 : i32 to index
      %get3A_606 = arith.constant 0 : index
      %get3A_607 = tpu.vector_load %arg8[%get3A_605, %get3A_606] {strides = array<i32>} : memref<104x16xf32, #tpu.memory_space<vmem>>, vector<16xf32>,
      %get3A_608 = arith.constant 33 : i32
      %get3A_609 = arith.index_cast %get3A_608 : i32 to index
      %get3A_610 = arith.constant 0 : index
      %get3A_611 = tpu.vector_load %arg9[%get3A_609, %get3A_610] {strides = array<i32>} : memref<104x16xf32, #tpu.memory_space<vmem>>, vector<16xf32>,
      %mul3A_612 = arith.mulf %get3A_607, %get3A_611 : vector<16xf32>
      %get3A_613 = arith.constant 33 : i32
      %get3A_614 = arith.index_cast %get3A_613 : i32 to index
      %get3A_615 = arith.constant 0 : index
      %get3A_616 = tpu.vector_load %arg10[%get3A_614, %get3A_615] {strides = array<i32>} : memref<104x16xf32, #tpu.memory_space<vmem>>, vector<16xf32>,
      %mul3A_617 = arith.mulf %mul3A_612, %get3A_616 : vector<16xf32>
      %add3A_618 = arith.addf %add3A_603, %mul3A_617 : vector<16xf32>
      %get3A_619 = arith.constant 34 : i32
      %get3A_620 = arith.index_cast %get3A_619 : i32 to index
      %get3A_621 = arith.constant 0 : index
      %get3A_622 = tpu.vector_load %arg8[%get3A_620, %get3A_621] {strides = array<i32>} : memref<104x16xf32, #tpu.memory_space<vmem>>, vector<16xf32>,
      %get3A_623 = arith.constant 34 : i32
      %get3A_624 = arith.index_cast %get3A_623 : i32 to index
      %get3A_625 = arith.constant 0 : index
      %get3A_626 = tpu.vector_load %arg9[%get3A_624, %get3A_625] {strides = array<i32>} : memref<104x16xf32, #tpu.memory_space<vmem>>, vector<16xf32>,
      %mul3A_627 = arith.mulf %get3A_622, %get3A_626 : vector<16xf32>
      %get3A_628 = arith.constant 34 : i32
      %get3A_629 = arith.index_cast %get3A_628 : i32 to index
      %get3A_630 = arith.constant 0 : index
      %get3A_631 = tpu.vector_load %arg10[%get3A_629, %get3A_630] {strides = array<i32>} : memref<104x16xf32, #tpu.memory_space<vmem>>, vector<16xf32>,
      %mul3A_632 = arith.mulf %mul3A_627, %get3A_631 : vector<16xf32>
      %add3A_633 = arith.addf %add3A_618, %mul3A_632 : vector<16xf32>
      %get3A_634 = arith.constant 35 : i32
      %get3A_635 = arith.index_cast %get3A_634 : i32 to index
      %get3A_636 = arith.constant 0 : index
      %get3A_637 = tpu.vector_load %arg8[%get3A_635, %get3A_636] {strides = array<i32>} : memref<104x16xf32, #tpu.memory_space<vmem>>, vector<16xf32>,
      %get3A_638 = arith.constant 35 : i32
      %get3A_639 = arith.index_cast %get3A_638 : i32 to index
      %get3A_640 = arith.constant 0 : index
      %get3A_641 = tpu.vector_load %arg9[%get3A_639, %get3A_640] {strides = array<i32>} : memref<104x16xf32, #tpu.memory_space<vmem>>, vector<16xf32>,
      %mul3A_642 = arith.mulf %get3A_637, %get3A_641 : vector<16xf32>
      %get3A_643 = arith.constant 35 : i32
      %get3A_644 = arith.index_cast %get3A_643 : i32 to index
      %get3A_645 = arith.constant 0 : index
      %get3A_646 = tpu.vector_load %arg10[%get3A_644, %get3A_645] {strides = array<i32>} : memref<104x16xf32, #tpu.memory_space<vmem>>, vector<16xf32>,
      %mul3A_647 = arith.mulf %mul3A_642, %get3A_646 : vector<16xf32>
      %add3A_648 = arith.addf %add3A_633, %mul3A_647 : vector<16xf32>
      %get3A_649 = arith.constant 36 : i32
      %get3A_650 = arith.index_cast %get3A_649 : i32 to index
      %get3A_651 = arith.constant 0 : index
      %get3A_652 = tpu.vector_load %arg8[%get3A_650, %get3A_651] {strides = array<i32>} : memref<104x16xf32, #tpu.memory_space<vmem>>, vector<16xf32>,
      %get3A_653 = arith.constant 36 : i32
      %get3A_654 = arith.index_cast %get3A_653 : i32 to index
      %get3A_655 = arith.constant 0 : index
      %get3A_656 = tpu.vector_load %arg9[%get3A_654, %get3A_655] {strides = array<i32>} : memref<104x16xf32, #tpu.memory_space<vmem>>, vector<16xf32>,
      %mul3A_657 = arith.mulf %get3A_652, %get3A_656 : vector<16xf32>
      %get3A_658 = arith.constant 36 : i32
      %get3A_659 = arith.index_cast %get3A_658 : i32 to index
      %get3A_660 = arith.constant 0 : index
      %get3A_661 = tpu.vector_load %arg10[%get3A_659, %get3A_660] {strides = array<i32>} : memref<104x16xf32, #tpu.memory_space<vmem>>, vector<16xf32>,
      %mul3A_662 = arith.mulf %mul3A_657, %get3A_661 : vector<16xf32>
      %add3A_663 = arith.addf %add3A_648, %mul3A_662 : vector<16xf32>
      %get3A_664 = arith.constant 37 : i32
      %get3A_665 = arith.index_cast %get3A_664 : i32 to index
      %get3A_666 = arith.constant 0 : index
      %get3A_667 = tpu.vector_load %arg8[%get3A_665, %get3A_666] {strides = array<i32>} : memref<104x16xf32, #tpu.memory_space<vmem>>, vector<16xf32>,
      %get3A_668 = arith.constant 37 : i32
      %get3A_669 = arith.index_cast %get3A_668 : i32 to index
      %get3A_670 = arith.constant 0 : index
      %get3A_671 = tpu.vector_load %arg9[%get3A_669, %get3A_670] {strides = array<i32>} : memref<104x16xf32, #tpu.memory_space<vmem>>, vector<16xf32>,
      %mul3A_672 = arith.mulf %get3A_667, %get3A_671 : vector<16xf32>
      %get3A_673 = arith.constant 37 : i32
      %get3A_674 = arith.index_cast %get3A_673 : i32 to index
      %get3A_675 = arith.constant 0 : index
      %get3A_676 = tpu.vector_load %arg10[%get3A_674, %get3A_675] {strides = array<i32>} : memref<104x16xf32, #tpu.memory_space<vmem>>, vector<16xf32>,
      %mul3A_677 = arith.mulf %mul3A_672, %get3A_676 : vector<16xf32>
      %add3A_678 = arith.addf %add3A_663, %mul3A_677 : vector<16xf32>
      %get3A_679 = arith.constant 38 : i32
      %get3A_680 = arith.index_cast %get3A_679 : i32 to index
      %get3A_681 = arith.constant 0 : index
      %get3A_682 = tpu.vector_load %arg8[%get3A_680, %get3A_681] {strides = array<i32>} : memref<104x16xf32, #tpu.memory_space<vmem>>, vector<16xf32>,
      %get3A_683 = arith.constant 38 : i32
      %get3A_684 = arith.index_cast %get3A_683 : i32 to index
      %get3A_685 = arith.constant 0 : index
      %get3A_686 = tpu.vector_load %arg9[%get3A_684, %get3A_685] {strides = array<i32>} : memref<104x16xf32, #tpu.memory_space<vmem>>, vector<16xf32>,
      %mul3A_687 = arith.mulf %get3A_682, %get3A_686 : vector<16xf32>
      %get3A_688 = arith.constant 38 : i32
      %get3A_689 = arith.index_cast %get3A_688 : i32 to index
      %get3A_690 = arith.constant 0 : index
      %get3A_691 = tpu.vector_load %arg10[%get3A_689, %get3A_690] {strides = array<i32>} : memref<104x16xf32, #tpu.memory_space<vmem>>, vector<16xf32>,
      %mul3A_692 = arith.mulf %mul3A_687, %get3A_691 : vector<16xf32>
      %add3A_693 = arith.addf %add3A_678, %mul3A_692 : vector<16xf32>
      %get3A_694 = arith.constant 39 : i32
      %get3A_695 = arith.index_cast %get3A_694 : i32 to index
      %get3A_696 = arith.constant 0 : index
      %get3A_697 = tpu.vector_load %arg8[%get3A_695, %get3A_696] {strides = array<i32>} : memref<104x16xf32, #tpu.memory_space<vmem>>, vector<16xf32>,
      %get3A_698 = arith.constant 39 : i32
      %get3A_699 = arith.index_cast %get3A_698 : i32 to index
      %get3A_700 = arith.constant 0 : index
      %get3A_701 = tpu.vector_load %arg9[%get3A_699, %get3A_700] {strides = array<i32>} : memref<104x16xf32, #tpu.memory_space<vmem>>, vector<16xf32>,
      %mul3A_702 = arith.mulf %get3A_697, %get3A_701 : vector<16xf32>
      %get3A_703 = arith.constant 39 : i32
      %get3A_704 = arith.index_cast %get3A_703 : i32 to index
      %get3A_705 = arith.constant 0 : index
      %get3A_706 = tpu.vector_load %arg10[%get3A_704, %get3A_705] {strides = array<i32>} : memref<104x16xf32, #tpu.memory_space<vmem>>, vector<16xf32>,
      %mul3A_707 = arith.mulf %mul3A_702, %get3A_706 : vector<16xf32>
      %add3A_708 = arith.addf %add3A_693, %mul3A_707 : vector<16xf32>
      %get3A_709 = arith.constant 40 : i32
      %get3A_710 = arith.index_cast %get3A_709 : i32 to index
      %get3A_711 = arith.constant 0 : index
      %get3A_712 = tpu.vector_load %arg8[%get3A_710, %get3A_711] {strides = array<i32>} : memref<104x16xf32, #tpu.memory_space<vmem>>, vector<16xf32>,
      %get3A_713 = arith.constant 40 : i32
      %get3A_714 = arith.index_cast %get3A_713 : i32 to index
      %get3A_715 = arith.constant 0 : index
      %get3A_716 = tpu.vector_load %arg9[%get3A_714, %get3A_715] {strides = array<i32>} : memref<104x16xf32, #tpu.memory_space<vmem>>, vector<16xf32>,
      %mul3A_717 = arith.mulf %get3A_712, %get3A_716 : vector<16xf32>
      %get3A_718 = arith.constant 40 : i32
      %get3A_719 = arith.index_cast %get3A_718 : i32 to index
      %get3A_720 = arith.constant 0 : index
      %get3A_721 = tpu.vector_load %arg10[%get3A_719, %get3A_720] {strides = array<i32>} : memref<104x16xf32, #tpu.memory_space<vmem>>, vector<16xf32>,
      %mul3A_722 = arith.mulf %mul3A_717, %get3A_721 : vector<16xf32>
      %add3A_723 = arith.addf %add3A_708, %mul3A_722 : vector<16xf32>
      %get3A_724 = arith.constant 41 : i32
      %get3A_725 = arith.index_cast %get3A_724 : i32 to index
      %get3A_726 = arith.constant 0 : index
      %get3A_727 = tpu.vector_load %arg8[%get3A_725, %get3A_726] {strides = array<i32>} : memref<104x16xf32, #tpu.memory_space<vmem>>, vector<16xf32>,
      %get3A_728 = arith.constant 41 : i32
      %get3A_729 = arith.index_cast %get3A_728 : i32 to index
      %get3A_730 = arith.constant 0 : index
      %get3A_731 = tpu.vector_load %arg9[%get3A_729, %get3A_730] {strides = array<i32>} : memref<104x16xf32, #tpu.memory_space<vmem>>, vector<16xf32>,
      %mul3A_732 = arith.mulf %get3A_727, %get3A_731 : vector<16xf32>
      %get3A_733 = arith.constant 41 : i32
      %get3A_734 = arith.index_cast %get3A_733 : i32 to index
      %get3A_735 = arith.constant 0 : index
      %get3A_736 = tpu.vector_load %arg10[%get3A_734, %get3A_735] {strides = array<i32>} : memref<104x16xf32, #tpu.memory_space<vmem>>, vector<16xf32>,
      %mul3A_737 = arith.mulf %mul3A_732, %get3A_736 : vector<16xf32>
      %add3A_738 = arith.addf %add3A_723, %mul3A_737 : vector<16xf32>
      %get3A_739 = arith.constant 42 : i32
      %get3A_740 = arith.index_cast %get3A_739 : i32 to index
      %get3A_741 = arith.constant 0 : index
      %get3A_742 = tpu.vector_load %arg8[%get3A_740, %get3A_741] {strides = array<i32>} : memref<104x16xf32, #tpu.memory_space<vmem>>, vector<16xf32>,
      %get3A_743 = arith.constant 42 : i32
      %get3A_744 = arith.index_cast %get3A_743 : i32 to index
      %get3A_745 = arith.constant 0 : index
      %get3A_746 = tpu.vector_load %arg9[%get3A_744, %get3A_745] {strides = array<i32>} : memref<104x16xf32, #tpu.memory_space<vmem>>, vector<16xf32>,
      %mul3A_747 = arith.mulf %get3A_742, %get3A_746 : vector<16xf32>
      %get3A_748 = arith.constant 42 : i32
      %get3A_749 = arith.index_cast %get3A_748 : i32 to index
      %get3A_750 = arith.constant 0 : index
      %get3A_751 = tpu.vector_load %arg10[%get3A_749, %get3A_750] {strides = array<i32>} : memref<104x16xf32, #tpu.memory_space<vmem>>, vector<16xf32>,
      %mul3A_752 = arith.mulf %mul3A_747, %get3A_751 : vector<16xf32>
      %add3A_753 = arith.addf %add3A_738, %mul3A_752 : vector<16xf32>
      %get3A_754 = arith.constant 43 : i32
      %get3A_755 = arith.index_cast %get3A_754 : i32 to index
      %get3A_756 = arith.constant 0 : index
      %get3A_757 = tpu.vector_load %arg8[%get3A_755, %get3A_756] {strides = array<i32>} : memref<104x16xf32, #tpu.memory_space<vmem>>, vector<16xf32>,
      %get3A_758 = arith.constant 43 : i32
      %get3A_759 = arith.index_cast %get3A_758 : i32 to index
      %get3A_760 = arith.constant 0 : index
      %get3A_761 = tpu.vector_load %arg9[%get3A_759, %get3A_760] {strides = array<i32>} : memref<104x16xf32, #tpu.memory_space<vmem>>, vector<16xf32>,
      %mul3A_762 = arith.mulf %get3A_757, %get3A_761 : vector<16xf32>
      %get3A_763 = arith.constant 43 : i32
      %get3A_764 = arith.index_cast %get3A_763 : i32 to index
      %get3A_765 = arith.constant 0 : index
      %get3A_766 = tpu.vector_load %arg10[%get3A_764, %get3A_765] {strides = array<i32>} : memref<104x16xf32, #tpu.memory_space<vmem>>, vector<16xf32>,
      %mul3A_767 = arith.mulf %mul3A_762, %get3A_766 : vector<16xf32>
      %add3A_768 = arith.addf %add3A_753, %mul3A_767 : vector<16xf32>
      %get3A_769 = arith.constant 44 : i32
      %get3A_770 = arith.index_cast %get3A_769 : i32 to index
      %get3A_771 = arith.constant 0 : index
      %get3A_772 = tpu.vector_load %arg8[%get3A_770, %get3A_771] {strides = array<i32>} : memref<104x16xf32, #tpu.memory_space<vmem>>, vector<16xf32>,
      %get3A_773 = arith.constant 44 : i32
      %get3A_774 = arith.index_cast %get3A_773 : i32 to index
      %get3A_775 = arith.constant 0 : index
      %get3A_776 = tpu.vector_load %arg9[%get3A_774, %get3A_775] {strides = array<i32>} : memref<104x16xf32, #tpu.memory_space<vmem>>, vector<16xf32>,
      %mul3A_777 = arith.mulf %get3A_772, %get3A_776 : vector<16xf32>
      %get3A_778 = arith.constant 44 : i32
      %get3A_779 = arith.index_cast %get3A_778 : i32 to index
      %get3A_780 = arith.constant 0 : index
      %get3A_781 = tpu.vector_load %arg10[%get3A_779, %get3A_780] {strides = array<i32>} : memref<104x16xf32, #tpu.memory_space<vmem>>, vector<16xf32>,
      %mul3A_782 = arith.mulf %mul3A_777, %get3A_781 : vector<16xf32>
      %add3A_783 = arith.addf %add3A_768, %mul3A_782 : vector<16xf32>
      %get3A_784 = arith.constant 45 : i32
      %get3A_785 = arith.index_cast %get3A_784 : i32 to index
      %get3A_786 = arith.constant 0 : index
      %get3A_787 = tpu.vector_load %arg8[%get3A_785, %get3A_786] {strides = array<i32>} : memref<104x16xf32, #tpu.memory_space<vmem>>, vector<16xf32>,
      %get3A_788 = arith.constant 45 : i32
      %get3A_789 = arith.index_cast %get3A_788 : i32 to index
      %get3A_790 = arith.constant 0 : index
      %get3A_791 = tpu.vector_load %arg9[%get3A_789, %get3A_790] {strides = array<i32>} : memref<104x16xf32, #tpu.memory_space<vmem>>, vector<16xf32>,
      %mul3A_792 = arith.mulf %get3A_787, %get3A_791 : vector<16xf32>
      %get3A_793 = arith.constant 45 : i32
      %get3A_794 = arith.index_cast %get3A_793 : i32 to index
      %get3A_795 = arith.constant 0 : index
      %get3A_796 = tpu.vector_load %arg10[%get3A_794, %get3A_795] {strides = array<i32>} : memref<104x16xf32, #tpu.memory_space<vmem>>, vector<16xf32>,
      %mul3A_797 = arith.mulf %mul3A_792, %get3A_796 : vector<16xf32>
      %add3A_798 = arith.addf %add3A_783, %mul3A_797 : vector<16xf32>
      %get3A_799 = arith.constant 46 : i32
      %get3A_800 = arith.index_cast %get3A_799 : i32 to index
      %get3A_801 = arith.constant 0 : index
      %get3A_802 = tpu.vector_load %arg8[%get3A_800, %get3A_801] {strides = array<i32>} : memref<104x16xf32, #tpu.memory_space<vmem>>, vector<16xf32>,
      %get3A_803 = arith.constant 46 : i32
      %get3A_804 = arith.index_cast %get3A_803 : i32 to index
      %get3A_805 = arith.constant 0 : index
      %get3A_806 = tpu.vector_load %arg9[%get3A_804, %get3A_805] {strides = array<i32>} : memref<104x16xf32, #tpu.memory_space<vmem>>, vector<16xf32>,
      %mul3A_807 = arith.mulf %get3A_802, %get3A_806 : vector<16xf32>
      %get3A_808 = arith.constant 46 : i32
      %get3A_809 = arith.index_cast %get3A_808 : i32 to index
      %get3A_810 = arith.constant 0 : index
      %get3A_811 = tpu.vector_load %arg10[%get3A_809, %get3A_810] {strides = array<i32>} : memref<104x16xf32, #tpu.memory_space<vmem>>, vector<16xf32>,
      %mul3A_812 = arith.mulf %mul3A_807, %get3A_811 : vector<16xf32>
      %add3A_813 = arith.addf %add3A_798, %mul3A_812 : vector<16xf32>
      %get3A_814 = arith.constant 47 : i32
      %get3A_815 = arith.index_cast %get3A_814 : i32 to index
      %get3A_816 = arith.constant 0 : index
      %get3A_817 = tpu.vector_load %arg8[%get3A_815, %get3A_816] {strides = array<i32>} : memref<104x16xf32, #tpu.memory_space<vmem>>, vector<16xf32>,
      %get3A_818 = arith.constant 47 : i32
      %get3A_819 = arith.index_cast %get3A_818 : i32 to index
      %get3A_820 = arith.constant 0 : index
      %get3A_821 = tpu.vector_load %arg9[%get3A_819, %get3A_820] {strides = array<i32>} : memref<104x16xf32, #tpu.memory_space<vmem>>, vector<16xf32>,
      %mul3A_822 = arith.mulf %get3A_817, %get3A_821 : vector<16xf32>
      %get3A_823 = arith.constant 47 : i32
      %get3A_824 = arith.index_cast %get3A_823 : i32 to index
      %get3A_825 = arith.constant 0 : index
      %get3A_826 = tpu.vector_load %arg10[%get3A_824, %get3A_825] {strides = array<i32>} : memref<104x16xf32, #tpu.memory_space<vmem>>, vector<16xf32>,
      %mul3A_827 = arith.mulf %mul3A_822, %get3A_826 : vector<16xf32>
      %add3A_828 = arith.addf %add3A_813, %mul3A_827 : vector<16xf32>
      %get3A_829 = arith.constant 48 : i32
      %get3A_830 = arith.index_cast %get3A_829 : i32 to index
      %get3A_831 = arith.constant 0 : index
      %get3A_832 = tpu.vector_load %arg8[%get3A_830, %get3A_831] {strides = array<i32>} : memref<104x16xf32, #tpu.memory_space<vmem>>, vector<16xf32>,
      %get3A_833 = arith.constant 48 : i32
      %get3A_834 = arith.index_cast %get3A_833 : i32 to index
      %get3A_835 = arith.constant 0 : index
      %get3A_836 = tpu.vector_load %arg9[%get3A_834, %get3A_835] {strides = array<i32>} : memref<104x16xf32, #tpu.memory_space<vmem>>, vector<16xf32>,
      %mul3A_837 = arith.mulf %get3A_832, %get3A_836 : vector<16xf32>
      %get3A_838 = arith.constant 48 : i32
      %get3A_839 = arith.index_cast %get3A_838 : i32 to index
      %get3A_840 = arith.constant 0 : index
      %get3A_841 = tpu.vector_load %arg10[%get3A_839, %get3A_840] {strides = array<i32>} : memref<104x16xf32, #tpu.memory_space<vmem>>, vector<16xf32>,
      %mul3A_842 = arith.mulf %mul3A_837, %get3A_841 : vector<16xf32>
      %add3A_843 = arith.addf %add3A_828, %mul3A_842 : vector<16xf32>
      %get3A_844 = arith.constant 49 : i32
      %get3A_845 = arith.index_cast %get3A_844 : i32 to index
      %get3A_846 = arith.constant 0 : index
      %get3A_847 = tpu.vector_load %arg8[%get3A_845, %get3A_846] {strides = array<i32>} : memref<104x16xf32, #tpu.memory_space<vmem>>, vector<16xf32>,
      %get3A_848 = arith.constant 49 : i32
      %get3A_849 = arith.index_cast %get3A_848 : i32 to index
      %get3A_850 = arith.constant 0 : index
      %get3A_851 = tpu.vector_load %arg9[%get3A_849, %get3A_850] {strides = array<i32>} : memref<104x16xf32, #tpu.memory_space<vmem>>, vector<16xf32>,
      %mul3A_852 = arith.mulf %get3A_847, %get3A_851 : vector<16xf32>
      %get3A_853 = arith.constant 49 : i32
      %get3A_854 = arith.index_cast %get3A_853 : i32 to index
      %get3A_855 = arith.constant 0 : index
      %get3A_856 = tpu.vector_load %arg10[%get3A_854, %get3A_855] {strides = array<i32>} : memref<104x16xf32, #tpu.memory_space<vmem>>, vector<16xf32>,
      %mul3A_857 = arith.mulf %mul3A_852, %get3A_856 : vector<16xf32>
      %add3A_858 = arith.addf %add3A_843, %mul3A_857 : vector<16xf32>
      %get3A_859 = arith.constant 50 : i32
      %get3A_860 = arith.index_cast %get3A_859 : i32 to index
      %get3A_861 = arith.constant 0 : index
      %get3A_862 = tpu.vector_load %arg8[%get3A_860, %get3A_861] {strides = array<i32>} : memref<104x16xf32, #tpu.memory_space<vmem>>, vector<16xf32>,
      %get3A_863 = arith.constant 50 : i32
      %get3A_864 = arith.index_cast %get3A_863 : i32 to index
      %get3A_865 = arith.constant 0 : index
      %get3A_866 = tpu.vector_load %arg9[%get3A_864, %get3A_865] {strides = array<i32>} : memref<104x16xf32, #tpu.memory_space<vmem>>, vector<16xf32>,
      %mul3A_867 = arith.mulf %get3A_862, %get3A_866 : vector<16xf32>
      %get3A_868 = arith.constant 50 : i32
      %get3A_869 = arith.index_cast %get3A_868 : i32 to index
      %get3A_870 = arith.constant 0 : index
      %get3A_871 = tpu.vector_load %arg10[%get3A_869, %get3A_870] {strides = array<i32>} : memref<104x16xf32, #tpu.memory_space<vmem>>, vector<16xf32>,
      %mul3A_872 = arith.mulf %mul3A_867, %get3A_871 : vector<16xf32>
      %add3A_873 = arith.addf %add3A_858, %mul3A_872 : vector<16xf32>
      %get3A_874 = arith.constant 51 : i32
      %get3A_875 = arith.index_cast %get3A_874 : i32 to index
      %get3A_876 = arith.constant 0 : index
      %get3A_877 = tpu.vector_load %arg8[%get3A_875, %get3A_876] {strides = array<i32>} : memref<104x16xf32, #tpu.memory_space<vmem>>, vector<16xf32>,
      %get3A_878 = arith.constant 51 : i32
      %get3A_879 = arith.index_cast %get3A_878 : i32 to index
      %get3A_880 = arith.constant 0 : index
      %get3A_881 = tpu.vector_load %arg9[%get3A_879, %get3A_880] {strides = array<i32>} : memref<104x16xf32, #tpu.memory_space<vmem>>, vector<16xf32>,
      %mul3A_882 = arith.mulf %get3A_877, %get3A_881 : vector<16xf32>
      %get3A_883 = arith.constant 51 : i32
      %get3A_884 = arith.index_cast %get3A_883 : i32 to index
      %get3A_885 = arith.constant 0 : index
      %get3A_886 = tpu.vector_load %arg10[%get3A_884, %get3A_885] {strides = array<i32>} : memref<104x16xf32, #tpu.memory_space<vmem>>, vector<16xf32>,
      %mul3A_887 = arith.mulf %mul3A_882, %get3A_886 : vector<16xf32>
      %add3A_888 = arith.addf %add3A_873, %mul3A_887 : vector<16xf32>
      %reduce_sum3A_889 = arith.constant true
      %reduce_sum3A_890 = vector.broadcast %reduce_sum3A_889 : i1 to vector<16xi1>
      %reduce_sum3A_891 = tpu.scan <sum>, %add3A_888 masked %reduce_sum3A_890 : vector<16xf32>, vector<16xi1> -> vector<16xf32>
      %reduce_sum3A_892 = vector.extract %reduce_sum3A_891[15] : f32 from vector<16xf32>
      %mul3A_893 = arith.constant 4 : i32
      %mul3A_894 = arith.muli %select_n3A_98, %mul3A_893 : i32
      %add3A_895 = arith.constant 1 : i32
      %add3A_896 = arith.addi %mul3A_894, %add3A_895 : i32
      %eq3A_897 = vector.broadcast %add3A_896 : i32 to vector<16xi32>
      %eq3A_898 = arith.cmpi eq, %iota3A, %eq3A_897 : vector<16xi32>
      %broadcast_in_dim3A_899 = vector.broadcast %reduce_sum3A_892 : f32 to vector<16xf32>
      %select_n3A_900 = arith.select %eq3A_898, %broadcast_in_dim3A_899, %select_n3A_499 : vector<16xi1>, vector<16xf32>
      %get3A_901 = arith.constant 52 : i32
      %get3A_902 = arith.index_cast %get3A_901 : i32 to index
      %get3A_903 = arith.constant 0 : index
      %get3A_904 = tpu.vector_load %arg8[%get3A_902, %get3A_903] {strides = array<i32>} : memref<104x16xf32, #tpu.memory_space<vmem>>, vector<16xf32>,
      %get3A_905 = arith.constant 52 : i32
      %get3A_906 = arith.index_cast %get3A_905 : i32 to index
      %get3A_907 = arith.constant 0 : index
      %get3A_908 = tpu.vector_load %arg9[%get3A_906, %get3A_907] {strides = array<i32>} : memref<104x16xf32, #tpu.memory_space<vmem>>, vector<16xf32>,
      %mul3A_909 = arith.mulf %get3A_904, %get3A_908 : vector<16xf32>
      %get3A_910 = arith.constant 52 : i32
      %get3A_911 = arith.index_cast %get3A_910 : i32 to index
      %get3A_912 = arith.constant 0 : index
      %get3A_913 = tpu.vector_load %arg10[%get3A_911, %get3A_912] {strides = array<i32>} : memref<104x16xf32, #tpu.memory_space<vmem>>, vector<16xf32>,
      %mul3A_914 = arith.mulf %mul3A_909, %get3A_913 : vector<16xf32>
      %get3A_915 = arith.constant 53 : i32
      %get3A_916 = arith.index_cast %get3A_915 : i32 to index
      %get3A_917 = arith.constant 0 : index
      %get3A_918 = tpu.vector_load %arg8[%get3A_916, %get3A_917] {strides = array<i32>} : memref<104x16xf32, #tpu.memory_space<vmem>>, vector<16xf32>,
      %get3A_919 = arith.constant 53 : i32
      %get3A_920 = arith.index_cast %get3A_919 : i32 to index
      %get3A_921 = arith.constant 0 : index
      %get3A_922 = tpu.vector_load %arg9[%get3A_920, %get3A_921] {strides = array<i32>} : memref<104x16xf32, #tpu.memory_space<vmem>>, vector<16xf32>,
      %mul3A_923 = arith.mulf %get3A_918, %get3A_922 : vector<16xf32>
      %get3A_924 = arith.constant 53 : i32
      %get3A_925 = arith.index_cast %get3A_924 : i32 to index
      %get3A_926 = arith.constant 0 : index
      %get3A_927 = tpu.vector_load %arg10[%get3A_925, %get3A_926] {strides = array<i32>} : memref<104x16xf32, #tpu.memory_space<vmem>>, vector<16xf32>,
      %mul3A_928 = arith.mulf %mul3A_923, %get3A_927 : vector<16xf32>
      %add3A_929 = arith.addf %mul3A_914, %mul3A_928 : vector<16xf32>
      %get3A_930 = arith.constant 54 : i32
      %get3A_931 = arith.index_cast %get3A_930 : i32 to index
      %get3A_932 = arith.constant 0 : index
      %get3A_933 = tpu.vector_load %arg8[%get3A_931, %get3A_932] {strides = array<i32>} : memref<104x16xf32, #tpu.memory_space<vmem>>, vector<16xf32>,
      %get3A_934 = arith.constant 54 : i32
      %get3A_935 = arith.index_cast %get3A_934 : i32 to index
      %get3A_936 = arith.constant 0 : index
      %get3A_937 = tpu.vector_load %arg9[%get3A_935, %get3A_936] {strides = array<i32>} : memref<104x16xf32, #tpu.memory_space<vmem>>, vector<16xf32>,
      %mul3A_938 = arith.mulf %get3A_933, %get3A_937 : vector<16xf32>
      %get3A_939 = arith.constant 54 : i32
      %get3A_940 = arith.index_cast %get3A_939 : i32 to index
      %get3A_941 = arith.constant 0 : index
      %get3A_942 = tpu.vector_load %arg10[%get3A_940, %get3A_941] {strides = array<i32>} : memref<104x16xf32, #tpu.memory_space<vmem>>, vector<16xf32>,
      %mul3A_943 = arith.mulf %mul3A_938, %get3A_942 : vector<16xf32>
      %add3A_944 = arith.addf %add3A_929, %mul3A_943 : vector<16xf32>
      %get3A_945 = arith.constant 55 : i32
      %get3A_946 = arith.index_cast %get3A_945 : i32 to index
      %get3A_947 = arith.constant 0 : index
      %get3A_948 = tpu.vector_load %arg8[%get3A_946, %get3A_947] {strides = array<i32>} : memref<104x16xf32, #tpu.memory_space<vmem>>, vector<16xf32>,
      %get3A_949 = arith.constant 55 : i32
      %get3A_950 = arith.index_cast %get3A_949 : i32 to index
      %get3A_951 = arith.constant 0 : index
      %get3A_952 = tpu.vector_load %arg9[%get3A_950, %get3A_951] {strides = array<i32>} : memref<104x16xf32, #tpu.memory_space<vmem>>, vector<16xf32>,
      %mul3A_953 = arith.mulf %get3A_948, %get3A_952 : vector<16xf32>
      %get3A_954 = arith.constant 55 : i32
      %get3A_955 = arith.index_cast %get3A_954 : i32 to index
      %get3A_956 = arith.constant 0 : index
      %get3A_957 = tpu.vector_load %arg10[%get3A_955, %get3A_956] {strides = array<i32>} : memref<104x16xf32, #tpu.memory_space<vmem>>, vector<16xf32>,
      %mul3A_958 = arith.mulf %mul3A_953, %get3A_957 : vector<16xf32>
      %add3A_959 = arith.addf %add3A_944, %mul3A_958 : vector<16xf32>
      %get3A_960 = arith.constant 56 : i32
      %get3A_961 = arith.index_cast %get3A_960 : i32 to index
      %get3A_962 = arith.constant 0 : index
      %get3A_963 = tpu.vector_load %arg8[%get3A_961, %get3A_962] {strides = array<i32>} : memref<104x16xf32, #tpu.memory_space<vmem>>, vector<16xf32>,
      %get3A_964 = arith.constant 56 : i32
      %get3A_965 = arith.index_cast %get3A_964 : i32 to index
      %get3A_966 = arith.constant 0 : index
      %get3A_967 = tpu.vector_load %arg9[%get3A_965, %get3A_966] {strides = array<i32>} : memref<104x16xf32, #tpu.memory_space<vmem>>, vector<16xf32>,
      %mul3A_968 = arith.mulf %get3A_963, %get3A_967 : vector<16xf32>
      %get3A_969 = arith.constant 56 : i32
      %get3A_970 = arith.index_cast %get3A_969 : i32 to index
      %get3A_971 = arith.constant 0 : index
      %get3A_972 = tpu.vector_load %arg10[%get3A_970, %get3A_971] {strides = array<i32>} : memref<104x16xf32, #tpu.memory_space<vmem>>, vector<16xf32>,
      %mul3A_973 = arith.mulf %mul3A_968, %get3A_972 : vector<16xf32>
      %add3A_974 = arith.addf %add3A_959, %mul3A_973 : vector<16xf32>
      %get3A_975 = arith.constant 57 : i32
      %get3A_976 = arith.index_cast %get3A_975 : i32 to index
      %get3A_977 = arith.constant 0 : index
      %get3A_978 = tpu.vector_load %arg8[%get3A_976, %get3A_977] {strides = array<i32>} : memref<104x16xf32, #tpu.memory_space<vmem>>, vector<16xf32>,
      %get3A_979 = arith.constant 57 : i32
      %get3A_980 = arith.index_cast %get3A_979 : i32 to index
      %get3A_981 = arith.constant 0 : index
      %get3A_982 = tpu.vector_load %arg9[%get3A_980, %get3A_981] {strides = array<i32>} : memref<104x16xf32, #tpu.memory_space<vmem>>, vector<16xf32>,
      %mul3A_983 = arith.mulf %get3A_978, %get3A_982 : vector<16xf32>
      %get3A_984 = arith.constant 57 : i32
      %get3A_985 = arith.index_cast %get3A_984 : i32 to index
      %get3A_986 = arith.constant 0 : index
      %get3A_987 = tpu.vector_load %arg10[%get3A_985, %get3A_986] {strides = array<i32>} : memref<104x16xf32, #tpu.memory_space<vmem>>, vector<16xf32>,
      %mul3A_988 = arith.mulf %mul3A_983, %get3A_987 : vector<16xf32>
      %add3A_989 = arith.addf %add3A_974, %mul3A_988 : vector<16xf32>
      %get3A_990 = arith.constant 58 : i32
      %get3A_991 = arith.index_cast %get3A_990 : i32 to index
      %get3A_992 = arith.constant 0 : index
      %get3A_993 = tpu.vector_load %arg8[%get3A_991, %get3A_992] {strides = array<i32>} : memref<104x16xf32, #tpu.memory_space<vmem>>, vector<16xf32>,
      %get3A_994 = arith.constant 58 : i32
      %get3A_995 = arith.index_cast %get3A_994 : i32 to index
      %get3A_996 = arith.constant 0 : index
      %get3A_997 = tpu.vector_load %arg9[%get3A_995, %get3A_996] {strides = array<i32>} : memref<104x16xf32, #tpu.memory_space<vmem>>, vector<16xf32>,
      %mul3A_998 = arith.mulf %get3A_993, %get3A_997 : vector<16xf32>
      %get3A_999 = arith.constant 58 : i32
      %get3A_1000 = arith.index_cast %get3A_999 : i32 to index
      %get3A_1001 = arith.constant 0 : index
      %get3A_1002 = tpu.vector_load %arg10[%get3A_1000, %get3A_1001] {strides = array<i32>} : memref<104x16xf32, #tpu.memory_space<vmem>>, vector<16xf32>,
      %mul3A_1003 = arith.mulf %mul3A_998, %get3A_1002 : vector<16xf32>
      %add3A_1004 = arith.addf %add3A_989, %mul3A_1003 : vector<16xf32>
      %get3A_1005 = arith.constant 59 : i32
      %get3A_1006 = arith.index_cast %get3A_1005 : i32 to index
      %get3A_1007 = arith.constant 0 : index
      %get3A_1008 = tpu.vector_load %arg8[%get3A_1006, %get3A_1007] {strides = array<i32>} : memref<104x16xf32, #tpu.memory_space<vmem>>, vector<16xf32>,
      %get3A_1009 = arith.constant 59 : i32
      %get3A_1010 = arith.index_cast %get3A_1009 : i32 to index
      %get3A_1011 = arith.constant 0 : index
      %get3A_1012 = tpu.vector_load %arg9[%get3A_1010, %get3A_1011] {strides = array<i32>} : memref<104x16xf32, #tpu.memory_space<vmem>>, vector<16xf32>,
      %mul3A_1013 = arith.mulf %get3A_1008, %get3A_1012 : vector<16xf32>
      %get3A_1014 = arith.constant 59 : i32
      %get3A_1015 = arith.index_cast %get3A_1014 : i32 to index
      %get3A_1016 = arith.constant 0 : index
      %get3A_1017 = tpu.vector_load %arg10[%get3A_1015, %get3A_1016] {strides = array<i32>} : memref<104x16xf32, #tpu.memory_space<vmem>>, vector<16xf32>,
      %mul3A_1018 = arith.mulf %mul3A_1013, %get3A_1017 : vector<16xf32>
      %add3A_1019 = arith.addf %add3A_1004, %mul3A_1018 : vector<16xf32>
      %get3A_1020 = arith.constant 60 : i32
      %get3A_1021 = arith.index_cast %get3A_1020 : i32 to index
      %get3A_1022 = arith.constant 0 : index
      %get3A_1023 = tpu.vector_load %arg8[%get3A_1021, %get3A_1022] {strides = array<i32>} : memref<104x16xf32, #tpu.memory_space<vmem>>, vector<16xf32>,
      %get3A_1024 = arith.constant 60 : i32
      %get3A_1025 = arith.index_cast %get3A_1024 : i32 to index
      %get3A_1026 = arith.constant 0 : index
      %get3A_1027 = tpu.vector_load %arg9[%get3A_1025, %get3A_1026] {strides = array<i32>} : memref<104x16xf32, #tpu.memory_space<vmem>>, vector<16xf32>,
      %mul3A_1028 = arith.mulf %get3A_1023, %get3A_1027 : vector<16xf32>
      %get3A_1029 = arith.constant 60 : i32
      %get3A_1030 = arith.index_cast %get3A_1029 : i32 to index
      %get3A_1031 = arith.constant 0 : index
      %get3A_1032 = tpu.vector_load %arg10[%get3A_1030, %get3A_1031] {strides = array<i32>} : memref<104x16xf32, #tpu.memory_space<vmem>>, vector<16xf32>,
      %mul3A_1033 = arith.mulf %mul3A_1028, %get3A_1032 : vector<16xf32>
      %add3A_1034 = arith.addf %add3A_1019, %mul3A_1033 : vector<16xf32>
      %get3A_1035 = arith.constant 61 : i32
      %get3A_1036 = arith.index_cast %get3A_1035 : i32 to index
      %get3A_1037 = arith.constant 0 : index
      %get3A_1038 = tpu.vector_load %arg8[%get3A_1036, %get3A_1037] {strides = array<i32>} : memref<104x16xf32, #tpu.memory_space<vmem>>, vector<16xf32>,
      %get3A_1039 = arith.constant 61 : i32
      %get3A_1040 = arith.index_cast %get3A_1039 : i32 to index
      %get3A_1041 = arith.constant 0 : index
      %get3A_1042 = tpu.vector_load %arg9[%get3A_1040, %get3A_1041] {strides = array<i32>} : memref<104x16xf32, #tpu.memory_space<vmem>>, vector<16xf32>,
      %mul3A_1043 = arith.mulf %get3A_1038, %get3A_1042 : vector<16xf32>
      %get3A_1044 = arith.constant 61 : i32
      %get3A_1045 = arith.index_cast %get3A_1044 : i32 to index
      %get3A_1046 = arith.constant 0 : index
      %get3A_1047 = tpu.vector_load %arg10[%get3A_1045, %get3A_1046] {strides = array<i32>} : memref<104x16xf32, #tpu.memory_space<vmem>>, vector<16xf32>,
      %mul3A_1048 = arith.mulf %mul3A_1043, %get3A_1047 : vector<16xf32>
      %add3A_1049 = arith.addf %add3A_1034, %mul3A_1048 : vector<16xf32>
      %get3A_1050 = arith.constant 62 : i32
      %get3A_1051 = arith.index_cast %get3A_1050 : i32 to index
      %get3A_1052 = arith.constant 0 : index
      %get3A_1053 = tpu.vector_load %arg8[%get3A_1051, %get3A_1052] {strides = array<i32>} : memref<104x16xf32, #tpu.memory_space<vmem>>, vector<16xf32>,
      %get3A_1054 = arith.constant 62 : i32
      %get3A_1055 = arith.index_cast %get3A_1054 : i32 to index
      %get3A_1056 = arith.constant 0 : index
      %get3A_1057 = tpu.vector_load %arg9[%get3A_1055, %get3A_1056] {strides = array<i32>} : memref<104x16xf32, #tpu.memory_space<vmem>>, vector<16xf32>,
      %mul3A_1058 = arith.mulf %get3A_1053, %get3A_1057 : vector<16xf32>
      %get3A_1059 = arith.constant 62 : i32
      %get3A_1060 = arith.index_cast %get3A_1059 : i32 to index
      %get3A_1061 = arith.constant 0 : index
      %get3A_1062 = tpu.vector_load %arg10[%get3A_1060, %get3A_1061] {strides = array<i32>} : memref<104x16xf32, #tpu.memory_space<vmem>>, vector<16xf32>,
      %mul3A_1063 = arith.mulf %mul3A_1058, %get3A_1062 : vector<16xf32>
      %add3A_1064 = arith.addf %add3A_1049, %mul3A_1063 : vector<16xf32>
      %get3A_1065 = arith.constant 63 : i32
      %get3A_1066 = arith.index_cast %get3A_1065 : i32 to index
      %get3A_1067 = arith.constant 0 : index
      %get3A_1068 = tpu.vector_load %arg8[%get3A_1066, %get3A_1067] {strides = array<i32>} : memref<104x16xf32, #tpu.memory_space<vmem>>, vector<16xf32>,
      %get3A_1069 = arith.constant 63 : i32
      %get3A_1070 = arith.index_cast %get3A_1069 : i32 to index
      %get3A_1071 = arith.constant 0 : index
      %get3A_1072 = tpu.vector_load %arg9[%get3A_1070, %get3A_1071] {strides = array<i32>} : memref<104x16xf32, #tpu.memory_space<vmem>>, vector<16xf32>,
      %mul3A_1073 = arith.mulf %get3A_1068, %get3A_1072 : vector<16xf32>
      %get3A_1074 = arith.constant 63 : i32
      %get3A_1075 = arith.index_cast %get3A_1074 : i32 to index
      %get3A_1076 = arith.constant 0 : index
      %get3A_1077 = tpu.vector_load %arg10[%get3A_1075, %get3A_1076] {strides = array<i32>} : memref<104x16xf32, #tpu.memory_space<vmem>>, vector<16xf32>,
      %mul3A_1078 = arith.mulf %mul3A_1073, %get3A_1077 : vector<16xf32>
      %add3A_1079 = arith.addf %add3A_1064, %mul3A_1078 : vector<16xf32>
      %get3A_1080 = arith.constant 64 : i32
      %get3A_1081 = arith.index_cast %get3A_1080 : i32 to index
      %get3A_1082 = arith.constant 0 : index
      %get3A_1083 = tpu.vector_load %arg8[%get3A_1081, %get3A_1082] {strides = array<i32>} : memref<104x16xf32, #tpu.memory_space<vmem>>, vector<16xf32>,
      %get3A_1084 = arith.constant 64 : i32
      %get3A_1085 = arith.index_cast %get3A_1084 : i32 to index
      %get3A_1086 = arith.constant 0 : index
      %get3A_1087 = tpu.vector_load %arg9[%get3A_1085, %get3A_1086] {strides = array<i32>} : memref<104x16xf32, #tpu.memory_space<vmem>>, vector<16xf32>,
      %mul3A_1088 = arith.mulf %get3A_1083, %get3A_1087 : vector<16xf32>
      %get3A_1089 = arith.constant 64 : i32
      %get3A_1090 = arith.index_cast %get3A_1089 : i32 to index
      %get3A_1091 = arith.constant 0 : index
      %get3A_1092 = tpu.vector_load %arg10[%get3A_1090, %get3A_1091] {strides = array<i32>} : memref<104x16xf32, #tpu.memory_space<vmem>>, vector<16xf32>,
      %mul3A_1093 = arith.mulf %mul3A_1088, %get3A_1092 : vector<16xf32>
      %add3A_1094 = arith.addf %add3A_1079, %mul3A_1093 : vector<16xf32>
      %get3A_1095 = arith.constant 65 : i32
      %get3A_1096 = arith.index_cast %get3A_1095 : i32 to index
      %get3A_1097 = arith.constant 0 : index
      %get3A_1098 = tpu.vector_load %arg8[%get3A_1096, %get3A_1097] {strides = array<i32>} : memref<104x16xf32, #tpu.memory_space<vmem>>, vector<16xf32>,
      %get3A_1099 = arith.constant 65 : i32
      %get3A_1100 = arith.index_cast %get3A_1099 : i32 to index
      %get3A_1101 = arith.constant 0 : index
      %get3A_1102 = tpu.vector_load %arg9[%get3A_1100, %get3A_1101] {strides = array<i32>} : memref<104x16xf32, #tpu.memory_space<vmem>>, vector<16xf32>,
      %mul3A_1103 = arith.mulf %get3A_1098, %get3A_1102 : vector<16xf32>
      %get3A_1104 = arith.constant 65 : i32
      %get3A_1105 = arith.index_cast %get3A_1104 : i32 to index
      %get3A_1106 = arith.constant 0 : index
      %get3A_1107 = tpu.vector_load %arg10[%get3A_1105, %get3A_1106] {strides = array<i32>} : memref<104x16xf32, #tpu.memory_space<vmem>>, vector<16xf32>,
      %mul3A_1108 = arith.mulf %mul3A_1103, %get3A_1107 : vector<16xf32>
      %add3A_1109 = arith.addf %add3A_1094, %mul3A_1108 : vector<16xf32>
      %get3A_1110 = arith.constant 66 : i32
      %get3A_1111 = arith.index_cast %get3A_1110 : i32 to index
      %get3A_1112 = arith.constant 0 : index
      %get3A_1113 = tpu.vector_load %arg8[%get3A_1111, %get3A_1112] {strides = array<i32>} : memref<104x16xf32, #tpu.memory_space<vmem>>, vector<16xf32>,
      %get3A_1114 = arith.constant 66 : i32
      %get3A_1115 = arith.index_cast %get3A_1114 : i32 to index
      %get3A_1116 = arith.constant 0 : index
      %get3A_1117 = tpu.vector_load %arg9[%get3A_1115, %get3A_1116] {strides = array<i32>} : memref<104x16xf32, #tpu.memory_space<vmem>>, vector<16xf32>,
      %mul3A_1118 = arith.mulf %get3A_1113, %get3A_1117 : vector<16xf32>
      %get3A_1119 = arith.constant 66 : i32
      %get3A_1120 = arith.index_cast %get3A_1119 : i32 to index
      %get3A_1121 = arith.constant 0 : index
      %get3A_1122 = tpu.vector_load %arg10[%get3A_1120, %get3A_1121] {strides = array<i32>} : memref<104x16xf32, #tpu.memory_space<vmem>>, vector<16xf32>,
      %mul3A_1123 = arith.mulf %mul3A_1118, %get3A_1122 : vector<16xf32>
      %add3A_1124 = arith.addf %add3A_1109, %mul3A_1123 : vector<16xf32>
      %get3A_1125 = arith.constant 67 : i32
      %get3A_1126 = arith.index_cast %get3A_1125 : i32 to index
      %get3A_1127 = arith.constant 0 : index
      %get3A_1128 = tpu.vector_load %arg8[%get3A_1126, %get3A_1127] {strides = array<i32>} : memref<104x16xf32, #tpu.memory_space<vmem>>, vector<16xf32>,
      %get3A_1129 = arith.constant 67 : i32
      %get3A_1130 = arith.index_cast %get3A_1129 : i32 to index
      %get3A_1131 = arith.constant 0 : index
      %get3A_1132 = tpu.vector_load %arg9[%get3A_1130, %get3A_1131] {strides = array<i32>} : memref<104x16xf32, #tpu.memory_space<vmem>>, vector<16xf32>,
      %mul3A_1133 = arith.mulf %get3A_1128, %get3A_1132 : vector<16xf32>
      %get3A_1134 = arith.constant 67 : i32
      %get3A_1135 = arith.index_cast %get3A_1134 : i32 to index
      %get3A_1136 = arith.constant 0 : index
      %get3A_1137 = tpu.vector_load %arg10[%get3A_1135, %get3A_1136] {strides = array<i32>} : memref<104x16xf32, #tpu.memory_space<vmem>>, vector<16xf32>,
      %mul3A_1138 = arith.mulf %mul3A_1133, %get3A_1137 : vector<16xf32>
      %add3A_1139 = arith.addf %add3A_1124, %mul3A_1138 : vector<16xf32>
      %get3A_1140 = arith.constant 68 : i32
      %get3A_1141 = arith.index_cast %get3A_1140 : i32 to index
      %get3A_1142 = arith.constant 0 : index
      %get3A_1143 = tpu.vector_load %arg8[%get3A_1141, %get3A_1142] {strides = array<i32>} : memref<104x16xf32, #tpu.memory_space<vmem>>, vector<16xf32>,
      %get3A_1144 = arith.constant 68 : i32
      %get3A_1145 = arith.index_cast %get3A_1144 : i32 to index
      %get3A_1146 = arith.constant 0 : index
      %get3A_1147 = tpu.vector_load %arg9[%get3A_1145, %get3A_1146] {strides = array<i32>} : memref<104x16xf32, #tpu.memory_space<vmem>>, vector<16xf32>,
      %mul3A_1148 = arith.mulf %get3A_1143, %get3A_1147 : vector<16xf32>
      %get3A_1149 = arith.constant 68 : i32
      %get3A_1150 = arith.index_cast %get3A_1149 : i32 to index
      %get3A_1151 = arith.constant 0 : index
      %get3A_1152 = tpu.vector_load %arg10[%get3A_1150, %get3A_1151] {strides = array<i32>} : memref<104x16xf32, #tpu.memory_space<vmem>>, vector<16xf32>,
      %mul3A_1153 = arith.mulf %mul3A_1148, %get3A_1152 : vector<16xf32>
      %add3A_1154 = arith.addf %add3A_1139, %mul3A_1153 : vector<16xf32>
      %get3A_1155 = arith.constant 69 : i32
      %get3A_1156 = arith.index_cast %get3A_1155 : i32 to index
      %get3A_1157 = arith.constant 0 : index
      %get3A_1158 = tpu.vector_load %arg8[%get3A_1156, %get3A_1157] {strides = array<i32>} : memref<104x16xf32, #tpu.memory_space<vmem>>, vector<16xf32>,
      %get3A_1159 = arith.constant 69 : i32
      %get3A_1160 = arith.index_cast %get3A_1159 : i32 to index
      %get3A_1161 = arith.constant 0 : index
      %get3A_1162 = tpu.vector_load %arg9[%get3A_1160, %get3A_1161] {strides = array<i32>} : memref<104x16xf32, #tpu.memory_space<vmem>>, vector<16xf32>,
      %mul3A_1163 = arith.mulf %get3A_1158, %get3A_1162 : vector<16xf32>
      %get3A_1164 = arith.constant 69 : i32
      %get3A_1165 = arith.index_cast %get3A_1164 : i32 to index
      %get3A_1166 = arith.constant 0 : index
      %get3A_1167 = tpu.vector_load %arg10[%get3A_1165, %get3A_1166] {strides = array<i32>} : memref<104x16xf32, #tpu.memory_space<vmem>>, vector<16xf32>,
      %mul3A_1168 = arith.mulf %mul3A_1163, %get3A_1167 : vector<16xf32>
      %add3A_1169 = arith.addf %add3A_1154, %mul3A_1168 : vector<16xf32>
      %get3A_1170 = arith.constant 70 : i32
      %get3A_1171 = arith.index_cast %get3A_1170 : i32 to index
      %get3A_1172 = arith.constant 0 : index
      %get3A_1173 = tpu.vector_load %arg8[%get3A_1171, %get3A_1172] {strides = array<i32>} : memref<104x16xf32, #tpu.memory_space<vmem>>, vector<16xf32>,
      %get3A_1174 = arith.constant 70 : i32
      %get3A_1175 = arith.index_cast %get3A_1174 : i32 to index
      %get3A_1176 = arith.constant 0 : index
      %get3A_1177 = tpu.vector_load %arg9[%get3A_1175, %get3A_1176] {strides = array<i32>} : memref<104x16xf32, #tpu.memory_space<vmem>>, vector<16xf32>,
      %mul3A_1178 = arith.mulf %get3A_1173, %get3A_1177 : vector<16xf32>
      %get3A_1179 = arith.constant 70 : i32
      %get3A_1180 = arith.index_cast %get3A_1179 : i32 to index
      %get3A_1181 = arith.constant 0 : index
      %get3A_1182 = tpu.vector_load %arg10[%get3A_1180, %get3A_1181] {strides = array<i32>} : memref<104x16xf32, #tpu.memory_space<vmem>>, vector<16xf32>,
      %mul3A_1183 = arith.mulf %mul3A_1178, %get3A_1182 : vector<16xf32>
      %add3A_1184 = arith.addf %add3A_1169, %mul3A_1183 : vector<16xf32>
      %get3A_1185 = arith.constant 71 : i32
      %get3A_1186 = arith.index_cast %get3A_1185 : i32 to index
      %get3A_1187 = arith.constant 0 : index
      %get3A_1188 = tpu.vector_load %arg8[%get3A_1186, %get3A_1187] {strides = array<i32>} : memref<104x16xf32, #tpu.memory_space<vmem>>, vector<16xf32>,
      %get3A_1189 = arith.constant 71 : i32
      %get3A_1190 = arith.index_cast %get3A_1189 : i32 to index
      %get3A_1191 = arith.constant 0 : index
      %get3A_1192 = tpu.vector_load %arg9[%get3A_1190, %get3A_1191] {strides = array<i32>} : memref<104x16xf32, #tpu.memory_space<vmem>>, vector<16xf32>,
      %mul3A_1193 = arith.mulf %get3A_1188, %get3A_1192 : vector<16xf32>
      %get3A_1194 = arith.constant 71 : i32
      %get3A_1195 = arith.index_cast %get3A_1194 : i32 to index
      %get3A_1196 = arith.constant 0 : index
      %get3A_1197 = tpu.vector_load %arg10[%get3A_1195, %get3A_1196] {strides = array<i32>} : memref<104x16xf32, #tpu.memory_space<vmem>>, vector<16xf32>,
      %mul3A_1198 = arith.mulf %mul3A_1193, %get3A_1197 : vector<16xf32>
      %add3A_1199 = arith.addf %add3A_1184, %mul3A_1198 : vector<16xf32>
      %get3A_1200 = arith.constant 72 : i32
      %get3A_1201 = arith.index_cast %get3A_1200 : i32 to index
      %get3A_1202 = arith.constant 0 : index
      %get3A_1203 = tpu.vector_load %arg8[%get3A_1201, %get3A_1202] {strides = array<i32>} : memref<104x16xf32, #tpu.memory_space<vmem>>, vector<16xf32>,
      %get3A_1204 = arith.constant 72 : i32
      %get3A_1205 = arith.index_cast %get3A_1204 : i32 to index
      %get3A_1206 = arith.constant 0 : index
      %get3A_1207 = tpu.vector_load %arg9[%get3A_1205, %get3A_1206] {strides = array<i32>} : memref<104x16xf32, #tpu.memory_space<vmem>>, vector<16xf32>,
      %mul3A_1208 = arith.mulf %get3A_1203, %get3A_1207 : vector<16xf32>
      %get3A_1209 = arith.constant 72 : i32
      %get3A_1210 = arith.index_cast %get3A_1209 : i32 to index
      %get3A_1211 = arith.constant 0 : index
      %get3A_1212 = tpu.vector_load %arg10[%get3A_1210, %get3A_1211] {strides = array<i32>} : memref<104x16xf32, #tpu.memory_space<vmem>>, vector<16xf32>,
      %mul3A_1213 = arith.mulf %mul3A_1208, %get3A_1212 : vector<16xf32>
      %add3A_1214 = arith.addf %add3A_1199, %mul3A_1213 : vector<16xf32>
      %get3A_1215 = arith.constant 73 : i32
      %get3A_1216 = arith.index_cast %get3A_1215 : i32 to index
      %get3A_1217 = arith.constant 0 : index
      %get3A_1218 = tpu.vector_load %arg8[%get3A_1216, %get3A_1217] {strides = array<i32>} : memref<104x16xf32, #tpu.memory_space<vmem>>, vector<16xf32>,
      %get3A_1219 = arith.constant 73 : i32
      %get3A_1220 = arith.index_cast %get3A_1219 : i32 to index
      %get3A_1221 = arith.constant 0 : index
      %get3A_1222 = tpu.vector_load %arg9[%get3A_1220, %get3A_1221] {strides = array<i32>} : memref<104x16xf32, #tpu.memory_space<vmem>>, vector<16xf32>,
      %mul3A_1223 = arith.mulf %get3A_1218, %get3A_1222 : vector<16xf32>
      %get3A_1224 = arith.constant 73 : i32
      %get3A_1225 = arith.index_cast %get3A_1224 : i32 to index
      %get3A_1226 = arith.constant 0 : index
      %get3A_1227 = tpu.vector_load %arg10[%get3A_1225, %get3A_1226] {strides = array<i32>} : memref<104x16xf32, #tpu.memory_space<vmem>>, vector<16xf32>,
      %mul3A_1228 = arith.mulf %mul3A_1223, %get3A_1227 : vector<16xf32>
      %add3A_1229 = arith.addf %add3A_1214, %mul3A_1228 : vector<16xf32>
      %get3A_1230 = arith.constant 74 : i32
      %get3A_1231 = arith.index_cast %get3A_1230 : i32 to index
      %get3A_1232 = arith.constant 0 : index
      %get3A_1233 = tpu.vector_load %arg8[%get3A_1231, %get3A_1232] {strides = array<i32>} : memref<104x16xf32, #tpu.memory_space<vmem>>, vector<16xf32>,
      %get3A_1234 = arith.constant 74 : i32
      %get3A_1235 = arith.index_cast %get3A_1234 : i32 to index
      %get3A_1236 = arith.constant 0 : index
      %get3A_1237 = tpu.vector_load %arg9[%get3A_1235, %get3A_1236] {strides = array<i32>} : memref<104x16xf32, #tpu.memory_space<vmem>>, vector<16xf32>,
      %mul3A_1238 = arith.mulf %get3A_1233, %get3A_1237 : vector<16xf32>
      %get3A_1239 = arith.constant 74 : i32
      %get3A_1240 = arith.index_cast %get3A_1239 : i32 to index
      %get3A_1241 = arith.constant 0 : index
      %get3A_1242 = tpu.vector_load %arg10[%get3A_1240, %get3A_1241] {strides = array<i32>} : memref<104x16xf32, #tpu.memory_space<vmem>>, vector<16xf32>,
      %mul3A_1243 = arith.mulf %mul3A_1238, %get3A_1242 : vector<16xf32>
      %add3A_1244 = arith.addf %add3A_1229, %mul3A_1243 : vector<16xf32>
      %get3A_1245 = arith.constant 75 : i32
      %get3A_1246 = arith.index_cast %get3A_1245 : i32 to index
      %get3A_1247 = arith.constant 0 : index
      %get3A_1248 = tpu.vector_load %arg8[%get3A_1246, %get3A_1247] {strides = array<i32>} : memref<104x16xf32, #tpu.memory_space<vmem>>, vector<16xf32>,
      %get3A_1249 = arith.constant 75 : i32
      %get3A_1250 = arith.index_cast %get3A_1249 : i32 to index
      %get3A_1251 = arith.constant 0 : index
      %get3A_1252 = tpu.vector_load %arg9[%get3A_1250, %get3A_1251] {strides = array<i32>} : memref<104x16xf32, #tpu.memory_space<vmem>>, vector<16xf32>,
      %mul3A_1253 = arith.mulf %get3A_1248, %get3A_1252 : vector<16xf32>
      %get3A_1254 = arith.constant 75 : i32
      %get3A_1255 = arith.index_cast %get3A_1254 : i32 to index
      %get3A_1256 = arith.constant 0 : index
      %get3A_1257 = tpu.vector_load %arg10[%get3A_1255, %get3A_1256] {strides = array<i32>} : memref<104x16xf32, #tpu.memory_space<vmem>>, vector<16xf32>,
      %mul3A_1258 = arith.mulf %mul3A_1253, %get3A_1257 : vector<16xf32>
      %add3A_1259 = arith.addf %add3A_1244, %mul3A_1258 : vector<16xf32>
      %get3A_1260 = arith.constant 76 : i32
      %get3A_1261 = arith.index_cast %get3A_1260 : i32 to index
      %get3A_1262 = arith.constant 0 : index
      %get3A_1263 = tpu.vector_load %arg8[%get3A_1261, %get3A_1262] {strides = array<i32>} : memref<104x16xf32, #tpu.memory_space<vmem>>, vector<16xf32>,
      %get3A_1264 = arith.constant 76 : i32
      %get3A_1265 = arith.index_cast %get3A_1264 : i32 to index
      %get3A_1266 = arith.constant 0 : index
      %get3A_1267 = tpu.vector_load %arg9[%get3A_1265, %get3A_1266] {strides = array<i32>} : memref<104x16xf32, #tpu.memory_space<vmem>>, vector<16xf32>,
      %mul3A_1268 = arith.mulf %get3A_1263, %get3A_1267 : vector<16xf32>
      %get3A_1269 = arith.constant 76 : i32
      %get3A_1270 = arith.index_cast %get3A_1269 : i32 to index
      %get3A_1271 = arith.constant 0 : index
      %get3A_1272 = tpu.vector_load %arg10[%get3A_1270, %get3A_1271] {strides = array<i32>} : memref<104x16xf32, #tpu.memory_space<vmem>>, vector<16xf32>,
      %mul3A_1273 = arith.mulf %mul3A_1268, %get3A_1272 : vector<16xf32>
      %add3A_1274 = arith.addf %add3A_1259, %mul3A_1273 : vector<16xf32>
      %get3A_1275 = arith.constant 77 : i32
      %get3A_1276 = arith.index_cast %get3A_1275 : i32 to index
      %get3A_1277 = arith.constant 0 : index
      %get3A_1278 = tpu.vector_load %arg8[%get3A_1276, %get3A_1277] {strides = array<i32>} : memref<104x16xf32, #tpu.memory_space<vmem>>, vector<16xf32>,
      %get3A_1279 = arith.constant 77 : i32
      %get3A_1280 = arith.index_cast %get3A_1279 : i32 to index
      %get3A_1281 = arith.constant 0 : index
      %get3A_1282 = tpu.vector_load %arg9[%get3A_1280, %get3A_1281] {strides = array<i32>} : memref<104x16xf32, #tpu.memory_space<vmem>>, vector<16xf32>,
      %mul3A_1283 = arith.mulf %get3A_1278, %get3A_1282 : vector<16xf32>
      %get3A_1284 = arith.constant 77 : i32
      %get3A_1285 = arith.index_cast %get3A_1284 : i32 to index
      %get3A_1286 = arith.constant 0 : index
      %get3A_1287 = tpu.vector_load %arg10[%get3A_1285, %get3A_1286] {strides = array<i32>} : memref<104x16xf32, #tpu.memory_space<vmem>>, vector<16xf32>,
      %mul3A_1288 = arith.mulf %mul3A_1283, %get3A_1287 : vector<16xf32>
      %add3A_1289 = arith.addf %add3A_1274, %mul3A_1288 : vector<16xf32>
      %reduce_sum3A_1290 = arith.constant true
      %reduce_sum3A_1291 = vector.broadcast %reduce_sum3A_1290 : i1 to vector<16xi1>
      %reduce_sum3A_1292 = tpu.scan <sum>, %add3A_1289 masked %reduce_sum3A_1291 : vector<16xf32>, vector<16xi1> -> vector<16xf32>
      %reduce_sum3A_1293 = vector.extract %reduce_sum3A_1292[15] : f32 from vector<16xf32>
      %mul3A_1294 = arith.constant 4 : i32
      %mul3A_1295 = arith.muli %select_n3A_98, %mul3A_1294 : i32
      %add3A_1296 = arith.constant 2 : i32
      %add3A_1297 = arith.addi %mul3A_1295, %add3A_1296 : i32
      %eq3A_1298 = vector.broadcast %add3A_1297 : i32 to vector<16xi32>
      %eq3A_1299 = arith.cmpi eq, %iota3A, %eq3A_1298 : vector<16xi32>
      %broadcast_in_dim3A_1300 = vector.broadcast %reduce_sum3A_1293 : f32 to vector<16xf32>
      %select_n3A_1301 = arith.select %eq3A_1299, %broadcast_in_dim3A_1300, %select_n3A_900 : vector<16xi1>, vector<16xf32>
      %get3A_1302 = arith.constant 78 : i32
      %get3A_1303 = arith.index_cast %get3A_1302 : i32 to index
      %get3A_1304 = arith.constant 0 : index
      %get3A_1305 = tpu.vector_load %arg8[%get3A_1303, %get3A_1304] {strides = array<i32>} : memref<104x16xf32, #tpu.memory_space<vmem>>, vector<16xf32>,
      %get3A_1306 = arith.constant 78 : i32
      %get3A_1307 = arith.index_cast %get3A_1306 : i32 to index
      %get3A_1308 = arith.constant 0 : index
      %get3A_1309 = tpu.vector_load %arg9[%get3A_1307, %get3A_1308] {strides = array<i32>} : memref<104x16xf32, #tpu.memory_space<vmem>>, vector<16xf32>,
      %mul3A_1310 = arith.mulf %get3A_1305, %get3A_1309 : vector<16xf32>
      %get3A_1311 = arith.constant 78 : i32
      %get3A_1312 = arith.index_cast %get3A_1311 : i32 to index
      %get3A_1313 = arith.constant 0 : index
      %get3A_1314 = tpu.vector_load %arg10[%get3A_1312, %get3A_1313] {strides = array<i32>} : memref<104x16xf32, #tpu.memory_space<vmem>>, vector<16xf32>,
      %mul3A_1315 = arith.mulf %mul3A_1310, %get3A_1314 : vector<16xf32>
      %get3A_1316 = arith.constant 79 : i32
      %get3A_1317 = arith.index_cast %get3A_1316 : i32 to index
      %get3A_1318 = arith.constant 0 : index
      %get3A_1319 = tpu.vector_load %arg8[%get3A_1317, %get3A_1318] {strides = array<i32>} : memref<104x16xf32, #tpu.memory_space<vmem>>, vector<16xf32>,
      %get3A_1320 = arith.constant 79 : i32
      %get3A_1321 = arith.index_cast %get3A_1320 : i32 to index
      %get3A_1322 = arith.constant 0 : index
      %get3A_1323 = tpu.vector_load %arg9[%get3A_1321, %get3A_1322] {strides = array<i32>} : memref<104x16xf32, #tpu.memory_space<vmem>>, vector<16xf32>,
      %mul3A_1324 = arith.mulf %get3A_1319, %get3A_1323 : vector<16xf32>
      %get3A_1325 = arith.constant 79 : i32
      %get3A_1326 = arith.index_cast %get3A_1325 : i32 to index
      %get3A_1327 = arith.constant 0 : index
      %get3A_1328 = tpu.vector_load %arg10[%get3A_1326, %get3A_1327] {strides = array<i32>} : memref<104x16xf32, #tpu.memory_space<vmem>>, vector<16xf32>,
      %mul3A_1329 = arith.mulf %mul3A_1324, %get3A_1328 : vector<16xf32>
      %add3A_1330 = arith.addf %mul3A_1315, %mul3A_1329 : vector<16xf32>
      %get3A_1331 = arith.constant 80 : i32
      %get3A_1332 = arith.index_cast %get3A_1331 : i32 to index
      %get3A_1333 = arith.constant 0 : index
      %get3A_1334 = tpu.vector_load %arg8[%get3A_1332, %get3A_1333] {strides = array<i32>} : memref<104x16xf32, #tpu.memory_space<vmem>>, vector<16xf32>,
      %get3A_1335 = arith.constant 80 : i32
      %get3A_1336 = arith.index_cast %get3A_1335 : i32 to index
      %get3A_1337 = arith.constant 0 : index
      %get3A_1338 = tpu.vector_load %arg9[%get3A_1336, %get3A_1337] {strides = array<i32>} : memref<104x16xf32, #tpu.memory_space<vmem>>, vector<16xf32>,
      %mul3A_1339 = arith.mulf %get3A_1334, %get3A_1338 : vector<16xf32>
      %get3A_1340 = arith.constant 80 : i32
      %get3A_1341 = arith.index_cast %get3A_1340 : i32 to index
      %get3A_1342 = arith.constant 0 : index
      %get3A_1343 = tpu.vector_load %arg10[%get3A_1341, %get3A_1342] {strides = array<i32>} : memref<104x16xf32, #tpu.memory_space<vmem>>, vector<16xf32>,
      %mul3A_1344 = arith.mulf %mul3A_1339, %get3A_1343 : vector<16xf32>
      %add3A_1345 = arith.addf %add3A_1330, %mul3A_1344 : vector<16xf32>
      %get3A_1346 = arith.constant 81 : i32
      %get3A_1347 = arith.index_cast %get3A_1346 : i32 to index
      %get3A_1348 = arith.constant 0 : index
      %get3A_1349 = tpu.vector_load %arg8[%get3A_1347, %get3A_1348] {strides = array<i32>} : memref<104x16xf32, #tpu.memory_space<vmem>>, vector<16xf32>,
      %get3A_1350 = arith.constant 81 : i32
      %get3A_1351 = arith.index_cast %get3A_1350 : i32 to index
      %get3A_1352 = arith.constant 0 : index
      %get3A_1353 = tpu.vector_load %arg9[%get3A_1351, %get3A_1352] {strides = array<i32>} : memref<104x16xf32, #tpu.memory_space<vmem>>, vector<16xf32>,
      %mul3A_1354 = arith.mulf %get3A_1349, %get3A_1353 : vector<16xf32>
      %get3A_1355 = arith.constant 81 : i32
      %get3A_1356 = arith.index_cast %get3A_1355 : i32 to index
      %get3A_1357 = arith.constant 0 : index
      %get3A_1358 = tpu.vector_load %arg10[%get3A_1356, %get3A_1357] {strides = array<i32>} : memref<104x16xf32, #tpu.memory_space<vmem>>, vector<16xf32>,
      %mul3A_1359 = arith.mulf %mul3A_1354, %get3A_1358 : vector<16xf32>
      %add3A_1360 = arith.addf %add3A_1345, %mul3A_1359 : vector<16xf32>
      %get3A_1361 = arith.constant 82 : i32
      %get3A_1362 = arith.index_cast %get3A_1361 : i32 to index
      %get3A_1363 = arith.constant 0 : index
      %get3A_1364 = tpu.vector_load %arg8[%get3A_1362, %get3A_1363] {strides = array<i32>} : memref<104x16xf32, #tpu.memory_space<vmem>>, vector<16xf32>,
      %get3A_1365 = arith.constant 82 : i32
      %get3A_1366 = arith.index_cast %get3A_1365 : i32 to index
      %get3A_1367 = arith.constant 0 : index
      %get3A_1368 = tpu.vector_load %arg9[%get3A_1366, %get3A_1367] {strides = array<i32>} : memref<104x16xf32, #tpu.memory_space<vmem>>, vector<16xf32>,
      %mul3A_1369 = arith.mulf %get3A_1364, %get3A_1368 : vector<16xf32>
      %get3A_1370 = arith.constant 82 : i32
      %get3A_1371 = arith.index_cast %get3A_1370 : i32 to index
      %get3A_1372 = arith.constant 0 : index
      %get3A_1373 = tpu.vector_load %arg10[%get3A_1371, %get3A_1372] {strides = array<i32>} : memref<104x16xf32, #tpu.memory_space<vmem>>, vector<16xf32>,
      %mul3A_1374 = arith.mulf %mul3A_1369, %get3A_1373 : vector<16xf32>
      %add3A_1375 = arith.addf %add3A_1360, %mul3A_1374 : vector<16xf32>
      %get3A_1376 = arith.constant 83 : i32
      %get3A_1377 = arith.index_cast %get3A_1376 : i32 to index
      %get3A_1378 = arith.constant 0 : index
      %get3A_1379 = tpu.vector_load %arg8[%get3A_1377, %get3A_1378] {strides = array<i32>} : memref<104x16xf32, #tpu.memory_space<vmem>>, vector<16xf32>,
      %get3A_1380 = arith.constant 83 : i32
      %get3A_1381 = arith.index_cast %get3A_1380 : i32 to index
      %get3A_1382 = arith.constant 0 : index
      %get3A_1383 = tpu.vector_load %arg9[%get3A_1381, %get3A_1382] {strides = array<i32>} : memref<104x16xf32, #tpu.memory_space<vmem>>, vector<16xf32>,
      %mul3A_1384 = arith.mulf %get3A_1379, %get3A_1383 : vector<16xf32>
      %get3A_1385 = arith.constant 83 : i32
      %get3A_1386 = arith.index_cast %get3A_1385 : i32 to index
      %get3A_1387 = arith.constant 0 : index
      %get3A_1388 = tpu.vector_load %arg10[%get3A_1386, %get3A_1387] {strides = array<i32>} : memref<104x16xf32, #tpu.memory_space<vmem>>, vector<16xf32>,
      %mul3A_1389 = arith.mulf %mul3A_1384, %get3A_1388 : vector<16xf32>
      %add3A_1390 = arith.addf %add3A_1375, %mul3A_1389 : vector<16xf32>
      %get3A_1391 = arith.constant 84 : i32
      %get3A_1392 = arith.index_cast %get3A_1391 : i32 to index
      %get3A_1393 = arith.constant 0 : index
      %get3A_1394 = tpu.vector_load %arg8[%get3A_1392, %get3A_1393] {strides = array<i32>} : memref<104x16xf32, #tpu.memory_space<vmem>>, vector<16xf32>,
      %get3A_1395 = arith.constant 84 : i32
      %get3A_1396 = arith.index_cast %get3A_1395 : i32 to index
      %get3A_1397 = arith.constant 0 : index
      %get3A_1398 = tpu.vector_load %arg9[%get3A_1396, %get3A_1397] {strides = array<i32>} : memref<104x16xf32, #tpu.memory_space<vmem>>, vector<16xf32>,
      %mul3A_1399 = arith.mulf %get3A_1394, %get3A_1398 : vector<16xf32>
      %get3A_1400 = arith.constant 84 : i32
      %get3A_1401 = arith.index_cast %get3A_1400 : i32 to index
      %get3A_1402 = arith.constant 0 : index
      %get3A_1403 = tpu.vector_load %arg10[%get3A_1401, %get3A_1402] {strides = array<i32>} : memref<104x16xf32, #tpu.memory_space<vmem>>, vector<16xf32>,
      %mul3A_1404 = arith.mulf %mul3A_1399, %get3A_1403 : vector<16xf32>
      %add3A_1405 = arith.addf %add3A_1390, %mul3A_1404 : vector<16xf32>
      %get3A_1406 = arith.constant 85 : i32
      %get3A_1407 = arith.index_cast %get3A_1406 : i32 to index
      %get3A_1408 = arith.constant 0 : index
      %get3A_1409 = tpu.vector_load %arg8[%get3A_1407, %get3A_1408] {strides = array<i32>} : memref<104x16xf32, #tpu.memory_space<vmem>>, vector<16xf32>,
      %get3A_1410 = arith.constant 85 : i32
      %get3A_1411 = arith.index_cast %get3A_1410 : i32 to index
      %get3A_1412 = arith.constant 0 : index
      %get3A_1413 = tpu.vector_load %arg9[%get3A_1411, %get3A_1412] {strides = array<i32>} : memref<104x16xf32, #tpu.memory_space<vmem>>, vector<16xf32>,
      %mul3A_1414 = arith.mulf %get3A_1409, %get3A_1413 : vector<16xf32>
      %get3A_1415 = arith.constant 85 : i32
      %get3A_1416 = arith.index_cast %get3A_1415 : i32 to index
      %get3A_1417 = arith.constant 0 : index
      %get3A_1418 = tpu.vector_load %arg10[%get3A_1416, %get3A_1417] {strides = array<i32>} : memref<104x16xf32, #tpu.memory_space<vmem>>, vector<16xf32>,
      %mul3A_1419 = arith.mulf %mul3A_1414, %get3A_1418 : vector<16xf32>
      %add3A_1420 = arith.addf %add3A_1405, %mul3A_1419 : vector<16xf32>
      %get3A_1421 = arith.constant 86 : i32
      %get3A_1422 = arith.index_cast %get3A_1421 : i32 to index
      %get3A_1423 = arith.constant 0 : index
      %get3A_1424 = tpu.vector_load %arg8[%get3A_1422, %get3A_1423] {strides = array<i32>} : memref<104x16xf32, #tpu.memory_space<vmem>>, vector<16xf32>,
      %get3A_1425 = arith.constant 86 : i32
      %get3A_1426 = arith.index_cast %get3A_1425 : i32 to index
      %get3A_1427 = arith.constant 0 : index
      %get3A_1428 = tpu.vector_load %arg9[%get3A_1426, %get3A_1427] {strides = array<i32>} : memref<104x16xf32, #tpu.memory_space<vmem>>, vector<16xf32>,
      %mul3A_1429 = arith.mulf %get3A_1424, %get3A_1428 : vector<16xf32>
      %get3A_1430 = arith.constant 86 : i32
      %get3A_1431 = arith.index_cast %get3A_1430 : i32 to index
      %get3A_1432 = arith.constant 0 : index
      %get3A_1433 = tpu.vector_load %arg10[%get3A_1431, %get3A_1432] {strides = array<i32>} : memref<104x16xf32, #tpu.memory_space<vmem>>, vector<16xf32>,
      %mul3A_1434 = arith.mulf %mul3A_1429, %get3A_1433 : vector<16xf32>
      %add3A_1435 = arith.addf %add3A_1420, %mul3A_1434 : vector<16xf32>
      %get3A_1436 = arith.constant 87 : i32
      %get3A_1437 = arith.index_cast %get3A_1436 : i32 to index
      %get3A_1438 = arith.constant 0 : index
      %get3A_1439 = tpu.vector_load %arg8[%get3A_1437, %get3A_1438] {strides = array<i32>} : memref<104x16xf32, #tpu.memory_space<vmem>>, vector<16xf32>,
      %get3A_1440 = arith.constant 87 : i32
      %get3A_1441 = arith.index_cast %get3A_1440 : i32 to index
      %get3A_1442 = arith.constant 0 : index
      %get3A_1443 = tpu.vector_load %arg9[%get3A_1441, %get3A_1442] {strides = array<i32>} : memref<104x16xf32, #tpu.memory_space<vmem>>, vector<16xf32>,
      %mul3A_1444 = arith.mulf %get3A_1439, %get3A_1443 : vector<16xf32>
      %get3A_1445 = arith.constant 87 : i32
      %get3A_1446 = arith.index_cast %get3A_1445 : i32 to index
      %get3A_1447 = arith.constant 0 : index
      %get3A_1448 = tpu.vector_load %arg10[%get3A_1446, %get3A_1447] {strides = array<i32>} : memref<104x16xf32, #tpu.memory_space<vmem>>, vector<16xf32>,
      %mul3A_1449 = arith.mulf %mul3A_1444, %get3A_1448 : vector<16xf32>
      %add3A_1450 = arith.addf %add3A_1435, %mul3A_1449 : vector<16xf32>
      %get3A_1451 = arith.constant 88 : i32
      %get3A_1452 = arith.index_cast %get3A_1451 : i32 to index
      %get3A_1453 = arith.constant 0 : index
      %get3A_1454 = tpu.vector_load %arg8[%get3A_1452, %get3A_1453] {strides = array<i32>} : memref<104x16xf32, #tpu.memory_space<vmem>>, vector<16xf32>,
      %get3A_1455 = arith.constant 88 : i32
      %get3A_1456 = arith.index_cast %get3A_1455 : i32 to index
      %get3A_1457 = arith.constant 0 : index
      %get3A_1458 = tpu.vector_load %arg9[%get3A_1456, %get3A_1457] {strides = array<i32>} : memref<104x16xf32, #tpu.memory_space<vmem>>, vector<16xf32>,
      %mul3A_1459 = arith.mulf %get3A_1454, %get3A_1458 : vector<16xf32>
      %get3A_1460 = arith.constant 88 : i32
      %get3A_1461 = arith.index_cast %get3A_1460 : i32 to index
      %get3A_1462 = arith.constant 0 : index
      %get3A_1463 = tpu.vector_load %arg10[%get3A_1461, %get3A_1462] {strides = array<i32>} : memref<104x16xf32, #tpu.memory_space<vmem>>, vector<16xf32>,
      %mul3A_1464 = arith.mulf %mul3A_1459, %get3A_1463 : vector<16xf32>
      %add3A_1465 = arith.addf %add3A_1450, %mul3A_1464 : vector<16xf32>
      %get3A_1466 = arith.constant 89 : i32
      %get3A_1467 = arith.index_cast %get3A_1466 : i32 to index
      %get3A_1468 = arith.constant 0 : index
      %get3A_1469 = tpu.vector_load %arg8[%get3A_1467, %get3A_1468] {strides = array<i32>} : memref<104x16xf32, #tpu.memory_space<vmem>>, vector<16xf32>,
      %get3A_1470 = arith.constant 89 : i32
      %get3A_1471 = arith.index_cast %get3A_1470 : i32 to index
      %get3A_1472 = arith.constant 0 : index
      %get3A_1473 = tpu.vector_load %arg9[%get3A_1471, %get3A_1472] {strides = array<i32>} : memref<104x16xf32, #tpu.memory_space<vmem>>, vector<16xf32>,
      %mul3A_1474 = arith.mulf %get3A_1469, %get3A_1473 : vector<16xf32>
      %get3A_1475 = arith.constant 89 : i32
      %get3A_1476 = arith.index_cast %get3A_1475 : i32 to index
      %get3A_1477 = arith.constant 0 : index
      %get3A_1478 = tpu.vector_load %arg10[%get3A_1476, %get3A_1477] {strides = array<i32>} : memref<104x16xf32, #tpu.memory_space<vmem>>, vector<16xf32>,
      %mul3A_1479 = arith.mulf %mul3A_1474, %get3A_1478 : vector<16xf32>
      %add3A_1480 = arith.addf %add3A_1465, %mul3A_1479 : vector<16xf32>
      %get3A_1481 = arith.constant 90 : i32
      %get3A_1482 = arith.index_cast %get3A_1481 : i32 to index
      %get3A_1483 = arith.constant 0 : index
      %get3A_1484 = tpu.vector_load %arg8[%get3A_1482, %get3A_1483] {strides = array<i32>} : memref<104x16xf32, #tpu.memory_space<vmem>>, vector<16xf32>,
      %get3A_1485 = arith.constant 90 : i32
      %get3A_1486 = arith.index_cast %get3A_1485 : i32 to index
      %get3A_1487 = arith.constant 0 : index
      %get3A_1488 = tpu.vector_load %arg9[%get3A_1486, %get3A_1487] {strides = array<i32>} : memref<104x16xf32, #tpu.memory_space<vmem>>, vector<16xf32>,
      %mul3A_1489 = arith.mulf %get3A_1484, %get3A_1488 : vector<16xf32>
      %get3A_1490 = arith.constant 90 : i32
      %get3A_1491 = arith.index_cast %get3A_1490 : i32 to index
      %get3A_1492 = arith.constant 0 : index
      %get3A_1493 = tpu.vector_load %arg10[%get3A_1491, %get3A_1492] {strides = array<i32>} : memref<104x16xf32, #tpu.memory_space<vmem>>, vector<16xf32>,
      %mul3A_1494 = arith.mulf %mul3A_1489, %get3A_1493 : vector<16xf32>
      %add3A_1495 = arith.addf %add3A_1480, %mul3A_1494 : vector<16xf32>
      %get3A_1496 = arith.constant 91 : i32
      %get3A_1497 = arith.index_cast %get3A_1496 : i32 to index
      %get3A_1498 = arith.constant 0 : index
      %get3A_1499 = tpu.vector_load %arg8[%get3A_1497, %get3A_1498] {strides = array<i32>} : memref<104x16xf32, #tpu.memory_space<vmem>>, vector<16xf32>,
      %get3A_1500 = arith.constant 91 : i32
      %get3A_1501 = arith.index_cast %get3A_1500 : i32 to index
      %get3A_1502 = arith.constant 0 : index
      %get3A_1503 = tpu.vector_load %arg9[%get3A_1501, %get3A_1502] {strides = array<i32>} : memref<104x16xf32, #tpu.memory_space<vmem>>, vector<16xf32>,
      %mul3A_1504 = arith.mulf %get3A_1499, %get3A_1503 : vector<16xf32>
      %get3A_1505 = arith.constant 91 : i32
      %get3A_1506 = arith.index_cast %get3A_1505 : i32 to index
      %get3A_1507 = arith.constant 0 : index
      %get3A_1508 = tpu.vector_load %arg10[%get3A_1506, %get3A_1507] {strides = array<i32>} : memref<104x16xf32, #tpu.memory_space<vmem>>, vector<16xf32>,
      %mul3A_1509 = arith.mulf %mul3A_1504, %get3A_1508 : vector<16xf32>
      %add3A_1510 = arith.addf %add3A_1495, %mul3A_1509 : vector<16xf32>
      %get3A_1511 = arith.constant 92 : i32
      %get3A_1512 = arith.index_cast %get3A_1511 : i32 to index
      %get3A_1513 = arith.constant 0 : index
      %get3A_1514 = tpu.vector_load %arg8[%get3A_1512, %get3A_1513] {strides = array<i32>} : memref<104x16xf32, #tpu.memory_space<vmem>>, vector<16xf32>,
      %get3A_1515 = arith.constant 92 : i32
      %get3A_1516 = arith.index_cast %get3A_1515 : i32 to index
      %get3A_1517 = arith.constant 0 : index
      %get3A_1518 = tpu.vector_load %arg9[%get3A_1516, %get3A_1517] {strides = array<i32>} : memref<104x16xf32, #tpu.memory_space<vmem>>, vector<16xf32>,
      %mul3A_1519 = arith.mulf %get3A_1514, %get3A_1518 : vector<16xf32>
      %get3A_1520 = arith.constant 92 : i32
      %get3A_1521 = arith.index_cast %get3A_1520 : i32 to index
      %get3A_1522 = arith.constant 0 : index
      %get3A_1523 = tpu.vector_load %arg10[%get3A_1521, %get3A_1522] {strides = array<i32>} : memref<104x16xf32, #tpu.memory_space<vmem>>, vector<16xf32>,
      %mul3A_1524 = arith.mulf %mul3A_1519, %get3A_1523 : vector<16xf32>
      %add3A_1525 = arith.addf %add3A_1510, %mul3A_1524 : vector<16xf32>
      %get3A_1526 = arith.constant 93 : i32
      %get3A_1527 = arith.index_cast %get3A_1526 : i32 to index
      %get3A_1528 = arith.constant 0 : index
      %get3A_1529 = tpu.vector_load %arg8[%get3A_1527, %get3A_1528] {strides = array<i32>} : memref<104x16xf32, #tpu.memory_space<vmem>>, vector<16xf32>,
      %get3A_1530 = arith.constant 93 : i32
      %get3A_1531 = arith.index_cast %get3A_1530 : i32 to index
      %get3A_1532 = arith.constant 0 : index
      %get3A_1533 = tpu.vector_load %arg9[%get3A_1531, %get3A_1532] {strides = array<i32>} : memref<104x16xf32, #tpu.memory_space<vmem>>, vector<16xf32>,
      %mul3A_1534 = arith.mulf %get3A_1529, %get3A_1533 : vector<16xf32>
      %get3A_1535 = arith.constant 93 : i32
      %get3A_1536 = arith.index_cast %get3A_1535 : i32 to index
      %get3A_1537 = arith.constant 0 : index
      %get3A_1538 = tpu.vector_load %arg10[%get3A_1536, %get3A_1537] {strides = array<i32>} : memref<104x16xf32, #tpu.memory_space<vmem>>, vector<16xf32>,
      %mul3A_1539 = arith.mulf %mul3A_1534, %get3A_1538 : vector<16xf32>
      %add3A_1540 = arith.addf %add3A_1525, %mul3A_1539 : vector<16xf32>
      %get3A_1541 = arith.constant 94 : i32
      %get3A_1542 = arith.index_cast %get3A_1541 : i32 to index
      %get3A_1543 = arith.constant 0 : index
      %get3A_1544 = tpu.vector_load %arg8[%get3A_1542, %get3A_1543] {strides = array<i32>} : memref<104x16xf32, #tpu.memory_space<vmem>>, vector<16xf32>,
      %get3A_1545 = arith.constant 94 : i32
      %get3A_1546 = arith.index_cast %get3A_1545 : i32 to index
      %get3A_1547 = arith.constant 0 : index
      %get3A_1548 = tpu.vector_load %arg9[%get3A_1546, %get3A_1547] {strides = array<i32>} : memref<104x16xf32, #tpu.memory_space<vmem>>, vector<16xf32>,
      %mul3A_1549 = arith.mulf %get3A_1544, %get3A_1548 : vector<16xf32>
      %get3A_1550 = arith.constant 94 : i32
      %get3A_1551 = arith.index_cast %get3A_1550 : i32 to index
      %get3A_1552 = arith.constant 0 : index
      %get3A_1553 = tpu.vector_load %arg10[%get3A_1551, %get3A_1552] {strides = array<i32>} : memref<104x16xf32, #tpu.memory_space<vmem>>, vector<16xf32>,
      %mul3A_1554 = arith.mulf %mul3A_1549, %get3A_1553 : vector<16xf32>
      %add3A_1555 = arith.addf %add3A_1540, %mul3A_1554 : vector<16xf32>
      %get3A_1556 = arith.constant 95 : i32
      %get3A_1557 = arith.index_cast %get3A_1556 : i32 to index
      %get3A_1558 = arith.constant 0 : index
      %get3A_1559 = tpu.vector_load %arg8[%get3A_1557, %get3A_1558] {strides = array<i32>} : memref<104x16xf32, #tpu.memory_space<vmem>>, vector<16xf32>,
      %get3A_1560 = arith.constant 95 : i32
      %get3A_1561 = arith.index_cast %get3A_1560 : i32 to index
      %get3A_1562 = arith.constant 0 : index
      %get3A_1563 = tpu.vector_load %arg9[%get3A_1561, %get3A_1562] {strides = array<i32>} : memref<104x16xf32, #tpu.memory_space<vmem>>, vector<16xf32>,
      %mul3A_1564 = arith.mulf %get3A_1559, %get3A_1563 : vector<16xf32>
      %get3A_1565 = arith.constant 95 : i32
      %get3A_1566 = arith.index_cast %get3A_1565 : i32 to index
      %get3A_1567 = arith.constant 0 : index
      %get3A_1568 = tpu.vector_load %arg10[%get3A_1566, %get3A_1567] {strides = array<i32>} : memref<104x16xf32, #tpu.memory_space<vmem>>, vector<16xf32>,
      %mul3A_1569 = arith.mulf %mul3A_1564, %get3A_1568 : vector<16xf32>
      %add3A_1570 = arith.addf %add3A_1555, %mul3A_1569 : vector<16xf32>
      %get3A_1571 = arith.constant 96 : i32
      %get3A_1572 = arith.index_cast %get3A_1571 : i32 to index
      %get3A_1573 = arith.constant 0 : index
      %get3A_1574 = tpu.vector_load %arg8[%get3A_1572, %get3A_1573] {strides = array<i32>} : memref<104x16xf32, #tpu.memory_space<vmem>>, vector<16xf32>,
      %get3A_1575 = arith.constant 96 : i32
      %get3A_1576 = arith.index_cast %get3A_1575 : i32 to index
      %get3A_1577 = arith.constant 0 : index
      %get3A_1578 = tpu.vector_load %arg9[%get3A_1576, %get3A_1577] {strides = array<i32>} : memref<104x16xf32, #tpu.memory_space<vmem>>, vector<16xf32>,
      %mul3A_1579 = arith.mulf %get3A_1574, %get3A_1578 : vector<16xf32>
      %get3A_1580 = arith.constant 96 : i32
      %get3A_1581 = arith.index_cast %get3A_1580 : i32 to index
      %get3A_1582 = arith.constant 0 : index
      %get3A_1583 = tpu.vector_load %arg10[%get3A_1581, %get3A_1582] {strides = array<i32>} : memref<104x16xf32, #tpu.memory_space<vmem>>, vector<16xf32>,
      %mul3A_1584 = arith.mulf %mul3A_1579, %get3A_1583 : vector<16xf32>
      %add3A_1585 = arith.addf %add3A_1570, %mul3A_1584 : vector<16xf32>
      %get3A_1586 = arith.constant 97 : i32
      %get3A_1587 = arith.index_cast %get3A_1586 : i32 to index
      %get3A_1588 = arith.constant 0 : index
      %get3A_1589 = tpu.vector_load %arg8[%get3A_1587, %get3A_1588] {strides = array<i32>} : memref<104x16xf32, #tpu.memory_space<vmem>>, vector<16xf32>,
      %get3A_1590 = arith.constant 97 : i32
      %get3A_1591 = arith.index_cast %get3A_1590 : i32 to index
      %get3A_1592 = arith.constant 0 : index
      %get3A_1593 = tpu.vector_load %arg9[%get3A_1591, %get3A_1592] {strides = array<i32>} : memref<104x16xf32, #tpu.memory_space<vmem>>, vector<16xf32>,
      %mul3A_1594 = arith.mulf %get3A_1589, %get3A_1593 : vector<16xf32>
      %get3A_1595 = arith.constant 97 : i32
      %get3A_1596 = arith.index_cast %get3A_1595 : i32 to index
      %get3A_1597 = arith.constant 0 : index
      %get3A_1598 = tpu.vector_load %arg10[%get3A_1596, %get3A_1597] {strides = array<i32>} : memref<104x16xf32, #tpu.memory_space<vmem>>, vector<16xf32>,
      %mul3A_1599 = arith.mulf %mul3A_1594, %get3A_1598 : vector<16xf32>
      %add3A_1600 = arith.addf %add3A_1585, %mul3A_1599 : vector<16xf32>
      %get3A_1601 = arith.constant 98 : i32
      %get3A_1602 = arith.index_cast %get3A_1601 : i32 to index
      %get3A_1603 = arith.constant 0 : index
      %get3A_1604 = tpu.vector_load %arg8[%get3A_1602, %get3A_1603] {strides = array<i32>} : memref<104x16xf32, #tpu.memory_space<vmem>>, vector<16xf32>,
      %get3A_1605 = arith.constant 98 : i32
      %get3A_1606 = arith.index_cast %get3A_1605 : i32 to index
      %get3A_1607 = arith.constant 0 : index
      %get3A_1608 = tpu.vector_load %arg9[%get3A_1606, %get3A_1607] {strides = array<i32>} : memref<104x16xf32, #tpu.memory_space<vmem>>, vector<16xf32>,
      %mul3A_1609 = arith.mulf %get3A_1604, %get3A_1608 : vector<16xf32>
      %get3A_1610 = arith.constant 98 : i32
      %get3A_1611 = arith.index_cast %get3A_1610 : i32 to index
      %get3A_1612 = arith.constant 0 : index
      %get3A_1613 = tpu.vector_load %arg10[%get3A_1611, %get3A_1612] {strides = array<i32>} : memref<104x16xf32, #tpu.memory_space<vmem>>, vector<16xf32>,
      %mul3A_1614 = arith.mulf %mul3A_1609, %get3A_1613 : vector<16xf32>
      %add3A_1615 = arith.addf %add3A_1600, %mul3A_1614 : vector<16xf32>
      %get3A_1616 = arith.constant 99 : i32
      %get3A_1617 = arith.index_cast %get3A_1616 : i32 to index
      %get3A_1618 = arith.constant 0 : index
      %get3A_1619 = tpu.vector_load %arg8[%get3A_1617, %get3A_1618] {strides = array<i32>} : memref<104x16xf32, #tpu.memory_space<vmem>>, vector<16xf32>,
      %get3A_1620 = arith.constant 99 : i32
      %get3A_1621 = arith.index_cast %get3A_1620 : i32 to index
      %get3A_1622 = arith.constant 0 : index
      %get3A_1623 = tpu.vector_load %arg9[%get3A_1621, %get3A_1622] {strides = array<i32>} : memref<104x16xf32, #tpu.memory_space<vmem>>, vector<16xf32>,
      %mul3A_1624 = arith.mulf %get3A_1619, %get3A_1623 : vector<16xf32>
      %get3A_1625 = arith.constant 99 : i32
      %get3A_1626 = arith.index_cast %get3A_1625 : i32 to index
      %get3A_1627 = arith.constant 0 : index
      %get3A_1628 = tpu.vector_load %arg10[%get3A_1626, %get3A_1627] {strides = array<i32>} : memref<104x16xf32, #tpu.memory_space<vmem>>, vector<16xf32>,
      %mul3A_1629 = arith.mulf %mul3A_1624, %get3A_1628 : vector<16xf32>
      %add3A_1630 = arith.addf %add3A_1615, %mul3A_1629 : vector<16xf32>
      %get3A_1631 = arith.constant 100 : i32
      %get3A_1632 = arith.index_cast %get3A_1631 : i32 to index
      %get3A_1633 = arith.constant 0 : index
      %get3A_1634 = tpu.vector_load %arg8[%get3A_1632, %get3A_1633] {strides = array<i32>} : memref<104x16xf32, #tpu.memory_space<vmem>>, vector<16xf32>,
      %get3A_1635 = arith.constant 100 : i32
      %get3A_1636 = arith.index_cast %get3A_1635 : i32 to index
      %get3A_1637 = arith.constant 0 : index
      %get3A_1638 = tpu.vector_load %arg9[%get3A_1636, %get3A_1637] {strides = array<i32>} : memref<104x16xf32, #tpu.memory_space<vmem>>, vector<16xf32>,
      %mul3A_1639 = arith.mulf %get3A_1634, %get3A_1638 : vector<16xf32>
      %get3A_1640 = arith.constant 100 : i32
      %get3A_1641 = arith.index_cast %get3A_1640 : i32 to index
      %get3A_1642 = arith.constant 0 : index
      %get3A_1643 = tpu.vector_load %arg10[%get3A_1641, %get3A_1642] {strides = array<i32>} : memref<104x16xf32, #tpu.memory_space<vmem>>, vector<16xf32>,
      %mul3A_1644 = arith.mulf %mul3A_1639, %get3A_1643 : vector<16xf32>
      %add3A_1645 = arith.addf %add3A_1630, %mul3A_1644 : vector<16xf32>
      %get3A_1646 = arith.constant 101 : i32
      %get3A_1647 = arith.index_cast %get3A_1646 : i32 to index
      %get3A_1648 = arith.constant 0 : index
      %get3A_1649 = tpu.vector_load %arg8[%get3A_1647, %get3A_1648] {strides = array<i32>} : memref<104x16xf32, #tpu.memory_space<vmem>>, vector<16xf32>,
      %get3A_1650 = arith.constant 101 : i32
      %get3A_1651 = arith.index_cast %get3A_1650 : i32 to index
      %get3A_1652 = arith.constant 0 : index
      %get3A_1653 = tpu.vector_load %arg9[%get3A_1651, %get3A_1652] {strides = array<i32>} : memref<104x16xf32, #tpu.memory_space<vmem>>, vector<16xf32>,
      %mul3A_1654 = arith.mulf %get3A_1649, %get3A_1653 : vector<16xf32>
      %get3A_1655 = arith.constant 101 : i32
      %get3A_1656 = arith.index_cast %get3A_1655 : i32 to index
      %get3A_1657 = arith.constant 0 : index
      %get3A_1658 = tpu.vector_load %arg10[%get3A_1656, %get3A_1657] {strides = array<i32>} : memref<104x16xf32, #tpu.memory_space<vmem>>, vector<16xf32>,
      %mul3A_1659 = arith.mulf %mul3A_1654, %get3A_1658 : vector<16xf32>
      %add3A_1660 = arith.addf %add3A_1645, %mul3A_1659 : vector<16xf32>
      %get3A_1661 = arith.constant 102 : i32
      %get3A_1662 = arith.index_cast %get3A_1661 : i32 to index
      %get3A_1663 = arith.constant 0 : index
      %get3A_1664 = tpu.vector_load %arg8[%get3A_1662, %get3A_1663] {strides = array<i32>} : memref<104x16xf32, #tpu.memory_space<vmem>>, vector<16xf32>,
      %get3A_1665 = arith.constant 102 : i32
      %get3A_1666 = arith.index_cast %get3A_1665 : i32 to index
      %get3A_1667 = arith.constant 0 : index
      %get3A_1668 = tpu.vector_load %arg9[%get3A_1666, %get3A_1667] {strides = array<i32>} : memref<104x16xf32, #tpu.memory_space<vmem>>, vector<16xf32>,
      %mul3A_1669 = arith.mulf %get3A_1664, %get3A_1668 : vector<16xf32>
      %get3A_1670 = arith.constant 102 : i32
      %get3A_1671 = arith.index_cast %get3A_1670 : i32 to index
      %get3A_1672 = arith.constant 0 : index
      %get3A_1673 = tpu.vector_load %arg10[%get3A_1671, %get3A_1672] {strides = array<i32>} : memref<104x16xf32, #tpu.memory_space<vmem>>, vector<16xf32>,
      %mul3A_1674 = arith.mulf %mul3A_1669, %get3A_1673 : vector<16xf32>
      %add3A_1675 = arith.addf %add3A_1660, %mul3A_1674 : vector<16xf32>
      %get3A_1676 = arith.constant 103 : i32
      %get3A_1677 = arith.index_cast %get3A_1676 : i32 to index
      %get3A_1678 = arith.constant 0 : index
      %get3A_1679 = tpu.vector_load %arg8[%get3A_1677, %get3A_1678] {strides = array<i32>} : memref<104x16xf32, #tpu.memory_space<vmem>>, vector<16xf32>,
      %get3A_1680 = arith.constant 103 : i32
      %get3A_1681 = arith.index_cast %get3A_1680 : i32 to index
      %get3A_1682 = arith.constant 0 : index
      %get3A_1683 = tpu.vector_load %arg9[%get3A_1681, %get3A_1682] {strides = array<i32>} : memref<104x16xf32, #tpu.memory_space<vmem>>, vector<16xf32>,
      %mul3A_1684 = arith.mulf %get3A_1679, %get3A_1683 : vector<16xf32>
      %get3A_1685 = arith.constant 103 : i32
      %get3A_1686 = arith.index_cast %get3A_1685 : i32 to index
      %get3A_1687 = arith.constant 0 : index
      %get3A_1688 = tpu.vector_load %arg10[%get3A_1686, %get3A_1687] {strides = array<i32>} : memref<104x16xf32, #tpu.memory_space<vmem>>, vector<16xf32>,
      %mul3A_1689 = arith.mulf %mul3A_1684, %get3A_1688 : vector<16xf32>
      %add3A_1690 = arith.addf %add3A_1675, %mul3A_1689 : vector<16xf32>
      %reduce_sum3A_1691 = arith.constant true
      %reduce_sum3A_1692 = vector.broadcast %reduce_sum3A_1691 : i1 to vector<16xi1>
      %reduce_sum3A_1693 = tpu.scan <sum>, %add3A_1690 masked %reduce_sum3A_1692 : vector<16xf32>, vector<16xi1> -> vector<16xf32>
      %reduce_sum3A_1694 = vector.extract %reduce_sum3A_1693[15] : f32 from vector<16xf32>
      %mul3A_1695 = arith.constant 4 : i32
      %mul3A_1696 = arith.muli %select_n3A_98, %mul3A_1695 : i32
      %add3A_1697 = arith.constant 3 : i32
      %add3A_1698 = arith.addi %mul3A_1696, %add3A_1697 : i32
      %eq3A_1699 = vector.broadcast %add3A_1698 : i32 to vector<16xi32>
      %eq3A_1700 = arith.cmpi eq, %iota3A, %eq3A_1699 : vector<16xi32>
      %broadcast_in_dim3A_1701 = vector.broadcast %reduce_sum3A_1694 : f32 to vector<16xf32>
      %select_n3A_1702 = arith.select %eq3A_1700, %broadcast_in_dim3A_1701, %select_n3A_1301 : vector<16xi1>, vector<16xf32>
      %swap3A = arith.index_cast %select_n3A : i32 to index
      %swap3A_1703 = arith.constant 0 : index
      %swap3A_1704 = tpu.vector_load %arg14[%swap3A, %swap3A_1703] {strides = array<i32>} : memref<8x16xf32, #tpu.memory_space<vmem>>, vector<16xf32>,
      tpu.vector_store %arg14[%swap3A, %swap3A_1703], %select_n3A_1702 {strides = array<i32>} : memref<8x16xf32, #tpu.memory_space<vmem>>, vector<16xf32>,
      %add3A_1705 = arith.constant 2 : i32
      %add3A_1706 = arith.addi %add3A_31, %add3A_1705 : i32
      %lt3A_1707 = arith.constant 32 : i32
      %lt3A_1708 = arith.cmpi slt, %add3A_1706, %lt3A_1707 : i32
      %convert_element_type3A = arith.extui %lt3A_1708 : i1 to i32
      %cond3A = arith.constant 0 : i32
      %cond3A_1709 = arith.cmpi ne, %convert_element_type3A, %cond3A : i32
      scf.if %cond3A_1709 {
        %add3A_3382 = arith.constant 2 : i32
        %add3A_3383 = arith.addi %add3A_31, %add3A_3382 : i32
        %dma_start3A_3384 = arith.constant 0 : i32
        %dma_start3A_3385 = tpu.memref_slice %arg7[%add3A_3383, %dma_start3A_3384] : memref<32x104xi32, #tpu.memory_space<vmem>> -> memref<1x104xi32, #tpu.memory_space<vmem>>
        %dma_start3A_3386 = tpu.memref_squeeze %dma_start3A_3385 : memref<1x104xi32, #tpu.memory_space<vmem>> -> memref<104xi32, #tpu.memory_space<vmem>>
        %dma_start3A_3387 = arith.constant 0 : i32
        %dma_start3A_3388 = arith.constant 0 : i32
        %dma_start3A_3389 = tpu.memref_slice %arg3[%dma_start3A_3387, %dma_start3A_3388] : memref<1000000x16xf32, #tpu.memory_space<hbm>> -> memref<1000000x16xf32, #tpu.memory_space<hbm>>
        tpu.enqueue_indirect_dma source(%dma_start3A_3389 : memref<1000000x16xf32, #tpu.memory_space<hbm>>) target(%arg8 : memref<104x16xf32, #tpu.memory_space<vmem>>) offsets(%dma_start3A_3386 : memref<104xi32, #tpu.memory_space<vmem>>) semaphore(%arg15 : memref<!tpu.dma_semaphore, #tpu.memory_space<semaphore_mem>>)
        %dma_start3A_3390 = arith.constant 0 : i32
        %dma_start3A_3391 = tpu.memref_slice %arg7[%add3A_3383, %dma_start3A_3390] : memref<32x104xi32, #tpu.memory_space<vmem>> -> memref<1x104xi32, #tpu.memory_space<vmem>>
        %dma_start3A_3392 = tpu.memref_squeeze %dma_start3A_3391 : memref<1x104xi32, #tpu.memory_space<vmem>> -> memref<104xi32, #tpu.memory_space<vmem>>
        %dma_start3A_3393 = arith.constant 0 : i32
        %dma_start3A_3394 = arith.constant 0 : i32
        %dma_start3A_3395 = tpu.memref_slice %arg4[%dma_start3A_3393, %dma_start3A_3394] : memref<1000000x16xf32, #tpu.memory_space<hbm>> -> memref<1000000x16xf32, #tpu.memory_space<hbm>>
        tpu.enqueue_indirect_dma source(%dma_start3A_3395 : memref<1000000x16xf32, #tpu.memory_space<hbm>>) target(%arg9 : memref<104x16xf32, #tpu.memory_space<vmem>>) offsets(%dma_start3A_3392 : memref<104xi32, #tpu.memory_space<vmem>>) semaphore(%arg16 : memref<!tpu.dma_semaphore, #tpu.memory_space<semaphore_mem>>)
        %dma_start3A_3396 = arith.constant 0 : i32
        %dma_start3A_3397 = tpu.memref_slice %arg7[%add3A_3383, %dma_start3A_3396] : memref<32x104xi32, #tpu.memory_space<vmem>> -> memref<1x104xi32, #tpu.memory_space<vmem>>
        %dma_start3A_3398 = tpu.memref_squeeze %dma_start3A_3397 : memref<1x104xi32, #tpu.memory_space<vmem>> -> memref<104xi32, #tpu.memory_space<vmem>>
        %dma_start3A_3399 = arith.constant 0 : i32
        %dma_start3A_3400 = arith.constant 0 : i32
        %dma_start3A_3401 = tpu.memref_slice %arg5[%dma_start3A_3399, %dma_start3A_3400] : memref<1000000x16xf32, #tpu.memory_space<hbm>> -> memref<1000000x16xf32, #tpu.memory_space<hbm>>
        tpu.enqueue_indirect_dma source(%dma_start3A_3401 : memref<1000000x16xf32, #tpu.memory_space<hbm>>) target(%arg10 : memref<104x16xf32, #tpu.memory_space<vmem>>) offsets(%dma_start3A_3398 : memref<104xi32, #tpu.memory_space<vmem>>) semaphore(%arg17 : memref<!tpu.dma_semaphore, #tpu.memory_space<semaphore_mem>>)
      } else {
      }
      %add3A_1710 = arith.constant 1 : i32
      %add3A_1711 = arith.addi %add3A_31, %add3A_1710 : i32
      %dma_wait3A_1712 = arith.constant 0 : i32
      %dma_wait3A_1713 = tpu.memref_slice %arg7[%add3A_1711, %dma_wait3A_1712] : memref<32x104xi32, #tpu.memory_space<vmem>> -> memref<1x104xi32, #tpu.memory_space<vmem>>
      %dma_wait3A_1714 = tpu.memref_squeeze %dma_wait3A_1713 : memref<1x104xi32, #tpu.memory_space<vmem>> -> memref<104xi32, #tpu.memory_space<vmem>>
      %dma_wait3A_1715 = arith.constant 0 : i32
      %dma_wait3A_1716 = arith.constant 0 : i32
      %dma_wait3A_1717 = tpu.memref_slice %arg3[%dma_wait3A_1715, %dma_wait3A_1716] : memref<1000000x16xf32, #tpu.memory_space<hbm>> -> memref<1000000x16xf32, #tpu.memory_space<hbm>>
      tpu.wait_indirect_dma semaphore(%arg18 : memref<!tpu.dma_semaphore, #tpu.memory_space<semaphore_mem>>) src(%dma_wait3A_1717 : memref<1000000x16xf32, #tpu.memory_space<hbm>>) dst(%arg11 : memref<104x16xf32, #tpu.memory_space<vmem>>)
      %dma_wait3A_1718 = arith.constant 0 : i32
      %dma_wait3A_1719 = tpu.memref_slice %arg7[%add3A_1711, %dma_wait3A_1718] : memref<32x104xi32, #tpu.memory_space<vmem>> -> memref<1x104xi32, #tpu.memory_space<vmem>>
      %dma_wait3A_1720 = tpu.memref_squeeze %dma_wait3A_1719 : memref<1x104xi32, #tpu.memory_space<vmem>> -> memref<104xi32, #tpu.memory_space<vmem>>
      %dma_wait3A_1721 = arith.constant 0 : i32
      %dma_wait3A_1722 = arith.constant 0 : i32
      %dma_wait3A_1723 = tpu.memref_slice %arg4[%dma_wait3A_1721, %dma_wait3A_1722] : memref<1000000x16xf32, #tpu.memory_space<hbm>> -> memref<1000000x16xf32, #tpu.memory_space<hbm>>
      tpu.wait_indirect_dma semaphore(%arg19 : memref<!tpu.dma_semaphore, #tpu.memory_space<semaphore_mem>>) src(%dma_wait3A_1723 : memref<1000000x16xf32, #tpu.memory_space<hbm>>) dst(%arg12 : memref<104x16xf32, #tpu.memory_space<vmem>>)
      %dma_wait3A_1724 = arith.constant 0 : i32
      %dma_wait3A_1725 = tpu.memref_slice %arg7[%add3A_1711, %dma_wait3A_1724] : memref<32x104xi32, #tpu.memory_space<vmem>> -> memref<1x104xi32, #tpu.memory_space<vmem>>
      %dma_wait3A_1726 = tpu.memref_squeeze %dma_wait3A_1725 : memref<1x104xi32, #tpu.memory_space<vmem>> -> memref<104xi32, #tpu.memory_space<vmem>>
      %dma_wait3A_1727 = arith.constant 0 : i32
      %dma_wait3A_1728 = arith.constant 0 : i32
      %dma_wait3A_1729 = tpu.memref_slice %arg5[%dma_wait3A_1727, %dma_wait3A_1728] : memref<1000000x16xf32, #tpu.memory_space<hbm>> -> memref<1000000x16xf32, #tpu.memory_space<hbm>>
      tpu.wait_indirect_dma semaphore(%arg20 : memref<!tpu.dma_semaphore, #tpu.memory_space<semaphore_mem>>) src(%dma_wait3A_1729 : memref<1000000x16xf32, #tpu.memory_space<hbm>>) dst(%arg13 : memref<104x16xf32, #tpu.memory_space<vmem>>)
      %add3A_1730 = arith.constant 1 : i32
      %add3A_1731 = arith.addi %add3A_31, %add3A_1730 : i32
      %jit3A_1732 = arith.constant 4 : i32
      %div3A_1733 = arith.divsi %add3A_1731, %jit3A_1732 : i32
      %sign3A_1734 = arith.constant 0 : i32
      %sign3A_1735 = arith.cmpi sgt, %add3A_1731, %sign3A_1734 : i32
      %sign3A_1736 = arith.extui %sign3A_1735 : i1 to i32
      %sign3A_1737 = arith.constant 0 : i32
      %sign3A_1738 = arith.cmpi slt, %add3A_1731, %sign3A_1737 : i32
      %sign3A_1739 = arith.extui %sign3A_1738 : i1 to i32
      %sign3A_1740 = arith.subi %sign3A_1736, %sign3A_1739 : i32
      %sign3A_1741 = arith.constant 0 : i32
      %sign3A_1742 = arith.cmpi sgt, %jit3A_1732, %sign3A_1741 : i32
      %sign3A_1743 = arith.extui %sign3A_1742 : i1 to i32
      %sign3A_1744 = arith.constant 0 : i32
      %sign3A_1745 = arith.cmpi slt, %jit3A_1732, %sign3A_1744 : i32
      %sign3A_1746 = arith.extui %sign3A_1745 : i1 to i32
      %sign3A_1747 = arith.subi %sign3A_1743, %sign3A_1746 : i32
      %ne3A_1748 = arith.cmpi ne, %sign3A_1740, %sign3A_1747 : i32
      %rem3A_1749 = arith.remsi %add3A_1731, %jit3A_1732 : i32
      %ne3A_1750 = arith.constant 0 : i32
      %ne3A_1751 = arith.cmpi ne, %rem3A_1749, %ne3A_1750 : i32
      %and3A_1752 = arith.andi %ne3A_1748, %ne3A_1751 : i1
      %sub3A_1753 = arith.constant 1 : i32
      %sub3A_1754 = arith.subi %div3A_1733, %sub3A_1753 : i32
      %select_n3A_1755 = arith.select %and3A_1752, %sub3A_1754, %div3A_1733 : i32
      %jit3A_1756 = arith.constant 4 : i32
      %eq3A_1757 = arith.constant 0 : i32
      %eq3A_1758 = arith.cmpi eq, %jit3A_1756, %eq3A_1757 : i32
      %jit3A_1759 = arith.constant 1 : i32
      %select_n3A_1760 = arith.select %eq3A_1758, %jit3A_1759, %jit3A_1756 : i32
      %rem3A_1761 = arith.remsi %add3A_1731, %select_n3A_1760 : i32
      %ne3A_1762 = arith.constant 0 : i32
      %ne3A_1763 = arith.cmpi ne, %rem3A_1761, %ne3A_1762 : i32
      %lt3A_1764 = arith.constant 0 : i32
      %lt3A_1765 = arith.cmpi slt, %rem3A_1761, %lt3A_1764 : i32
      %lt3A_1766 = arith.constant 0 : i32
      %lt3A_1767 = arith.cmpi slt, %select_n3A_1760, %lt3A_1766 : i32
      %ne3A_1768 = arith.xori %lt3A_1765, %lt3A_1767 : i1
      %and3A_1769 = arith.andi %ne3A_1768, %ne3A_1763 : i1
      %add3A_1770 = arith.addi %rem3A_1761, %select_n3A_1760 : i32
      %select_n3A_1771 = arith.select %and3A_1769, %add3A_1770, %rem3A_1761 : i32
      %get3A_1772 = arith.index_cast %select_n3A_1755 : i32 to index
      %get3A_1773 = arith.constant 0 : index
      %get3A_1774 = tpu.vector_load %arg14[%get3A_1772, %get3A_1773] {strides = array<i32>} : memref<8x16xf32, #tpu.memory_space<vmem>>, vector<16xf32>,
      %get3A_1775 = arith.constant 0 : i32
      %get3A_1776 = arith.index_cast %get3A_1775 : i32 to index
      %get3A_1777 = arith.constant 0 : index
      %get3A_1778 = tpu.vector_load %arg11[%get3A_1776, %get3A_1777] {strides = array<i32>} : memref<104x16xf32, #tpu.memory_space<vmem>>, vector<16xf32>,
      %get3A_1779 = arith.constant 0 : i32
      %get3A_1780 = arith.index_cast %get3A_1779 : i32 to index
      %get3A_1781 = arith.constant 0 : index
      %get3A_1782 = tpu.vector_load %arg12[%get3A_1780, %get3A_1781] {strides = array<i32>} : memref<104x16xf32, #tpu.memory_space<vmem>>, vector<16xf32>,
      %mul3A_1783 = arith.mulf %get3A_1778, %get3A_1782 : vector<16xf32>
      %get3A_1784 = arith.constant 0 : i32
      %get3A_1785 = arith.index_cast %get3A_1784 : i32 to index
      %get3A_1786 = arith.constant 0 : index
      %get3A_1787 = tpu.vector_load %arg13[%get3A_1785, %get3A_1786] {strides = array<i32>} : memref<104x16xf32, #tpu.memory_space<vmem>>, vector<16xf32>,
      %mul3A_1788 = arith.mulf %mul3A_1783, %get3A_1787 : vector<16xf32>
      %get3A_1789 = arith.constant 1 : i32
      %get3A_1790 = arith.index_cast %get3A_1789 : i32 to index
      %get3A_1791 = arith.constant 0 : index
      %get3A_1792 = tpu.vector_load %arg11[%get3A_1790, %get3A_1791] {strides = array<i32>} : memref<104x16xf32, #tpu.memory_space<vmem>>, vector<16xf32>,
      %get3A_1793 = arith.constant 1 : i32
      %get3A_1794 = arith.index_cast %get3A_1793 : i32 to index
      %get3A_1795 = arith.constant 0 : index
      %get3A_1796 = tpu.vector_load %arg12[%get3A_1794, %get3A_1795] {strides = array<i32>} : memref<104x16xf32, #tpu.memory_space<vmem>>, vector<16xf32>,
      %mul3A_1797 = arith.mulf %get3A_1792, %get3A_1796 : vector<16xf32>
      %get3A_1798 = arith.constant 1 : i32
      %get3A_1799 = arith.index_cast %get3A_1798 : i32 to index
      %get3A_1800 = arith.constant 0 : index
      %get3A_1801 = tpu.vector_load %arg13[%get3A_1799, %get3A_1800] {strides = array<i32>} : memref<104x16xf32, #tpu.memory_space<vmem>>, vector<16xf32>,
      %mul3A_1802 = arith.mulf %mul3A_1797, %get3A_1801 : vector<16xf32>
      %add3A_1803 = arith.addf %mul3A_1788, %mul3A_1802 : vector<16xf32>
      %get3A_1804 = arith.constant 2 : i32
      %get3A_1805 = arith.index_cast %get3A_1804 : i32 to index
      %get3A_1806 = arith.constant 0 : index
      %get3A_1807 = tpu.vector_load %arg11[%get3A_1805, %get3A_1806] {strides = array<i32>} : memref<104x16xf32, #tpu.memory_space<vmem>>, vector<16xf32>,
      %get3A_1808 = arith.constant 2 : i32
      %get3A_1809 = arith.index_cast %get3A_1808 : i32 to index
      %get3A_1810 = arith.constant 0 : index
      %get3A_1811 = tpu.vector_load %arg12[%get3A_1809, %get3A_1810] {strides = array<i32>} : memref<104x16xf32, #tpu.memory_space<vmem>>, vector<16xf32>,
      %mul3A_1812 = arith.mulf %get3A_1807, %get3A_1811 : vector<16xf32>
      %get3A_1813 = arith.constant 2 : i32
      %get3A_1814 = arith.index_cast %get3A_1813 : i32 to index
      %get3A_1815 = arith.constant 0 : index
      %get3A_1816 = tpu.vector_load %arg13[%get3A_1814, %get3A_1815] {strides = array<i32>} : memref<104x16xf32, #tpu.memory_space<vmem>>, vector<16xf32>,
      %mul3A_1817 = arith.mulf %mul3A_1812, %get3A_1816 : vector<16xf32>
      %add3A_1818 = arith.addf %add3A_1803, %mul3A_1817 : vector<16xf32>
      %get3A_1819 = arith.constant 3 : i32
      %get3A_1820 = arith.index_cast %get3A_1819 : i32 to index
      %get3A_1821 = arith.constant 0 : index
      %get3A_1822 = tpu.vector_load %arg11[%get3A_1820, %get3A_1821] {strides = array<i32>} : memref<104x16xf32, #tpu.memory_space<vmem>>, vector<16xf32>,
      %get3A_1823 = arith.constant 3 : i32
      %get3A_1824 = arith.index_cast %get3A_1823 : i32 to index
      %get3A_1825 = arith.constant 0 : index
      %get3A_1826 = tpu.vector_load %arg12[%get3A_1824, %get3A_1825] {strides = array<i32>} : memref<104x16xf32, #tpu.memory_space<vmem>>, vector<16xf32>,
      %mul3A_1827 = arith.mulf %get3A_1822, %get3A_1826 : vector<16xf32>
      %get3A_1828 = arith.constant 3 : i32
      %get3A_1829 = arith.index_cast %get3A_1828 : i32 to index
      %get3A_1830 = arith.constant 0 : index
      %get3A_1831 = tpu.vector_load %arg13[%get3A_1829, %get3A_1830] {strides = array<i32>} : memref<104x16xf32, #tpu.memory_space<vmem>>, vector<16xf32>,
      %mul3A_1832 = arith.mulf %mul3A_1827, %get3A_1831 : vector<16xf32>
      %add3A_1833 = arith.addf %add3A_1818, %mul3A_1832 : vector<16xf32>
      %get3A_1834 = arith.constant 4 : i32
      %get3A_1835 = arith.index_cast %get3A_1834 : i32 to index
      %get3A_1836 = arith.constant 0 : index
      %get3A_1837 = tpu.vector_load %arg11[%get3A_1835, %get3A_1836] {strides = array<i32>} : memref<104x16xf32, #tpu.memory_space<vmem>>, vector<16xf32>,
      %get3A_1838 = arith.constant 4 : i32
      %get3A_1839 = arith.index_cast %get3A_1838 : i32 to index
      %get3A_1840 = arith.constant 0 : index
      %get3A_1841 = tpu.vector_load %arg12[%get3A_1839, %get3A_1840] {strides = array<i32>} : memref<104x16xf32, #tpu.memory_space<vmem>>, vector<16xf32>,
      %mul3A_1842 = arith.mulf %get3A_1837, %get3A_1841 : vector<16xf32>
      %get3A_1843 = arith.constant 4 : i32
      %get3A_1844 = arith.index_cast %get3A_1843 : i32 to index
      %get3A_1845 = arith.constant 0 : index
      %get3A_1846 = tpu.vector_load %arg13[%get3A_1844, %get3A_1845] {strides = array<i32>} : memref<104x16xf32, #tpu.memory_space<vmem>>, vector<16xf32>,
      %mul3A_1847 = arith.mulf %mul3A_1842, %get3A_1846 : vector<16xf32>
      %add3A_1848 = arith.addf %add3A_1833, %mul3A_1847 : vector<16xf32>
      %get3A_1849 = arith.constant 5 : i32
      %get3A_1850 = arith.index_cast %get3A_1849 : i32 to index
      %get3A_1851 = arith.constant 0 : index
      %get3A_1852 = tpu.vector_load %arg11[%get3A_1850, %get3A_1851] {strides = array<i32>} : memref<104x16xf32, #tpu.memory_space<vmem>>, vector<16xf32>,
      %get3A_1853 = arith.constant 5 : i32
      %get3A_1854 = arith.index_cast %get3A_1853 : i32 to index
      %get3A_1855 = arith.constant 0 : index
      %get3A_1856 = tpu.vector_load %arg12[%get3A_1854, %get3A_1855] {strides = array<i32>} : memref<104x16xf32, #tpu.memory_space<vmem>>, vector<16xf32>,
      %mul3A_1857 = arith.mulf %get3A_1852, %get3A_1856 : vector<16xf32>
      %get3A_1858 = arith.constant 5 : i32
      %get3A_1859 = arith.index_cast %get3A_1858 : i32 to index
      %get3A_1860 = arith.constant 0 : index
      %get3A_1861 = tpu.vector_load %arg13[%get3A_1859, %get3A_1860] {strides = array<i32>} : memref<104x16xf32, #tpu.memory_space<vmem>>, vector<16xf32>,
      %mul3A_1862 = arith.mulf %mul3A_1857, %get3A_1861 : vector<16xf32>
      %add3A_1863 = arith.addf %add3A_1848, %mul3A_1862 : vector<16xf32>
      %get3A_1864 = arith.constant 6 : i32
      %get3A_1865 = arith.index_cast %get3A_1864 : i32 to index
      %get3A_1866 = arith.constant 0 : index
      %get3A_1867 = tpu.vector_load %arg11[%get3A_1865, %get3A_1866] {strides = array<i32>} : memref<104x16xf32, #tpu.memory_space<vmem>>, vector<16xf32>,
      %get3A_1868 = arith.constant 6 : i32
      %get3A_1869 = arith.index_cast %get3A_1868 : i32 to index
      %get3A_1870 = arith.constant 0 : index
      %get3A_1871 = tpu.vector_load %arg12[%get3A_1869, %get3A_1870] {strides = array<i32>} : memref<104x16xf32, #tpu.memory_space<vmem>>, vector<16xf32>,
      %mul3A_1872 = arith.mulf %get3A_1867, %get3A_1871 : vector<16xf32>
      %get3A_1873 = arith.constant 6 : i32
      %get3A_1874 = arith.index_cast %get3A_1873 : i32 to index
      %get3A_1875 = arith.constant 0 : index
      %get3A_1876 = tpu.vector_load %arg13[%get3A_1874, %get3A_1875] {strides = array<i32>} : memref<104x16xf32, #tpu.memory_space<vmem>>, vector<16xf32>,
      %mul3A_1877 = arith.mulf %mul3A_1872, %get3A_1876 : vector<16xf32>
      %add3A_1878 = arith.addf %add3A_1863, %mul3A_1877 : vector<16xf32>
      %get3A_1879 = arith.constant 7 : i32
      %get3A_1880 = arith.index_cast %get3A_1879 : i32 to index
      %get3A_1881 = arith.constant 0 : index
      %get3A_1882 = tpu.vector_load %arg11[%get3A_1880, %get3A_1881] {strides = array<i32>} : memref<104x16xf32, #tpu.memory_space<vmem>>, vector<16xf32>,
      %get3A_1883 = arith.constant 7 : i32
      %get3A_1884 = arith.index_cast %get3A_1883 : i32 to index
      %get3A_1885 = arith.constant 0 : index
      %get3A_1886 = tpu.vector_load %arg12[%get3A_1884, %get3A_1885] {strides = array<i32>} : memref<104x16xf32, #tpu.memory_space<vmem>>, vector<16xf32>,
      %mul3A_1887 = arith.mulf %get3A_1882, %get3A_1886 : vector<16xf32>
      %get3A_1888 = arith.constant 7 : i32
      %get3A_1889 = arith.index_cast %get3A_1888 : i32 to index
      %get3A_1890 = arith.constant 0 : index
      %get3A_1891 = tpu.vector_load %arg13[%get3A_1889, %get3A_1890] {strides = array<i32>} : memref<104x16xf32, #tpu.memory_space<vmem>>, vector<16xf32>,
      %mul3A_1892 = arith.mulf %mul3A_1887, %get3A_1891 : vector<16xf32>
      %add3A_1893 = arith.addf %add3A_1878, %mul3A_1892 : vector<16xf32>
      %get3A_1894 = arith.constant 8 : i32
      %get3A_1895 = arith.index_cast %get3A_1894 : i32 to index
      %get3A_1896 = arith.constant 0 : index
      %get3A_1897 = tpu.vector_load %arg11[%get3A_1895, %get3A_1896] {strides = array<i32>} : memref<104x16xf32, #tpu.memory_space<vmem>>, vector<16xf32>,
      %get3A_1898 = arith.constant 8 : i32
      %get3A_1899 = arith.index_cast %get3A_1898 : i32 to index
      %get3A_1900 = arith.constant 0 : index
      %get3A_1901 = tpu.vector_load %arg12[%get3A_1899, %get3A_1900] {strides = array<i32>} : memref<104x16xf32, #tpu.memory_space<vmem>>, vector<16xf32>,
      %mul3A_1902 = arith.mulf %get3A_1897, %get3A_1901 : vector<16xf32>
      %get3A_1903 = arith.constant 8 : i32
      %get3A_1904 = arith.index_cast %get3A_1903 : i32 to index
      %get3A_1905 = arith.constant 0 : index
      %get3A_1906 = tpu.vector_load %arg13[%get3A_1904, %get3A_1905] {strides = array<i32>} : memref<104x16xf32, #tpu.memory_space<vmem>>, vector<16xf32>,
      %mul3A_1907 = arith.mulf %mul3A_1902, %get3A_1906 : vector<16xf32>
      %add3A_1908 = arith.addf %add3A_1893, %mul3A_1907 : vector<16xf32>
      %get3A_1909 = arith.constant 9 : i32
      %get3A_1910 = arith.index_cast %get3A_1909 : i32 to index
      %get3A_1911 = arith.constant 0 : index
      %get3A_1912 = tpu.vector_load %arg11[%get3A_1910, %get3A_1911] {strides = array<i32>} : memref<104x16xf32, #tpu.memory_space<vmem>>, vector<16xf32>,
      %get3A_1913 = arith.constant 9 : i32
      %get3A_1914 = arith.index_cast %get3A_1913 : i32 to index
      %get3A_1915 = arith.constant 0 : index
      %get3A_1916 = tpu.vector_load %arg12[%get3A_1914, %get3A_1915] {strides = array<i32>} : memref<104x16xf32, #tpu.memory_space<vmem>>, vector<16xf32>,
      %mul3A_1917 = arith.mulf %get3A_1912, %get3A_1916 : vector<16xf32>
      %get3A_1918 = arith.constant 9 : i32
      %get3A_1919 = arith.index_cast %get3A_1918 : i32 to index
      %get3A_1920 = arith.constant 0 : index
      %get3A_1921 = tpu.vector_load %arg13[%get3A_1919, %get3A_1920] {strides = array<i32>} : memref<104x16xf32, #tpu.memory_space<vmem>>, vector<16xf32>,
      %mul3A_1922 = arith.mulf %mul3A_1917, %get3A_1921 : vector<16xf32>
      %add3A_1923 = arith.addf %add3A_1908, %mul3A_1922 : vector<16xf32>
      %get3A_1924 = arith.constant 10 : i32
      %get3A_1925 = arith.index_cast %get3A_1924 : i32 to index
      %get3A_1926 = arith.constant 0 : index
      %get3A_1927 = tpu.vector_load %arg11[%get3A_1925, %get3A_1926] {strides = array<i32>} : memref<104x16xf32, #tpu.memory_space<vmem>>, vector<16xf32>,
      %get3A_1928 = arith.constant 10 : i32
      %get3A_1929 = arith.index_cast %get3A_1928 : i32 to index
      %get3A_1930 = arith.constant 0 : index
      %get3A_1931 = tpu.vector_load %arg12[%get3A_1929, %get3A_1930] {strides = array<i32>} : memref<104x16xf32, #tpu.memory_space<vmem>>, vector<16xf32>,
      %mul3A_1932 = arith.mulf %get3A_1927, %get3A_1931 : vector<16xf32>
      %get3A_1933 = arith.constant 10 : i32
      %get3A_1934 = arith.index_cast %get3A_1933 : i32 to index
      %get3A_1935 = arith.constant 0 : index
      %get3A_1936 = tpu.vector_load %arg13[%get3A_1934, %get3A_1935] {strides = array<i32>} : memref<104x16xf32, #tpu.memory_space<vmem>>, vector<16xf32>,
      %mul3A_1937 = arith.mulf %mul3A_1932, %get3A_1936 : vector<16xf32>
      %add3A_1938 = arith.addf %add3A_1923, %mul3A_1937 : vector<16xf32>
      %get3A_1939 = arith.constant 11 : i32
      %get3A_1940 = arith.index_cast %get3A_1939 : i32 to index
      %get3A_1941 = arith.constant 0 : index
      %get3A_1942 = tpu.vector_load %arg11[%get3A_1940, %get3A_1941] {strides = array<i32>} : memref<104x16xf32, #tpu.memory_space<vmem>>, vector<16xf32>,
      %get3A_1943 = arith.constant 11 : i32
      %get3A_1944 = arith.index_cast %get3A_1943 : i32 to index
      %get3A_1945 = arith.constant 0 : index
      %get3A_1946 = tpu.vector_load %arg12[%get3A_1944, %get3A_1945] {strides = array<i32>} : memref<104x16xf32, #tpu.memory_space<vmem>>, vector<16xf32>,
      %mul3A_1947 = arith.mulf %get3A_1942, %get3A_1946 : vector<16xf32>
      %get3A_1948 = arith.constant 11 : i32
      %get3A_1949 = arith.index_cast %get3A_1948 : i32 to index
      %get3A_1950 = arith.constant 0 : index
      %get3A_1951 = tpu.vector_load %arg13[%get3A_1949, %get3A_1950] {strides = array<i32>} : memref<104x16xf32, #tpu.memory_space<vmem>>, vector<16xf32>,
      %mul3A_1952 = arith.mulf %mul3A_1947, %get3A_1951 : vector<16xf32>
      %add3A_1953 = arith.addf %add3A_1938, %mul3A_1952 : vector<16xf32>
      %get3A_1954 = arith.constant 12 : i32
      %get3A_1955 = arith.index_cast %get3A_1954 : i32 to index
      %get3A_1956 = arith.constant 0 : index
      %get3A_1957 = tpu.vector_load %arg11[%get3A_1955, %get3A_1956] {strides = array<i32>} : memref<104x16xf32, #tpu.memory_space<vmem>>, vector<16xf32>,
      %get3A_1958 = arith.constant 12 : i32
      %get3A_1959 = arith.index_cast %get3A_1958 : i32 to index
      %get3A_1960 = arith.constant 0 : index
      %get3A_1961 = tpu.vector_load %arg12[%get3A_1959, %get3A_1960] {strides = array<i32>} : memref<104x16xf32, #tpu.memory_space<vmem>>, vector<16xf32>,
      %mul3A_1962 = arith.mulf %get3A_1957, %get3A_1961 : vector<16xf32>
      %get3A_1963 = arith.constant 12 : i32
      %get3A_1964 = arith.index_cast %get3A_1963 : i32 to index
      %get3A_1965 = arith.constant 0 : index
      %get3A_1966 = tpu.vector_load %arg13[%get3A_1964, %get3A_1965] {strides = array<i32>} : memref<104x16xf32, #tpu.memory_space<vmem>>, vector<16xf32>,
      %mul3A_1967 = arith.mulf %mul3A_1962, %get3A_1966 : vector<16xf32>
      %add3A_1968 = arith.addf %add3A_1953, %mul3A_1967 : vector<16xf32>
      %get3A_1969 = arith.constant 13 : i32
      %get3A_1970 = arith.index_cast %get3A_1969 : i32 to index
      %get3A_1971 = arith.constant 0 : index
      %get3A_1972 = tpu.vector_load %arg11[%get3A_1970, %get3A_1971] {strides = array<i32>} : memref<104x16xf32, #tpu.memory_space<vmem>>, vector<16xf32>,
      %get3A_1973 = arith.constant 13 : i32
      %get3A_1974 = arith.index_cast %get3A_1973 : i32 to index
      %get3A_1975 = arith.constant 0 : index
      %get3A_1976 = tpu.vector_load %arg12[%get3A_1974, %get3A_1975] {strides = array<i32>} : memref<104x16xf32, #tpu.memory_space<vmem>>, vector<16xf32>,
      %mul3A_1977 = arith.mulf %get3A_1972, %get3A_1976 : vector<16xf32>
      %get3A_1978 = arith.constant 13 : i32
      %get3A_1979 = arith.index_cast %get3A_1978 : i32 to index
      %get3A_1980 = arith.constant 0 : index
      %get3A_1981 = tpu.vector_load %arg13[%get3A_1979, %get3A_1980] {strides = array<i32>} : memref<104x16xf32, #tpu.memory_space<vmem>>, vector<16xf32>,
      %mul3A_1982 = arith.mulf %mul3A_1977, %get3A_1981 : vector<16xf32>
      %add3A_1983 = arith.addf %add3A_1968, %mul3A_1982 : vector<16xf32>
      %get3A_1984 = arith.constant 14 : i32
      %get3A_1985 = arith.index_cast %get3A_1984 : i32 to index
      %get3A_1986 = arith.constant 0 : index
      %get3A_1987 = tpu.vector_load %arg11[%get3A_1985, %get3A_1986] {strides = array<i32>} : memref<104x16xf32, #tpu.memory_space<vmem>>, vector<16xf32>,
      %get3A_1988 = arith.constant 14 : i32
      %get3A_1989 = arith.index_cast %get3A_1988 : i32 to index
      %get3A_1990 = arith.constant 0 : index
      %get3A_1991 = tpu.vector_load %arg12[%get3A_1989, %get3A_1990] {strides = array<i32>} : memref<104x16xf32, #tpu.memory_space<vmem>>, vector<16xf32>,
      %mul3A_1992 = arith.mulf %get3A_1987, %get3A_1991 : vector<16xf32>
      %get3A_1993 = arith.constant 14 : i32
      %get3A_1994 = arith.index_cast %get3A_1993 : i32 to index
      %get3A_1995 = arith.constant 0 : index
      %get3A_1996 = tpu.vector_load %arg13[%get3A_1994, %get3A_1995] {strides = array<i32>} : memref<104x16xf32, #tpu.memory_space<vmem>>, vector<16xf32>,
      %mul3A_1997 = arith.mulf %mul3A_1992, %get3A_1996 : vector<16xf32>
      %add3A_1998 = arith.addf %add3A_1983, %mul3A_1997 : vector<16xf32>
      %get3A_1999 = arith.constant 15 : i32
      %get3A_2000 = arith.index_cast %get3A_1999 : i32 to index
      %get3A_2001 = arith.constant 0 : index
      %get3A_2002 = tpu.vector_load %arg11[%get3A_2000, %get3A_2001] {strides = array<i32>} : memref<104x16xf32, #tpu.memory_space<vmem>>, vector<16xf32>,
      %get3A_2003 = arith.constant 15 : i32
      %get3A_2004 = arith.index_cast %get3A_2003 : i32 to index
      %get3A_2005 = arith.constant 0 : index
      %get3A_2006 = tpu.vector_load %arg12[%get3A_2004, %get3A_2005] {strides = array<i32>} : memref<104x16xf32, #tpu.memory_space<vmem>>, vector<16xf32>,
      %mul3A_2007 = arith.mulf %get3A_2002, %get3A_2006 : vector<16xf32>
      %get3A_2008 = arith.constant 15 : i32
      %get3A_2009 = arith.index_cast %get3A_2008 : i32 to index
      %get3A_2010 = arith.constant 0 : index
      %get3A_2011 = tpu.vector_load %arg13[%get3A_2009, %get3A_2010] {strides = array<i32>} : memref<104x16xf32, #tpu.memory_space<vmem>>, vector<16xf32>,
      %mul3A_2012 = arith.mulf %mul3A_2007, %get3A_2011 : vector<16xf32>
      %add3A_2013 = arith.addf %add3A_1998, %mul3A_2012 : vector<16xf32>
      %get3A_2014 = arith.constant 16 : i32
      %get3A_2015 = arith.index_cast %get3A_2014 : i32 to index
      %get3A_2016 = arith.constant 0 : index
      %get3A_2017 = tpu.vector_load %arg11[%get3A_2015, %get3A_2016] {strides = array<i32>} : memref<104x16xf32, #tpu.memory_space<vmem>>, vector<16xf32>,
      %get3A_2018 = arith.constant 16 : i32
      %get3A_2019 = arith.index_cast %get3A_2018 : i32 to index
      %get3A_2020 = arith.constant 0 : index
      %get3A_2021 = tpu.vector_load %arg12[%get3A_2019, %get3A_2020] {strides = array<i32>} : memref<104x16xf32, #tpu.memory_space<vmem>>, vector<16xf32>,
      %mul3A_2022 = arith.mulf %get3A_2017, %get3A_2021 : vector<16xf32>
      %get3A_2023 = arith.constant 16 : i32
      %get3A_2024 = arith.index_cast %get3A_2023 : i32 to index
      %get3A_2025 = arith.constant 0 : index
      %get3A_2026 = tpu.vector_load %arg13[%get3A_2024, %get3A_2025] {strides = array<i32>} : memref<104x16xf32, #tpu.memory_space<vmem>>, vector<16xf32>,
      %mul3A_2027 = arith.mulf %mul3A_2022, %get3A_2026 : vector<16xf32>
      %add3A_2028 = arith.addf %add3A_2013, %mul3A_2027 : vector<16xf32>
      %get3A_2029 = arith.constant 17 : i32
      %get3A_2030 = arith.index_cast %get3A_2029 : i32 to index
      %get3A_2031 = arith.constant 0 : index
      %get3A_2032 = tpu.vector_load %arg11[%get3A_2030, %get3A_2031] {strides = array<i32>} : memref<104x16xf32, #tpu.memory_space<vmem>>, vector<16xf32>,
      %get3A_2033 = arith.constant 17 : i32
      %get3A_2034 = arith.index_cast %get3A_2033 : i32 to index
      %get3A_2035 = arith.constant 0 : index
      %get3A_2036 = tpu.vector_load %arg12[%get3A_2034, %get3A_2035] {strides = array<i32>} : memref<104x16xf32, #tpu.memory_space<vmem>>, vector<16xf32>,
      %mul3A_2037 = arith.mulf %get3A_2032, %get3A_2036 : vector<16xf32>
      %get3A_2038 = arith.constant 17 : i32
      %get3A_2039 = arith.index_cast %get3A_2038 : i32 to index
      %get3A_2040 = arith.constant 0 : index
      %get3A_2041 = tpu.vector_load %arg13[%get3A_2039, %get3A_2040] {strides = array<i32>} : memref<104x16xf32, #tpu.memory_space<vmem>>, vector<16xf32>,
      %mul3A_2042 = arith.mulf %mul3A_2037, %get3A_2041 : vector<16xf32>
      %add3A_2043 = arith.addf %add3A_2028, %mul3A_2042 : vector<16xf32>
      %get3A_2044 = arith.constant 18 : i32
      %get3A_2045 = arith.index_cast %get3A_2044 : i32 to index
      %get3A_2046 = arith.constant 0 : index
      %get3A_2047 = tpu.vector_load %arg11[%get3A_2045, %get3A_2046] {strides = array<i32>} : memref<104x16xf32, #tpu.memory_space<vmem>>, vector<16xf32>,
      %get3A_2048 = arith.constant 18 : i32
      %get3A_2049 = arith.index_cast %get3A_2048 : i32 to index
      %get3A_2050 = arith.constant 0 : index
      %get3A_2051 = tpu.vector_load %arg12[%get3A_2049, %get3A_2050] {strides = array<i32>} : memref<104x16xf32, #tpu.memory_space<vmem>>, vector<16xf32>,
      %mul3A_2052 = arith.mulf %get3A_2047, %get3A_2051 : vector<16xf32>
      %get3A_2053 = arith.constant 18 : i32
      %get3A_2054 = arith.index_cast %get3A_2053 : i32 to index
      %get3A_2055 = arith.constant 0 : index
      %get3A_2056 = tpu.vector_load %arg13[%get3A_2054, %get3A_2055] {strides = array<i32>} : memref<104x16xf32, #tpu.memory_space<vmem>>, vector<16xf32>,
      %mul3A_2057 = arith.mulf %mul3A_2052, %get3A_2056 : vector<16xf32>
      %add3A_2058 = arith.addf %add3A_2043, %mul3A_2057 : vector<16xf32>
      %get3A_2059 = arith.constant 19 : i32
      %get3A_2060 = arith.index_cast %get3A_2059 : i32 to index
      %get3A_2061 = arith.constant 0 : index
      %get3A_2062 = tpu.vector_load %arg11[%get3A_2060, %get3A_2061] {strides = array<i32>} : memref<104x16xf32, #tpu.memory_space<vmem>>, vector<16xf32>,
      %get3A_2063 = arith.constant 19 : i32
      %get3A_2064 = arith.index_cast %get3A_2063 : i32 to index
      %get3A_2065 = arith.constant 0 : index
      %get3A_2066 = tpu.vector_load %arg12[%get3A_2064, %get3A_2065] {strides = array<i32>} : memref<104x16xf32, #tpu.memory_space<vmem>>, vector<16xf32>,
      %mul3A_2067 = arith.mulf %get3A_2062, %get3A_2066 : vector<16xf32>
      %get3A_2068 = arith.constant 19 : i32
      %get3A_2069 = arith.index_cast %get3A_2068 : i32 to index
      %get3A_2070 = arith.constant 0 : index
      %get3A_2071 = tpu.vector_load %arg13[%get3A_2069, %get3A_2070] {strides = array<i32>} : memref<104x16xf32, #tpu.memory_space<vmem>>, vector<16xf32>,
      %mul3A_2072 = arith.mulf %mul3A_2067, %get3A_2071 : vector<16xf32>
      %add3A_2073 = arith.addf %add3A_2058, %mul3A_2072 : vector<16xf32>
      %get3A_2074 = arith.constant 20 : i32
      %get3A_2075 = arith.index_cast %get3A_2074 : i32 to index
      %get3A_2076 = arith.constant 0 : index
      %get3A_2077 = tpu.vector_load %arg11[%get3A_2075, %get3A_2076] {strides = array<i32>} : memref<104x16xf32, #tpu.memory_space<vmem>>, vector<16xf32>,
      %get3A_2078 = arith.constant 20 : i32
      %get3A_2079 = arith.index_cast %get3A_2078 : i32 to index
      %get3A_2080 = arith.constant 0 : index
      %get3A_2081 = tpu.vector_load %arg12[%get3A_2079, %get3A_2080] {strides = array<i32>} : memref<104x16xf32, #tpu.memory_space<vmem>>, vector<16xf32>,
      %mul3A_2082 = arith.mulf %get3A_2077, %get3A_2081 : vector<16xf32>
      %get3A_2083 = arith.constant 20 : i32
      %get3A_2084 = arith.index_cast %get3A_2083 : i32 to index
      %get3A_2085 = arith.constant 0 : index
      %get3A_2086 = tpu.vector_load %arg13[%get3A_2084, %get3A_2085] {strides = array<i32>} : memref<104x16xf32, #tpu.memory_space<vmem>>, vector<16xf32>,
      %mul3A_2087 = arith.mulf %mul3A_2082, %get3A_2086 : vector<16xf32>
      %add3A_2088 = arith.addf %add3A_2073, %mul3A_2087 : vector<16xf32>
      %get3A_2089 = arith.constant 21 : i32
      %get3A_2090 = arith.index_cast %get3A_2089 : i32 to index
      %get3A_2091 = arith.constant 0 : index
      %get3A_2092 = tpu.vector_load %arg11[%get3A_2090, %get3A_2091] {strides = array<i32>} : memref<104x16xf32, #tpu.memory_space<vmem>>, vector<16xf32>,
      %get3A_2093 = arith.constant 21 : i32
      %get3A_2094 = arith.index_cast %get3A_2093 : i32 to index
      %get3A_2095 = arith.constant 0 : index
      %get3A_2096 = tpu.vector_load %arg12[%get3A_2094, %get3A_2095] {strides = array<i32>} : memref<104x16xf32, #tpu.memory_space<vmem>>, vector<16xf32>,
      %mul3A_2097 = arith.mulf %get3A_2092, %get3A_2096 : vector<16xf32>
      %get3A_2098 = arith.constant 21 : i32
      %get3A_2099 = arith.index_cast %get3A_2098 : i32 to index
      %get3A_2100 = arith.constant 0 : index
      %get3A_2101 = tpu.vector_load %arg13[%get3A_2099, %get3A_2100] {strides = array<i32>} : memref<104x16xf32, #tpu.memory_space<vmem>>, vector<16xf32>,
      %mul3A_2102 = arith.mulf %mul3A_2097, %get3A_2101 : vector<16xf32>
      %add3A_2103 = arith.addf %add3A_2088, %mul3A_2102 : vector<16xf32>
      %get3A_2104 = arith.constant 22 : i32
      %get3A_2105 = arith.index_cast %get3A_2104 : i32 to index
      %get3A_2106 = arith.constant 0 : index
      %get3A_2107 = tpu.vector_load %arg11[%get3A_2105, %get3A_2106] {strides = array<i32>} : memref<104x16xf32, #tpu.memory_space<vmem>>, vector<16xf32>,
      %get3A_2108 = arith.constant 22 : i32
      %get3A_2109 = arith.index_cast %get3A_2108 : i32 to index
      %get3A_2110 = arith.constant 0 : index
      %get3A_2111 = tpu.vector_load %arg12[%get3A_2109, %get3A_2110] {strides = array<i32>} : memref<104x16xf32, #tpu.memory_space<vmem>>, vector<16xf32>,
      %mul3A_2112 = arith.mulf %get3A_2107, %get3A_2111 : vector<16xf32>
      %get3A_2113 = arith.constant 22 : i32
      %get3A_2114 = arith.index_cast %get3A_2113 : i32 to index
      %get3A_2115 = arith.constant 0 : index
      %get3A_2116 = tpu.vector_load %arg13[%get3A_2114, %get3A_2115] {strides = array<i32>} : memref<104x16xf32, #tpu.memory_space<vmem>>, vector<16xf32>,
      %mul3A_2117 = arith.mulf %mul3A_2112, %get3A_2116 : vector<16xf32>
      %add3A_2118 = arith.addf %add3A_2103, %mul3A_2117 : vector<16xf32>
      %get3A_2119 = arith.constant 23 : i32
      %get3A_2120 = arith.index_cast %get3A_2119 : i32 to index
      %get3A_2121 = arith.constant 0 : index
      %get3A_2122 = tpu.vector_load %arg11[%get3A_2120, %get3A_2121] {strides = array<i32>} : memref<104x16xf32, #tpu.memory_space<vmem>>, vector<16xf32>,
      %get3A_2123 = arith.constant 23 : i32
      %get3A_2124 = arith.index_cast %get3A_2123 : i32 to index
      %get3A_2125 = arith.constant 0 : index
      %get3A_2126 = tpu.vector_load %arg12[%get3A_2124, %get3A_2125] {strides = array<i32>} : memref<104x16xf32, #tpu.memory_space<vmem>>, vector<16xf32>,
      %mul3A_2127 = arith.mulf %get3A_2122, %get3A_2126 : vector<16xf32>
      %get3A_2128 = arith.constant 23 : i32
      %get3A_2129 = arith.index_cast %get3A_2128 : i32 to index
      %get3A_2130 = arith.constant 0 : index
      %get3A_2131 = tpu.vector_load %arg13[%get3A_2129, %get3A_2130] {strides = array<i32>} : memref<104x16xf32, #tpu.memory_space<vmem>>, vector<16xf32>,
      %mul3A_2132 = arith.mulf %mul3A_2127, %get3A_2131 : vector<16xf32>
      %add3A_2133 = arith.addf %add3A_2118, %mul3A_2132 : vector<16xf32>
      %get3A_2134 = arith.constant 24 : i32
      %get3A_2135 = arith.index_cast %get3A_2134 : i32 to index
      %get3A_2136 = arith.constant 0 : index
      %get3A_2137 = tpu.vector_load %arg11[%get3A_2135, %get3A_2136] {strides = array<i32>} : memref<104x16xf32, #tpu.memory_space<vmem>>, vector<16xf32>,
      %get3A_2138 = arith.constant 24 : i32
      %get3A_2139 = arith.index_cast %get3A_2138 : i32 to index
      %get3A_2140 = arith.constant 0 : index
      %get3A_2141 = tpu.vector_load %arg12[%get3A_2139, %get3A_2140] {strides = array<i32>} : memref<104x16xf32, #tpu.memory_space<vmem>>, vector<16xf32>,
      %mul3A_2142 = arith.mulf %get3A_2137, %get3A_2141 : vector<16xf32>
      %get3A_2143 = arith.constant 24 : i32
      %get3A_2144 = arith.index_cast %get3A_2143 : i32 to index
      %get3A_2145 = arith.constant 0 : index
      %get3A_2146 = tpu.vector_load %arg13[%get3A_2144, %get3A_2145] {strides = array<i32>} : memref<104x16xf32, #tpu.memory_space<vmem>>, vector<16xf32>,
      %mul3A_2147 = arith.mulf %mul3A_2142, %get3A_2146 : vector<16xf32>
      %add3A_2148 = arith.addf %add3A_2133, %mul3A_2147 : vector<16xf32>
      %get3A_2149 = arith.constant 25 : i32
      %get3A_2150 = arith.index_cast %get3A_2149 : i32 to index
      %get3A_2151 = arith.constant 0 : index
      %get3A_2152 = tpu.vector_load %arg11[%get3A_2150, %get3A_2151] {strides = array<i32>} : memref<104x16xf32, #tpu.memory_space<vmem>>, vector<16xf32>,
      %get3A_2153 = arith.constant 25 : i32
      %get3A_2154 = arith.index_cast %get3A_2153 : i32 to index
      %get3A_2155 = arith.constant 0 : index
      %get3A_2156 = tpu.vector_load %arg12[%get3A_2154, %get3A_2155] {strides = array<i32>} : memref<104x16xf32, #tpu.memory_space<vmem>>, vector<16xf32>,
      %mul3A_2157 = arith.mulf %get3A_2152, %get3A_2156 : vector<16xf32>
      %get3A_2158 = arith.constant 25 : i32
      %get3A_2159 = arith.index_cast %get3A_2158 : i32 to index
      %get3A_2160 = arith.constant 0 : index
      %get3A_2161 = tpu.vector_load %arg13[%get3A_2159, %get3A_2160] {strides = array<i32>} : memref<104x16xf32, #tpu.memory_space<vmem>>, vector<16xf32>,
      %mul3A_2162 = arith.mulf %mul3A_2157, %get3A_2161 : vector<16xf32>
      %add3A_2163 = arith.addf %add3A_2148, %mul3A_2162 : vector<16xf32>
      %reduce_sum3A_2164 = arith.constant true
      %reduce_sum3A_2165 = vector.broadcast %reduce_sum3A_2164 : i1 to vector<16xi1>
      %reduce_sum3A_2166 = tpu.scan <sum>, %add3A_2163 masked %reduce_sum3A_2165 : vector<16xf32>, vector<16xi1> -> vector<16xf32>
      %reduce_sum3A_2167 = vector.extract %reduce_sum3A_2166[15] : f32 from vector<16xf32>
      %mul3A_2168 = arith.constant 4 : i32
      %mul3A_2169 = arith.muli %select_n3A_1771, %mul3A_2168 : i32
      %add3A_2170 = arith.constant 0 : i32
      %add3A_2171 = arith.addi %mul3A_2169, %add3A_2170 : i32
      %eq3A_2172 = vector.broadcast %add3A_2171 : i32 to vector<16xi32>
      %eq3A_2173 = arith.cmpi eq, %iota3A, %eq3A_2172 : vector<16xi32>
      %broadcast_in_dim3A_2174 = vector.broadcast %reduce_sum3A_2167 : f32 to vector<16xf32>
      %select_n3A_2175 = arith.select %eq3A_2173, %broadcast_in_dim3A_2174, %get3A_1774 : vector<16xi1>, vector<16xf32>
      %get3A_2176 = arith.constant 26 : i32
      %get3A_2177 = arith.index_cast %get3A_2176 : i32 to index
      %get3A_2178 = arith.constant 0 : index
      %get3A_2179 = tpu.vector_load %arg11[%get3A_2177, %get3A_2178] {strides = array<i32>} : memref<104x16xf32, #tpu.memory_space<vmem>>, vector<16xf32>,
      %get3A_2180 = arith.constant 26 : i32
      %get3A_2181 = arith.index_cast %get3A_2180 : i32 to index
      %get3A_2182 = arith.constant 0 : index
      %get3A_2183 = tpu.vector_load %arg12[%get3A_2181, %get3A_2182] {strides = array<i32>} : memref<104x16xf32, #tpu.memory_space<vmem>>, vector<16xf32>,
      %mul3A_2184 = arith.mulf %get3A_2179, %get3A_2183 : vector<16xf32>
      %get3A_2185 = arith.constant 26 : i32
      %get3A_2186 = arith.index_cast %get3A_2185 : i32 to index
      %get3A_2187 = arith.constant 0 : index
      %get3A_2188 = tpu.vector_load %arg13[%get3A_2186, %get3A_2187] {strides = array<i32>} : memref<104x16xf32, #tpu.memory_space<vmem>>, vector<16xf32>,
      %mul3A_2189 = arith.mulf %mul3A_2184, %get3A_2188 : vector<16xf32>
      %get3A_2190 = arith.constant 27 : i32
      %get3A_2191 = arith.index_cast %get3A_2190 : i32 to index
      %get3A_2192 = arith.constant 0 : index
      %get3A_2193 = tpu.vector_load %arg11[%get3A_2191, %get3A_2192] {strides = array<i32>} : memref<104x16xf32, #tpu.memory_space<vmem>>, vector<16xf32>,
      %get3A_2194 = arith.constant 27 : i32
      %get3A_2195 = arith.index_cast %get3A_2194 : i32 to index
      %get3A_2196 = arith.constant 0 : index
      %get3A_2197 = tpu.vector_load %arg12[%get3A_2195, %get3A_2196] {strides = array<i32>} : memref<104x16xf32, #tpu.memory_space<vmem>>, vector<16xf32>,
      %mul3A_2198 = arith.mulf %get3A_2193, %get3A_2197 : vector<16xf32>
      %get3A_2199 = arith.constant 27 : i32
      %get3A_2200 = arith.index_cast %get3A_2199 : i32 to index
      %get3A_2201 = arith.constant 0 : index
      %get3A_2202 = tpu.vector_load %arg13[%get3A_2200, %get3A_2201] {strides = array<i32>} : memref<104x16xf32, #tpu.memory_space<vmem>>, vector<16xf32>,
      %mul3A_2203 = arith.mulf %mul3A_2198, %get3A_2202 : vector<16xf32>
      %add3A_2204 = arith.addf %mul3A_2189, %mul3A_2203 : vector<16xf32>
      %get3A_2205 = arith.constant 28 : i32
      %get3A_2206 = arith.index_cast %get3A_2205 : i32 to index
      %get3A_2207 = arith.constant 0 : index
      %get3A_2208 = tpu.vector_load %arg11[%get3A_2206, %get3A_2207] {strides = array<i32>} : memref<104x16xf32, #tpu.memory_space<vmem>>, vector<16xf32>,
      %get3A_2209 = arith.constant 28 : i32
      %get3A_2210 = arith.index_cast %get3A_2209 : i32 to index
      %get3A_2211 = arith.constant 0 : index
      %get3A_2212 = tpu.vector_load %arg12[%get3A_2210, %get3A_2211] {strides = array<i32>} : memref<104x16xf32, #tpu.memory_space<vmem>>, vector<16xf32>,
      %mul3A_2213 = arith.mulf %get3A_2208, %get3A_2212 : vector<16xf32>
      %get3A_2214 = arith.constant 28 : i32
      %get3A_2215 = arith.index_cast %get3A_2214 : i32 to index
      %get3A_2216 = arith.constant 0 : index
      %get3A_2217 = tpu.vector_load %arg13[%get3A_2215, %get3A_2216] {strides = array<i32>} : memref<104x16xf32, #tpu.memory_space<vmem>>, vector<16xf32>,
      %mul3A_2218 = arith.mulf %mul3A_2213, %get3A_2217 : vector<16xf32>
      %add3A_2219 = arith.addf %add3A_2204, %mul3A_2218 : vector<16xf32>
      %get3A_2220 = arith.constant 29 : i32
      %get3A_2221 = arith.index_cast %get3A_2220 : i32 to index
      %get3A_2222 = arith.constant 0 : index
      %get3A_2223 = tpu.vector_load %arg11[%get3A_2221, %get3A_2222] {strides = array<i32>} : memref<104x16xf32, #tpu.memory_space<vmem>>, vector<16xf32>,
      %get3A_2224 = arith.constant 29 : i32
      %get3A_2225 = arith.index_cast %get3A_2224 : i32 to index
      %get3A_2226 = arith.constant 0 : index
      %get3A_2227 = tpu.vector_load %arg12[%get3A_2225, %get3A_2226] {strides = array<i32>} : memref<104x16xf32, #tpu.memory_space<vmem>>, vector<16xf32>,
      %mul3A_2228 = arith.mulf %get3A_2223, %get3A_2227 : vector<16xf32>
      %get3A_2229 = arith.constant 29 : i32
      %get3A_2230 = arith.index_cast %get3A_2229 : i32 to index
      %get3A_2231 = arith.constant 0 : index
      %get3A_2232 = tpu.vector_load %arg13[%get3A_2230, %get3A_2231] {strides = array<i32>} : memref<104x16xf32, #tpu.memory_space<vmem>>, vector<16xf32>,
      %mul3A_2233 = arith.mulf %mul3A_2228, %get3A_2232 : vector<16xf32>
      %add3A_2234 = arith.addf %add3A_2219, %mul3A_2233 : vector<16xf32>
      %get3A_2235 = arith.constant 30 : i32
      %get3A_2236 = arith.index_cast %get3A_2235 : i32 to index
      %get3A_2237 = arith.constant 0 : index
      %get3A_2238 = tpu.vector_load %arg11[%get3A_2236, %get3A_2237] {strides = array<i32>} : memref<104x16xf32, #tpu.memory_space<vmem>>, vector<16xf32>,
      %get3A_2239 = arith.constant 30 : i32
      %get3A_2240 = arith.index_cast %get3A_2239 : i32 to index
      %get3A_2241 = arith.constant 0 : index
      %get3A_2242 = tpu.vector_load %arg12[%get3A_2240, %get3A_2241] {strides = array<i32>} : memref<104x16xf32, #tpu.memory_space<vmem>>, vector<16xf32>,
      %mul3A_2243 = arith.mulf %get3A_2238, %get3A_2242 : vector<16xf32>
      %get3A_2244 = arith.constant 30 : i32
      %get3A_2245 = arith.index_cast %get3A_2244 : i32 to index
      %get3A_2246 = arith.constant 0 : index
      %get3A_2247 = tpu.vector_load %arg13[%get3A_2245, %get3A_2246] {strides = array<i32>} : memref<104x16xf32, #tpu.memory_space<vmem>>, vector<16xf32>,
      %mul3A_2248 = arith.mulf %mul3A_2243, %get3A_2247 : vector<16xf32>
      %add3A_2249 = arith.addf %add3A_2234, %mul3A_2248 : vector<16xf32>
      %get3A_2250 = arith.constant 31 : i32
      %get3A_2251 = arith.index_cast %get3A_2250 : i32 to index
      %get3A_2252 = arith.constant 0 : index
      %get3A_2253 = tpu.vector_load %arg11[%get3A_2251, %get3A_2252] {strides = array<i32>} : memref<104x16xf32, #tpu.memory_space<vmem>>, vector<16xf32>,
      %get3A_2254 = arith.constant 31 : i32
      %get3A_2255 = arith.index_cast %get3A_2254 : i32 to index
      %get3A_2256 = arith.constant 0 : index
      %get3A_2257 = tpu.vector_load %arg12[%get3A_2255, %get3A_2256] {strides = array<i32>} : memref<104x16xf32, #tpu.memory_space<vmem>>, vector<16xf32>,
      %mul3A_2258 = arith.mulf %get3A_2253, %get3A_2257 : vector<16xf32>
      %get3A_2259 = arith.constant 31 : i32
      %get3A_2260 = arith.index_cast %get3A_2259 : i32 to index
      %get3A_2261 = arith.constant 0 : index
      %get3A_2262 = tpu.vector_load %arg13[%get3A_2260, %get3A_2261] {strides = array<i32>} : memref<104x16xf32, #tpu.memory_space<vmem>>, vector<16xf32>,
      %mul3A_2263 = arith.mulf %mul3A_2258, %get3A_2262 : vector<16xf32>
      %add3A_2264 = arith.addf %add3A_2249, %mul3A_2263 : vector<16xf32>
      %get3A_2265 = arith.constant 32 : i32
      %get3A_2266 = arith.index_cast %get3A_2265 : i32 to index
      %get3A_2267 = arith.constant 0 : index
      %get3A_2268 = tpu.vector_load %arg11[%get3A_2266, %get3A_2267] {strides = array<i32>} : memref<104x16xf32, #tpu.memory_space<vmem>>, vector<16xf32>,
      %get3A_2269 = arith.constant 32 : i32
      %get3A_2270 = arith.index_cast %get3A_2269 : i32 to index
      %get3A_2271 = arith.constant 0 : index
      %get3A_2272 = tpu.vector_load %arg12[%get3A_2270, %get3A_2271] {strides = array<i32>} : memref<104x16xf32, #tpu.memory_space<vmem>>, vector<16xf32>,
      %mul3A_2273 = arith.mulf %get3A_2268, %get3A_2272 : vector<16xf32>
      %get3A_2274 = arith.constant 32 : i32
      %get3A_2275 = arith.index_cast %get3A_2274 : i32 to index
      %get3A_2276 = arith.constant 0 : index
      %get3A_2277 = tpu.vector_load %arg13[%get3A_2275, %get3A_2276] {strides = array<i32>} : memref<104x16xf32, #tpu.memory_space<vmem>>, vector<16xf32>,
      %mul3A_2278 = arith.mulf %mul3A_2273, %get3A_2277 : vector<16xf32>
      %add3A_2279 = arith.addf %add3A_2264, %mul3A_2278 : vector<16xf32>
      %get3A_2280 = arith.constant 33 : i32
      %get3A_2281 = arith.index_cast %get3A_2280 : i32 to index
      %get3A_2282 = arith.constant 0 : index
      %get3A_2283 = tpu.vector_load %arg11[%get3A_2281, %get3A_2282] {strides = array<i32>} : memref<104x16xf32, #tpu.memory_space<vmem>>, vector<16xf32>,
      %get3A_2284 = arith.constant 33 : i32
      %get3A_2285 = arith.index_cast %get3A_2284 : i32 to index
      %get3A_2286 = arith.constant 0 : index
      %get3A_2287 = tpu.vector_load %arg12[%get3A_2285, %get3A_2286] {strides = array<i32>} : memref<104x16xf32, #tpu.memory_space<vmem>>, vector<16xf32>,
      %mul3A_2288 = arith.mulf %get3A_2283, %get3A_2287 : vector<16xf32>
      %get3A_2289 = arith.constant 33 : i32
      %get3A_2290 = arith.index_cast %get3A_2289 : i32 to index
      %get3A_2291 = arith.constant 0 : index
      %get3A_2292 = tpu.vector_load %arg13[%get3A_2290, %get3A_2291] {strides = array<i32>} : memref<104x16xf32, #tpu.memory_space<vmem>>, vector<16xf32>,
      %mul3A_2293 = arith.mulf %mul3A_2288, %get3A_2292 : vector<16xf32>
      %add3A_2294 = arith.addf %add3A_2279, %mul3A_2293 : vector<16xf32>
      %get3A_2295 = arith.constant 34 : i32
      %get3A_2296 = arith.index_cast %get3A_2295 : i32 to index
      %get3A_2297 = arith.constant 0 : index
      %get3A_2298 = tpu.vector_load %arg11[%get3A_2296, %get3A_2297] {strides = array<i32>} : memref<104x16xf32, #tpu.memory_space<vmem>>, vector<16xf32>,
      %get3A_2299 = arith.constant 34 : i32
      %get3A_2300 = arith.index_cast %get3A_2299 : i32 to index
      %get3A_2301 = arith.constant 0 : index
      %get3A_2302 = tpu.vector_load %arg12[%get3A_2300, %get3A_2301] {strides = array<i32>} : memref<104x16xf32, #tpu.memory_space<vmem>>, vector<16xf32>,
      %mul3A_2303 = arith.mulf %get3A_2298, %get3A_2302 : vector<16xf32>
      %get3A_2304 = arith.constant 34 : i32
      %get3A_2305 = arith.index_cast %get3A_2304 : i32 to index
      %get3A_2306 = arith.constant 0 : index
      %get3A_2307 = tpu.vector_load %arg13[%get3A_2305, %get3A_2306] {strides = array<i32>} : memref<104x16xf32, #tpu.memory_space<vmem>>, vector<16xf32>,
      %mul3A_2308 = arith.mulf %mul3A_2303, %get3A_2307 : vector<16xf32>
      %add3A_2309 = arith.addf %add3A_2294, %mul3A_2308 : vector<16xf32>
      %get3A_2310 = arith.constant 35 : i32
      %get3A_2311 = arith.index_cast %get3A_2310 : i32 to index
      %get3A_2312 = arith.constant 0 : index
      %get3A_2313 = tpu.vector_load %arg11[%get3A_2311, %get3A_2312] {strides = array<i32>} : memref<104x16xf32, #tpu.memory_space<vmem>>, vector<16xf32>,
      %get3A_2314 = arith.constant 35 : i32
      %get3A_2315 = arith.index_cast %get3A_2314 : i32 to index
      %get3A_2316 = arith.constant 0 : index
      %get3A_2317 = tpu.vector_load %arg12[%get3A_2315, %get3A_2316] {strides = array<i32>} : memref<104x16xf32, #tpu.memory_space<vmem>>, vector<16xf32>,
      %mul3A_2318 = arith.mulf %get3A_2313, %get3A_2317 : vector<16xf32>
      %get3A_2319 = arith.constant 35 : i32
      %get3A_2320 = arith.index_cast %get3A_2319 : i32 to index
      %get3A_2321 = arith.constant 0 : index
      %get3A_2322 = tpu.vector_load %arg13[%get3A_2320, %get3A_2321] {strides = array<i32>} : memref<104x16xf32, #tpu.memory_space<vmem>>, vector<16xf32>,
      %mul3A_2323 = arith.mulf %mul3A_2318, %get3A_2322 : vector<16xf32>
      %add3A_2324 = arith.addf %add3A_2309, %mul3A_2323 : vector<16xf32>
      %get3A_2325 = arith.constant 36 : i32
      %get3A_2326 = arith.index_cast %get3A_2325 : i32 to index
      %get3A_2327 = arith.constant 0 : index
      %get3A_2328 = tpu.vector_load %arg11[%get3A_2326, %get3A_2327] {strides = array<i32>} : memref<104x16xf32, #tpu.memory_space<vmem>>, vector<16xf32>,
      %get3A_2329 = arith.constant 36 : i32
      %get3A_2330 = arith.index_cast %get3A_2329 : i32 to index
      %get3A_2331 = arith.constant 0 : index
      %get3A_2332 = tpu.vector_load %arg12[%get3A_2330, %get3A_2331] {strides = array<i32>} : memref<104x16xf32, #tpu.memory_space<vmem>>, vector<16xf32>,
      %mul3A_2333 = arith.mulf %get3A_2328, %get3A_2332 : vector<16xf32>
      %get3A_2334 = arith.constant 36 : i32
      %get3A_2335 = arith.index_cast %get3A_2334 : i32 to index
      %get3A_2336 = arith.constant 0 : index
      %get3A_2337 = tpu.vector_load %arg13[%get3A_2335, %get3A_2336] {strides = array<i32>} : memref<104x16xf32, #tpu.memory_space<vmem>>, vector<16xf32>,
      %mul3A_2338 = arith.mulf %mul3A_2333, %get3A_2337 : vector<16xf32>
      %add3A_2339 = arith.addf %add3A_2324, %mul3A_2338 : vector<16xf32>
      %get3A_2340 = arith.constant 37 : i32
      %get3A_2341 = arith.index_cast %get3A_2340 : i32 to index
      %get3A_2342 = arith.constant 0 : index
      %get3A_2343 = tpu.vector_load %arg11[%get3A_2341, %get3A_2342] {strides = array<i32>} : memref<104x16xf32, #tpu.memory_space<vmem>>, vector<16xf32>,
      %get3A_2344 = arith.constant 37 : i32
      %get3A_2345 = arith.index_cast %get3A_2344 : i32 to index
      %get3A_2346 = arith.constant 0 : index
      %get3A_2347 = tpu.vector_load %arg12[%get3A_2345, %get3A_2346] {strides = array<i32>} : memref<104x16xf32, #tpu.memory_space<vmem>>, vector<16xf32>,
      %mul3A_2348 = arith.mulf %get3A_2343, %get3A_2347 : vector<16xf32>
      %get3A_2349 = arith.constant 37 : i32
      %get3A_2350 = arith.index_cast %get3A_2349 : i32 to index
      %get3A_2351 = arith.constant 0 : index
      %get3A_2352 = tpu.vector_load %arg13[%get3A_2350, %get3A_2351] {strides = array<i32>} : memref<104x16xf32, #tpu.memory_space<vmem>>, vector<16xf32>,
      %mul3A_2353 = arith.mulf %mul3A_2348, %get3A_2352 : vector<16xf32>
      %add3A_2354 = arith.addf %add3A_2339, %mul3A_2353 : vector<16xf32>
      %get3A_2355 = arith.constant 38 : i32
      %get3A_2356 = arith.index_cast %get3A_2355 : i32 to index
      %get3A_2357 = arith.constant 0 : index
      %get3A_2358 = tpu.vector_load %arg11[%get3A_2356, %get3A_2357] {strides = array<i32>} : memref<104x16xf32, #tpu.memory_space<vmem>>, vector<16xf32>,
      %get3A_2359 = arith.constant 38 : i32
      %get3A_2360 = arith.index_cast %get3A_2359 : i32 to index
      %get3A_2361 = arith.constant 0 : index
      %get3A_2362 = tpu.vector_load %arg12[%get3A_2360, %get3A_2361] {strides = array<i32>} : memref<104x16xf32, #tpu.memory_space<vmem>>, vector<16xf32>,
      %mul3A_2363 = arith.mulf %get3A_2358, %get3A_2362 : vector<16xf32>
      %get3A_2364 = arith.constant 38 : i32
      %get3A_2365 = arith.index_cast %get3A_2364 : i32 to index
      %get3A_2366 = arith.constant 0 : index
      %get3A_2367 = tpu.vector_load %arg13[%get3A_2365, %get3A_2366] {strides = array<i32>} : memref<104x16xf32, #tpu.memory_space<vmem>>, vector<16xf32>,
      %mul3A_2368 = arith.mulf %mul3A_2363, %get3A_2367 : vector<16xf32>
      %add3A_2369 = arith.addf %add3A_2354, %mul3A_2368 : vector<16xf32>
      %get3A_2370 = arith.constant 39 : i32
      %get3A_2371 = arith.index_cast %get3A_2370 : i32 to index
      %get3A_2372 = arith.constant 0 : index
      %get3A_2373 = tpu.vector_load %arg11[%get3A_2371, %get3A_2372] {strides = array<i32>} : memref<104x16xf32, #tpu.memory_space<vmem>>, vector<16xf32>,
      %get3A_2374 = arith.constant 39 : i32
      %get3A_2375 = arith.index_cast %get3A_2374 : i32 to index
      %get3A_2376 = arith.constant 0 : index
      %get3A_2377 = tpu.vector_load %arg12[%get3A_2375, %get3A_2376] {strides = array<i32>} : memref<104x16xf32, #tpu.memory_space<vmem>>, vector<16xf32>,
      %mul3A_2378 = arith.mulf %get3A_2373, %get3A_2377 : vector<16xf32>
      %get3A_2379 = arith.constant 39 : i32
      %get3A_2380 = arith.index_cast %get3A_2379 : i32 to index
      %get3A_2381 = arith.constant 0 : index
      %get3A_2382 = tpu.vector_load %arg13[%get3A_2380, %get3A_2381] {strides = array<i32>} : memref<104x16xf32, #tpu.memory_space<vmem>>, vector<16xf32>,
      %mul3A_2383 = arith.mulf %mul3A_2378, %get3A_2382 : vector<16xf32>
      %add3A_2384 = arith.addf %add3A_2369, %mul3A_2383 : vector<16xf32>
      %get3A_2385 = arith.constant 40 : i32
      %get3A_2386 = arith.index_cast %get3A_2385 : i32 to index
      %get3A_2387 = arith.constant 0 : index
      %get3A_2388 = tpu.vector_load %arg11[%get3A_2386, %get3A_2387] {strides = array<i32>} : memref<104x16xf32, #tpu.memory_space<vmem>>, vector<16xf32>,
      %get3A_2389 = arith.constant 40 : i32
      %get3A_2390 = arith.index_cast %get3A_2389 : i32 to index
      %get3A_2391 = arith.constant 0 : index
      %get3A_2392 = tpu.vector_load %arg12[%get3A_2390, %get3A_2391] {strides = array<i32>} : memref<104x16xf32, #tpu.memory_space<vmem>>, vector<16xf32>,
      %mul3A_2393 = arith.mulf %get3A_2388, %get3A_2392 : vector<16xf32>
      %get3A_2394 = arith.constant 40 : i32
      %get3A_2395 = arith.index_cast %get3A_2394 : i32 to index
      %get3A_2396 = arith.constant 0 : index
      %get3A_2397 = tpu.vector_load %arg13[%get3A_2395, %get3A_2396] {strides = array<i32>} : memref<104x16xf32, #tpu.memory_space<vmem>>, vector<16xf32>,
      %mul3A_2398 = arith.mulf %mul3A_2393, %get3A_2397 : vector<16xf32>
      %add3A_2399 = arith.addf %add3A_2384, %mul3A_2398 : vector<16xf32>
      %get3A_2400 = arith.constant 41 : i32
      %get3A_2401 = arith.index_cast %get3A_2400 : i32 to index
      %get3A_2402 = arith.constant 0 : index
      %get3A_2403 = tpu.vector_load %arg11[%get3A_2401, %get3A_2402] {strides = array<i32>} : memref<104x16xf32, #tpu.memory_space<vmem>>, vector<16xf32>,
      %get3A_2404 = arith.constant 41 : i32
      %get3A_2405 = arith.index_cast %get3A_2404 : i32 to index
      %get3A_2406 = arith.constant 0 : index
      %get3A_2407 = tpu.vector_load %arg12[%get3A_2405, %get3A_2406] {strides = array<i32>} : memref<104x16xf32, #tpu.memory_space<vmem>>, vector<16xf32>,
      %mul3A_2408 = arith.mulf %get3A_2403, %get3A_2407 : vector<16xf32>
      %get3A_2409 = arith.constant 41 : i32
      %get3A_2410 = arith.index_cast %get3A_2409 : i32 to index
      %get3A_2411 = arith.constant 0 : index
      %get3A_2412 = tpu.vector_load %arg13[%get3A_2410, %get3A_2411] {strides = array<i32>} : memref<104x16xf32, #tpu.memory_space<vmem>>, vector<16xf32>,
      %mul3A_2413 = arith.mulf %mul3A_2408, %get3A_2412 : vector<16xf32>
      %add3A_2414 = arith.addf %add3A_2399, %mul3A_2413 : vector<16xf32>
      %get3A_2415 = arith.constant 42 : i32
      %get3A_2416 = arith.index_cast %get3A_2415 : i32 to index
      %get3A_2417 = arith.constant 0 : index
      %get3A_2418 = tpu.vector_load %arg11[%get3A_2416, %get3A_2417] {strides = array<i32>} : memref<104x16xf32, #tpu.memory_space<vmem>>, vector<16xf32>,
      %get3A_2419 = arith.constant 42 : i32
      %get3A_2420 = arith.index_cast %get3A_2419 : i32 to index
      %get3A_2421 = arith.constant 0 : index
      %get3A_2422 = tpu.vector_load %arg12[%get3A_2420, %get3A_2421] {strides = array<i32>} : memref<104x16xf32, #tpu.memory_space<vmem>>, vector<16xf32>,
      %mul3A_2423 = arith.mulf %get3A_2418, %get3A_2422 : vector<16xf32>
      %get3A_2424 = arith.constant 42 : i32
      %get3A_2425 = arith.index_cast %get3A_2424 : i32 to index
      %get3A_2426 = arith.constant 0 : index
      %get3A_2427 = tpu.vector_load %arg13[%get3A_2425, %get3A_2426] {strides = array<i32>} : memref<104x16xf32, #tpu.memory_space<vmem>>, vector<16xf32>,
      %mul3A_2428 = arith.mulf %mul3A_2423, %get3A_2427 : vector<16xf32>
      %add3A_2429 = arith.addf %add3A_2414, %mul3A_2428 : vector<16xf32>
      %get3A_2430 = arith.constant 43 : i32
      %get3A_2431 = arith.index_cast %get3A_2430 : i32 to index
      %get3A_2432 = arith.constant 0 : index
      %get3A_2433 = tpu.vector_load %arg11[%get3A_2431, %get3A_2432] {strides = array<i32>} : memref<104x16xf32, #tpu.memory_space<vmem>>, vector<16xf32>,
      %get3A_2434 = arith.constant 43 : i32
      %get3A_2435 = arith.index_cast %get3A_2434 : i32 to index
      %get3A_2436 = arith.constant 0 : index
      %get3A_2437 = tpu.vector_load %arg12[%get3A_2435, %get3A_2436] {strides = array<i32>} : memref<104x16xf32, #tpu.memory_space<vmem>>, vector<16xf32>,
      %mul3A_2438 = arith.mulf %get3A_2433, %get3A_2437 : vector<16xf32>
      %get3A_2439 = arith.constant 43 : i32
      %get3A_2440 = arith.index_cast %get3A_2439 : i32 to index
      %get3A_2441 = arith.constant 0 : index
      %get3A_2442 = tpu.vector_load %arg13[%get3A_2440, %get3A_2441] {strides = array<i32>} : memref<104x16xf32, #tpu.memory_space<vmem>>, vector<16xf32>,
      %mul3A_2443 = arith.mulf %mul3A_2438, %get3A_2442 : vector<16xf32>
      %add3A_2444 = arith.addf %add3A_2429, %mul3A_2443 : vector<16xf32>
      %get3A_2445 = arith.constant 44 : i32
      %get3A_2446 = arith.index_cast %get3A_2445 : i32 to index
      %get3A_2447 = arith.constant 0 : index
      %get3A_2448 = tpu.vector_load %arg11[%get3A_2446, %get3A_2447] {strides = array<i32>} : memref<104x16xf32, #tpu.memory_space<vmem>>, vector<16xf32>,
      %get3A_2449 = arith.constant 44 : i32
      %get3A_2450 = arith.index_cast %get3A_2449 : i32 to index
      %get3A_2451 = arith.constant 0 : index
      %get3A_2452 = tpu.vector_load %arg12[%get3A_2450, %get3A_2451] {strides = array<i32>} : memref<104x16xf32, #tpu.memory_space<vmem>>, vector<16xf32>,
      %mul3A_2453 = arith.mulf %get3A_2448, %get3A_2452 : vector<16xf32>
      %get3A_2454 = arith.constant 44 : i32
      %get3A_2455 = arith.index_cast %get3A_2454 : i32 to index
      %get3A_2456 = arith.constant 0 : index
      %get3A_2457 = tpu.vector_load %arg13[%get3A_2455, %get3A_2456] {strides = array<i32>} : memref<104x16xf32, #tpu.memory_space<vmem>>, vector<16xf32>,
      %mul3A_2458 = arith.mulf %mul3A_2453, %get3A_2457 : vector<16xf32>
      %add3A_2459 = arith.addf %add3A_2444, %mul3A_2458 : vector<16xf32>
      %get3A_2460 = arith.constant 45 : i32
      %get3A_2461 = arith.index_cast %get3A_2460 : i32 to index
      %get3A_2462 = arith.constant 0 : index
      %get3A_2463 = tpu.vector_load %arg11[%get3A_2461, %get3A_2462] {strides = array<i32>} : memref<104x16xf32, #tpu.memory_space<vmem>>, vector<16xf32>,
      %get3A_2464 = arith.constant 45 : i32
      %get3A_2465 = arith.index_cast %get3A_2464 : i32 to index
      %get3A_2466 = arith.constant 0 : index
      %get3A_2467 = tpu.vector_load %arg12[%get3A_2465, %get3A_2466] {strides = array<i32>} : memref<104x16xf32, #tpu.memory_space<vmem>>, vector<16xf32>,
      %mul3A_2468 = arith.mulf %get3A_2463, %get3A_2467 : vector<16xf32>
      %get3A_2469 = arith.constant 45 : i32
      %get3A_2470 = arith.index_cast %get3A_2469 : i32 to index
      %get3A_2471 = arith.constant 0 : index
      %get3A_2472 = tpu.vector_load %arg13[%get3A_2470, %get3A_2471] {strides = array<i32>} : memref<104x16xf32, #tpu.memory_space<vmem>>, vector<16xf32>,
      %mul3A_2473 = arith.mulf %mul3A_2468, %get3A_2472 : vector<16xf32>
      %add3A_2474 = arith.addf %add3A_2459, %mul3A_2473 : vector<16xf32>
      %get3A_2475 = arith.constant 46 : i32
      %get3A_2476 = arith.index_cast %get3A_2475 : i32 to index
      %get3A_2477 = arith.constant 0 : index
      %get3A_2478 = tpu.vector_load %arg11[%get3A_2476, %get3A_2477] {strides = array<i32>} : memref<104x16xf32, #tpu.memory_space<vmem>>, vector<16xf32>,
      %get3A_2479 = arith.constant 46 : i32
      %get3A_2480 = arith.index_cast %get3A_2479 : i32 to index
      %get3A_2481 = arith.constant 0 : index
      %get3A_2482 = tpu.vector_load %arg12[%get3A_2480, %get3A_2481] {strides = array<i32>} : memref<104x16xf32, #tpu.memory_space<vmem>>, vector<16xf32>,
      %mul3A_2483 = arith.mulf %get3A_2478, %get3A_2482 : vector<16xf32>
      %get3A_2484 = arith.constant 46 : i32
      %get3A_2485 = arith.index_cast %get3A_2484 : i32 to index
      %get3A_2486 = arith.constant 0 : index
      %get3A_2487 = tpu.vector_load %arg13[%get3A_2485, %get3A_2486] {strides = array<i32>} : memref<104x16xf32, #tpu.memory_space<vmem>>, vector<16xf32>,
      %mul3A_2488 = arith.mulf %mul3A_2483, %get3A_2487 : vector<16xf32>
      %add3A_2489 = arith.addf %add3A_2474, %mul3A_2488 : vector<16xf32>
      %get3A_2490 = arith.constant 47 : i32
      %get3A_2491 = arith.index_cast %get3A_2490 : i32 to index
      %get3A_2492 = arith.constant 0 : index
      %get3A_2493 = tpu.vector_load %arg11[%get3A_2491, %get3A_2492] {strides = array<i32>} : memref<104x16xf32, #tpu.memory_space<vmem>>, vector<16xf32>,
      %get3A_2494 = arith.constant 47 : i32
      %get3A_2495 = arith.index_cast %get3A_2494 : i32 to index
      %get3A_2496 = arith.constant 0 : index
      %get3A_2497 = tpu.vector_load %arg12[%get3A_2495, %get3A_2496] {strides = array<i32>} : memref<104x16xf32, #tpu.memory_space<vmem>>, vector<16xf32>,
      %mul3A_2498 = arith.mulf %get3A_2493, %get3A_2497 : vector<16xf32>
      %get3A_2499 = arith.constant 47 : i32
      %get3A_2500 = arith.index_cast %get3A_2499 : i32 to index
      %get3A_2501 = arith.constant 0 : index
      %get3A_2502 = tpu.vector_load %arg13[%get3A_2500, %get3A_2501] {strides = array<i32>} : memref<104x16xf32, #tpu.memory_space<vmem>>, vector<16xf32>,
      %mul3A_2503 = arith.mulf %mul3A_2498, %get3A_2502 : vector<16xf32>
      %add3A_2504 = arith.addf %add3A_2489, %mul3A_2503 : vector<16xf32>
      %get3A_2505 = arith.constant 48 : i32
      %get3A_2506 = arith.index_cast %get3A_2505 : i32 to index
      %get3A_2507 = arith.constant 0 : index
      %get3A_2508 = tpu.vector_load %arg11[%get3A_2506, %get3A_2507] {strides = array<i32>} : memref<104x16xf32, #tpu.memory_space<vmem>>, vector<16xf32>,
      %get3A_2509 = arith.constant 48 : i32
      %get3A_2510 = arith.index_cast %get3A_2509 : i32 to index
      %get3A_2511 = arith.constant 0 : index
      %get3A_2512 = tpu.vector_load %arg12[%get3A_2510, %get3A_2511] {strides = array<i32>} : memref<104x16xf32, #tpu.memory_space<vmem>>, vector<16xf32>,
      %mul3A_2513 = arith.mulf %get3A_2508, %get3A_2512 : vector<16xf32>
      %get3A_2514 = arith.constant 48 : i32
      %get3A_2515 = arith.index_cast %get3A_2514 : i32 to index
      %get3A_2516 = arith.constant 0 : index
      %get3A_2517 = tpu.vector_load %arg13[%get3A_2515, %get3A_2516] {strides = array<i32>} : memref<104x16xf32, #tpu.memory_space<vmem>>, vector<16xf32>,
      %mul3A_2518 = arith.mulf %mul3A_2513, %get3A_2517 : vector<16xf32>
      %add3A_2519 = arith.addf %add3A_2504, %mul3A_2518 : vector<16xf32>
      %get3A_2520 = arith.constant 49 : i32
      %get3A_2521 = arith.index_cast %get3A_2520 : i32 to index
      %get3A_2522 = arith.constant 0 : index
      %get3A_2523 = tpu.vector_load %arg11[%get3A_2521, %get3A_2522] {strides = array<i32>} : memref<104x16xf32, #tpu.memory_space<vmem>>, vector<16xf32>,
      %get3A_2524 = arith.constant 49 : i32
      %get3A_2525 = arith.index_cast %get3A_2524 : i32 to index
      %get3A_2526 = arith.constant 0 : index
      %get3A_2527 = tpu.vector_load %arg12[%get3A_2525, %get3A_2526] {strides = array<i32>} : memref<104x16xf32, #tpu.memory_space<vmem>>, vector<16xf32>,
      %mul3A_2528 = arith.mulf %get3A_2523, %get3A_2527 : vector<16xf32>
      %get3A_2529 = arith.constant 49 : i32
      %get3A_2530 = arith.index_cast %get3A_2529 : i32 to index
      %get3A_2531 = arith.constant 0 : index
      %get3A_2532 = tpu.vector_load %arg13[%get3A_2530, %get3A_2531] {strides = array<i32>} : memref<104x16xf32, #tpu.memory_space<vmem>>, vector<16xf32>,
      %mul3A_2533 = arith.mulf %mul3A_2528, %get3A_2532 : vector<16xf32>
      %add3A_2534 = arith.addf %add3A_2519, %mul3A_2533 : vector<16xf32>
      %get3A_2535 = arith.constant 50 : i32
      %get3A_2536 = arith.index_cast %get3A_2535 : i32 to index
      %get3A_2537 = arith.constant 0 : index
      %get3A_2538 = tpu.vector_load %arg11[%get3A_2536, %get3A_2537] {strides = array<i32>} : memref<104x16xf32, #tpu.memory_space<vmem>>, vector<16xf32>,
      %get3A_2539 = arith.constant 50 : i32
      %get3A_2540 = arith.index_cast %get3A_2539 : i32 to index
      %get3A_2541 = arith.constant 0 : index
      %get3A_2542 = tpu.vector_load %arg12[%get3A_2540, %get3A_2541] {strides = array<i32>} : memref<104x16xf32, #tpu.memory_space<vmem>>, vector<16xf32>,
      %mul3A_2543 = arith.mulf %get3A_2538, %get3A_2542 : vector<16xf32>
      %get3A_2544 = arith.constant 50 : i32
      %get3A_2545 = arith.index_cast %get3A_2544 : i32 to index
      %get3A_2546 = arith.constant 0 : index
      %get3A_2547 = tpu.vector_load %arg13[%get3A_2545, %get3A_2546] {strides = array<i32>} : memref<104x16xf32, #tpu.memory_space<vmem>>, vector<16xf32>,
      %mul3A_2548 = arith.mulf %mul3A_2543, %get3A_2547 : vector<16xf32>
      %add3A_2549 = arith.addf %add3A_2534, %mul3A_2548 : vector<16xf32>
      %get3A_2550 = arith.constant 51 : i32
      %get3A_2551 = arith.index_cast %get3A_2550 : i32 to index
      %get3A_2552 = arith.constant 0 : index
      %get3A_2553 = tpu.vector_load %arg11[%get3A_2551, %get3A_2552] {strides = array<i32>} : memref<104x16xf32, #tpu.memory_space<vmem>>, vector<16xf32>,
      %get3A_2554 = arith.constant 51 : i32
      %get3A_2555 = arith.index_cast %get3A_2554 : i32 to index
      %get3A_2556 = arith.constant 0 : index
      %get3A_2557 = tpu.vector_load %arg12[%get3A_2555, %get3A_2556] {strides = array<i32>} : memref<104x16xf32, #tpu.memory_space<vmem>>, vector<16xf32>,
      %mul3A_2558 = arith.mulf %get3A_2553, %get3A_2557 : vector<16xf32>
      %get3A_2559 = arith.constant 51 : i32
      %get3A_2560 = arith.index_cast %get3A_2559 : i32 to index
      %get3A_2561 = arith.constant 0 : index
      %get3A_2562 = tpu.vector_load %arg13[%get3A_2560, %get3A_2561] {strides = array<i32>} : memref<104x16xf32, #tpu.memory_space<vmem>>, vector<16xf32>,
      %mul3A_2563 = arith.mulf %mul3A_2558, %get3A_2562 : vector<16xf32>
      %add3A_2564 = arith.addf %add3A_2549, %mul3A_2563 : vector<16xf32>
      %reduce_sum3A_2565 = arith.constant true
      %reduce_sum3A_2566 = vector.broadcast %reduce_sum3A_2565 : i1 to vector<16xi1>
      %reduce_sum3A_2567 = tpu.scan <sum>, %add3A_2564 masked %reduce_sum3A_2566 : vector<16xf32>, vector<16xi1> -> vector<16xf32>
      %reduce_sum3A_2568 = vector.extract %reduce_sum3A_2567[15] : f32 from vector<16xf32>
      %mul3A_2569 = arith.constant 4 : i32
      %mul3A_2570 = arith.muli %select_n3A_1771, %mul3A_2569 : i32
      %add3A_2571 = arith.constant 1 : i32
      %add3A_2572 = arith.addi %mul3A_2570, %add3A_2571 : i32
      %eq3A_2573 = vector.broadcast %add3A_2572 : i32 to vector<16xi32>
      %eq3A_2574 = arith.cmpi eq, %iota3A, %eq3A_2573 : vector<16xi32>
      %broadcast_in_dim3A_2575 = vector.broadcast %reduce_sum3A_2568 : f32 to vector<16xf32>
      %select_n3A_2576 = arith.select %eq3A_2574, %broadcast_in_dim3A_2575, %select_n3A_2175 : vector<16xi1>, vector<16xf32>
      %get3A_2577 = arith.constant 52 : i32
      %get3A_2578 = arith.index_cast %get3A_2577 : i32 to index
      %get3A_2579 = arith.constant 0 : index
      %get3A_2580 = tpu.vector_load %arg11[%get3A_2578, %get3A_2579] {strides = array<i32>} : memref<104x16xf32, #tpu.memory_space<vmem>>, vector<16xf32>,
      %get3A_2581 = arith.constant 52 : i32
      %get3A_2582 = arith.index_cast %get3A_2581 : i32 to index
      %get3A_2583 = arith.constant 0 : index
      %get3A_2584 = tpu.vector_load %arg12[%get3A_2582, %get3A_2583] {strides = array<i32>} : memref<104x16xf32, #tpu.memory_space<vmem>>, vector<16xf32>,
      %mul3A_2585 = arith.mulf %get3A_2580, %get3A_2584 : vector<16xf32>
      %get3A_2586 = arith.constant 52 : i32
      %get3A_2587 = arith.index_cast %get3A_2586 : i32 to index
      %get3A_2588 = arith.constant 0 : index
      %get3A_2589 = tpu.vector_load %arg13[%get3A_2587, %get3A_2588] {strides = array<i32>} : memref<104x16xf32, #tpu.memory_space<vmem>>, vector<16xf32>,
      %mul3A_2590 = arith.mulf %mul3A_2585, %get3A_2589 : vector<16xf32>
      %get3A_2591 = arith.constant 53 : i32
      %get3A_2592 = arith.index_cast %get3A_2591 : i32 to index
      %get3A_2593 = arith.constant 0 : index
      %get3A_2594 = tpu.vector_load %arg11[%get3A_2592, %get3A_2593] {strides = array<i32>} : memref<104x16xf32, #tpu.memory_space<vmem>>, vector<16xf32>,
      %get3A_2595 = arith.constant 53 : i32
      %get3A_2596 = arith.index_cast %get3A_2595 : i32 to index
      %get3A_2597 = arith.constant 0 : index
      %get3A_2598 = tpu.vector_load %arg12[%get3A_2596, %get3A_2597] {strides = array<i32>} : memref<104x16xf32, #tpu.memory_space<vmem>>, vector<16xf32>,
      %mul3A_2599 = arith.mulf %get3A_2594, %get3A_2598 : vector<16xf32>
      %get3A_2600 = arith.constant 53 : i32
      %get3A_2601 = arith.index_cast %get3A_2600 : i32 to index
      %get3A_2602 = arith.constant 0 : index
      %get3A_2603 = tpu.vector_load %arg13[%get3A_2601, %get3A_2602] {strides = array<i32>} : memref<104x16xf32, #tpu.memory_space<vmem>>, vector<16xf32>,
      %mul3A_2604 = arith.mulf %mul3A_2599, %get3A_2603 : vector<16xf32>
      %add3A_2605 = arith.addf %mul3A_2590, %mul3A_2604 : vector<16xf32>
      %get3A_2606 = arith.constant 54 : i32
      %get3A_2607 = arith.index_cast %get3A_2606 : i32 to index
      %get3A_2608 = arith.constant 0 : index
      %get3A_2609 = tpu.vector_load %arg11[%get3A_2607, %get3A_2608] {strides = array<i32>} : memref<104x16xf32, #tpu.memory_space<vmem>>, vector<16xf32>,
      %get3A_2610 = arith.constant 54 : i32
      %get3A_2611 = arith.index_cast %get3A_2610 : i32 to index
      %get3A_2612 = arith.constant 0 : index
      %get3A_2613 = tpu.vector_load %arg12[%get3A_2611, %get3A_2612] {strides = array<i32>} : memref<104x16xf32, #tpu.memory_space<vmem>>, vector<16xf32>,
      %mul3A_2614 = arith.mulf %get3A_2609, %get3A_2613 : vector<16xf32>
      %get3A_2615 = arith.constant 54 : i32
      %get3A_2616 = arith.index_cast %get3A_2615 : i32 to index
      %get3A_2617 = arith.constant 0 : index
      %get3A_2618 = tpu.vector_load %arg13[%get3A_2616, %get3A_2617] {strides = array<i32>} : memref<104x16xf32, #tpu.memory_space<vmem>>, vector<16xf32>,
      %mul3A_2619 = arith.mulf %mul3A_2614, %get3A_2618 : vector<16xf32>
      %add3A_2620 = arith.addf %add3A_2605, %mul3A_2619 : vector<16xf32>
      %get3A_2621 = arith.constant 55 : i32
      %get3A_2622 = arith.index_cast %get3A_2621 : i32 to index
      %get3A_2623 = arith.constant 0 : index
      %get3A_2624 = tpu.vector_load %arg11[%get3A_2622, %get3A_2623] {strides = array<i32>} : memref<104x16xf32, #tpu.memory_space<vmem>>, vector<16xf32>,
      %get3A_2625 = arith.constant 55 : i32
      %get3A_2626 = arith.index_cast %get3A_2625 : i32 to index
      %get3A_2627 = arith.constant 0 : index
      %get3A_2628 = tpu.vector_load %arg12[%get3A_2626, %get3A_2627] {strides = array<i32>} : memref<104x16xf32, #tpu.memory_space<vmem>>, vector<16xf32>,
      %mul3A_2629 = arith.mulf %get3A_2624, %get3A_2628 : vector<16xf32>
      %get3A_2630 = arith.constant 55 : i32
      %get3A_2631 = arith.index_cast %get3A_2630 : i32 to index
      %get3A_2632 = arith.constant 0 : index
      %get3A_2633 = tpu.vector_load %arg13[%get3A_2631, %get3A_2632] {strides = array<i32>} : memref<104x16xf32, #tpu.memory_space<vmem>>, vector<16xf32>,
      %mul3A_2634 = arith.mulf %mul3A_2629, %get3A_2633 : vector<16xf32>
      %add3A_2635 = arith.addf %add3A_2620, %mul3A_2634 : vector<16xf32>
      %get3A_2636 = arith.constant 56 : i32
      %get3A_2637 = arith.index_cast %get3A_2636 : i32 to index
      %get3A_2638 = arith.constant 0 : index
      %get3A_2639 = tpu.vector_load %arg11[%get3A_2637, %get3A_2638] {strides = array<i32>} : memref<104x16xf32, #tpu.memory_space<vmem>>, vector<16xf32>,
      %get3A_2640 = arith.constant 56 : i32
      %get3A_2641 = arith.index_cast %get3A_2640 : i32 to index
      %get3A_2642 = arith.constant 0 : index
      %get3A_2643 = tpu.vector_load %arg12[%get3A_2641, %get3A_2642] {strides = array<i32>} : memref<104x16xf32, #tpu.memory_space<vmem>>, vector<16xf32>,
      %mul3A_2644 = arith.mulf %get3A_2639, %get3A_2643 : vector<16xf32>
      %get3A_2645 = arith.constant 56 : i32
      %get3A_2646 = arith.index_cast %get3A_2645 : i32 to index
      %get3A_2647 = arith.constant 0 : index
      %get3A_2648 = tpu.vector_load %arg13[%get3A_2646, %get3A_2647] {strides = array<i32>} : memref<104x16xf32, #tpu.memory_space<vmem>>, vector<16xf32>,
      %mul3A_2649 = arith.mulf %mul3A_2644, %get3A_2648 : vector<16xf32>
      %add3A_2650 = arith.addf %add3A_2635, %mul3A_2649 : vector<16xf32>
      %get3A_2651 = arith.constant 57 : i32
      %get3A_2652 = arith.index_cast %get3A_2651 : i32 to index
      %get3A_2653 = arith.constant 0 : index
      %get3A_2654 = tpu.vector_load %arg11[%get3A_2652, %get3A_2653] {strides = array<i32>} : memref<104x16xf32, #tpu.memory_space<vmem>>, vector<16xf32>,
      %get3A_2655 = arith.constant 57 : i32
      %get3A_2656 = arith.index_cast %get3A_2655 : i32 to index
      %get3A_2657 = arith.constant 0 : index
      %get3A_2658 = tpu.vector_load %arg12[%get3A_2656, %get3A_2657] {strides = array<i32>} : memref<104x16xf32, #tpu.memory_space<vmem>>, vector<16xf32>,
      %mul3A_2659 = arith.mulf %get3A_2654, %get3A_2658 : vector<16xf32>
      %get3A_2660 = arith.constant 57 : i32
      %get3A_2661 = arith.index_cast %get3A_2660 : i32 to index
      %get3A_2662 = arith.constant 0 : index
      %get3A_2663 = tpu.vector_load %arg13[%get3A_2661, %get3A_2662] {strides = array<i32>} : memref<104x16xf32, #tpu.memory_space<vmem>>, vector<16xf32>,
      %mul3A_2664 = arith.mulf %mul3A_2659, %get3A_2663 : vector<16xf32>
      %add3A_2665 = arith.addf %add3A_2650, %mul3A_2664 : vector<16xf32>
      %get3A_2666 = arith.constant 58 : i32
      %get3A_2667 = arith.index_cast %get3A_2666 : i32 to index
      %get3A_2668 = arith.constant 0 : index
      %get3A_2669 = tpu.vector_load %arg11[%get3A_2667, %get3A_2668] {strides = array<i32>} : memref<104x16xf32, #tpu.memory_space<vmem>>, vector<16xf32>,
      %get3A_2670 = arith.constant 58 : i32
      %get3A_2671 = arith.index_cast %get3A_2670 : i32 to index
      %get3A_2672 = arith.constant 0 : index
      %get3A_2673 = tpu.vector_load %arg12[%get3A_2671, %get3A_2672] {strides = array<i32>} : memref<104x16xf32, #tpu.memory_space<vmem>>, vector<16xf32>,
      %mul3A_2674 = arith.mulf %get3A_2669, %get3A_2673 : vector<16xf32>
      %get3A_2675 = arith.constant 58 : i32
      %get3A_2676 = arith.index_cast %get3A_2675 : i32 to index
      %get3A_2677 = arith.constant 0 : index
      %get3A_2678 = tpu.vector_load %arg13[%get3A_2676, %get3A_2677] {strides = array<i32>} : memref<104x16xf32, #tpu.memory_space<vmem>>, vector<16xf32>,
      %mul3A_2679 = arith.mulf %mul3A_2674, %get3A_2678 : vector<16xf32>
      %add3A_2680 = arith.addf %add3A_2665, %mul3A_2679 : vector<16xf32>
      %get3A_2681 = arith.constant 59 : i32
      %get3A_2682 = arith.index_cast %get3A_2681 : i32 to index
      %get3A_2683 = arith.constant 0 : index
      %get3A_2684 = tpu.vector_load %arg11[%get3A_2682, %get3A_2683] {strides = array<i32>} : memref<104x16xf32, #tpu.memory_space<vmem>>, vector<16xf32>,
      %get3A_2685 = arith.constant 59 : i32
      %get3A_2686 = arith.index_cast %get3A_2685 : i32 to index
      %get3A_2687 = arith.constant 0 : index
      %get3A_2688 = tpu.vector_load %arg12[%get3A_2686, %get3A_2687] {strides = array<i32>} : memref<104x16xf32, #tpu.memory_space<vmem>>, vector<16xf32>,
      %mul3A_2689 = arith.mulf %get3A_2684, %get3A_2688 : vector<16xf32>
      %get3A_2690 = arith.constant 59 : i32
      %get3A_2691 = arith.index_cast %get3A_2690 : i32 to index
      %get3A_2692 = arith.constant 0 : index
      %get3A_2693 = tpu.vector_load %arg13[%get3A_2691, %get3A_2692] {strides = array<i32>} : memref<104x16xf32, #tpu.memory_space<vmem>>, vector<16xf32>,
      %mul3A_2694 = arith.mulf %mul3A_2689, %get3A_2693 : vector<16xf32>
      %add3A_2695 = arith.addf %add3A_2680, %mul3A_2694 : vector<16xf32>
      %get3A_2696 = arith.constant 60 : i32
      %get3A_2697 = arith.index_cast %get3A_2696 : i32 to index
      %get3A_2698 = arith.constant 0 : index
      %get3A_2699 = tpu.vector_load %arg11[%get3A_2697, %get3A_2698] {strides = array<i32>} : memref<104x16xf32, #tpu.memory_space<vmem>>, vector<16xf32>,
      %get3A_2700 = arith.constant 60 : i32
      %get3A_2701 = arith.index_cast %get3A_2700 : i32 to index
      %get3A_2702 = arith.constant 0 : index
      %get3A_2703 = tpu.vector_load %arg12[%get3A_2701, %get3A_2702] {strides = array<i32>} : memref<104x16xf32, #tpu.memory_space<vmem>>, vector<16xf32>,
      %mul3A_2704 = arith.mulf %get3A_2699, %get3A_2703 : vector<16xf32>
      %get3A_2705 = arith.constant 60 : i32
      %get3A_2706 = arith.index_cast %get3A_2705 : i32 to index
      %get3A_2707 = arith.constant 0 : index
      %get3A_2708 = tpu.vector_load %arg13[%get3A_2706, %get3A_2707] {strides = array<i32>} : memref<104x16xf32, #tpu.memory_space<vmem>>, vector<16xf32>,
      %mul3A_2709 = arith.mulf %mul3A_2704, %get3A_2708 : vector<16xf32>
      %add3A_2710 = arith.addf %add3A_2695, %mul3A_2709 : vector<16xf32>
      %get3A_2711 = arith.constant 61 : i32
      %get3A_2712 = arith.index_cast %get3A_2711 : i32 to index
      %get3A_2713 = arith.constant 0 : index
      %get3A_2714 = tpu.vector_load %arg11[%get3A_2712, %get3A_2713] {strides = array<i32>} : memref<104x16xf32, #tpu.memory_space<vmem>>, vector<16xf32>,
      %get3A_2715 = arith.constant 61 : i32
      %get3A_2716 = arith.index_cast %get3A_2715 : i32 to index
      %get3A_2717 = arith.constant 0 : index
      %get3A_2718 = tpu.vector_load %arg12[%get3A_2716, %get3A_2717] {strides = array<i32>} : memref<104x16xf32, #tpu.memory_space<vmem>>, vector<16xf32>,
      %mul3A_2719 = arith.mulf %get3A_2714, %get3A_2718 : vector<16xf32>
      %get3A_2720 = arith.constant 61 : i32
      %get3A_2721 = arith.index_cast %get3A_2720 : i32 to index
      %get3A_2722 = arith.constant 0 : index
      %get3A_2723 = tpu.vector_load %arg13[%get3A_2721, %get3A_2722] {strides = array<i32>} : memref<104x16xf32, #tpu.memory_space<vmem>>, vector<16xf32>,
      %mul3A_2724 = arith.mulf %mul3A_2719, %get3A_2723 : vector<16xf32>
      %add3A_2725 = arith.addf %add3A_2710, %mul3A_2724 : vector<16xf32>
      %get3A_2726 = arith.constant 62 : i32
      %get3A_2727 = arith.index_cast %get3A_2726 : i32 to index
      %get3A_2728 = arith.constant 0 : index
      %get3A_2729 = tpu.vector_load %arg11[%get3A_2727, %get3A_2728] {strides = array<i32>} : memref<104x16xf32, #tpu.memory_space<vmem>>, vector<16xf32>,
      %get3A_2730 = arith.constant 62 : i32
      %get3A_2731 = arith.index_cast %get3A_2730 : i32 to index
      %get3A_2732 = arith.constant 0 : index
      %get3A_2733 = tpu.vector_load %arg12[%get3A_2731, %get3A_2732] {strides = array<i32>} : memref<104x16xf32, #tpu.memory_space<vmem>>, vector<16xf32>,
      %mul3A_2734 = arith.mulf %get3A_2729, %get3A_2733 : vector<16xf32>
      %get3A_2735 = arith.constant 62 : i32
      %get3A_2736 = arith.index_cast %get3A_2735 : i32 to index
      %get3A_2737 = arith.constant 0 : index
      %get3A_2738 = tpu.vector_load %arg13[%get3A_2736, %get3A_2737] {strides = array<i32>} : memref<104x16xf32, #tpu.memory_space<vmem>>, vector<16xf32>,
      %mul3A_2739 = arith.mulf %mul3A_2734, %get3A_2738 : vector<16xf32>
      %add3A_2740 = arith.addf %add3A_2725, %mul3A_2739 : vector<16xf32>
      %get3A_2741 = arith.constant 63 : i32
      %get3A_2742 = arith.index_cast %get3A_2741 : i32 to index
      %get3A_2743 = arith.constant 0 : index
      %get3A_2744 = tpu.vector_load %arg11[%get3A_2742, %get3A_2743] {strides = array<i32>} : memref<104x16xf32, #tpu.memory_space<vmem>>, vector<16xf32>,
      %get3A_2745 = arith.constant 63 : i32
      %get3A_2746 = arith.index_cast %get3A_2745 : i32 to index
      %get3A_2747 = arith.constant 0 : index
      %get3A_2748 = tpu.vector_load %arg12[%get3A_2746, %get3A_2747] {strides = array<i32>} : memref<104x16xf32, #tpu.memory_space<vmem>>, vector<16xf32>,
      %mul3A_2749 = arith.mulf %get3A_2744, %get3A_2748 : vector<16xf32>
      %get3A_2750 = arith.constant 63 : i32
      %get3A_2751 = arith.index_cast %get3A_2750 : i32 to index
      %get3A_2752 = arith.constant 0 : index
      %get3A_2753 = tpu.vector_load %arg13[%get3A_2751, %get3A_2752] {strides = array<i32>} : memref<104x16xf32, #tpu.memory_space<vmem>>, vector<16xf32>,
      %mul3A_2754 = arith.mulf %mul3A_2749, %get3A_2753 : vector<16xf32>
      %add3A_2755 = arith.addf %add3A_2740, %mul3A_2754 : vector<16xf32>
      %get3A_2756 = arith.constant 64 : i32
      %get3A_2757 = arith.index_cast %get3A_2756 : i32 to index
      %get3A_2758 = arith.constant 0 : index
      %get3A_2759 = tpu.vector_load %arg11[%get3A_2757, %get3A_2758] {strides = array<i32>} : memref<104x16xf32, #tpu.memory_space<vmem>>, vector<16xf32>,
      %get3A_2760 = arith.constant 64 : i32
      %get3A_2761 = arith.index_cast %get3A_2760 : i32 to index
      %get3A_2762 = arith.constant 0 : index
      %get3A_2763 = tpu.vector_load %arg12[%get3A_2761, %get3A_2762] {strides = array<i32>} : memref<104x16xf32, #tpu.memory_space<vmem>>, vector<16xf32>,
      %mul3A_2764 = arith.mulf %get3A_2759, %get3A_2763 : vector<16xf32>
      %get3A_2765 = arith.constant 64 : i32
      %get3A_2766 = arith.index_cast %get3A_2765 : i32 to index
      %get3A_2767 = arith.constant 0 : index
      %get3A_2768 = tpu.vector_load %arg13[%get3A_2766, %get3A_2767] {strides = array<i32>} : memref<104x16xf32, #tpu.memory_space<vmem>>, vector<16xf32>,
      %mul3A_2769 = arith.mulf %mul3A_2764, %get3A_2768 : vector<16xf32>
      %add3A_2770 = arith.addf %add3A_2755, %mul3A_2769 : vector<16xf32>
      %get3A_2771 = arith.constant 65 : i32
      %get3A_2772 = arith.index_cast %get3A_2771 : i32 to index
      %get3A_2773 = arith.constant 0 : index
      %get3A_2774 = tpu.vector_load %arg11[%get3A_2772, %get3A_2773] {strides = array<i32>} : memref<104x16xf32, #tpu.memory_space<vmem>>, vector<16xf32>,
      %get3A_2775 = arith.constant 65 : i32
      %get3A_2776 = arith.index_cast %get3A_2775 : i32 to index
      %get3A_2777 = arith.constant 0 : index
      %get3A_2778 = tpu.vector_load %arg12[%get3A_2776, %get3A_2777] {strides = array<i32>} : memref<104x16xf32, #tpu.memory_space<vmem>>, vector<16xf32>,
      %mul3A_2779 = arith.mulf %get3A_2774, %get3A_2778 : vector<16xf32>
      %get3A_2780 = arith.constant 65 : i32
      %get3A_2781 = arith.index_cast %get3A_2780 : i32 to index
      %get3A_2782 = arith.constant 0 : index
      %get3A_2783 = tpu.vector_load %arg13[%get3A_2781, %get3A_2782] {strides = array<i32>} : memref<104x16xf32, #tpu.memory_space<vmem>>, vector<16xf32>,
      %mul3A_2784 = arith.mulf %mul3A_2779, %get3A_2783 : vector<16xf32>
      %add3A_2785 = arith.addf %add3A_2770, %mul3A_2784 : vector<16xf32>
      %get3A_2786 = arith.constant 66 : i32
      %get3A_2787 = arith.index_cast %get3A_2786 : i32 to index
      %get3A_2788 = arith.constant 0 : index
      %get3A_2789 = tpu.vector_load %arg11[%get3A_2787, %get3A_2788] {strides = array<i32>} : memref<104x16xf32, #tpu.memory_space<vmem>>, vector<16xf32>,
      %get3A_2790 = arith.constant 66 : i32
      %get3A_2791 = arith.index_cast %get3A_2790 : i32 to index
      %get3A_2792 = arith.constant 0 : index
      %get3A_2793 = tpu.vector_load %arg12[%get3A_2791, %get3A_2792] {strides = array<i32>} : memref<104x16xf32, #tpu.memory_space<vmem>>, vector<16xf32>,
      %mul3A_2794 = arith.mulf %get3A_2789, %get3A_2793 : vector<16xf32>
      %get3A_2795 = arith.constant 66 : i32
      %get3A_2796 = arith.index_cast %get3A_2795 : i32 to index
      %get3A_2797 = arith.constant 0 : index
      %get3A_2798 = tpu.vector_load %arg13[%get3A_2796, %get3A_2797] {strides = array<i32>} : memref<104x16xf32, #tpu.memory_space<vmem>>, vector<16xf32>,
      %mul3A_2799 = arith.mulf %mul3A_2794, %get3A_2798 : vector<16xf32>
      %add3A_2800 = arith.addf %add3A_2785, %mul3A_2799 : vector<16xf32>
      %get3A_2801 = arith.constant 67 : i32
      %get3A_2802 = arith.index_cast %get3A_2801 : i32 to index
      %get3A_2803 = arith.constant 0 : index
      %get3A_2804 = tpu.vector_load %arg11[%get3A_2802, %get3A_2803] {strides = array<i32>} : memref<104x16xf32, #tpu.memory_space<vmem>>, vector<16xf32>,
      %get3A_2805 = arith.constant 67 : i32
      %get3A_2806 = arith.index_cast %get3A_2805 : i32 to index
      %get3A_2807 = arith.constant 0 : index
      %get3A_2808 = tpu.vector_load %arg12[%get3A_2806, %get3A_2807] {strides = array<i32>} : memref<104x16xf32, #tpu.memory_space<vmem>>, vector<16xf32>,
      %mul3A_2809 = arith.mulf %get3A_2804, %get3A_2808 : vector<16xf32>
      %get3A_2810 = arith.constant 67 : i32
      %get3A_2811 = arith.index_cast %get3A_2810 : i32 to index
      %get3A_2812 = arith.constant 0 : index
      %get3A_2813 = tpu.vector_load %arg13[%get3A_2811, %get3A_2812] {strides = array<i32>} : memref<104x16xf32, #tpu.memory_space<vmem>>, vector<16xf32>,
      %mul3A_2814 = arith.mulf %mul3A_2809, %get3A_2813 : vector<16xf32>
      %add3A_2815 = arith.addf %add3A_2800, %mul3A_2814 : vector<16xf32>
      %get3A_2816 = arith.constant 68 : i32
      %get3A_2817 = arith.index_cast %get3A_2816 : i32 to index
      %get3A_2818 = arith.constant 0 : index
      %get3A_2819 = tpu.vector_load %arg11[%get3A_2817, %get3A_2818] {strides = array<i32>} : memref<104x16xf32, #tpu.memory_space<vmem>>, vector<16xf32>,
      %get3A_2820 = arith.constant 68 : i32
      %get3A_2821 = arith.index_cast %get3A_2820 : i32 to index
      %get3A_2822 = arith.constant 0 : index
      %get3A_2823 = tpu.vector_load %arg12[%get3A_2821, %get3A_2822] {strides = array<i32>} : memref<104x16xf32, #tpu.memory_space<vmem>>, vector<16xf32>,
      %mul3A_2824 = arith.mulf %get3A_2819, %get3A_2823 : vector<16xf32>
      %get3A_2825 = arith.constant 68 : i32
      %get3A_2826 = arith.index_cast %get3A_2825 : i32 to index
      %get3A_2827 = arith.constant 0 : index
      %get3A_2828 = tpu.vector_load %arg13[%get3A_2826, %get3A_2827] {strides = array<i32>} : memref<104x16xf32, #tpu.memory_space<vmem>>, vector<16xf32>,
      %mul3A_2829 = arith.mulf %mul3A_2824, %get3A_2828 : vector<16xf32>
      %add3A_2830 = arith.addf %add3A_2815, %mul3A_2829 : vector<16xf32>
      %get3A_2831 = arith.constant 69 : i32
      %get3A_2832 = arith.index_cast %get3A_2831 : i32 to index
      %get3A_2833 = arith.constant 0 : index
      %get3A_2834 = tpu.vector_load %arg11[%get3A_2832, %get3A_2833] {strides = array<i32>} : memref<104x16xf32, #tpu.memory_space<vmem>>, vector<16xf32>,
      %get3A_2835 = arith.constant 69 : i32
      %get3A_2836 = arith.index_cast %get3A_2835 : i32 to index
      %get3A_2837 = arith.constant 0 : index
      %get3A_2838 = tpu.vector_load %arg12[%get3A_2836, %get3A_2837] {strides = array<i32>} : memref<104x16xf32, #tpu.memory_space<vmem>>, vector<16xf32>,
      %mul3A_2839 = arith.mulf %get3A_2834, %get3A_2838 : vector<16xf32>
      %get3A_2840 = arith.constant 69 : i32
      %get3A_2841 = arith.index_cast %get3A_2840 : i32 to index
      %get3A_2842 = arith.constant 0 : index
      %get3A_2843 = tpu.vector_load %arg13[%get3A_2841, %get3A_2842] {strides = array<i32>} : memref<104x16xf32, #tpu.memory_space<vmem>>, vector<16xf32>,
      %mul3A_2844 = arith.mulf %mul3A_2839, %get3A_2843 : vector<16xf32>
      %add3A_2845 = arith.addf %add3A_2830, %mul3A_2844 : vector<16xf32>
      %get3A_2846 = arith.constant 70 : i32
      %get3A_2847 = arith.index_cast %get3A_2846 : i32 to index
      %get3A_2848 = arith.constant 0 : index
      %get3A_2849 = tpu.vector_load %arg11[%get3A_2847, %get3A_2848] {strides = array<i32>} : memref<104x16xf32, #tpu.memory_space<vmem>>, vector<16xf32>,
      %get3A_2850 = arith.constant 70 : i32
      %get3A_2851 = arith.index_cast %get3A_2850 : i32 to index
      %get3A_2852 = arith.constant 0 : index
      %get3A_2853 = tpu.vector_load %arg12[%get3A_2851, %get3A_2852] {strides = array<i32>} : memref<104x16xf32, #tpu.memory_space<vmem>>, vector<16xf32>,
      %mul3A_2854 = arith.mulf %get3A_2849, %get3A_2853 : vector<16xf32>
      %get3A_2855 = arith.constant 70 : i32
      %get3A_2856 = arith.index_cast %get3A_2855 : i32 to index
      %get3A_2857 = arith.constant 0 : index
      %get3A_2858 = tpu.vector_load %arg13[%get3A_2856, %get3A_2857] {strides = array<i32>} : memref<104x16xf32, #tpu.memory_space<vmem>>, vector<16xf32>,
      %mul3A_2859 = arith.mulf %mul3A_2854, %get3A_2858 : vector<16xf32>
      %add3A_2860 = arith.addf %add3A_2845, %mul3A_2859 : vector<16xf32>
      %get3A_2861 = arith.constant 71 : i32
      %get3A_2862 = arith.index_cast %get3A_2861 : i32 to index
      %get3A_2863 = arith.constant 0 : index
      %get3A_2864 = tpu.vector_load %arg11[%get3A_2862, %get3A_2863] {strides = array<i32>} : memref<104x16xf32, #tpu.memory_space<vmem>>, vector<16xf32>,
      %get3A_2865 = arith.constant 71 : i32
      %get3A_2866 = arith.index_cast %get3A_2865 : i32 to index
      %get3A_2867 = arith.constant 0 : index
      %get3A_2868 = tpu.vector_load %arg12[%get3A_2866, %get3A_2867] {strides = array<i32>} : memref<104x16xf32, #tpu.memory_space<vmem>>, vector<16xf32>,
      %mul3A_2869 = arith.mulf %get3A_2864, %get3A_2868 : vector<16xf32>
      %get3A_2870 = arith.constant 71 : i32
      %get3A_2871 = arith.index_cast %get3A_2870 : i32 to index
      %get3A_2872 = arith.constant 0 : index
      %get3A_2873 = tpu.vector_load %arg13[%get3A_2871, %get3A_2872] {strides = array<i32>} : memref<104x16xf32, #tpu.memory_space<vmem>>, vector<16xf32>,
      %mul3A_2874 = arith.mulf %mul3A_2869, %get3A_2873 : vector<16xf32>
      %add3A_2875 = arith.addf %add3A_2860, %mul3A_2874 : vector<16xf32>
      %get3A_2876 = arith.constant 72 : i32
      %get3A_2877 = arith.index_cast %get3A_2876 : i32 to index
      %get3A_2878 = arith.constant 0 : index
      %get3A_2879 = tpu.vector_load %arg11[%get3A_2877, %get3A_2878] {strides = array<i32>} : memref<104x16xf32, #tpu.memory_space<vmem>>, vector<16xf32>,
      %get3A_2880 = arith.constant 72 : i32
      %get3A_2881 = arith.index_cast %get3A_2880 : i32 to index
      %get3A_2882 = arith.constant 0 : index
      %get3A_2883 = tpu.vector_load %arg12[%get3A_2881, %get3A_2882] {strides = array<i32>} : memref<104x16xf32, #tpu.memory_space<vmem>>, vector<16xf32>,
      %mul3A_2884 = arith.mulf %get3A_2879, %get3A_2883 : vector<16xf32>
      %get3A_2885 = arith.constant 72 : i32
      %get3A_2886 = arith.index_cast %get3A_2885 : i32 to index
      %get3A_2887 = arith.constant 0 : index
      %get3A_2888 = tpu.vector_load %arg13[%get3A_2886, %get3A_2887] {strides = array<i32>} : memref<104x16xf32, #tpu.memory_space<vmem>>, vector<16xf32>,
      %mul3A_2889 = arith.mulf %mul3A_2884, %get3A_2888 : vector<16xf32>
      %add3A_2890 = arith.addf %add3A_2875, %mul3A_2889 : vector<16xf32>
      %get3A_2891 = arith.constant 73 : i32
      %get3A_2892 = arith.index_cast %get3A_2891 : i32 to index
      %get3A_2893 = arith.constant 0 : index
      %get3A_2894 = tpu.vector_load %arg11[%get3A_2892, %get3A_2893] {strides = array<i32>} : memref<104x16xf32, #tpu.memory_space<vmem>>, vector<16xf32>,
      %get3A_2895 = arith.constant 73 : i32
      %get3A_2896 = arith.index_cast %get3A_2895 : i32 to index
      %get3A_2897 = arith.constant 0 : index
      %get3A_2898 = tpu.vector_load %arg12[%get3A_2896, %get3A_2897] {strides = array<i32>} : memref<104x16xf32, #tpu.memory_space<vmem>>, vector<16xf32>,
      %mul3A_2899 = arith.mulf %get3A_2894, %get3A_2898 : vector<16xf32>
      %get3A_2900 = arith.constant 73 : i32
      %get3A_2901 = arith.index_cast %get3A_2900 : i32 to index
      %get3A_2902 = arith.constant 0 : index
      %get3A_2903 = tpu.vector_load %arg13[%get3A_2901, %get3A_2902] {strides = array<i32>} : memref<104x16xf32, #tpu.memory_space<vmem>>, vector<16xf32>,
      %mul3A_2904 = arith.mulf %mul3A_2899, %get3A_2903 : vector<16xf32>
      %add3A_2905 = arith.addf %add3A_2890, %mul3A_2904 : vector<16xf32>
      %get3A_2906 = arith.constant 74 : i32
      %get3A_2907 = arith.index_cast %get3A_2906 : i32 to index
      %get3A_2908 = arith.constant 0 : index
      %get3A_2909 = tpu.vector_load %arg11[%get3A_2907, %get3A_2908] {strides = array<i32>} : memref<104x16xf32, #tpu.memory_space<vmem>>, vector<16xf32>,
      %get3A_2910 = arith.constant 74 : i32
      %get3A_2911 = arith.index_cast %get3A_2910 : i32 to index
      %get3A_2912 = arith.constant 0 : index
      %get3A_2913 = tpu.vector_load %arg12[%get3A_2911, %get3A_2912] {strides = array<i32>} : memref<104x16xf32, #tpu.memory_space<vmem>>, vector<16xf32>,
      %mul3A_2914 = arith.mulf %get3A_2909, %get3A_2913 : vector<16xf32>
      %get3A_2915 = arith.constant 74 : i32
      %get3A_2916 = arith.index_cast %get3A_2915 : i32 to index
      %get3A_2917 = arith.constant 0 : index
      %get3A_2918 = tpu.vector_load %arg13[%get3A_2916, %get3A_2917] {strides = array<i32>} : memref<104x16xf32, #tpu.memory_space<vmem>>, vector<16xf32>,
      %mul3A_2919 = arith.mulf %mul3A_2914, %get3A_2918 : vector<16xf32>
      %add3A_2920 = arith.addf %add3A_2905, %mul3A_2919 : vector<16xf32>
      %get3A_2921 = arith.constant 75 : i32
      %get3A_2922 = arith.index_cast %get3A_2921 : i32 to index
      %get3A_2923 = arith.constant 0 : index
      %get3A_2924 = tpu.vector_load %arg11[%get3A_2922, %get3A_2923] {strides = array<i32>} : memref<104x16xf32, #tpu.memory_space<vmem>>, vector<16xf32>,
      %get3A_2925 = arith.constant 75 : i32
      %get3A_2926 = arith.index_cast %get3A_2925 : i32 to index
      %get3A_2927 = arith.constant 0 : index
      %get3A_2928 = tpu.vector_load %arg12[%get3A_2926, %get3A_2927] {strides = array<i32>} : memref<104x16xf32, #tpu.memory_space<vmem>>, vector<16xf32>,
      %mul3A_2929 = arith.mulf %get3A_2924, %get3A_2928 : vector<16xf32>
      %get3A_2930 = arith.constant 75 : i32
      %get3A_2931 = arith.index_cast %get3A_2930 : i32 to index
      %get3A_2932 = arith.constant 0 : index
      %get3A_2933 = tpu.vector_load %arg13[%get3A_2931, %get3A_2932] {strides = array<i32>} : memref<104x16xf32, #tpu.memory_space<vmem>>, vector<16xf32>,
      %mul3A_2934 = arith.mulf %mul3A_2929, %get3A_2933 : vector<16xf32>
      %add3A_2935 = arith.addf %add3A_2920, %mul3A_2934 : vector<16xf32>
      %get3A_2936 = arith.constant 76 : i32
      %get3A_2937 = arith.index_cast %get3A_2936 : i32 to index
      %get3A_2938 = arith.constant 0 : index
      %get3A_2939 = tpu.vector_load %arg11[%get3A_2937, %get3A_2938] {strides = array<i32>} : memref<104x16xf32, #tpu.memory_space<vmem>>, vector<16xf32>,
      %get3A_2940 = arith.constant 76 : i32
      %get3A_2941 = arith.index_cast %get3A_2940 : i32 to index
      %get3A_2942 = arith.constant 0 : index
      %get3A_2943 = tpu.vector_load %arg12[%get3A_2941, %get3A_2942] {strides = array<i32>} : memref<104x16xf32, #tpu.memory_space<vmem>>, vector<16xf32>,
      %mul3A_2944 = arith.mulf %get3A_2939, %get3A_2943 : vector<16xf32>
      %get3A_2945 = arith.constant 76 : i32
      %get3A_2946 = arith.index_cast %get3A_2945 : i32 to index
      %get3A_2947 = arith.constant 0 : index
      %get3A_2948 = tpu.vector_load %arg13[%get3A_2946, %get3A_2947] {strides = array<i32>} : memref<104x16xf32, #tpu.memory_space<vmem>>, vector<16xf32>,
      %mul3A_2949 = arith.mulf %mul3A_2944, %get3A_2948 : vector<16xf32>
      %add3A_2950 = arith.addf %add3A_2935, %mul3A_2949 : vector<16xf32>
      %get3A_2951 = arith.constant 77 : i32
      %get3A_2952 = arith.index_cast %get3A_2951 : i32 to index
      %get3A_2953 = arith.constant 0 : index
      %get3A_2954 = tpu.vector_load %arg11[%get3A_2952, %get3A_2953] {strides = array<i32>} : memref<104x16xf32, #tpu.memory_space<vmem>>, vector<16xf32>,
      %get3A_2955 = arith.constant 77 : i32
      %get3A_2956 = arith.index_cast %get3A_2955 : i32 to index
      %get3A_2957 = arith.constant 0 : index
      %get3A_2958 = tpu.vector_load %arg12[%get3A_2956, %get3A_2957] {strides = array<i32>} : memref<104x16xf32, #tpu.memory_space<vmem>>, vector<16xf32>,
      %mul3A_2959 = arith.mulf %get3A_2954, %get3A_2958 : vector<16xf32>
      %get3A_2960 = arith.constant 77 : i32
      %get3A_2961 = arith.index_cast %get3A_2960 : i32 to index
      %get3A_2962 = arith.constant 0 : index
      %get3A_2963 = tpu.vector_load %arg13[%get3A_2961, %get3A_2962] {strides = array<i32>} : memref<104x16xf32, #tpu.memory_space<vmem>>, vector<16xf32>,
      %mul3A_2964 = arith.mulf %mul3A_2959, %get3A_2963 : vector<16xf32>
      %add3A_2965 = arith.addf %add3A_2950, %mul3A_2964 : vector<16xf32>
      %reduce_sum3A_2966 = arith.constant true
      %reduce_sum3A_2967 = vector.broadcast %reduce_sum3A_2966 : i1 to vector<16xi1>
      %reduce_sum3A_2968 = tpu.scan <sum>, %add3A_2965 masked %reduce_sum3A_2967 : vector<16xf32>, vector<16xi1> -> vector<16xf32>
      %reduce_sum3A_2969 = vector.extract %reduce_sum3A_2968[15] : f32 from vector<16xf32>
      %mul3A_2970 = arith.constant 4 : i32
      %mul3A_2971 = arith.muli %select_n3A_1771, %mul3A_2970 : i32
      %add3A_2972 = arith.constant 2 : i32
      %add3A_2973 = arith.addi %mul3A_2971, %add3A_2972 : i32
      %eq3A_2974 = vector.broadcast %add3A_2973 : i32 to vector<16xi32>
      %eq3A_2975 = arith.cmpi eq, %iota3A, %eq3A_2974 : vector<16xi32>
      %broadcast_in_dim3A_2976 = vector.broadcast %reduce_sum3A_2969 : f32 to vector<16xf32>
      %select_n3A_2977 = arith.select %eq3A_2975, %broadcast_in_dim3A_2976, %select_n3A_2576 : vector<16xi1>, vector<16xf32>
      %get3A_2978 = arith.constant 78 : i32
      %get3A_2979 = arith.index_cast %get3A_2978 : i32 to index
      %get3A_2980 = arith.constant 0 : index
      %get3A_2981 = tpu.vector_load %arg11[%get3A_2979, %get3A_2980] {strides = array<i32>} : memref<104x16xf32, #tpu.memory_space<vmem>>, vector<16xf32>,
      %get3A_2982 = arith.constant 78 : i32
      %get3A_2983 = arith.index_cast %get3A_2982 : i32 to index
      %get3A_2984 = arith.constant 0 : index
      %get3A_2985 = tpu.vector_load %arg12[%get3A_2983, %get3A_2984] {strides = array<i32>} : memref<104x16xf32, #tpu.memory_space<vmem>>, vector<16xf32>,
      %mul3A_2986 = arith.mulf %get3A_2981, %get3A_2985 : vector<16xf32>
      %get3A_2987 = arith.constant 78 : i32
      %get3A_2988 = arith.index_cast %get3A_2987 : i32 to index
      %get3A_2989 = arith.constant 0 : index
      %get3A_2990 = tpu.vector_load %arg13[%get3A_2988, %get3A_2989] {strides = array<i32>} : memref<104x16xf32, #tpu.memory_space<vmem>>, vector<16xf32>,
      %mul3A_2991 = arith.mulf %mul3A_2986, %get3A_2990 : vector<16xf32>
      %get3A_2992 = arith.constant 79 : i32
      %get3A_2993 = arith.index_cast %get3A_2992 : i32 to index
      %get3A_2994 = arith.constant 0 : index
      %get3A_2995 = tpu.vector_load %arg11[%get3A_2993, %get3A_2994] {strides = array<i32>} : memref<104x16xf32, #tpu.memory_space<vmem>>, vector<16xf32>,
      %get3A_2996 = arith.constant 79 : i32
      %get3A_2997 = arith.index_cast %get3A_2996 : i32 to index
      %get3A_2998 = arith.constant 0 : index
      %get3A_2999 = tpu.vector_load %arg12[%get3A_2997, %get3A_2998] {strides = array<i32>} : memref<104x16xf32, #tpu.memory_space<vmem>>, vector<16xf32>,
      %mul3A_3000 = arith.mulf %get3A_2995, %get3A_2999 : vector<16xf32>
      %get3A_3001 = arith.constant 79 : i32
      %get3A_3002 = arith.index_cast %get3A_3001 : i32 to index
      %get3A_3003 = arith.constant 0 : index
      %get3A_3004 = tpu.vector_load %arg13[%get3A_3002, %get3A_3003] {strides = array<i32>} : memref<104x16xf32, #tpu.memory_space<vmem>>, vector<16xf32>,
      %mul3A_3005 = arith.mulf %mul3A_3000, %get3A_3004 : vector<16xf32>
      %add3A_3006 = arith.addf %mul3A_2991, %mul3A_3005 : vector<16xf32>
      %get3A_3007 = arith.constant 80 : i32
      %get3A_3008 = arith.index_cast %get3A_3007 : i32 to index
      %get3A_3009 = arith.constant 0 : index
      %get3A_3010 = tpu.vector_load %arg11[%get3A_3008, %get3A_3009] {strides = array<i32>} : memref<104x16xf32, #tpu.memory_space<vmem>>, vector<16xf32>,
      %get3A_3011 = arith.constant 80 : i32
      %get3A_3012 = arith.index_cast %get3A_3011 : i32 to index
      %get3A_3013 = arith.constant 0 : index
      %get3A_3014 = tpu.vector_load %arg12[%get3A_3012, %get3A_3013] {strides = array<i32>} : memref<104x16xf32, #tpu.memory_space<vmem>>, vector<16xf32>,
      %mul3A_3015 = arith.mulf %get3A_3010, %get3A_3014 : vector<16xf32>
      %get3A_3016 = arith.constant 80 : i32
      %get3A_3017 = arith.index_cast %get3A_3016 : i32 to index
      %get3A_3018 = arith.constant 0 : index
      %get3A_3019 = tpu.vector_load %arg13[%get3A_3017, %get3A_3018] {strides = array<i32>} : memref<104x16xf32, #tpu.memory_space<vmem>>, vector<16xf32>,
      %mul3A_3020 = arith.mulf %mul3A_3015, %get3A_3019 : vector<16xf32>
      %add3A_3021 = arith.addf %add3A_3006, %mul3A_3020 : vector<16xf32>
      %get3A_3022 = arith.constant 81 : i32
      %get3A_3023 = arith.index_cast %get3A_3022 : i32 to index
      %get3A_3024 = arith.constant 0 : index
      %get3A_3025 = tpu.vector_load %arg11[%get3A_3023, %get3A_3024] {strides = array<i32>} : memref<104x16xf32, #tpu.memory_space<vmem>>, vector<16xf32>,
      %get3A_3026 = arith.constant 81 : i32
      %get3A_3027 = arith.index_cast %get3A_3026 : i32 to index
      %get3A_3028 = arith.constant 0 : index
      %get3A_3029 = tpu.vector_load %arg12[%get3A_3027, %get3A_3028] {strides = array<i32>} : memref<104x16xf32, #tpu.memory_space<vmem>>, vector<16xf32>,
      %mul3A_3030 = arith.mulf %get3A_3025, %get3A_3029 : vector<16xf32>
      %get3A_3031 = arith.constant 81 : i32
      %get3A_3032 = arith.index_cast %get3A_3031 : i32 to index
      %get3A_3033 = arith.constant 0 : index
      %get3A_3034 = tpu.vector_load %arg13[%get3A_3032, %get3A_3033] {strides = array<i32>} : memref<104x16xf32, #tpu.memory_space<vmem>>, vector<16xf32>,
      %mul3A_3035 = arith.mulf %mul3A_3030, %get3A_3034 : vector<16xf32>
      %add3A_3036 = arith.addf %add3A_3021, %mul3A_3035 : vector<16xf32>
      %get3A_3037 = arith.constant 82 : i32
      %get3A_3038 = arith.index_cast %get3A_3037 : i32 to index
      %get3A_3039 = arith.constant 0 : index
      %get3A_3040 = tpu.vector_load %arg11[%get3A_3038, %get3A_3039] {strides = array<i32>} : memref<104x16xf32, #tpu.memory_space<vmem>>, vector<16xf32>,
      %get3A_3041 = arith.constant 82 : i32
      %get3A_3042 = arith.index_cast %get3A_3041 : i32 to index
      %get3A_3043 = arith.constant 0 : index
      %get3A_3044 = tpu.vector_load %arg12[%get3A_3042, %get3A_3043] {strides = array<i32>} : memref<104x16xf32, #tpu.memory_space<vmem>>, vector<16xf32>,
      %mul3A_3045 = arith.mulf %get3A_3040, %get3A_3044 : vector<16xf32>
      %get3A_3046 = arith.constant 82 : i32
      %get3A_3047 = arith.index_cast %get3A_3046 : i32 to index
      %get3A_3048 = arith.constant 0 : index
      %get3A_3049 = tpu.vector_load %arg13[%get3A_3047, %get3A_3048] {strides = array<i32>} : memref<104x16xf32, #tpu.memory_space<vmem>>, vector<16xf32>,
      %mul3A_3050 = arith.mulf %mul3A_3045, %get3A_3049 : vector<16xf32>
      %add3A_3051 = arith.addf %add3A_3036, %mul3A_3050 : vector<16xf32>
      %get3A_3052 = arith.constant 83 : i32
      %get3A_3053 = arith.index_cast %get3A_3052 : i32 to index
      %get3A_3054 = arith.constant 0 : index
      %get3A_3055 = tpu.vector_load %arg11[%get3A_3053, %get3A_3054] {strides = array<i32>} : memref<104x16xf32, #tpu.memory_space<vmem>>, vector<16xf32>,
      %get3A_3056 = arith.constant 83 : i32
      %get3A_3057 = arith.index_cast %get3A_3056 : i32 to index
      %get3A_3058 = arith.constant 0 : index
      %get3A_3059 = tpu.vector_load %arg12[%get3A_3057, %get3A_3058] {strides = array<i32>} : memref<104x16xf32, #tpu.memory_space<vmem>>, vector<16xf32>,
      %mul3A_3060 = arith.mulf %get3A_3055, %get3A_3059 : vector<16xf32>
      %get3A_3061 = arith.constant 83 : i32
      %get3A_3062 = arith.index_cast %get3A_3061 : i32 to index
      %get3A_3063 = arith.constant 0 : index
      %get3A_3064 = tpu.vector_load %arg13[%get3A_3062, %get3A_3063] {strides = array<i32>} : memref<104x16xf32, #tpu.memory_space<vmem>>, vector<16xf32>,
      %mul3A_3065 = arith.mulf %mul3A_3060, %get3A_3064 : vector<16xf32>
      %add3A_3066 = arith.addf %add3A_3051, %mul3A_3065 : vector<16xf32>
      %get3A_3067 = arith.constant 84 : i32
      %get3A_3068 = arith.index_cast %get3A_3067 : i32 to index
      %get3A_3069 = arith.constant 0 : index
      %get3A_3070 = tpu.vector_load %arg11[%get3A_3068, %get3A_3069] {strides = array<i32>} : memref<104x16xf32, #tpu.memory_space<vmem>>, vector<16xf32>,
      %get3A_3071 = arith.constant 84 : i32
      %get3A_3072 = arith.index_cast %get3A_3071 : i32 to index
      %get3A_3073 = arith.constant 0 : index
      %get3A_3074 = tpu.vector_load %arg12[%get3A_3072, %get3A_3073] {strides = array<i32>} : memref<104x16xf32, #tpu.memory_space<vmem>>, vector<16xf32>,
      %mul3A_3075 = arith.mulf %get3A_3070, %get3A_3074 : vector<16xf32>
      %get3A_3076 = arith.constant 84 : i32
      %get3A_3077 = arith.index_cast %get3A_3076 : i32 to index
      %get3A_3078 = arith.constant 0 : index
      %get3A_3079 = tpu.vector_load %arg13[%get3A_3077, %get3A_3078] {strides = array<i32>} : memref<104x16xf32, #tpu.memory_space<vmem>>, vector<16xf32>,
      %mul3A_3080 = arith.mulf %mul3A_3075, %get3A_3079 : vector<16xf32>
      %add3A_3081 = arith.addf %add3A_3066, %mul3A_3080 : vector<16xf32>
      %get3A_3082 = arith.constant 85 : i32
      %get3A_3083 = arith.index_cast %get3A_3082 : i32 to index
      %get3A_3084 = arith.constant 0 : index
      %get3A_3085 = tpu.vector_load %arg11[%get3A_3083, %get3A_3084] {strides = array<i32>} : memref<104x16xf32, #tpu.memory_space<vmem>>, vector<16xf32>,
      %get3A_3086 = arith.constant 85 : i32
      %get3A_3087 = arith.index_cast %get3A_3086 : i32 to index
      %get3A_3088 = arith.constant 0 : index
      %get3A_3089 = tpu.vector_load %arg12[%get3A_3087, %get3A_3088] {strides = array<i32>} : memref<104x16xf32, #tpu.memory_space<vmem>>, vector<16xf32>,
      %mul3A_3090 = arith.mulf %get3A_3085, %get3A_3089 : vector<16xf32>
      %get3A_3091 = arith.constant 85 : i32
      %get3A_3092 = arith.index_cast %get3A_3091 : i32 to index
      %get3A_3093 = arith.constant 0 : index
      %get3A_3094 = tpu.vector_load %arg13[%get3A_3092, %get3A_3093] {strides = array<i32>} : memref<104x16xf32, #tpu.memory_space<vmem>>, vector<16xf32>,
      %mul3A_3095 = arith.mulf %mul3A_3090, %get3A_3094 : vector<16xf32>
      %add3A_3096 = arith.addf %add3A_3081, %mul3A_3095 : vector<16xf32>
      %get3A_3097 = arith.constant 86 : i32
      %get3A_3098 = arith.index_cast %get3A_3097 : i32 to index
      %get3A_3099 = arith.constant 0 : index
      %get3A_3100 = tpu.vector_load %arg11[%get3A_3098, %get3A_3099] {strides = array<i32>} : memref<104x16xf32, #tpu.memory_space<vmem>>, vector<16xf32>,
      %get3A_3101 = arith.constant 86 : i32
      %get3A_3102 = arith.index_cast %get3A_3101 : i32 to index
      %get3A_3103 = arith.constant 0 : index
      %get3A_3104 = tpu.vector_load %arg12[%get3A_3102, %get3A_3103] {strides = array<i32>} : memref<104x16xf32, #tpu.memory_space<vmem>>, vector<16xf32>,
      %mul3A_3105 = arith.mulf %get3A_3100, %get3A_3104 : vector<16xf32>
      %get3A_3106 = arith.constant 86 : i32
      %get3A_3107 = arith.index_cast %get3A_3106 : i32 to index
      %get3A_3108 = arith.constant 0 : index
      %get3A_3109 = tpu.vector_load %arg13[%get3A_3107, %get3A_3108] {strides = array<i32>} : memref<104x16xf32, #tpu.memory_space<vmem>>, vector<16xf32>,
      %mul3A_3110 = arith.mulf %mul3A_3105, %get3A_3109 : vector<16xf32>
      %add3A_3111 = arith.addf %add3A_3096, %mul3A_3110 : vector<16xf32>
      %get3A_3112 = arith.constant 87 : i32
      %get3A_3113 = arith.index_cast %get3A_3112 : i32 to index
      %get3A_3114 = arith.constant 0 : index
      %get3A_3115 = tpu.vector_load %arg11[%get3A_3113, %get3A_3114] {strides = array<i32>} : memref<104x16xf32, #tpu.memory_space<vmem>>, vector<16xf32>,
      %get3A_3116 = arith.constant 87 : i32
      %get3A_3117 = arith.index_cast %get3A_3116 : i32 to index
      %get3A_3118 = arith.constant 0 : index
      %get3A_3119 = tpu.vector_load %arg12[%get3A_3117, %get3A_3118] {strides = array<i32>} : memref<104x16xf32, #tpu.memory_space<vmem>>, vector<16xf32>,
      %mul3A_3120 = arith.mulf %get3A_3115, %get3A_3119 : vector<16xf32>
      %get3A_3121 = arith.constant 87 : i32
      %get3A_3122 = arith.index_cast %get3A_3121 : i32 to index
      %get3A_3123 = arith.constant 0 : index
      %get3A_3124 = tpu.vector_load %arg13[%get3A_3122, %get3A_3123] {strides = array<i32>} : memref<104x16xf32, #tpu.memory_space<vmem>>, vector<16xf32>,
      %mul3A_3125 = arith.mulf %mul3A_3120, %get3A_3124 : vector<16xf32>
      %add3A_3126 = arith.addf %add3A_3111, %mul3A_3125 : vector<16xf32>
      %get3A_3127 = arith.constant 88 : i32
      %get3A_3128 = arith.index_cast %get3A_3127 : i32 to index
      %get3A_3129 = arith.constant 0 : index
      %get3A_3130 = tpu.vector_load %arg11[%get3A_3128, %get3A_3129] {strides = array<i32>} : memref<104x16xf32, #tpu.memory_space<vmem>>, vector<16xf32>,
      %get3A_3131 = arith.constant 88 : i32
      %get3A_3132 = arith.index_cast %get3A_3131 : i32 to index
      %get3A_3133 = arith.constant 0 : index
      %get3A_3134 = tpu.vector_load %arg12[%get3A_3132, %get3A_3133] {strides = array<i32>} : memref<104x16xf32, #tpu.memory_space<vmem>>, vector<16xf32>,
      %mul3A_3135 = arith.mulf %get3A_3130, %get3A_3134 : vector<16xf32>
      %get3A_3136 = arith.constant 88 : i32
      %get3A_3137 = arith.index_cast %get3A_3136 : i32 to index
      %get3A_3138 = arith.constant 0 : index
      %get3A_3139 = tpu.vector_load %arg13[%get3A_3137, %get3A_3138] {strides = array<i32>} : memref<104x16xf32, #tpu.memory_space<vmem>>, vector<16xf32>,
      %mul3A_3140 = arith.mulf %mul3A_3135, %get3A_3139 : vector<16xf32>
      %add3A_3141 = arith.addf %add3A_3126, %mul3A_3140 : vector<16xf32>
      %get3A_3142 = arith.constant 89 : i32
      %get3A_3143 = arith.index_cast %get3A_3142 : i32 to index
      %get3A_3144 = arith.constant 0 : index
      %get3A_3145 = tpu.vector_load %arg11[%get3A_3143, %get3A_3144] {strides = array<i32>} : memref<104x16xf32, #tpu.memory_space<vmem>>, vector<16xf32>,
      %get3A_3146 = arith.constant 89 : i32
      %get3A_3147 = arith.index_cast %get3A_3146 : i32 to index
      %get3A_3148 = arith.constant 0 : index
      %get3A_3149 = tpu.vector_load %arg12[%get3A_3147, %get3A_3148] {strides = array<i32>} : memref<104x16xf32, #tpu.memory_space<vmem>>, vector<16xf32>,
      %mul3A_3150 = arith.mulf %get3A_3145, %get3A_3149 : vector<16xf32>
      %get3A_3151 = arith.constant 89 : i32
      %get3A_3152 = arith.index_cast %get3A_3151 : i32 to index
      %get3A_3153 = arith.constant 0 : index
      %get3A_3154 = tpu.vector_load %arg13[%get3A_3152, %get3A_3153] {strides = array<i32>} : memref<104x16xf32, #tpu.memory_space<vmem>>, vector<16xf32>,
      %mul3A_3155 = arith.mulf %mul3A_3150, %get3A_3154 : vector<16xf32>
      %add3A_3156 = arith.addf %add3A_3141, %mul3A_3155 : vector<16xf32>
      %get3A_3157 = arith.constant 90 : i32
      %get3A_3158 = arith.index_cast %get3A_3157 : i32 to index
      %get3A_3159 = arith.constant 0 : index
      %get3A_3160 = tpu.vector_load %arg11[%get3A_3158, %get3A_3159] {strides = array<i32>} : memref<104x16xf32, #tpu.memory_space<vmem>>, vector<16xf32>,
      %get3A_3161 = arith.constant 90 : i32
      %get3A_3162 = arith.index_cast %get3A_3161 : i32 to index
      %get3A_3163 = arith.constant 0 : index
      %get3A_3164 = tpu.vector_load %arg12[%get3A_3162, %get3A_3163] {strides = array<i32>} : memref<104x16xf32, #tpu.memory_space<vmem>>, vector<16xf32>,
      %mul3A_3165 = arith.mulf %get3A_3160, %get3A_3164 : vector<16xf32>
      %get3A_3166 = arith.constant 90 : i32
      %get3A_3167 = arith.index_cast %get3A_3166 : i32 to index
      %get3A_3168 = arith.constant 0 : index
      %get3A_3169 = tpu.vector_load %arg13[%get3A_3167, %get3A_3168] {strides = array<i32>} : memref<104x16xf32, #tpu.memory_space<vmem>>, vector<16xf32>,
      %mul3A_3170 = arith.mulf %mul3A_3165, %get3A_3169 : vector<16xf32>
      %add3A_3171 = arith.addf %add3A_3156, %mul3A_3170 : vector<16xf32>
      %get3A_3172 = arith.constant 91 : i32
      %get3A_3173 = arith.index_cast %get3A_3172 : i32 to index
      %get3A_3174 = arith.constant 0 : index
      %get3A_3175 = tpu.vector_load %arg11[%get3A_3173, %get3A_3174] {strides = array<i32>} : memref<104x16xf32, #tpu.memory_space<vmem>>, vector<16xf32>,
      %get3A_3176 = arith.constant 91 : i32
      %get3A_3177 = arith.index_cast %get3A_3176 : i32 to index
      %get3A_3178 = arith.constant 0 : index
      %get3A_3179 = tpu.vector_load %arg12[%get3A_3177, %get3A_3178] {strides = array<i32>} : memref<104x16xf32, #tpu.memory_space<vmem>>, vector<16xf32>,
      %mul3A_3180 = arith.mulf %get3A_3175, %get3A_3179 : vector<16xf32>
      %get3A_3181 = arith.constant 91 : i32
      %get3A_3182 = arith.index_cast %get3A_3181 : i32 to index
      %get3A_3183 = arith.constant 0 : index
      %get3A_3184 = tpu.vector_load %arg13[%get3A_3182, %get3A_3183] {strides = array<i32>} : memref<104x16xf32, #tpu.memory_space<vmem>>, vector<16xf32>,
      %mul3A_3185 = arith.mulf %mul3A_3180, %get3A_3184 : vector<16xf32>
      %add3A_3186 = arith.addf %add3A_3171, %mul3A_3185 : vector<16xf32>
      %get3A_3187 = arith.constant 92 : i32
      %get3A_3188 = arith.index_cast %get3A_3187 : i32 to index
      %get3A_3189 = arith.constant 0 : index
      %get3A_3190 = tpu.vector_load %arg11[%get3A_3188, %get3A_3189] {strides = array<i32>} : memref<104x16xf32, #tpu.memory_space<vmem>>, vector<16xf32>,
      %get3A_3191 = arith.constant 92 : i32
      %get3A_3192 = arith.index_cast %get3A_3191 : i32 to index
      %get3A_3193 = arith.constant 0 : index
      %get3A_3194 = tpu.vector_load %arg12[%get3A_3192, %get3A_3193] {strides = array<i32>} : memref<104x16xf32, #tpu.memory_space<vmem>>, vector<16xf32>,
      %mul3A_3195 = arith.mulf %get3A_3190, %get3A_3194 : vector<16xf32>
      %get3A_3196 = arith.constant 92 : i32
      %get3A_3197 = arith.index_cast %get3A_3196 : i32 to index
      %get3A_3198 = arith.constant 0 : index
      %get3A_3199 = tpu.vector_load %arg13[%get3A_3197, %get3A_3198] {strides = array<i32>} : memref<104x16xf32, #tpu.memory_space<vmem>>, vector<16xf32>,
      %mul3A_3200 = arith.mulf %mul3A_3195, %get3A_3199 : vector<16xf32>
      %add3A_3201 = arith.addf %add3A_3186, %mul3A_3200 : vector<16xf32>
      %get3A_3202 = arith.constant 93 : i32
      %get3A_3203 = arith.index_cast %get3A_3202 : i32 to index
      %get3A_3204 = arith.constant 0 : index
      %get3A_3205 = tpu.vector_load %arg11[%get3A_3203, %get3A_3204] {strides = array<i32>} : memref<104x16xf32, #tpu.memory_space<vmem>>, vector<16xf32>,
      %get3A_3206 = arith.constant 93 : i32
      %get3A_3207 = arith.index_cast %get3A_3206 : i32 to index
      %get3A_3208 = arith.constant 0 : index
      %get3A_3209 = tpu.vector_load %arg12[%get3A_3207, %get3A_3208] {strides = array<i32>} : memref<104x16xf32, #tpu.memory_space<vmem>>, vector<16xf32>,
      %mul3A_3210 = arith.mulf %get3A_3205, %get3A_3209 : vector<16xf32>
      %get3A_3211 = arith.constant 93 : i32
      %get3A_3212 = arith.index_cast %get3A_3211 : i32 to index
      %get3A_3213 = arith.constant 0 : index
      %get3A_3214 = tpu.vector_load %arg13[%get3A_3212, %get3A_3213] {strides = array<i32>} : memref<104x16xf32, #tpu.memory_space<vmem>>, vector<16xf32>,
      %mul3A_3215 = arith.mulf %mul3A_3210, %get3A_3214 : vector<16xf32>
      %add3A_3216 = arith.addf %add3A_3201, %mul3A_3215 : vector<16xf32>
      %get3A_3217 = arith.constant 94 : i32
      %get3A_3218 = arith.index_cast %get3A_3217 : i32 to index
      %get3A_3219 = arith.constant 0 : index
      %get3A_3220 = tpu.vector_load %arg11[%get3A_3218, %get3A_3219] {strides = array<i32>} : memref<104x16xf32, #tpu.memory_space<vmem>>, vector<16xf32>,
      %get3A_3221 = arith.constant 94 : i32
      %get3A_3222 = arith.index_cast %get3A_3221 : i32 to index
      %get3A_3223 = arith.constant 0 : index
      %get3A_3224 = tpu.vector_load %arg12[%get3A_3222, %get3A_3223] {strides = array<i32>} : memref<104x16xf32, #tpu.memory_space<vmem>>, vector<16xf32>,
      %mul3A_3225 = arith.mulf %get3A_3220, %get3A_3224 : vector<16xf32>
      %get3A_3226 = arith.constant 94 : i32
      %get3A_3227 = arith.index_cast %get3A_3226 : i32 to index
      %get3A_3228 = arith.constant 0 : index
      %get3A_3229 = tpu.vector_load %arg13[%get3A_3227, %get3A_3228] {strides = array<i32>} : memref<104x16xf32, #tpu.memory_space<vmem>>, vector<16xf32>,
      %mul3A_3230 = arith.mulf %mul3A_3225, %get3A_3229 : vector<16xf32>
      %add3A_3231 = arith.addf %add3A_3216, %mul3A_3230 : vector<16xf32>
      %get3A_3232 = arith.constant 95 : i32
      %get3A_3233 = arith.index_cast %get3A_3232 : i32 to index
      %get3A_3234 = arith.constant 0 : index
      %get3A_3235 = tpu.vector_load %arg11[%get3A_3233, %get3A_3234] {strides = array<i32>} : memref<104x16xf32, #tpu.memory_space<vmem>>, vector<16xf32>,
      %get3A_3236 = arith.constant 95 : i32
      %get3A_3237 = arith.index_cast %get3A_3236 : i32 to index
      %get3A_3238 = arith.constant 0 : index
      %get3A_3239 = tpu.vector_load %arg12[%get3A_3237, %get3A_3238] {strides = array<i32>} : memref<104x16xf32, #tpu.memory_space<vmem>>, vector<16xf32>,
      %mul3A_3240 = arith.mulf %get3A_3235, %get3A_3239 : vector<16xf32>
      %get3A_3241 = arith.constant 95 : i32
      %get3A_3242 = arith.index_cast %get3A_3241 : i32 to index
      %get3A_3243 = arith.constant 0 : index
      %get3A_3244 = tpu.vector_load %arg13[%get3A_3242, %get3A_3243] {strides = array<i32>} : memref<104x16xf32, #tpu.memory_space<vmem>>, vector<16xf32>,
      %mul3A_3245 = arith.mulf %mul3A_3240, %get3A_3244 : vector<16xf32>
      %add3A_3246 = arith.addf %add3A_3231, %mul3A_3245 : vector<16xf32>
      %get3A_3247 = arith.constant 96 : i32
      %get3A_3248 = arith.index_cast %get3A_3247 : i32 to index
      %get3A_3249 = arith.constant 0 : index
      %get3A_3250 = tpu.vector_load %arg11[%get3A_3248, %get3A_3249] {strides = array<i32>} : memref<104x16xf32, #tpu.memory_space<vmem>>, vector<16xf32>,
      %get3A_3251 = arith.constant 96 : i32
      %get3A_3252 = arith.index_cast %get3A_3251 : i32 to index
      %get3A_3253 = arith.constant 0 : index
      %get3A_3254 = tpu.vector_load %arg12[%get3A_3252, %get3A_3253] {strides = array<i32>} : memref<104x16xf32, #tpu.memory_space<vmem>>, vector<16xf32>,
      %mul3A_3255 = arith.mulf %get3A_3250, %get3A_3254 : vector<16xf32>
      %get3A_3256 = arith.constant 96 : i32
      %get3A_3257 = arith.index_cast %get3A_3256 : i32 to index
      %get3A_3258 = arith.constant 0 : index
      %get3A_3259 = tpu.vector_load %arg13[%get3A_3257, %get3A_3258] {strides = array<i32>} : memref<104x16xf32, #tpu.memory_space<vmem>>, vector<16xf32>,
      %mul3A_3260 = arith.mulf %mul3A_3255, %get3A_3259 : vector<16xf32>
      %add3A_3261 = arith.addf %add3A_3246, %mul3A_3260 : vector<16xf32>
      %get3A_3262 = arith.constant 97 : i32
      %get3A_3263 = arith.index_cast %get3A_3262 : i32 to index
      %get3A_3264 = arith.constant 0 : index
      %get3A_3265 = tpu.vector_load %arg11[%get3A_3263, %get3A_3264] {strides = array<i32>} : memref<104x16xf32, #tpu.memory_space<vmem>>, vector<16xf32>,
      %get3A_3266 = arith.constant 97 : i32
      %get3A_3267 = arith.index_cast %get3A_3266 : i32 to index
      %get3A_3268 = arith.constant 0 : index
      %get3A_3269 = tpu.vector_load %arg12[%get3A_3267, %get3A_3268] {strides = array<i32>} : memref<104x16xf32, #tpu.memory_space<vmem>>, vector<16xf32>,
      %mul3A_3270 = arith.mulf %get3A_3265, %get3A_3269 : vector<16xf32>
      %get3A_3271 = arith.constant 97 : i32
      %get3A_3272 = arith.index_cast %get3A_3271 : i32 to index
      %get3A_3273 = arith.constant 0 : index
      %get3A_3274 = tpu.vector_load %arg13[%get3A_3272, %get3A_3273] {strides = array<i32>} : memref<104x16xf32, #tpu.memory_space<vmem>>, vector<16xf32>,
      %mul3A_3275 = arith.mulf %mul3A_3270, %get3A_3274 : vector<16xf32>
      %add3A_3276 = arith.addf %add3A_3261, %mul3A_3275 : vector<16xf32>
      %get3A_3277 = arith.constant 98 : i32
      %get3A_3278 = arith.index_cast %get3A_3277 : i32 to index
      %get3A_3279 = arith.constant 0 : index
      %get3A_3280 = tpu.vector_load %arg11[%get3A_3278, %get3A_3279] {strides = array<i32>} : memref<104x16xf32, #tpu.memory_space<vmem>>, vector<16xf32>,
      %get3A_3281 = arith.constant 98 : i32
      %get3A_3282 = arith.index_cast %get3A_3281 : i32 to index
      %get3A_3283 = arith.constant 0 : index
      %get3A_3284 = tpu.vector_load %arg12[%get3A_3282, %get3A_3283] {strides = array<i32>} : memref<104x16xf32, #tpu.memory_space<vmem>>, vector<16xf32>,
      %mul3A_3285 = arith.mulf %get3A_3280, %get3A_3284 : vector<16xf32>
      %get3A_3286 = arith.constant 98 : i32
      %get3A_3287 = arith.index_cast %get3A_3286 : i32 to index
      %get3A_3288 = arith.constant 0 : index
      %get3A_3289 = tpu.vector_load %arg13[%get3A_3287, %get3A_3288] {strides = array<i32>} : memref<104x16xf32, #tpu.memory_space<vmem>>, vector<16xf32>,
      %mul3A_3290 = arith.mulf %mul3A_3285, %get3A_3289 : vector<16xf32>
      %add3A_3291 = arith.addf %add3A_3276, %mul3A_3290 : vector<16xf32>
      %get3A_3292 = arith.constant 99 : i32
      %get3A_3293 = arith.index_cast %get3A_3292 : i32 to index
      %get3A_3294 = arith.constant 0 : index
      %get3A_3295 = tpu.vector_load %arg11[%get3A_3293, %get3A_3294] {strides = array<i32>} : memref<104x16xf32, #tpu.memory_space<vmem>>, vector<16xf32>,
      %get3A_3296 = arith.constant 99 : i32
      %get3A_3297 = arith.index_cast %get3A_3296 : i32 to index
      %get3A_3298 = arith.constant 0 : index
      %get3A_3299 = tpu.vector_load %arg12[%get3A_3297, %get3A_3298] {strides = array<i32>} : memref<104x16xf32, #tpu.memory_space<vmem>>, vector<16xf32>,
      %mul3A_3300 = arith.mulf %get3A_3295, %get3A_3299 : vector<16xf32>
      %get3A_3301 = arith.constant 99 : i32
      %get3A_3302 = arith.index_cast %get3A_3301 : i32 to index
      %get3A_3303 = arith.constant 0 : index
      %get3A_3304 = tpu.vector_load %arg13[%get3A_3302, %get3A_3303] {strides = array<i32>} : memref<104x16xf32, #tpu.memory_space<vmem>>, vector<16xf32>,
      %mul3A_3305 = arith.mulf %mul3A_3300, %get3A_3304 : vector<16xf32>
      %add3A_3306 = arith.addf %add3A_3291, %mul3A_3305 : vector<16xf32>
      %get3A_3307 = arith.constant 100 : i32
      %get3A_3308 = arith.index_cast %get3A_3307 : i32 to index
      %get3A_3309 = arith.constant 0 : index
      %get3A_3310 = tpu.vector_load %arg11[%get3A_3308, %get3A_3309] {strides = array<i32>} : memref<104x16xf32, #tpu.memory_space<vmem>>, vector<16xf32>,
      %get3A_3311 = arith.constant 100 : i32
      %get3A_3312 = arith.index_cast %get3A_3311 : i32 to index
      %get3A_3313 = arith.constant 0 : index
      %get3A_3314 = tpu.vector_load %arg12[%get3A_3312, %get3A_3313] {strides = array<i32>} : memref<104x16xf32, #tpu.memory_space<vmem>>, vector<16xf32>,
      %mul3A_3315 = arith.mulf %get3A_3310, %get3A_3314 : vector<16xf32>
      %get3A_3316 = arith.constant 100 : i32
      %get3A_3317 = arith.index_cast %get3A_3316 : i32 to index
      %get3A_3318 = arith.constant 0 : index
      %get3A_3319 = tpu.vector_load %arg13[%get3A_3317, %get3A_3318] {strides = array<i32>} : memref<104x16xf32, #tpu.memory_space<vmem>>, vector<16xf32>,
      %mul3A_3320 = arith.mulf %mul3A_3315, %get3A_3319 : vector<16xf32>
      %add3A_3321 = arith.addf %add3A_3306, %mul3A_3320 : vector<16xf32>
      %get3A_3322 = arith.constant 101 : i32
      %get3A_3323 = arith.index_cast %get3A_3322 : i32 to index
      %get3A_3324 = arith.constant 0 : index
      %get3A_3325 = tpu.vector_load %arg11[%get3A_3323, %get3A_3324] {strides = array<i32>} : memref<104x16xf32, #tpu.memory_space<vmem>>, vector<16xf32>,
      %get3A_3326 = arith.constant 101 : i32
      %get3A_3327 = arith.index_cast %get3A_3326 : i32 to index
      %get3A_3328 = arith.constant 0 : index
      %get3A_3329 = tpu.vector_load %arg12[%get3A_3327, %get3A_3328] {strides = array<i32>} : memref<104x16xf32, #tpu.memory_space<vmem>>, vector<16xf32>,
      %mul3A_3330 = arith.mulf %get3A_3325, %get3A_3329 : vector<16xf32>
      %get3A_3331 = arith.constant 101 : i32
      %get3A_3332 = arith.index_cast %get3A_3331 : i32 to index
      %get3A_3333 = arith.constant 0 : index
      %get3A_3334 = tpu.vector_load %arg13[%get3A_3332, %get3A_3333] {strides = array<i32>} : memref<104x16xf32, #tpu.memory_space<vmem>>, vector<16xf32>,
      %mul3A_3335 = arith.mulf %mul3A_3330, %get3A_3334 : vector<16xf32>
      %add3A_3336 = arith.addf %add3A_3321, %mul3A_3335 : vector<16xf32>
      %get3A_3337 = arith.constant 102 : i32
      %get3A_3338 = arith.index_cast %get3A_3337 : i32 to index
      %get3A_3339 = arith.constant 0 : index
      %get3A_3340 = tpu.vector_load %arg11[%get3A_3338, %get3A_3339] {strides = array<i32>} : memref<104x16xf32, #tpu.memory_space<vmem>>, vector<16xf32>,
      %get3A_3341 = arith.constant 102 : i32
      %get3A_3342 = arith.index_cast %get3A_3341 : i32 to index
      %get3A_3343 = arith.constant 0 : index
      %get3A_3344 = tpu.vector_load %arg12[%get3A_3342, %get3A_3343] {strides = array<i32>} : memref<104x16xf32, #tpu.memory_space<vmem>>, vector<16xf32>,
      %mul3A_3345 = arith.mulf %get3A_3340, %get3A_3344 : vector<16xf32>
      %get3A_3346 = arith.constant 102 : i32
      %get3A_3347 = arith.index_cast %get3A_3346 : i32 to index
      %get3A_3348 = arith.constant 0 : index
      %get3A_3349 = tpu.vector_load %arg13[%get3A_3347, %get3A_3348] {strides = array<i32>} : memref<104x16xf32, #tpu.memory_space<vmem>>, vector<16xf32>,
      %mul3A_3350 = arith.mulf %mul3A_3345, %get3A_3349 : vector<16xf32>
      %add3A_3351 = arith.addf %add3A_3336, %mul3A_3350 : vector<16xf32>
      %get3A_3352 = arith.constant 103 : i32
      %get3A_3353 = arith.index_cast %get3A_3352 : i32 to index
      %get3A_3354 = arith.constant 0 : index
      %get3A_3355 = tpu.vector_load %arg11[%get3A_3353, %get3A_3354] {strides = array<i32>} : memref<104x16xf32, #tpu.memory_space<vmem>>, vector<16xf32>,
      %get3A_3356 = arith.constant 103 : i32
      %get3A_3357 = arith.index_cast %get3A_3356 : i32 to index
      %get3A_3358 = arith.constant 0 : index
      %get3A_3359 = tpu.vector_load %arg12[%get3A_3357, %get3A_3358] {strides = array<i32>} : memref<104x16xf32, #tpu.memory_space<vmem>>, vector<16xf32>,
      %mul3A_3360 = arith.mulf %get3A_3355, %get3A_3359 : vector<16xf32>
      %get3A_3361 = arith.constant 103 : i32
      %get3A_3362 = arith.index_cast %get3A_3361 : i32 to index
      %get3A_3363 = arith.constant 0 : index
      %get3A_3364 = tpu.vector_load %arg13[%get3A_3362, %get3A_3363] {strides = array<i32>} : memref<104x16xf32, #tpu.memory_space<vmem>>, vector<16xf32>,
      %mul3A_3365 = arith.mulf %mul3A_3360, %get3A_3364 : vector<16xf32>
      %add3A_3366 = arith.addf %add3A_3351, %mul3A_3365 : vector<16xf32>
      %reduce_sum3A_3367 = arith.constant true
      %reduce_sum3A_3368 = vector.broadcast %reduce_sum3A_3367 : i1 to vector<16xi1>
      %reduce_sum3A_3369 = tpu.scan <sum>, %add3A_3366 masked %reduce_sum3A_3368 : vector<16xf32>, vector<16xi1> -> vector<16xf32>
      %reduce_sum3A_3370 = vector.extract %reduce_sum3A_3369[15] : f32 from vector<16xf32>
      %mul3A_3371 = arith.constant 4 : i32
      %mul3A_3372 = arith.muli %select_n3A_1771, %mul3A_3371 : i32
      %add3A_3373 = arith.constant 3 : i32
      %add3A_3374 = arith.addi %mul3A_3372, %add3A_3373 : i32
      %eq3A_3375 = vector.broadcast %add3A_3374 : i32 to vector<16xi32>
      %eq3A_3376 = arith.cmpi eq, %iota3A, %eq3A_3375 : vector<16xi32>
      %broadcast_in_dim3A_3377 = vector.broadcast %reduce_sum3A_3370 : f32 to vector<16xf32>
      %select_n3A_3378 = arith.select %eq3A_3376, %broadcast_in_dim3A_3377, %select_n3A_2977 : vector<16xi1>, vector<16xf32>
      %swap3A_3379 = arith.index_cast %select_n3A_1755 : i32 to index
      %swap3A_3380 = arith.constant 0 : index
      %swap3A_3381 = tpu.vector_load %arg14[%swap3A_3379, %swap3A_3380] {strides = array<i32>} : memref<8x16xf32, #tpu.memory_space<vmem>>, vector<16xf32>,
      tpu.vector_store %arg14[%swap3A_3379, %swap3A_3380], %select_n3A_3378 {strides = array<i32>} : memref<8x16xf32, #tpu.memory_space<vmem>>, vector<16xf32>,
    }
    %scan3A_24 = arith.constant 16 : i32
    %mul3A_25 = arith.constant 8 : i32
    %mul3A_26 = arith.muli %add3A, %mul3A_25 : i32
    "tpu.region"() ({
      %run_scoped3A = tpu.sem_alloc : memref<!tpu.dma_semaphore, #tpu.memory_space<semaphore_mem>>
      %dma_start3A_27 = arith.constant 0 : i32
      %dma_start3A_28 = tpu.memref_slice %arg6[%mul3A_26, %dma_start3A_27] : memref<256x16xf32, #tpu.memory_space<hbm>> -> memref<8x16xf32, #tpu.memory_space<hbm>>
      %dma_start3A_29 = arith.constant 0 : i32
      %dma_start3A_30 = tpu.memref_slice %arg6[%mul3A_26, %dma_start3A_29] : memref<256x16xf32, #tpu.memory_space<hbm>> -> memref<8x16xf32, #tpu.memory_space<hbm>>
      tpu.enqueue_dma source(%arg14 : memref<8x16xf32, #tpu.memory_space<vmem>>) target(%dma_start3A_30 : memref<8x16xf32, #tpu.memory_space<hbm>>) target_semaphore(%run_scoped3A : memref<!tpu.dma_semaphore, #tpu.memory_space<semaphore_mem>>)
      %dma_wait3A = arith.constant 0 : i32
      %dma_wait3A_31 = tpu.memref_slice %arg6[%mul3A_26, %dma_wait3A] : memref<256x16xf32, #tpu.memory_space<hbm>> -> memref<8x16xf32, #tpu.memory_space<hbm>>
      %dma_wait3A_32 = arith.constant 0 : i32
      %dma_wait3A_33 = tpu.memref_slice %arg6[%mul3A_26, %dma_wait3A_32] : memref<256x16xf32, #tpu.memory_space<hbm>> -> memref<8x16xf32, #tpu.memory_space<hbm>>
      tpu.wait_dma2 semaphore(%run_scoped3A : memref<!tpu.dma_semaphore, #tpu.memory_space<semaphore_mem>>) src(%arg14 : memref<8x16xf32, #tpu.memory_space<vmem>>) dst(%dma_wait3A_33 : memref<8x16xf32, #tpu.memory_space<hbm>>)
      tpu.yield
    }) : () -> ()
    return
  }
}

</mosaic_0001>

<sc_bundles>
// kernel: _sc_forward.3.cloned.1.call-start
scs
__scs_entry_jumppad:
0x0: {  	(pc) =	sbr.rel $0x88, $3  }
0x1: {  	(tag) =	ssettag $0x0;
	lr =	simm.s32 $0x1  }
0x2: {  	[smem:$0x3F9D] =	sst lr;
	_ =	strace $0xD0000000  }
0x3: {  	_ = 	snop  }
0x4: {  	_ = 	snop  }
0x5: {  	_ = 	snop  }
0x6: {  	_ = 	snop  }
0x7: {  	_ = 	snop  }
__scs_overlays_trampoline_lowered:
0x8: {  	[smem:$0x3FAC] =	sst s0  }
0x9: {  	[smem:$0x3FAD] =	sst s1  }
0xa: {  	[smem:$0x3FAE] =	sst s2  }
0xb: {  	[smem:$0x3FAF] =	sst s3  }
0xc: {  	[smem:$0x3FB0] =	sst s4  }
0xd: {  	[smem:$0x3FB1] =	sst s5  }
0xe: {  	[smem:$0x3FB2] =	sst s6  }
0xf: {  	[smem:$0x3FB3] =	sst s7  }
0x10: {  	[smem:$0x3FB4] =	sst s8  }
0x11: {  	[smem:$0x3FB5] =	sst s9;
	s0 =	simm.s32 @!p0 $0x0  }
0x12: {  	s1 =	sld [smem:$0x3F9B];
	s0 =	simm.s32 @p0 $0x1  }
0x13: {  	[smem:$0x3FB6] =	sst s0;
	s0 =	simm.s32 @!p1 $0x0  }
0x14: {  	s2 =	sld [smem:$0x3F9A];
	s0 =	simm.s32 @p1 $0x1  }
0x15: {  	[smem:$0x3FB7] =	sst s0;
	s0 =	simm.s32 @!p2 $0x0  }
0x16: {  	s3 =	sld [smem:$0x3FDB];
	s0 =	simm.s32 @p2 $0x1  }
0x17: {  	s4 =	simm.s32 $0x1BF5;
	[smem:$0x3FB9] =	sst s0  }
0x18: {  	s0 =	sld [smem:$0x3F9C];
	_ =	swait.ge [sflag:s4], $0x0  }
0x19: {  	s7 =	sld [smem:$0x3F9D]  }
0x1a: {  	s8 =	sadd.s32 $0xFFFFE003, lr  }
0x1b: {  	s9 =	sadd.s32 $0xFFFFFEF7, lr;
	s5 =	simm.s32 $0xFFFFFFFF;
	p2 =	slt.u32 s8, $0xFFFFF086  }
0x1c: {  	p1 =	slt.u32 s9, $0xF7A;
	s5 =	simm.s32 @!p2 $0x0  }
0x1d: {  	s5 =	simm.s32 @p1 $0x1;
	p0 =	seq.s32 s7, s2  }
0x1e: {  	s7 =	smul.u32 @!p0 $0xF7A, s2;
	p2 =	seq.s32 @!p0 s5, $0x0  }
0x1f: {  	s9 =	smul.u32 $0xF7A, s1;
	s8 =	simm.s32 @!p0 $0x1BF5;
	p2 =	por !p2, p0  }
0x20: {  	[sflag:s8] =	ssyncset.s32 @!p0 $0xFFFFF086;
	s6 =	sadd.s32 @!p0 s3, s7;
	s7 =	simm.s32 @!p0 $0x108  }
0x21: {  	s3 =	sadd.s32 s3, s9;
	s6 =	sadd.s32 @!p0 $0x88, s6;
	s7 =	simm.s32 @p2 $0x1082  }
0x22: {  	[simem:s7], [sflag:s8] =	dma.local @!p0 [hbm:s6], $0xF7A  }
0x23: {  	s9 =	sor.u32 $0xD0000000, s2;
	s6 =	simm.s32 $0x108;
	_ =	swait.ge @!p0 [sflag:s8], $0x0  }
0x24: {  	s3 =	sadd.s32 $0x88, s3;
	s6 =	simm.s32 @!p1 $0x1082;
	[sflag:s4] =	ssyncset.s32 $0xFFFFF086  }
0x25: {  	[simem:s6], [sflag:s4] =	dma.local [hbm:s3], $0xF7A  }
0x26: {  	[smem:$0x3F9D] =	sst s1;
	(tag) =	ssettag s2;
	_ =	strace s9  }
0x27: {  	s1 =	sld [smem:$0x3FAD]  }
0x28: {  	s2 =	sld [smem:$0x3FAE]  }
0x29: {  	s4 =	sld [smem:$0x3FB0]  }
0x2a: {  	p0 =	seq.s32 s5, $0x0;
	s5 =	sld [smem:$0x3FB1]  }
0x2b: {  	s6 =	sld [smem:$0x3FB2]  }
0x2c: {  	s7 =	sld [smem:$0x3FB3]  }
0x2d: {  	s3 =	simm.s32 $0x108;
	s8 =	sld [smem:$0x3FB4]  }
0x2e: {  	s3 =	simm.s32 @!p0 $0x1082;
	s9 =	sld [smem:$0x3FB5]  }
0x2f: {  	lr =	sadd.s32 s0, s3;
	s0 =	sld [smem:$0x3FAC]  }
0x30: {  	s3 =	sld [smem:$0x3FAF]  }
0x31: {  	[smem:$0x3FB8] =	sst s10  }
0x32: {  	s10 =	sld [smem:$0x3FB6];
	_ =	sdelay $0x3  }
0x33: {  	p0 =	seq.s32 s10, $0x1;
	s10 =	sld [smem:$0x3FB8];
	_ =	sdelay $0x3  }
0x34: {  	[smem:$0x3FB8] =	sst s10  }
0x35: {  	s10 =	sld [smem:$0x3FB7];
	_ =	sdelay $0x3  }
0x36: {  	p1 =	seq.s32 s10, $0x1;
	s10 =	sld [smem:$0x3FB8];
	_ =	sdelay $0x3  }
0x37: {  	[smem:$0x3FB8] =	sst s10  }
0x38: {  	s10 =	sld [smem:$0x3FB9]  }
0x39: {  	_ = 	snop;
	(pc) =	sbr.ind lr, $3  }
0x3a: {  	_ = 	snop  }
0x3b: {  	_ = 	snop  }
0x3c: {  	p2 =	seq.s32 s10, $0x1;
	s10 =	sld [smem:$0x3FB8]  }
0x3d: {  	_ =	shalt  }
0x3e: {  	_ =	shalt  }
0x3f: {  	_ =	shalt  }
0x40: {  	_ =	shalt  }
0x41: {  	_ =	shalt  }
0x42: {  	_ =	shalt  }
0x43: {  	_ =	shalt  }
0x44: {  	_ =	shalt  }
0x45: {  	_ =	shalt  }
0x46: {  	_ =	shalt  }
0x47: {  	_ =	shalt  }
0x48: {  	_ =	shalt  }
0x49: {  	_ =	shalt  }
0x4a: {  	_ =	shalt  }
0x4b: {  	_ =	shalt  }
0x4c: {  	_ =	shalt  }
0x4d: {  	_ =	shalt  }
0x4e: {  	_ =	shalt  }
0x4f: {  	_ =	shalt  }
0x50: {  	_ =	shalt  }
0x51: {  	_ =	shalt  }
0x52: {  	_ =	shalt  }
0x53: {  	_ =	shalt  }
0x54: {  	_ =	shalt  }
0x55: {  	_ =	shalt  }
0x56: {  	_ =	shalt  }
0x57: {  	_ =	shalt  }
0x58: {  	_ =	shalt  }
0x59: {  	_ =	shalt  }
0x5a: {  	_ =	shalt  }
0x5b: {  	_ =	shalt  }
0x5c: {  	_ =	shalt  }
0x5d: {  	_ =	shalt  }
0x5e: {  	_ =	shalt  }
0x5f: {  	_ =	shalt  }
0x60: {  	_ =	shalt  }
0x61: {  	_ =	shalt  }
0x62: {  	_ =	shalt  }
0x63: {  	_ =	shalt  }
0x64: {  	_ =	shalt  }
0x65: {  	_ =	shalt  }
0x66: {  	_ =	shalt  }
0x67: {  	_ =	shalt  }
0x68: {  	_ =	shalt  }
0x69: {  	_ =	shalt  }
0x6a: {  	_ =	shalt  }
0x6b: {  	_ =	shalt  }
0x6c: {  	_ =	shalt  }
0x6d: {  	_ =	shalt  }
0x6e: {  	_ =	shalt  }
0x6f: {  	_ =	shalt  }
0x70: {  	_ =	shalt  }
0x71: {  	_ =	shalt  }
0x72: {  	_ =	shalt  }
0x73: {  	_ =	shalt  }
0x74: {  	_ =	shalt  }
0x75: {  	_ =	shalt  }
0x76: {  	_ =	shalt  }
0x77: {  	_ =	shalt  }
0x78: {  	_ =	shalt  }
0x79: {  	_ =	shalt  }
0x7a: {  	_ =	shalt  }
0x7b: {  	_ =	shalt  }
0x7c: {  	_ =	shalt  }
0x7d: {  	_ =	shalt  }
0x7e: {  	_ =	shalt  }
0x7f: {  	_ =	shalt  }
0x80: {  	_ =	shalt  }
0x81: {  	_ =	shalt  }
0x82: {  	_ =	shalt  }
0x83: {  	_ =	shalt  }
0x84: {  	_ =	shalt  }
0x85: {  	_ =	shalt  }
0x86: {  	_ =	shalt  }
0x87: {  	_ =	shalt  }
.Lfunc_end0:
.L_simem_size_0:
called_computation_lowered:
.L_overlay_start_0:
0x88: {  	s2 =	sld [smem:$0x3FD9]  }
0x89: {  	s3 =	sld [smem:$0x3FFE];
	_ =	sdelay $0x1  }
0x8a: {  	s1 =	srdreg.scid  }
0x8b: {  	s0 =	sand.u32 $0x1, s1  }
0x8c: {  	s17 =	sshll.u32 s0, $0xA;
	s2 =	sadd.s32 s3, s2  }
0x8d: {  	s2 =	sadd.s32 s2, s17  }
0x8e: {  	[smem:$0x3FC4] =	sst s2  }
0x8f: {  	_ = 	snop  }
0x90: {  	s2 =	sld [smem:$0x3FD0];
	(tm) =	ssettm $0x1  }
0x91: {  	s18 =	sld [smem:$0x3FFB];
	_ =	sdelay $0x3  }
0x92: {  	_ =	strace s18  }
0x93: {  	s3 =	sld [smem:$0x3FFC];
	_ =	sdelay $0x3  }
0x94: {  	_ =	strace s3  }
0x95: {  	s3 =	sld [smem:$0x3FFD];
	_ =	sdelay $0x3  }
0x96: {  	_ =	strace s3  }
0x97: {  	_ =	strace $0x8FFFFFFF  }
0x98: {  	s19 =	sld [smem:$0x3FDB];
	_ =	sdelay $0x1  }
0x99: {  	s4 =	simm.s32 $_scs_section_size  }
0x9a: {  	s5 =	simm.s32 $_size__tile_overlayer_lowered;
	s6 =	simm.s32 $_tile_overlayer_lowered  }
0x9b: {  	s22 =	simm.s32 $0x1BFF;
	s21 =	sshll.u32 s6, $0x1;
	s3 =	sadd.s32 s4, s19  }
0x9c: {  	s7 =	simm.s32 $0x0;
	s20 =	sshll.u32 s5, $0x1;
	s5 =	sadd.s32 s21, s3  }
0x9d: {  	[timem:s7], [sflag:s22] =	dma.local [hbm:s5], s20  }
0x9e: {  	_ =	swait.ge [sflag:s22], s20  }
0x9f: {  	s4 =	ssub.s32 $0x0, s20;
	[sflag:s22] =	ssyncset.done $0x0  }
0xa0: {  	[sflag:s22] =	ssyncadd.s32 s4;
	_ =	sdelay $0x1  }
0xa1: {  	s23 =	simm.s32 $0x1B8B  }
0xa2: {  	_ =	swait.ge [sflag:s23], $0x1  }
0xa3: {  	[sflag:s23] =	ssyncset.done $0x0  }
0xa4: {  	s25 =	simm.s32 $0x1B8E;
	s24 =	sld [smem:$0x3FFE];
	[sflag:s23] =	ssyncadd.s32 $0xFFFFFFFF  }
0xa5: {  	s26 =	simm.s32 $execute0_lowered;
	[smem:$0x3FD2] =	sst s25  }
0xa6: {  	s5 =	sshll.u32 s26, $0x1;
	_ =	strace $0x80000046;
	[dreg:$0x1] =	wrdreg $0xFFFFFFFF  }
0xa7: {  	s28 =	simm.s32 $_size_execute0_lowered;
	s3 =	sadd.s32 s3, s5;
	[dreg:$0x0] =	wrdreg $0x0  }
0xa8: {  	s5 =	sshll.u32 s28, $0x1;
	[dreg:$0x2] =	wrdreg s3  }
0xa9: {  	[dreg:$0x3] =	wrdreg s5  }
0xaa: {  	[dreg:$0x4] =	wrdreg $0xC0  }
0xab: {  	_ =	task [dreg:s7], $0x5FFFF  }
0xac: {  	[dreg:$0x1] =	wrdreg $0xFFFFFFFF  }
0xad: {  	[dreg:$0x0] =	wrdreg $0x60  }
0xae: {  	[dreg:$0x2] =	wrdreg s24  }
0xaf: {  	[dreg:$0x3] =	wrdreg s2  }
0xb0: {  	[dreg:$0x4] =	wrdreg $0x9  }
0xb1: {  	_ =	task.clear_ibuf [dreg:s7], $0x5FFFF;
	_ =	strace $0x90000046  }
0xb2: {  	s29 =	simm.s32 $0x9;
	_ =	strace $0x80000048  }
0xb3: {  	_ =	swait.ge [sflag:s29], $0x1  }
0xb4: {  	[sflag:s29] =	ssyncadd.s32 $0xFFFFFFFF  }
0xb5: {  	_ =	strace $0x90000048  }
0xb6: {  	_ =	sfence  }
0xb7: {  	s30 =	sld [smem:$0x0];
	_ =	sdelay $0x2  }
0xb8: {  	s31 =	sshll.u32 s1, $0xD;
	s1 =	sshrl.u32 s1, $0x2  }
0xb9: {  	s3 =	sand.u32 $0x4000, s31;
	s1 =	sadd.s32 s1, s30  }
0xba: {  	s0 =	sor.u32 s3, s0;
	s1 =	sshll.u32 s1, $0x11  }
0xbb: {  	s0 =	sor.u32 s1, s0  }
0xbc: {  	s0 =	sadd.s32 $0x8F2B, s0  }
0xbd: {  	[sflag:s0] =	ssyncadd.remote.s32 $0x1  }
0xbe: {  	_ =	sfence.sel $0xFFFF  }
0xbf: {  	[dreg:$0x0] =	wrdreg $0xFFFFFFFF;
	(pc) =	sbr.abs _section_cstart, $3  }
0xc0: {  	[dreg:$0x1] =	wrdreg $0xFFFFFFFF  }
0xc1: {  	_ =	task.clear_ibuf [dreg:s7], $0x2FFFF;
	_ =	strace $0x9FFFFFFF  }
0xc2: {  	(tm) =	ssettm $0x7FFFFFFF  }
0xc3: {  	_ =	shalt  }
tec
execute0_lowered:
.L_overlay_start_1:
0x0: {  	(tag) =	ssettag $0x1  }
0x1: {  	s1 =	srdreg.scid;
	s5 =	rddreg [dreg:$0x0]  }
0x2: {  	s0 =	stileid.u32;
	s7 =	rddreg [dreg:$0x1]  }
0x3: {  	s2 =	simm.s32 $0x0;
	s11 =	simm.s32 $0xD00;
	s12 =	simm.s32 $0x1380  }
0x4: {  	s14 =	simm.s32 $0x2080;
	s13 =	simm.s32 $0x1A00;
	s15 =	simm.s32 $0x2D80  }
0x5: {  	s16 =	simm.s32 $0x1;
	s17 =	simm.s32 $0x2;
	s18 =	simm.s32 $0x3  }
0x6: {  	s19 =	simm.s32 $0x4;
	s20 =	simm.s32 $0x5;
	s21 =	simm.s32 $0x6  }
0x7: {  	s22 =	simm.s32 $0x3400;
	s6 =	sand.u32 $0x1, s1;
	s1 =	rddreg [dreg:$0x2]  }
0x8: {  	s23 =	simm.s32 $0x0;
	s31 =	sshll.u32 s0, $0x1;
	[smem:$0x7FF] =	sst s2  }
0x9: {  	s4 =	sadd.s32 $0x112B000, s5;
	s8 =	sor.u32 s6, s31;
	_ =	strace $0x80000047  }
0xa: {  	s6 =	ssub.s32 $0x2, s6;
	[dreg:$0x3] =	wrdreg s14;
	s3 =	smul.u32 $0x1A0, s8  }
0xb: {  	s14 =	simm.s32 $0x2700;
	s10 =	sshrl.u32 s6, $0x1;
	s8 =	sshll.u32 s8, $0x4  }
0xc: {  	s10 =	ssub.s32 s6, s10;
	s7 =	sadd.s32 s7, s8;
	s9 =	sadd.s32 s3, s5  }
0xd: {  	s3 =	sadd.s32 $0x1313600, s5;
	s5 =	sadd.s32 $0xF42A00, s5;
	s8 =	smax.u32 s10, $0x1  }
0xe: {  	s10 =	simm.s32 $0x68;
	s6 =	sadd.s32 $0x600, s9;
	s9 =	simm.s32 $0x7  }
.LBB2_1:
0xf: {  	[tilespmem:s2], [sflag:$0x7] =	stream.linear.gather [hbm4b:s6+s2], $0xD00, $0x38;
	[tilespmem:$0x3480] =	vst v63  }
0x10: {  	_ =	swait.ge [sflag:s9], $0xD00  }
0x11: {  	[sflag:s9] =	ssyncset.done $0x0  }
0x12: {  	[sflag:s9] =	ssyncadd.s32 $0xFFFFF300  }
0x13: {  	[tilespmem:s11], [sflag:$0x1] =	stream.indirect.gather [hbm4b:s3+s10], $0x10, s2, s10, $0xb8;
	[tilespmem:$0x3480] =	vst v63  }
0x14: {  	_ = 	snop  }
0x15: {  	[tilespmem:s12], [sflag:$0x2] =	stream.indirect.gather [hbm4b:s4+s10], $0x10, s2, s10, $0xb8;
	[tilespmem:$0x3480] =	vst v63  }
0x16: {  	s24 =	simm.s32 $0xD0;
	s25 =	simm.s32 $0x0;
	s26 =	simm.s32 $0x4  }
0x17: {  	[tilespmem:s13], [sflag:$0x3] =	stream.indirect.gather [hbm4b:s5+s10], $0x10, s2, s10, $0xb8;
	[tilespmem:$0x3480] =	vst v63  }
.LBB2_2:
0x18: {  	s28 =	rddreg [dreg:$0x3];
	s29 =	sadd.s32 $0xFFFFFF98, s24  }
0x19: {  	[tilespmem:s28], [sflag:$0x4] =	stream.indirect.gather [hbm4b:s3+s10], $0x10, s29, s10, $0xb8;
	[tilespmem:$0x3480] =	vst v63  }
0x1a: {  	_ = 	snop  }
0x1b: {  	[tilespmem:s14], [sflag:$0x5] =	stream.indirect.gather [hbm4b:s4+s10], $0x10, s29, s10, $0xb8;
	[tilespmem:$0x3480] =	vst v63  }
0x1c: {  	_ = 	snop  }
0x1d: {  	[tilespmem:s15], [sflag:$0x6] =	stream.indirect.gather [hbm4b:s5+s10], $0x10, s29, s10, $0xb8;
	[tilespmem:$0x3480] =	vst v63  }
0x1e: {  	_ =	swait.ge [sflag:s16], $0x680  }
0x1f: {  	[sflag:s16] =	ssyncset.done $0x0  }
0x20: {  	[sflag:s16] =	ssyncadd.s32 $0xFFFFF980  }
0x21: {  	_ =	swait.ge [sflag:s17], $0x680  }
0x22: {  	[sflag:s17] =	ssyncset.done $0x0  }
0x23: {  	[sflag:s17] =	ssyncadd.s32 $0xFFFFF980  }
0x24: {  	_ =	swait.ge [sflag:s18], $0x680  }
0x25: {  	s29 =	sand.u32 $0x1C0, s25;
	[sflag:s18] =	ssyncset.done $0x0  }
0x26: {  	s28 =	sshrl.u32 s29, $0x2;
	[sflag:s18] =	ssyncadd.s32 $0xFFFFF980  }
0x27: {  	v0 =	vld [tilespmem:s28+$0x3400]  }
0x28: {  	v6 =	vld [tilespmem:$0xD00]  }
0x29: {  	v7 =	vld [tilespmem:$0x1380]  }
0x2a: {  	v8 =	vld [tilespmem:$0x1A00]  }
0x2b: {  	v9 =	vld [tilespmem:$0xD10]  }
0x2c: {  	v10 =	vld [tilespmem:$0x1390]  }
0x2d: {  	v11 =	vld [tilespmem:$0x1A10]  }
0x2e: {  	v12 =	vld [tilespmem:$0xD20]  }
0x2f: {  	v13 =	vld [tilespmem:$0x13A0]  }
0x30: {  	v14 =	vld [tilespmem:$0x1A20]  }
0x31: {  	v15 =	vld [tilespmem:$0xD30]  }
0x32: {  	v16 =	vld [tilespmem:$0x13B0]  }
0x33: {  	v17 =	vld [tilespmem:$0x1A30]  }
0x34: {  	v18 =	vld [tilespmem:$0xD40]  }
0x35: {  	v19 =	vld [tilespmem:$0x13C0]  }
0x36: {  	v20 =	vld [tilespmem:$0x1A40]  }
0x37: {  	v21 =	vld [tilespmem:$0xD50]  }
0x38: {  	v22 =	vld [tilespmem:$0x13D0]  }
0x39: {  	v23 =	vld [tilespmem:$0x1A50]  }
0x3a: {  	v24 =	vld [tilespmem:$0xD60]  }
0x3b: {  	v25 =	vld [tilespmem:$0x13E0]  }
0x3c: {  	v26 =	vld [tilespmem:$0x1A60]  }
0x3d: {  	v27 =	vld [tilespmem:$0xD70]  }
0x3e: {  	v28 =	vld [tilespmem:$0x13F0]  }
0x3f: {  	v29 =	vld [tilespmem:$0x1A70]  }
0x40: {  	v30 =	vld [tilespmem:$0xD80]  }
0x41: {  	v31 =	vld [tilespmem:$0x1400]  }
0x42: {  	v32 =	vld [tilespmem:$0x1A80]  }
0x43: {  	v33 =	vld [tilespmem:$0xD90]  }
0x44: {  	v34 =	vld [tilespmem:$0x1410]  }
0x45: {  	v35 =	vld [tilespmem:$0x1A90]  }
0x46: {  	v36 =	vld [tilespmem:$0xDA0]  }
0x47: {  	v37 =	vld [tilespmem:$0x1420]  }
0x48: {  	v38 =	vld [tilespmem:$0x1AA0]  }
0x49: {  	v39 =	vld [tilespmem:$0xDB0]  }
0x4a: {  	v40 =	vld [tilespmem:$0x1430]  }
0x4b: {  	v41 =	vld [tilespmem:$0x1AB0]  }
0x4c: {  	v42 =	vld [tilespmem:$0xDC0]  }
0x4d: {  	v43 =	vld [tilespmem:$0x1440]  }
0x4e: {  	v44 =	vld [tilespmem:$0x1AC0]  }
0x4f: {  	v45 =	vld [tilespmem:$0xDD0]  }
0x50: {  	v46 =	vld [tilespmem:$0x1450]  }
0x51: {  	v47 =	vld [tilespmem:$0x1AD0]  }
0x52: {  	v48 =	vld [tilespmem:$0xDE0]  }
0x53: {  	v49 =	vld [tilespmem:$0x1460]  }
0x54: {  	v50 =	vld [tilespmem:$0x1AE0]  }
0x55: {  	v51 =	vld [tilespmem:$0xDF0]  }
0x56: {  	v52 =	vld [tilespmem:$0x1470]  }
0x57: {  	v63 =	vld [tilespmem:$0x1B50]  }
0x58: {  	v56 =	vld [tilespmem:$0x1AF0]  }
0x59: {  	v58 =	vld [tilespmem:$0xE00]  }
0x5a: {  	v59 =	vld [tilespmem:$0x1480]  }
0x5b: {  	v2 =	vld [tilespmem:$0x1B00]  }
0x5c: {  	[tilespmem:$0x1EF50] =	vst v63;
	v63 =	vld [tilespmem:$0xE60]  }
0x5d: {  	v1 =	vld [tilespmem:$0xE10]  }
0x5e: {  	v5 =	vld [tilespmem:$0x1B10]  }
0x5f: {  	v4 =	vld [tilespmem:$0xE20]  }
0x60: {  	v3 =	vld [tilespmem:$0x14A0]  }
0x61: {  	[tilespmem:$0x1EF60] =	vst v63;
	v63 =	vld [tilespmem:$0x14E0]  }
0x62: {  	v55 =	vld [tilespmem:$0x1B20]  }
0x63: {  	v54 =	vld [tilespmem:$0xE30]  }
0x64: {  	v53 =	vld [tilespmem:$0x14B0]  }
0x65: {  	v61 =	vld [tilespmem:$0x1B30]  }
0x66: {  	[tilespmem:$0x1EF70] =	vst v63;
	v63 =	vld [tilespmem:$0x1B60]  }
0x67: {  	v62 =	vld [tilespmem:$0x1B40]  }
0x68: {  	v60 =	vld [tilespmem:$0xE40]  }
0x69: {  	v57 =	vld [tilespmem:$0x14C0]  }
0x6a: {  	[tilespmem:$0x1F680] =	vst v0;
	v0 =	vld [tilespmem:$0x1490]  }
0x6b: {  	[tilespmem:$0x1EF80] =	vst v63;
	v63 =	vld [tilespmem:$0xE70]  }
0x6c: {  	[tilespmem:$0x1EF30] =	vst v62;
	v62 =	vld [tilespmem:$0xE50]  }
0x6d: {  	v6 =	vmul.f32 v7, v6;
	v7 =	vld [tilespmem:$0xEC0]  }
0x6e: {  	v18 =	vmul.f32 v19, v18;
	v19 =	vld [tilespmem:$0x1560]  }
0x6f: {  	v42 =	vmul.f32 v43, v42;
	v43 =	vld [tilespmem:$0x1C30]  }
0x70: {  	[tilespmem:$0x1EF90] =	vst v63;
	v63 =	vld [tilespmem:$0x14F0]  }
0x71: {  	v6 =	vmul.f32 v8, v6;
	v8 =	vld [tilespmem:$0x1BC0]  }
0x72: {  	[tilespmem:$0x1EF40] =	vst v62;
	v62 =	vld [tilespmem:$0x14D0]  }
0x73: {  	[tilespmem:$0x1F070] =	vst v7;
	v7 =	vmul.f32 v10, v9;
	v9 =	vld [tilespmem:$0x1540]  }
0x74: {  	[tilespmem:$0x1F0E0] =	vst v19;
	v19 =	vld [tilespmem:$0x1BF0]  }
0x75: {  	[tilespmem:$0x1EFA0] =	vst v63;
	v63 =	vld [tilespmem:$0x1B70]  }
0x76: {  	[tilespmem:$0x1F090] =	vst v8;
	v8 =	vmul.f32 v13, v12;
	v13 =	vld [tilespmem:$0xED0]  }
0x77: {  	[tilespmem:$0x1F1E0] =	vst v43;
	v43 =	vld [tilespmem:$0xF90]  }
0x78: {  	v12 =	vld [tilespmem:$0x1550]  }
0x79: {  	[tilespmem:$0x1F120] =	vst v19;
	v19 =	vld [tilespmem:$0xF50]  }
0x7a: {  	v7 =	vmul.f32 v11, v7;
	[tilespmem:$0x1EFB0] =	vst v63;
	v63 =	vld [tilespmem:$0xE80]  }
0x7b: {  	[tilespmem:$0x1F0A0] =	vst v13;
	v13 =	vmul.f32 v14, v8;
	v14 =	vmul.f32 v16, v15;
	v15 =	vld [tilespmem:$0x1BD0]  }
0x7c: {  	v6 =	vadd.f32 v7, v6;
	v16 =	vld [tilespmem:$0xEE0]  }
0x7d: {  	[tilespmem:$0x1F0B0] =	vst v12;
	v12 =	vld [tilespmem:$0x1BE0]  }
0x7e: {  	v6 =	vadd.f32 v13, v6;
	v13 =	vmul.f32 v20, v18;
	v20 =	vld [tilespmem:$0xF00]  }
0x7f: {  	[tilespmem:$0x1EFC0] =	vst v63;
	v63 =	vld [tilespmem:$0x1500]  }
0x80: {  	v17 =	vmul.f32 v17, v14;
	v18 =	vmul.f32 v25, v24;
	v24 =	vld [tilespmem:$0x1C00]  }
0x81: {  	v14 =	vmul.f32 v22, v21;
	v22 =	vmul.f32 v28, v27;
	v27 =	vld [tilespmem:$0xF10]  }
0x82: {  	v28 =	vld [tilespmem:$0x1590]  }
0x83: {  	v6 =	vadd.f32 v17, v6;
	v17 =	vmul.f32 v23, v14;
	v23 =	vld [tilespmem:$0x1580]  }
0x84: {  	[tilespmem:$0x1EFD0] =	vst v63;
	v63 =	vld [tilespmem:$0x1B80]  }
0x85: {  	v21 =	vmul.f32 v26, v18;
	v26 =	vmul.f32 v31, v30;
	v31 =	vld [tilespmem:$0x1C10]  }
0x86: {  	v30 =	vmul.f32 v34, v33;
	v34 =	vmul.f32 v37, v36;
	v36 =	vld [tilespmem:$0x1C20]  }
0x87: {  	v18 =	vmul.f32 v49, v48;
	v48 =	vld [tilespmem:$0x15E0]  }
0x88: {  	v25 =	vmul.f32 v29, v22;
	v22 =	vmul.f32 v52, v51;
	v51 =	vld [tilespmem:$0xF70]  }
0x89: {  	[tilespmem:$0x1EFE0] =	vst v63;
	v63 =	vld [tilespmem:$0xE90]  }
0x8a: {  	v49 =	vld [tilespmem:$0x15F0]  }
0x8b: {  	v14 =	vmul.f32 v46, v45;
	v46 =	vld [tilespmem:$0x1C70]  }
0x8c: {  	v45 =	vld [tilespmem:$0x1C80]  }
0x8d: {  	[tilespmem:$0x1F0C0] =	vst v15;
	v15 =	vld [tilespmem:$0xEF0]  }
0x8e: {  	[tilespmem:$0x1EFF0] =	vst v63;
	v63 =	vld [tilespmem:$0x1510]  }
0x8f: {  	[tilespmem:$0x1F0D0] =	vst v16;
	v16 =	vld [tilespmem:$0x1570]  }
0x90: {  	[tilespmem:$0x1F0F0] =	vst v12;
	v12 =	vld [tilespmem:$0xF40];
	v6 =	vadd.f32 v13, v6  }
0x91: {  	v29 =	vmul.f32 v32, v26;
	v32 =	vld [tilespmem:$0xF20]  }
0x92: {  	v33 =	vmul.f32 v35, v30;
	v35 =	vld [tilespmem:$0x15A0];
	v6 =	vadd.f32 v17, v6  }
0x93: {  	[tilespmem:$0x1F000] =	vst v63;
	v63 =	vld [tilespmem:$0x1B90]  }
0x94: {  	v37 =	vmul.f32 v38, v34;
	v38 =	vmul.f32 v40, v39;
	v39 =	vld [tilespmem:$0xF30];
	v6 =	vadd.f32 v21, v6  }
0x95: {  	v40 =	vld [tilespmem:$0x15B0]  }
0x96: {  	v26 =	vmul.f32 v59, v58;
	v58 =	vld [tilespmem:$0x1C60];
	v6 =	vadd.f32 v25, v6  }
0x97: {  	[tilespmem:$0x1F080] =	vst v9;
	v13 =	vmul.f32 v44, v42;
	v42 =	vld [tilespmem:$0x1600]  }
0x98: {  	v6 =	vadd.f32 v29, v6;
	[tilespmem:$0x1F010] =	vst v63;
	v63 =	vld [tilespmem:$0xEA0]  }
0x99: {  	[tilespmem:$0x1F220] =	vst v19;
	v34 =	vld [tilespmem:$0x1EF40]  }
0x9a: {  	[tilespmem:$0x1F130] =	vst v20;
	v20 =	vld [tilespmem:$0x15D0];
	v6 =	vadd.f32 v33, v6  }
0x9b: {  	[tilespmem:$0x1F150] =	vst v24;
	v24 =	vld [tilespmem:$0xF60]  }
0x9c: {  	[tilespmem:$0x1F160] =	vst v27;
	v41 =	vmul.f32 v41, v38;
	v17 =	vmul.f32 v47, v14;
	v47 =	vld [tilespmem:$0xF80];
	v6 =	vadd.f32 v37, v6  }
0x9d: {  	[tilespmem:$0x1F020] =	vst v63;
	v63 =	vld [tilespmem:$0x1520]  }
0x9e: {  	[tilespmem:$0x1F170] =	vst v28;
	v38 =	vld [tilespmem:$0xFA0];
	v6 =	vadd.f32 v41, v6  }
0x9f: {  	[tilespmem:$0x1F140] =	vst v23;
	v23 =	vld [tilespmem:$0x1C50]  }
0xa0: {  	[tilespmem:$0x1F1B0] =	vst v36;
	v36 =	vld [tilespmem:$0x1EF60];
	v6 =	vadd.f32 v13, v6  }
0xa1: {  	[tilespmem:$0x1F180] =	vst v31;
	v44 =	vld [tilespmem:$0x1EF90]  }
0xa2: {  	v21 =	vmul.f32 v50, v18;
	v6 =	vadd.f32 v17, v6;
	[tilespmem:$0x1F030] =	vst v63;
	v63 =	vld [tilespmem:$0x1BA0]  }
0xa3: {  	[tilespmem:$0x1F100] =	vst v15;
	v15 =	vld [tilespmem:$0x15C0]  }
0xa4: {  	[tilespmem:$0x1F110] =	vst v16;
	v16 =	vld [tilespmem:$0x1C40];
	v25 =	vmul.f32 v56, v22;
	v6 =	vadd.f32 v21, v6  }
0xa5: {  	[tilespmem:$0x1F1D0] =	vst v40;
	v40 =	vld [tilespmem:$0x1610]  }
0xa6: {  	v0 =	vmul.f32 v0, v1;
	v2 =	vmul.f32 v2, v26;
	[tilespmem:$0x1F1A0] =	vst v35;
	v35 =	vld [tilespmem:$0x1EF50];
	v6 =	vadd.f32 v25, v6  }
0xa7: {  	[tilespmem:$0x1F060] =	vst v63;
	v63 =	vld [tilespmem:$0xEB0]  }
0xa8: {  	v0 =	vmul.f32 v5, v0;
	v28 =	vmul.f32 v3, v4;
	[tilespmem:$0x1F1C0] =	vst v39;
	v39 =	vld [tilespmem:$0x1EF80];
	v27 =	vadd.f32 v2, v6  }
0xa9: {  	[tilespmem:$0x1F1F0] =	vst v12;
	v33 =	vld [tilespmem:$0x1EF30]  }
0xaa: {  	v30 =	vmul.f32 v53, v54;
	[tilespmem:$0x1F190] =	vst v32;
	v29 =	vmul.f32 v55, v28;
	v28 =	vld [tilespmem:$0x1620];
	v0 =	vadd.f32 v0, v27  }
0xab: {  	[tilespmem:$0x1F230] =	vst v20;
	v37 =	vld [tilespmem:$0x1EF70]  }
0xac: {  	v31 =	vmul.f32 v61, v30;
	v32 =	vmul.f32 v57, v60;
	v0 =	vadd.f32 v29, v0;
	[tilespmem:$0x1F040] =	vst v63;
	v63 =	vld [tilespmem:$0x1530]  }
0xad: {  	[tilespmem:$0x1F250] =	vst v24;
	v50 =	vld [tilespmem:$0x1EFA0]  }
0xae: {  	[tilespmem:$0x1F240] =	vst v23;
	v41 =	vld [tilespmem:$0x1C90];
	v1 =	vmul.f32 v33, v32;
	v2 =	vmul.f32 v62, v34;
	v0 =	vadd.f32 v31, v0  }
0xaf: {  	[tilespmem:$0x1F200] =	vst v15;
	v29 =	vld [tilespmem:$0xFB0]  }
0xb0: {  	[tilespmem:$0x1F210] =	vst v16;
	v0 =	vadd.f32 v1, v0;
	v1 =	vmul.f32 v35, v2;
	v2 =	vmul.f32 v37, v36;
	v36 =	vld [tilespmem:$0x1CA0]  }
0xb1: {  	[tilespmem:$0x1F050] =	vst v63;
	v63 =	vld [tilespmem:$0x1BB0]  }
0xb2: {  	v24 =	vld [tilespmem:$0x1630]  }
0xb3: {  	v52 =	vld [tilespmem:$0x1EFB0]  }
0xb4: {  	v53 =	vld [tilespmem:$0x1EFC0]  }
0xb5: {  	v54 =	vld [tilespmem:$0x1EFD0]  }
0xb6: {  	v25 =	vld [tilespmem:$0x1CB0]  }
0xb7: {  	v26 =	vld [tilespmem:$0xFC0]  }
0xb8: {  	v55 =	vld [tilespmem:$0x1EFE0]  }
0xb9: {  	v56 =	vld [tilespmem:$0x1EFF0]  }
0xba: {  	v57 =	vld [tilespmem:$0x1F000]  }
0xbb: {  	v5 =	vld [tilespmem:$0x1640]  }
0xbc: {  	v21 =	vld [tilespmem:$0x1CC0]  }
0xbd: {  	v59 =	vld [tilespmem:$0x1F010]  }
0xbe: {  	v7 =	vld [tilespmem:$0xFD0]  }
0xbf: {  	v16 =	vld [tilespmem:$0x1CD0]  }
0xc0: {  	v9 =	vld [tilespmem:$0xFE0]  }
0xc1: {  	v4 =	vld [tilespmem:$0x1660]  }
0xc2: {  	v22 =	vld [tilespmem:$0x1CE0]  }
0xc3: {  	v23 =	vld [tilespmem:$0xFF0]  }
0xc4: {  	v10 =	vld [tilespmem:$0x1670]  }
0xc5: {  	v32 =	vld [tilespmem:$0x1CF0]  }
0xc6: {  	v11 =	vld [tilespmem:$0x1000]  }
0xc7: {  	v8 =	vld [tilespmem:$0x1680]  }
0xc8: {  	v33 =	vld [tilespmem:$0x1D00]  }
0xc9: {  	v17 =	vld [tilespmem:$0x1010]  }
0xca: {  	v12 =	vld [tilespmem:$0x1690]  }
0xcb: {  	v30 =	vld [tilespmem:$0x1D10]  }
0xcc: {  	v13 =	vld [tilespmem:$0x1020]  }
0xcd: {  	v6 =	vld [tilespmem:$0x16A0]  }
0xce: {  	v31 =	vld [tilespmem:$0x1D20]  }
0xcf: {  	v18 =	vld [tilespmem:$0x1030]  }
0xd0: {  	v14 =	vld [tilespmem:$0x16B0]  }
0xd1: {  	v34 =	vld [tilespmem:$0x1D30]  }
0xd2: {  	v19 =	vld [tilespmem:$0x1040]  }
0xd3: {  	v15 =	vld [tilespmem:$0x16C0]  }
0xd4: {  	v35 =	vld [tilespmem:$0x1D40]  }
0xd5: {  	v27 =	vld [tilespmem:$0x1050]  }
0xd6: {  	v20 =	vld [tilespmem:$0x16D0]  }
0xd7: {  	v37 =	vld [tilespmem:$0x1D50]  }
0xd8: {  	v0 =	vadd.f32 v1, v0;
	v1 =	vmul.f32 v39, v2;
	v2 =	vmul.f32 v50, v44;
	v62 =	vld [tilespmem:$0x1D70]  }
0xd9: {  	v44 =	vld [tilespmem:$0x1060]  }
0xda: {  	v0 =	vadd.f32 v1, v0;
	v1 =	vmul.f32 v52, v2;
	v2 =	vmul.f32 v54, v53;
	v53 =	vld [tilespmem:$0x1080]  }
0xdb: {  	v54 =	vld [tilespmem:$0x1D80]  }
0xdc: {  	v3 =	vmul.f32 v57, v56;
	v57 =	vld [tilespmem:$0x1710]  }
0xdd: {  	[tilespmem:$0x1F260] =	vst v62;
	v62 =	vld [tilespmem:$0x1720]  }
0xde: {  	v2 =	vmul.f32 v55, v2;
	v55 =	vld [tilespmem:$0x1090]  }
0xdf: {  	v1 =	vadd.f32 v1, v0;
	[tilespmem:$0x1F270] =	vst v53;
	v53 =	vld [tilespmem:$0x1DA0]  }
0xe0: {  	[tilespmem:$0x1F280] =	vst v54;
	v54 =	vld [tilespmem:$0x10B0]  }
0xe1: {  	v60 =	vmul.f32 v59, v3;
	v2 =	vadd.f32 v2, v1;
	[tilespmem:$0x1F2A0] =	vst v57;
	v57 =	vld [tilespmem:$0x1DB0]  }
0xe2: {  	[tilespmem:$0x1F2D0] =	vst v62;
	v62 =	vld [tilespmem:$0x1DC0]  }
0xe3: {  	v2 =	vadd.f32 v60, v2;
	v60 =	vld [tilespmem:$0x1D90]  }
0xe4: {  	[tilespmem:$0x1F290] =	vst v55;
	v55 =	vld [tilespmem:$0x1730]  }
0xe5: {  	[tilespmem:$0x1F2E0] =	vst v53;
	v53 =	vld [tilespmem:$0x10D0]  }
0xe6: {  	(xrf2) =	vadd.scan.msk.f32 $0xffff, v2;
	[tilespmem:$0x1F2F0] =	vst v54;
	v54 =	vld [tilespmem:$0x1750]  }
0xe7: {  	[tilespmem:$0x1F310] =	vst v57;
	v57 =	vld [tilespmem:$0x10E0]  }
0xe8: {  	[tilespmem:$0x1F340] =	vst v62;
	v62 =	vld [tilespmem:$0x10F0]  }
0xe9: {  	[tilespmem:$0x1F2B0] =	vst v60;
	v60 =	vld [tilespmem:$0x10C0]  }
0xea: {  	[tilespmem:$0x1F300] =	vst v55;
	v55 =	vld [tilespmem:$0x1DD0]  }
0xeb: {  	[tilespmem:$0x1F350] =	vst v53;
	v53 =	vld [tilespmem:$0x1770]  }
0xec: {  	[tilespmem:$0x1F360] =	vst v54;
	v54 =	vld [tilespmem:$0x1DF0]  }
0xed: {  	[tilespmem:$0x1F380] =	vst v57;
	v57 =	vld [tilespmem:$0x1780]  }
0xee: {  	[tilespmem:$0x1F3B0] =	vst v62;
	v62 =	vld [tilespmem:$0x1790]  }
0xef: {  	[tilespmem:$0x1F320] =	vst v60;
	v60 =	vld [tilespmem:$0x1760]  }
0xf0: {  	[tilespmem:$0x1F370] =	vst v55;
	v55 =	vld [tilespmem:$0x1100];
	v61, _, _ =	vpop (xrf2)  }
0xf1: {  	[tilespmem:$0x1F670] =	vst v61;
	v61 =	vld [tilespmem:$0x10A0]  }
0xf2: {  	[tilespmem:$0x1F3C0] =	vst v53;
	v53 =	vld [tilespmem:$0x1E10]  }
0xf3: {  	[tilespmem:$0x1F3D0] =	vst v54;
	v54 =	vld [tilespmem:$0x1120]  }
0xf4: {  	[tilespmem:$0x1F3F0] =	vst v57;
	v57 =	vld [tilespmem:$0x1E20]  }
0xf5: {  	[tilespmem:$0x1F420] =	vst v62;
	v62 =	vld [tilespmem:$0x1E30]  }
0xf6: {  	[tilespmem:$0x1F2C0] =	vst v61;
	v61 =	vld [tilespmem:$0x1740]  }
0xf7: {  	[tilespmem:$0x1F390] =	vst v60;
	v60 =	vld [tilespmem:$0x1E00]  }
0xf8: {  	[tilespmem:$0x1F3E0] =	vst v55;
	v55 =	vld [tilespmem:$0x17A0]  }
0xf9: {  	[tilespmem:$0x1F430] =	vst v53;
	v53 =	vld [tilespmem:$0x1140]  }
0xfa: {  	[tilespmem:$0x1F440] =	vst v54;
	v54 =	vld [tilespmem:$0x17C0]  }
0xfb: {  	[tilespmem:$0x1F330] =	vst v61;
	v61 =	vld [tilespmem:$0x1DE0]  }
0xfc: {  	[tilespmem:$0x1F460] =	vst v57;
	v57 =	vld [tilespmem:$0x1150]  }
0xfd: {  	[tilespmem:$0x1F490] =	vst v62;
	v62 =	vld [tilespmem:$0x1160]  }
0xfe: {  	[tilespmem:$0x1F400] =	vst v60;
	v60 =	vld [tilespmem:$0x1130]  }
0xff: {  	[tilespmem:$0x1F450] =	vst v55;
	v55 =	vld [tilespmem:$0x1E40]  }
0x100: {  	[tilespmem:$0x1F3A0] =	vst v61;
	v61 =	vld [tilespmem:$0x1110]  }
0x101: {  	[tilespmem:$0x1F4A0] =	vst v53;
	v53 =	vld [tilespmem:$0x17E0]  }
0x102: {  	[tilespmem:$0x1F4B0] =	vst v54;
	v54 =	vld [tilespmem:$0x1E60]  }
0x103: {  	[tilespmem:$0x1F4D0] =	vst v57;
	v57 =	vld [tilespmem:$0x17F0]  }
0x104: {  	[tilespmem:$0x1F500] =	vst v62;
	v62 =	vld [tilespmem:$0x1F020]  }
0x105: {  	[tilespmem:$0x1F410] =	vst v61;
	v61 =	vld [tilespmem:$0x17B0]  }
0x106: {  	[tilespmem:$0x1F470] =	vst v60;
	v60 =	vld [tilespmem:$0x17D0]  }
0x107: {  	[tilespmem:$0x1F4C0] =	vst v55;
	v55 =	vld [tilespmem:$0x1170]  }
0x108: {  	[tilespmem:$0x1F510] =	vst v53;
	v53 =	vld [tilespmem:$0x1F030]  }
0x109: {  	[tilespmem:$0x1F540] =	vst v57;
	v57 =	vld [tilespmem:$0x1F050]  }
0x10a: {  	[tilespmem:$0x1F480] =	vst v61;
	v61 =	vld [tilespmem:$0x1E50]  }
0x10b: {  	[tilespmem:$0x1F4E0] =	vst v60;
	v60 =	vld [tilespmem:$0x1E70]  }
0x10c: {  	[tilespmem:$0x1F530] =	vst v55;
	v55 =	vld [tilespmem:$0x1F040]  }
0x10d: {  	v39 =	vld [tilespmem:$0x16E0]  }
0x10e: {  	[tilespmem:$0x1F520] =	vst v54;
	v54 =	vld [tilespmem:$0x1800]  }
0x10f: {  	[tilespmem:$0x1F4F0] =	vst v61;
	v61 =	vld [tilespmem:$0x1180]  }
0x110: {  	v53 =	vmul.f32 v53, v62;
	v62 =	vld [tilespmem:$0x1F060]  }
0x111: {  	v50 =	vld [tilespmem:$0x16F0];
	[tilespmem:$0x1F550] =	vst v60;
	v60 =	vmul.f32 v57, v55  }
0x112: {  	v57 =	vld [tilespmem:$0x1F070]  }
0x113: {  	[tilespmem:$0x1F570] =	vst v54;
	v54 =	vmul.f32 v63, v60;
	v60 =	vld [tilespmem:$0x1F080]  }
0x114: {  	[tilespmem:$0x1F560] =	vst v61;
	v61 =	vld [tilespmem:$0x1E80]  }
0x115: {  	v49 =	vmul.f32 v49, v51;
	v51 =	vld [tilespmem:$0x1210];
	v53 =	vmul.f32 v62, v53  }
0x116: {  	v42 =	vmul.f32 v42, v47;
	v47 =	vld [tilespmem:$0x1F10]  }
0x117: {  	v53 =	vadd.f32 v54, v53;
	v54 =	vld [tilespmem:$0x1F090]  }
0x118: {  	v46 =	vmul.f32 v46, v49;
	v49 =	vld [tilespmem:$0x1220]  }
0x119: {  	[tilespmem:$0x1F580] =	vst v61;
	v61 =	vmul.f32 v60, v57;
	v57 =	vld [tilespmem:$0x1F0A0]  }
0x11a: {  	v60 =	vld [tilespmem:$0x1F0B0]  }
0x11b: {  	v42 =	vmul.f32 v45, v42;
	v45 =	vld [tilespmem:$0x1F20]  }
0x11c: {  	v28 =	vmul.f32 v28, v38;
	v38 =	vld [tilespmem:$0x1230];
	v54 =	vmul.f32 v54, v61  }
0x11d: {  	v62 =	vld [tilespmem:$0x1810]  }
0x11e: {  	v53 =	vadd.f32 v54, v53;
	v54 =	vld [tilespmem:$0x1F0C0]  }
0x11f: {  	v61 =	vmul.f32 v60, v57;
	v57 =	vld [tilespmem:$0x1F0D0]  }
0x120: {  	v60 =	vld [tilespmem:$0x1F0E0]  }
0x121: {  	v28 =	vmul.f32 v36, v28;
	v36 =	vld [tilespmem:$0x1240]  }
0x122: {  	v52 =	vld [tilespmem:$0x1D60]  }
0x123: {  	v63 =	vld [tilespmem:$0x1E90]  }
0x124: {  	[tilespmem:$0x1F5A0] =	vst v62;
	v62 =	vld [tilespmem:$0x11A0]  }
0x125: {  	v54 =	vmul.f32 v54, v61;
	v61 =	vmul.f32 v60, v57;
	v57 =	vld [tilespmem:$0x1F100]  }
0x126: {  	v60 =	vld [tilespmem:$0x1F110]  }
0x127: {  	v53 =	vadd.f32 v54, v53;
	v54 =	vld [tilespmem:$0x1F0F0]  }
0x128: {  	v56 =	vld [tilespmem:$0x1070]  }
0x129: {  	v24 =	vmul.f32 v24, v29;
	v29 =	vld [tilespmem:$0x1F30]  }
0x12a: {  	[tilespmem:$0x1F5B0] =	vst v63;
	v63 =	vld [tilespmem:$0x1820]  }
0x12b: {  	[tilespmem:$0x1F5C0] =	vst v62;
	v62 =	vld [tilespmem:$0x1EA0]  }
0x12c: {  	v54 =	vmul.f32 v54, v61;
	v61 =	vmul.f32 v60, v57;
	v57 =	vld [tilespmem:$0x1F130]  }
0x12d: {  	v60 =	vld [tilespmem:$0x1F140]  }
0x12e: {  	v53 =	vadd.f32 v54, v53;
	v54 =	vld [tilespmem:$0x1F120]  }
0x12f: {  	v5 =	vmul.f32 v5, v26;
	v26 =	vld [tilespmem:$0x1F40]  }
0x130: {  	[tilespmem:$0x1F5D0] =	vst v63;
	v63 =	vld [tilespmem:$0x11B0]  }
0x131: {  	[tilespmem:$0x1F5E0] =	vst v62;
	v62 =	vld [tilespmem:$0x1830]  }
0x132: {  	v4 =	vmul.f32 v4, v9;
	v9 =	vld [tilespmem:$0x1F50]  }
0x133: {  	v54 =	vmul.f32 v54, v61;
	v61 =	vmul.f32 v60, v57;
	v57 =	vld [tilespmem:$0x1F150]  }
0x134: {  	v23 =	vmul.f32 v10, v23;
	v10 =	vld [tilespmem:$0x18E0]  }
0x135: {  	[tilespmem:$0x1F5F0] =	vst v63;
	v63 =	vld [tilespmem:$0x1EB0]  }
0x136: {  	[tilespmem:$0x1F600] =	vst v62;
	v62 =	vld [tilespmem:$0x11C0]  }
0x137: {  	v60 =	vld [tilespmem:$0x1F160]  }
0x138: {  	v53 =	vadd.f32 v54, v53;
	v54 =	vmul.f32 v57, v61;
	v61 =	vld [tilespmem:$0x1F170]  }
0x139: {  	v8 =	vmul.f32 v8, v11;
	v11 =	vld [tilespmem:$0x1F60]  }
0x13a: {  	v6 =	vmul.f32 v6, v13;
	v13 =	vld [tilespmem:$0x18F0]  }
0x13b: {  	[tilespmem:$0x1F610] =	vst v63;
	v63 =	vld [tilespmem:$0x1840]  }
0x13c: {  	v3 =	vld [tilespmem:$0x1650]  }
0x13d: {  	[tilespmem:$0x1F620] =	vst v62;
	v62 =	vmul.f32 v61, v60;
	v60 =	vld [tilespmem:$0x1F180]  }
0x13e: {  	v59 =	vld [tilespmem:$0x1700]  }
0x13f: {  	v0 =	vld [tilespmem:$0x1F220]  }
0x140: {  	[tilespmem:$0x1F630] =	vst v63;
	v63 =	vld [tilespmem:$0x1EC0]  }
0x141: {  	v61 =	vld [tilespmem:$0x1F190]  }
0x142: {  	v53 =	vadd.f32 v54, v53;
	v54 =	vmul.f32 v60, v62;
	v62 =	vld [tilespmem:$0x1F1A0]  }
0x143: {  	v5 =	vmul.f32 v21, v5;
	v21 =	vld [tilespmem:$0x18D0]  }
0x144: {  	v4 =	vmul.f32 v22, v4;
	v22 =	vld [tilespmem:$0x1290]  }
0x145: {  	v6 =	vmul.f32 v31, v6;
	v31 =	vld [tilespmem:$0x1FB0]  }
0x146: {  	v24 =	vmul.f32 v25, v24;
	v25 =	vld [tilespmem:$0x1940]  }
0x147: {  	[tilespmem:$0x1F640] =	vst v63;
	v63 =	vmul.f32 v62, v61;
	v61 =	vld [tilespmem:$0x1F1B0]  }
0x148: {  	v1 =	vld [tilespmem:$0x1200]  }
0x149: {  	v3 =	vmul.f32 v3, v7;
	v7 =	vld [tilespmem:$0x1250]  }
0x14a: {  	v55 =	vld [tilespmem:$0x1190]  }
0x14b: {  	v62 =	vld [tilespmem:$0x1F1C0]  }
0x14c: {  	v53 =	vadd.f32 v54, v53;
	v54 =	vmul.f32 v61, v63;
	v63 =	vld [tilespmem:$0x1F1D0]  }
0x14d: {  	v2 =	vld [tilespmem:$0x1F00]  }
0x14e: {  	v53 =	vadd.f32 v54, v53;
	v54 =	vld [tilespmem:$0x1F1E0]  }
0x14f: {  	v57 =	vld [tilespmem:$0x11D0]  }
0x150: {  	v3 =	vmul.f32 v16, v3;
	v16 =	vld [tilespmem:$0x1260]  }
0x151: {  	[tilespmem:$0x1F590] =	vst v55;
	v60 =	vld [tilespmem:$0x1850];
	v55 =	vmul.f32 v63, v62  }
0x152: {  	v62 =	vld [tilespmem:$0x1F1F0]  }
0x153: {  	v63 =	vld [tilespmem:$0x1F200];
	v54 =	vmul.f32 v54, v55  }
0x154: {  	[tilespmem:$0x1F650] =	vst v57;
	v57 =	vld [tilespmem:$0x11E0]  }
0x155: {  	v40 =	vmul.f32 v40, v43;
	v53 =	vadd.f32 v54, v53;
	v54 =	vld [tilespmem:$0x1F210]  }
0x156: {  	[tilespmem:$0x1F660] =	vst v60;
	v60 =	vld [tilespmem:$0x1860]  }
0x157: {  	v40 =	vmul.f32 v41, v40;
	v41 =	vld [tilespmem:$0x1F370]  }
0x158: {  	v43 =	vld [tilespmem:$0x1F390];
	v55 =	vmul.f32 v63, v62  }
0x159: {  	v61 =	vld [tilespmem:$0x1EE0]  }
0x15a: {  	v54 =	vmul.f32 v54, v55;
	v55 =	vld [tilespmem:$0x1F230]  }
0x15b: {  	v8 =	vmul.f32 v33, v8;
	v33 =	vmul.f32 v60, v57;
	v60 =	vld [tilespmem:$0x1F2F0]  }
0x15c: {  	v53 =	vadd.f32 v54, v53;
	v54 =	vld [tilespmem:$0x1F240]  }
0x15d: {  	v62 =	vld [tilespmem:$0x11F0]  }
0x15e: {  	v15 =	vmul.f32 v15, v19;
	v63 =	vld [tilespmem:$0x1870]  }
0x15f: {  	v19 =	vmul.f32 v61, v33;
	v61 =	vld [tilespmem:$0x1F300];
	v55 =	vmul.f32 v55, v0  }
0x160: {  	v33 =	vld [tilespmem:$0x1F330]  }
0x161: {  	v54 =	vmul.f32 v54, v55;
	v55 =	vld [tilespmem:$0x1F250]  }
0x162: {  	v15 =	vmul.f32 v35, v15;
	v0 =	vld [tilespmem:$0x1EF0]  }
0x163: {  	v35 =	vmul.f32 v63, v62;
	v63 =	vmul.f32 v21, v7;
	v7 =	vld [tilespmem:$0x12D0]  }
0x164: {  	v21 =	vld [tilespmem:$0x1F310]  }
0x165: {  	v53 =	vadd.f32 v54, v53;
	v54 =	vld [tilespmem:$0x1890]  }
0x166: {  	v48 =	vmul.f32 v48, v55;
	v55 =	vld [tilespmem:$0x1880]  }
0x167: {  	v0 =	vmul.f32 v0, v35;
	v35 =	vmul.f32 v10, v16;
	v16 =	vld [tilespmem:$0x1FF0]  }
0x168: {  	v48 =	vmul.f32 v58, v48;
	v58 =	vld [tilespmem:$0x18C0]  }
0x169: {  	v0 =	vadd.f32 v0, v19;
	v19 =	vld [tilespmem:$0x1920]  }
0x16a: {  	v48 =	vadd.f32 v48, v53;
	v53 =	vld [tilespmem:$0x18B0]  }
0x16b: {  	v1 =	vmul.f32 v55, v1;
	v55 =	vld [tilespmem:$0x1F2C0]  }
0x16c: {  	v46 =	vadd.f32 v46, v48;
	v48 =	vld [tilespmem:$0x18A0]  }
0x16d: {  	v58 =	vmul.f32 v58, v36;
	v36 =	vld [tilespmem:$0x1F340]  }
0x16e: {  	v42 =	vadd.f32 v42, v46;
	v46 =	vld [tilespmem:$0x1F270]  }
0x16f: {  	v62 =	vmul.f32 v26, v58;
	v26 =	vld [tilespmem:$0x1F320]  }
0x170: {  	v53 =	vmul.f32 v53, v38;
	v38 =	vld [tilespmem:$0x1F360]  }
0x171: {  	v58 =	vld [tilespmem:$0x1F420]  }
0x172: {  	v40 =	vadd.f32 v40, v42;
	v42 =	vmul.f32 v54, v51;
	v51 =	vld [tilespmem:$0x1F2A0]  }
0x173: {  	v54 =	vld [tilespmem:$0x1F2B0]  }
0x174: {  	v48 =	vmul.f32 v48, v49;
	v49 =	vld [tilespmem:$0x1F280]  }
0x175: {  	v57 =	vmul.f32 v29, v53;
	v29 =	vld [tilespmem:$0x1FC0]  }
0x176: {  	v53 =	vld [tilespmem:$0x1F3F0]  }
0x177: {  	v28 =	vadd.f32 v28, v40;
	v40 =	vmul.f32 v50, v56;
	v50 =	vld [tilespmem:$0x1F290]  }
0x178: {  	v1 =	vmul.f32 v2, v1;
	v56 =	vld [tilespmem:$0x1F2D0]  }
0x179: {  	v47 =	vmul.f32 v47, v42;
	v42 =	vld [tilespmem:$0x1F380]  }
0x17a: {  	v0 =	vadd.f32 v1, v0;
	v24 =	vadd.f32 v24, v28;
	v28 =	vmul.f32 v12, v17;
	v12 =	vld [tilespmem:$0x1270]  }
0x17b: {  	v17 =	vld [tilespmem:$0x1280]  }
0x17c: {  	v0 =	vadd.f32 v47, v0;
	v47 =	vld [tilespmem:$0x1F3B0]  }
0x17d: {  	v5 =	vadd.f32 v5, v24;
	v24 =	vmul.f32 v32, v23;
	v32 =	vmul.f32 v20, v27;
	v20 =	vld [tilespmem:$0x1F80]  }
0x17e: {  	v23 =	vld [tilespmem:$0x12A0]  }
0x17f: {  	v27 =	vld [tilespmem:$0x1FA0]  }
0x180: {  	v3 =	vadd.f32 v3, v5;
	v5 =	vmul.f32 v30, v28;
	v30 =	vmul.f32 v14, v18;
	v14 =	vld [tilespmem:$0x1F70]  }
0x181: {  	v18 =	vld [tilespmem:$0x1900]  }
0x182: {  	v28 =	vld [tilespmem:$0x12B0];
	v3 =	vadd.f32 v4, v3;
	v4 =	vmul.f32 v34, v30  }
0x183: {  	v34 =	vmul.f32 v37, v32;
	v37 =	vmul.f32 v39, v44;
	v44 =	vld [tilespmem:$0x1F260]  }
0x184: {  	v30 =	vld [tilespmem:$0x1930]  }
0x185: {  	v32 =	vld [tilespmem:$0x12C0]  }
0x186: {  	v3 =	vadd.f32 v24, v3;
	v24 =	vld [tilespmem:$0x1910]  }
0x187: {  	v39 =	vmul.f32 v52, v37;
	v37 =	vld [tilespmem:$0x1F350]  }
0x188: {  	v52 =	vmul.f32 v45, v48;
	v48 =	vld [tilespmem:$0x1F3C0]  }
0x189: {  	v45 =	vmul.f32 v18, v17;
	v17 =	vld [tilespmem:$0x1300]  }
0x18a: {  	v18 =	vld [tilespmem:$0x2000]  }
0x18b: {  	v0 =	vadd.f32 v52, v0;
	v52 =	vld [tilespmem:$0x1F3E0]  }
0x18c: {  	v3 =	vadd.f32 v8, v3;
	v8 =	vmul.f32 v44, v40;
	v40 =	vmul.f32 v13, v12;
	v12 =	vld [tilespmem:$0x1FE0]  }
0x18d: {  	v13 =	vld [tilespmem:$0x12F0]  }
0x18e: {  	v3 =	vadd.f32 v5, v3;
	v5 =	vadd.f32 v34, v15;
	v15 =	vmul.f32 v59, v46;
	v59 =	vld [tilespmem:$0x1F2E0]  }
0x18f: {  	v34 =	vmul.f32 v9, v63;
	v9 =	vld [tilespmem:$0x1FD0]  }
0x190: {  	v46 =	vld [tilespmem:$0x1F3A0]  }
0x191: {  	v0 =	vadd.f32 v57, v0;
	v57 =	vld [tilespmem:$0x1F410]  }
0x192: {  	v63 =	vld [tilespmem:$0x1F450]  }
0x193: {  	v44 =	vmul.f32 v14, v40;
	v14 =	vld [tilespmem:$0x1970]  }
0x194: {  	v10 =	vmul.f32 v38, v37;
	v37 =	vld [tilespmem:$0x1F490]  }
0x195: {  	v38 =	vld [tilespmem:$0x1F4A0]  }
0x196: {  	v40 =	vld [tilespmem:$0x2020]  }
0x197: {  	v3 =	vadd.f32 v6, v3;
	v6 =	vld [tilespmem:$0x1F90]  }
0x198: {  	v5 =	vadd.f32 v39, v5;
	v39 =	vmul.f32 v11, v35;
	v11 =	vld [tilespmem:$0x1960]  }
0x199: {  	v0 =	vadd.f32 v62, v0;
	v62 =	vld [tilespmem:$0x1F440]  }
0x19a: {  	v5 =	vadd.f32 v8, v5;
	v8 =	vmul.f32 v49, v15;
	v15 =	vmul.f32 v51, v50;
	v51 =	vld [tilespmem:$0x1F3D0]  }
0x19b: {  	v50 =	vmul.f32 v24, v22;
	v24 =	vld [tilespmem:$0x1990]  }
0x19c: {  	v49 =	vmul.f32 v20, v45;
	v45 =	vld [tilespmem:$0x1F4D0]  }
0x19d: {  	v0 =	vadd.f32 v34, v0;
	v20 =	vld [tilespmem:$0x1350]  }
0x19e: {  	v5 =	vadd.f32 v8, v5;
	v8 =	vmul.f32 v54, v15;
	v15 =	vmul.f32 v56, v55;
	v56 =	vld [tilespmem:$0x1F400]  }
0x19f: {  	v55 =	vmul.f32 v19, v23;
	v19 =	vld [tilespmem:$0x1310]  }
0x1a0: {  	v0 =	vadd.f32 v39, v0;
	v39 =	vld [tilespmem:$0x1F4B0]  }
0x1a1: {  	v54 =	vmul.f32 v6, v50;
	v6 =	vld [tilespmem:$0x1980]  }
0x1a2: {  	v50 =	vld [tilespmem:$0x2030]  }
0x1a3: {  	v5 =	vadd.f32 v8, v5;
	v8 =	vmul.f32 v59, v15;
	v15 =	vmul.f32 v61, v60;
	v61 =	vld [tilespmem:$0x1F430]  }
0x1a4: {  	v60 =	vmul.f32 v30, v28;
	v28 =	vld [tilespmem:$0x2010]  }
0x1a5: {  	v30 =	vld [tilespmem:$0x1F460]  }
0x1a6: {  	v59 =	vmul.f32 v27, v55;
	v27 =	vmul.f32 v25, v32;
	v32 =	vld [tilespmem:$0x1F480]  }
0x1a7: {  	v0 =	vadd.f32 v44, v0;
	v44 =	vld [tilespmem:$0x1F4C0]  }
0x1a8: {  	v25 =	vld [tilespmem:$0x1F560]  }
0x1a9: {  	v5 =	vadd.f32 v8, v5;
	v8 =	vmul.f32 v21, v15;
	v21 =	vld [tilespmem:$0x1950]  }
0x1aa: {  	v15 =	vmul.f32 v33, v26;
	v26 =	vmul.f32 v31, v60;
	v31 =	vld [tilespmem:$0x1F470]  }
0x1ab: {  	v33 =	vld [tilespmem:$0x1320]  }
0x1ac: {  	v60 =	vld [tilespmem:$0x1F540]  }
0x1ad: {  	v34 =	vmul.f32 v29, v27;
	v27 =	vld [tilespmem:$0x19D0]  }
0x1ae: {  	v0 =	vadd.f32 v49, v0;
	v5 =	vadd.f32 v8, v5;
	v8 =	vmul.f32 v36, v15;
	v15 =	vld [tilespmem:$0x12E0]  }
0x1af: {  	v36 =	vld [tilespmem:$0x19A0]  }
0x1b0: {  	v0 =	vadd.f32 v54, v0;
	v54 =	vld [tilespmem:$0x1340]  }
0x1b1: {  	v5 =	vadd.f32 v8, v5;
	v8 =	vmul.f32 v41, v10;
	v10 =	vmul.f32 v43, v42;
	v43 =	vld [tilespmem:$0x1330]  }
0x1b2: {  	v0 =	vadd.f32 v59, v0;
	v59 =	vld [tilespmem:$0x1F530]  }
0x1b3: {  	v5 =	vadd.f32 v8, v5;
	v8 =	vmul.f32 v46, v10;
	v46 =	vld [tilespmem:$0x1F4E0]  }
0x1b4: {  	v10 =	vmul.f32 v48, v47;
	v47 =	vld [tilespmem:$0x19B0]  }
0x1b5: {  	v0 =	vadd.f32 v26, v0;
	v26 =	vld [tilespmem:$0x1F570]  }
0x1b6: {  	v29 =	vmul.f32 v36, v33;
	v33 =	vld [tilespmem:$0x1F5A0]  }
0x1b7: {  	v5 =	vadd.f32 v8, v5;
	v8 =	vmul.f32 v51, v10;
	v51 =	vld [tilespmem:$0x1F4F0]  }
0x1b8: {  	v10 =	vmul.f32 v53, v52;
	v52 =	vld [tilespmem:$0x1F500]  }
0x1b9: {  	v35 =	vmul.f32 v21, v7;
	v53 =	vld [tilespmem:$0x1F510]  }
0x1ba: {  	v0 =	vadd.f32 v34, v0;
	v34 =	vld [tilespmem:$0x1360]  }
0x1bb: {  	v41 =	vmul.f32 v9, v35;
	v35 =	vmul.f32 v40, v29;
	v40 =	vld [tilespmem:$0x1F5D0]  }
0x1bc: {  	v5 =	vadd.f32 v8, v5;
	v8 =	vmul.f32 v56, v10;
	v10 =	vmul.f32 v58, v57;
	v57 =	vld [tilespmem:$0x19C0]  }
0x1bd: {  	v58 =	vld [tilespmem:$0x1F520]  }
0x1be: {  	v42 =	vmul.f32 v11, v15;
	v0 =	vadd.f32 v41, v0;
	v41 =	vld [tilespmem:$0x2060];
	v36 =	vmul.f32 v47, v43  }
0x1bf: {  	v47 =	vld [tilespmem:$0x1F600];
	v5 =	vadd.f32 v8, v5;
	v8 =	vmul.f32 v61, v10;
	v10 =	vmul.f32 v63, v62  }
0x1c0: {  	v48 =	vmul.f32 v12, v42;
	v61 =	vld [tilespmem:$0x2040];
	v63 =	vmul.f32 v24, v19  }
0x1c1: {  	v24 =	vld [tilespmem:$0x1F550];
	v5 =	vadd.f32 v8, v5;
	v8 =	vmul.f32 v30, v10;
	v10 =	vmul.f32 v32, v31  }
0x1c2: {  	v0 =	vadd.f32 v48, v0;
	v48 =	vld [tilespmem:$0x19F0]  }
0x1c3: {  	v30 =	vld [tilespmem:$0x2050];
	v5 =	vadd.f32 v8, v5;
	v8 =	vmul.f32 v37, v10;
	v10 =	vmul.f32 v39, v38  }
0x1c4: {  	v31 =	vld [tilespmem:$0x1F580]  }
0x1c5: {  	v32 =	vld [tilespmem:$0x1F590];
	v5 =	vadd.f32 v8, v5;
	v8 =	vmul.f32 v44, v10;
	v10 =	vmul.f32 v46, v45  }
0x1c6: {  	v49 =	vmul.f32 v14, v13;
	v43 =	vmul.f32 v57, v54;
	v54 =	vld [tilespmem:$0x1F630]  }
0x1c7: {  	v37 =	vld [tilespmem:$0x19E0];
	v5 =	vadd.f32 v8, v5;
	v8 =	vmul.f32 v51, v10;
	v10 =	vmul.f32 v53, v52  }
0x1c8: {  	v55 =	vmul.f32 v16, v49;
	v56 =	vmul.f32 v6, v17;
	v38 =	vld [tilespmem:$0x1F5B0]  }
0x1c9: {  	v39 =	vld [tilespmem:$0x1F5C0];
	v5 =	vadd.f32 v8, v5;
	v8 =	vmul.f32 v58, v10;
	v10 =	vmul.f32 v60, v59  }
0x1ca: {  	v62 =	vmul.f32 v18, v56;
	v0 =	vadd.f32 v55, v0;
	v45 =	vld [tilespmem:$0x1F5E0]  }
0x1cb: {  	v46 =	vld [tilespmem:$0x1F5F0];
	v5 =	vadd.f32 v8, v5;
	v8 =	vmul.f32 v24, v10;
	v10 =	vmul.f32 v26, v25  }
0x1cc: {  	v28 =	vmul.f32 v28, v63;
	v0 =	vadd.f32 v62, v0;
	v52 =	vld [tilespmem:$0x1F610]  }
0x1cd: {  	v53 =	vld [tilespmem:$0x1F620];
	v5 =	vadd.f32 v8, v5;
	v8 =	vmul.f32 v31, v10;
	v10 =	vmul.f32 v33, v32  }
0x1ce: {  	v0 =	vadd.f32 v28, v0;
	v58 =	vld [tilespmem:$0x1F640]  }
0x1cf: {  	v59 =	vld [tilespmem:$0x1F650];
	v5 =	vadd.f32 v8, v5;
	v8 =	vmul.f32 v38, v10;
	v10 =	vmul.f32 v40, v39  }
0x1d0: {  	v42 =	vmul.f32 v50, v36;
	v0 =	vadd.f32 v35, v0;
	v60 =	vld [tilespmem:$0x1F660]  }
0x1d1: {  	v44 =	vld [tilespmem:$0x1370];
	v5 =	vadd.f32 v8, v5;
	v8 =	vmul.f32 v45, v10;
	v10 =	vmul.f32 v47, v46  }
0x1d2: {  	v49 =	vld [tilespmem:$0x1ED0];
	v50 =	vmul.f32 v61, v43;
	v51 =	vmul.f32 v27, v20;
	v0 =	vadd.f32 v42, v0  }
0x1d3: {  	v55 =	vld [tilespmem:$0x2070];
	v5 =	vadd.f32 v8, v5;
	v8 =	vmul.f32 v52, v10;
	v10 =	vmul.f32 v54, v53  }
0x1d4: {  	v57 =	vmul.f32 v37, v34;
	v56 =	vmul.f32 v30, v51;
	v0 =	vadd.f32 v50, v0  }
0x1d5: {  	v5 =	vadd.f32 v8, v5;
	v7 =	vmul.f32 v58, v10;
	v8 =	vmul.f32 v60, v59  }
0x1d6: {  	v61 =	vmul.f32 v41, v57;
	v62 =	vmul.f32 v48, v44;
	v0 =	vadd.f32 v56, v0  }
0x1d7: {  	v3 =	vadd.f32 v4, v3;
	v63 =	vadd.f32 v7, v5;
	v9 =	vmul.f32 v49, v8  }
0x1d8: {  	v0 =	vadd.f32 v61, v0;
	v10 =	vmul.f32 v55, v62  }
0x1d9: {  	(xrf2) =	vadd.scan.msk.f32 $0xffff, v3;
	v11 =	vadd.f32 v9, v63  }
0x1da: {  	v0 =	vadd.f32 v10, v0  }
0x1db: {  	(xrf2) =	vadd.scan.msk.f32 $0xffff, v11  }
0x1dc: {  	(xrf2) =	vadd.scan.msk.f32 $0xffff, v0;
	_ =	sdelay $0x1  }
0x1dd: {  	v13 =	vld [tilespmem:$0x1F670]  }
0x1de: {  	s30 =	sadd.s32 $0xFFFFFFFC, s26  }
0x1df: {  	s29 =	sand.u32 $0x8, s30;
	v17 =	vld [tilespmem:$0x1F680]  }
0x1e0: {  	s30 =	sor.u32 $0x1, s29  }
0x1e1: {  	v22 =	vlaneseq.u32;
	v16 =	vmov s30  }
0x1e2: {  	v1 =	vbroadcast v13, $0xF;
	v14, _, _ =	vpop (xrf2);
	v15 =	vlaneseq.u32;
	v12 =	vmov s29  }
0x1e3: {  	s31 =	sor.u32 $0x2, s29;
	v2 =	vbroadcast v14, $0xF;
	s29 =	sor.u32 $0x3, s29;
	vm0 =	veq.s32 v12, v15;
	v18 =	vlaneseq.u32  }
0x1e4: {  	v23 =	vmov s29;
	vm9 =	veq.s32 v16, v18;
	v1 =	vsel vm0, v1, v17;
	v19, _, _ =	vpop (xrf2)  }
0x1e5: {  	v1 =	vsel vm9, v2, v1;
	v20 =	vmov s31;
	v0 =	vbroadcast v19, $0xF;
	v21, _, _ =	vpop (xrf2)  }
0x1e6: {  	vm10 =	veq.s32 v20, v22;
	v24 =	vlaneseq.u32;
	v3 =	vbroadcast v21, $0xF  }
0x1e7: {  	vm11 =	veq.s32 v23, v24;
	v0 =	vsel vm10, v0, v1  }
0x1e8: {  	p0 =	seq.s32 s26, $0x7C;
	v0 =	vsel vm11, v3, v0  }
0x1e9: {  	s30 =	simm.s32 @!p0 $0xD00;
	s29 =	simm.s32 @!p0 $0x68;
	[tilespmem:s28+$0x3400] =	vst v0  }
0x1ea: {  	[tilespmem:s30], [sflag:$0x1] =	stream.indirect.gather @!p0 [hbm4b:s3+s29], $0x10, s24, s29, $0xb8;
	[tilespmem:$0x3480] =	vst v63  }
0x1eb: {  	s30 =	simm.s32 @!p0 $0x1380  }
0x1ec: {  	[tilespmem:s30], [sflag:$0x2] =	stream.indirect.gather @!p0 [hbm4b:s4+s29], $0x10, s24, s29, $0xb8;
	[tilespmem:$0x3480] =	vst v63  }
0x1ed: {  	s30 =	simm.s32 @!p0 $0x1A00  }
0x1ee: {  	[tilespmem:s30], [sflag:$0x3] =	stream.indirect.gather @!p0 [hbm4b:s5+s29], $0x10, s24, s29, $0xb8;
	[tilespmem:$0x3480] =	vst v63  }
0x1ef: {  	_ =	swait.ge [sflag:s19], $0x680  }
0x1f0: {  	[sflag:s19] =	ssyncset.done $0x0  }
0x1f1: {  	[sflag:s19] =	ssyncadd.s32 $0xFFFFF980  }
0x1f2: {  	_ =	swait.ge [sflag:s20], $0x680  }
0x1f3: {  	[sflag:s20] =	ssyncset.done $0x0  }
0x1f4: {  	[sflag:s20] =	ssyncadd.s32 $0xFFFFF980  }
0x1f5: {  	_ =	swait.ge [sflag:s21], $0x680  }
0x1f6: {  	[sflag:s21] =	ssyncset.done $0x0  }
0x1f7: {  	[sflag:s21] =	ssyncadd.s32 $0xFFFFF980  }
0x1f8: {  	v52 =	vld [tilespmem:$0x2080]  }
0x1f9: {  	v48 =	vld [tilespmem:$0x2700]  }
0x1fa: {  	v56 =	vld [tilespmem:$0x2D80]  }
0x1fb: {  	v49 =	vld [tilespmem:$0x2090]  }
0x1fc: {  	v42 =	vld [tilespmem:$0x2710]  }
0x1fd: {  	v57 =	vld [tilespmem:$0x2D90]  }
0x1fe: {  	v50 =	vld [tilespmem:$0x20A0]  }
0x1ff: {  	v43 =	vld [tilespmem:$0x2720]  }
0x200: {  	v58 =	vld [tilespmem:$0x2DA0]  }
0x201: {  	v51 =	vld [tilespmem:$0x20B0]  }
0x202: {  	v44 =	vld [tilespmem:$0x2730]  }
0x203: {  	v59 =	vld [tilespmem:$0x2DB0]  }
0x204: {  	v46 =	vld [tilespmem:$0x20C0]  }
0x205: {  	v45 =	vld [tilespmem:$0x2740]  }
0x206: {  	v25 =	vld [tilespmem:$0x20E0]  }
0x207: {  	v26 =	vld [tilespmem:$0x2DE0]  }
0x208: {  	v27 =	vld [tilespmem:$0x20F0]  }
0x209: {  	v28 =	vld [tilespmem:$0x2770]  }
0x20a: {  	v29 =	vld [tilespmem:$0x2DF0]  }
0x20b: {  	v30 =	vld [tilespmem:$0x2100];
	[tilespmem:$0x1F690] =	vst v25  }
0x20c: {  	v31 =	vld [tilespmem:$0x2780];
	[tilespmem:$0x1F6A0] =	vst v26  }
0x20d: {  	v32 =	vld [tilespmem:$0x2E00];
	[tilespmem:$0x1F6B0] =	vst v27  }
0x20e: {  	v33 =	vld [tilespmem:$0x2110];
	[tilespmem:$0x1F6C0] =	vst v28  }
0x20f: {  	v34 =	vld [tilespmem:$0x2790];
	[tilespmem:$0x1F6D0] =	vst v29  }
0x210: {  	v35 =	vld [tilespmem:$0x2E10];
	[tilespmem:$0x1F6E0] =	vst v30  }
0x211: {  	v36 =	vld [tilespmem:$0x2120];
	[tilespmem:$0x1F6F0] =	vst v31  }
0x212: {  	v37 =	vld [tilespmem:$0x27A0];
	[tilespmem:$0x1F700] =	vst v32  }
0x213: {  	v38 =	vld [tilespmem:$0x2E20];
	[tilespmem:$0x1F710] =	vst v33  }
0x214: {  	v40 =	vld [tilespmem:$0x2130];
	[tilespmem:$0x1F720] =	vst v34  }
0x215: {  	v41 =	vld [tilespmem:$0x27B0];
	[tilespmem:$0x1F730] =	vst v35  }
0x216: {  	v55 =	vld [tilespmem:$0x2E30];
	[tilespmem:$0x1F740] =	vst v36  }
0x217: {  	v60 =	vld [tilespmem:$0x2140];
	[tilespmem:$0x1F750] =	vst v37  }
0x218: {  	v61 =	vld [tilespmem:$0x27C0];
	[tilespmem:$0x1F760] =	vst v38  }
0x219: {  	v63 =	vld [tilespmem:$0x2E40];
	[tilespmem:$0x1F770] =	vst v40  }
0x21a: {  	v4 =	vld [tilespmem:$0x2150];
	[tilespmem:$0x1F780] =	vst v41  }
0x21b: {  	v5 =	vld [tilespmem:$0x27D0];
	[tilespmem:$0x1F790] =	vst v55  }
0x21c: {  	v6 =	vld [tilespmem:$0x2E50];
	[tilespmem:$0x1F7A0] =	vst v60  }
0x21d: {  	v7 =	vld [tilespmem:$0x2160];
	[tilespmem:$0x1F7B0] =	vst v61  }
0x21e: {  	v8 =	vld [tilespmem:$0x27E0];
	[tilespmem:$0x1F7C0] =	vst v63  }
0x21f: {  	v9 =	vld [tilespmem:$0x2E60];
	[tilespmem:$0x1F7D0] =	vst v4  }
0x220: {  	v10 =	vld [tilespmem:$0x2170];
	[tilespmem:$0x1F7E0] =	vst v5  }
0x221: {  	v11 =	vld [tilespmem:$0x27F0];
	[tilespmem:$0x1F7F0] =	vst v6  }
0x222: {  	v12 =	vld [tilespmem:$0x2E70];
	[tilespmem:$0x1F800] =	vst v7  }
0x223: {  	v13 =	vld [tilespmem:$0x2180];
	[tilespmem:$0x1F810] =	vst v8  }
0x224: {  	v14 =	vld [tilespmem:$0x2800];
	[tilespmem:$0x1F820] =	vst v9  }
0x225: {  	v15 =	vld [tilespmem:$0x2E80];
	[tilespmem:$0x1F830] =	vst v10  }
0x226: {  	v16 =	vld [tilespmem:$0x2190];
	[tilespmem:$0x1F840] =	vst v11  }
0x227: {  	v17 =	vld [tilespmem:$0x2810];
	[tilespmem:$0x1F850] =	vst v12  }
0x228: {  	v18 =	vld [tilespmem:$0x2E90];
	[tilespmem:$0x1F860] =	vst v13  }
0x229: {  	v19 =	vld [tilespmem:$0x21A0];
	[tilespmem:$0x1F870] =	vst v14  }
0x22a: {  	v20 =	vld [tilespmem:$0x2820];
	[tilespmem:$0x1F880] =	vst v15  }
0x22b: {  	v21 =	vld [tilespmem:$0x2EA0];
	[tilespmem:$0x1F890] =	vst v16  }
0x22c: {  	v22 =	vld [tilespmem:$0x21B0];
	[tilespmem:$0x1F8A0] =	vst v17  }
0x22d: {  	v23 =	vld [tilespmem:$0x2830];
	[tilespmem:$0x1F8B0] =	vst v18  }
0x22e: {  	v24 =	vld [tilespmem:$0x2EB0];
	[tilespmem:$0x1F8C0] =	vst v19  }
0x22f: {  	[tilespmem:$0x1F8D0] =	vst v20;
	v25 =	vld [tilespmem:$0x21C0]  }
0x230: {  	[tilespmem:$0x1F8E0] =	vst v21;
	v26 =	vld [tilespmem:$0x2840]  }
0x231: {  	[tilespmem:$0x1F8F0] =	vst v22;
	v27 =	vld [tilespmem:$0x2EC0]  }
0x232: {  	[tilespmem:$0x1F900] =	vst v23;
	v28 =	vld [tilespmem:$0x21D0]  }
0x233: {  	[tilespmem:$0x1F940] =	vst v24;
	v29 =	vld [tilespmem:$0x2850]  }
0x234: {  	v30 =	vld [tilespmem:$0x2ED0];
	[tilespmem:$0x1F950] =	vst v25  }
0x235: {  	v31 =	vld [tilespmem:$0x21E0];
	[tilespmem:$0x1F960] =	vst v26  }
0x236: {  	v32 =	vld [tilespmem:$0x2860];
	[tilespmem:$0x1F9A0] =	vst v27  }
0x237: {  	v33 =	vld [tilespmem:$0x2EE0];
	[tilespmem:$0x1F9B0] =	vst v28  }
0x238: {  	v34 =	vld [tilespmem:$0x21F0];
	[tilespmem:$0x1F9C0] =	vst v29  }
0x239: {  	v35 =	vld [tilespmem:$0x2870];
	[tilespmem:$0x1FA00] =	vst v30  }
0x23a: {  	v36 =	vld [tilespmem:$0x2EF0];
	[tilespmem:$0x1FA10] =	vst v31  }
0x23b: {  	v53 =	vld [tilespmem:$0x2DC0];
	[tilespmem:$0x1FA20] =	vst v32  }
0x23c: {  	v47 =	vld [tilespmem:$0x20D0];
	[tilespmem:$0x1FA60] =	vst v33  }
0x23d: {  	v39 =	vld [tilespmem:$0x2750];
	[tilespmem:$0x1FA70] =	vst v34  }
0x23e: {  	v54 =	vld [tilespmem:$0x2DD0];
	[tilespmem:$0x1FA80] =	vst v35  }
0x23f: {  	v62 =	vld [tilespmem:$0x2760];
	[tilespmem:$0x1FAC0] =	vst v36  }
0x240: {  	v63 =	vld [tilespmem:$0x3000];
	_ =	sdelay $0x4  }
0x241: {  	[tilespmem:$0x1F910] =	vst v63;
	v63 =	vld [tilespmem:$0x2310];
	_ =	sdelay $0x4  }
0x242: {  	[tilespmem:$0x1F920] =	vst v63;
	v63 =	vld [tilespmem:$0x2990];
	_ =	sdelay $0x4  }
0x243: {  	[tilespmem:$0x1F930] =	vst v63;
	v63 =	vld [tilespmem:$0x3010];
	_ =	sdelay $0x4  }
0x244: {  	[tilespmem:$0x1F970] =	vst v63;
	v63 =	vld [tilespmem:$0x2320];
	_ =	sdelay $0x4  }
0x245: {  	[tilespmem:$0x1F980] =	vst v63;
	v63 =	vld [tilespmem:$0x29A0];
	_ =	sdelay $0x4  }
0x246: {  	[tilespmem:$0x1F990] =	vst v63;
	v63 =	vld [tilespmem:$0x3020];
	_ =	sdelay $0x4  }
0x247: {  	[tilespmem:$0x1F9D0] =	vst v63;
	v63 =	vld [tilespmem:$0x2330];
	_ =	sdelay $0x4  }
0x248: {  	[tilespmem:$0x1F9E0] =	vst v63;
	v63 =	vld [tilespmem:$0x29B0];
	_ =	sdelay $0x4  }
0x249: {  	[tilespmem:$0x1F9F0] =	vst v63;
	v63 =	vld [tilespmem:$0x3030];
	_ =	sdelay $0x4  }
0x24a: {  	[tilespmem:$0x1FA30] =	vst v63;
	v63 =	vld [tilespmem:$0x2340];
	_ =	sdelay $0x4  }
0x24b: {  	[tilespmem:$0x1FA40] =	vst v63;
	v63 =	vld [tilespmem:$0x29C0];
	_ =	sdelay $0x4  }
0x24c: {  	[tilespmem:$0x1FA50] =	vst v63;
	v63 =	vld [tilespmem:$0x3040];
	_ =	sdelay $0x4  }
0x24d: {  	[tilespmem:$0x1FA90] =	vst v63;
	v63 =	vld [tilespmem:$0x2350];
	_ =	sdelay $0x4  }
0x24e: {  	[tilespmem:$0x1FAA0] =	vst v63;
	v63 =	vld [tilespmem:$0x29D0];
	_ =	sdelay $0x4  }
0x24f: {  	[tilespmem:$0x1FAB0] =	vst v63;
	v63 =	vld [tilespmem:$0x3050];
	_ =	sdelay $0x4  }
0x250: {  	[tilespmem:$0x1FAF0] =	vst v63;
	v63 =	vld [tilespmem:$0x2360];
	_ =	sdelay $0x4  }
0x251: {  	[tilespmem:$0x1FB00] =	vst v63;
	v63 =	vld [tilespmem:$0x29E0]  }
0x252: {  	v0 =	vld [tilespmem:$0x2200]  }
0x253: {  	v37 =	vld [tilespmem:$0x2880]  }
0x254: {  	v38 =	vld [tilespmem:$0x2F00]  }
0x255: {  	v40 =	vld [tilespmem:$0x2210]  }
0x256: {  	[tilespmem:$0x1FB10] =	vst v63;
	v63 =	vld [tilespmem:$0x3060]  }
0x257: {  	v41 =	vld [tilespmem:$0x2890]  }
0x258: {  	v55 =	vld [tilespmem:$0x2F10]  }
0x259: {  	v2 =	vld [tilespmem:$0x2220]  }
0x25a: {  	v7 =	vld [tilespmem:$0x2F20]  }
0x25b: {  	[tilespmem:$0x1FB50] =	vst v63;
	v63 =	vld [tilespmem:$0x2370]  }
0x25c: {  	v3 =	vld [tilespmem:$0x2230]  }
0x25d: {  	v1 =	vld [tilespmem:$0x28B0]  }
0x25e: {  	v6 =	vld [tilespmem:$0x2F30]  }
0x25f: {  	v5 =	vld [tilespmem:$0x2240]  }
0x260: {  	[tilespmem:$0x1FB60] =	vst v63;
	v63 =	vld [tilespmem:$0x29F0]  }
0x261: {  	v4 =	vld [tilespmem:$0x28C0]  }
0x262: {  	v10 =	vld [tilespmem:$0x2F40]  }
0x263: {  	v9 =	vld [tilespmem:$0x2250]  }
0x264: {  	v8 =	vld [tilespmem:$0x28D0]  }
0x265: {  	[tilespmem:$0x1FB70] =	vst v63;
	v63 =	vld [tilespmem:$0x3070]  }
0x266: {  	v12 =	vld [tilespmem:$0x2F50]  }
0x267: {  	v13 =	vld [tilespmem:$0x2260]  }
0x268: {  	v11 =	vld [tilespmem:$0x28E0]  }
0x269: {  	v16 =	vld [tilespmem:$0x2F60]  }
0x26a: {  	[tilespmem:$0x1FBB0] =	vst v63;
	v63 =	vld [tilespmem:$0x2380]  }
0x26b: {  	v15 =	vld [tilespmem:$0x2270]  }
0x26c: {  	v14 =	vld [tilespmem:$0x28F0]  }
0x26d: {  	v18 =	vld [tilespmem:$0x2F70]  }
0x26e: {  	v19 =	vld [tilespmem:$0x2280]  }
0x26f: {  	[tilespmem:$0x1FB90] =	vst v63;
	v63 =	vld [tilespmem:$0x2A00]  }
0x270: {  	v17 =	vld [tilespmem:$0x2900]  }
0x271: {  	v22 =	vld [tilespmem:$0x2F80]  }
0x272: {  	v21 =	vld [tilespmem:$0x2290]  }
0x273: {  	v20 =	vld [tilespmem:$0x2910]  }
0x274: {  	[tilespmem:$0x1FBA0] =	vst v63;
	v63 =	vld [tilespmem:$0x3080]  }
0x275: {  	v24 =	vld [tilespmem:$0x2F90]  }
0x276: {  	v25 =	vld [tilespmem:$0x22A0]  }
0x277: {  	v23 =	vld [tilespmem:$0x2920]  }
0x278: {  	v28 =	vld [tilespmem:$0x2FA0]  }
0x279: {  	[tilespmem:$0x1FBE0] =	vst v63;
	v63 =	vld [tilespmem:$0x2390]  }
0x27a: {  	v27 =	vld [tilespmem:$0x22B0]  }
0x27b: {  	v26 =	vld [tilespmem:$0x2930]  }
0x27c: {  	v30 =	vld [tilespmem:$0x2FB0]  }
0x27d: {  	v31 =	vld [tilespmem:$0x22C0]  }
0x27e: {  	[tilespmem:$0x1FBC0] =	vst v63;
	v63 =	vld [tilespmem:$0x2A10]  }
0x27f: {  	v29 =	vld [tilespmem:$0x2940]  }
0x280: {  	v34 =	vld [tilespmem:$0x2FC0]  }
0x281: {  	v33 =	vld [tilespmem:$0x22D0]  }
0x282: {  	v32 =	vld [tilespmem:$0x2950]  }
0x283: {  	[tilespmem:$0x1FBD0] =	vst v63;
	v63 =	vld [tilespmem:$0x3090]  }
0x284: {  	v36 =	vld [tilespmem:$0x2FD0]  }
0x285: {  	v35 =	vld [tilespmem:$0x2960]  }
0x286: {  	v60 =	vld [tilespmem:$0x2FF0]  }
0x287: {  	v61 =	vld [tilespmem:$0x2300]  }
0x288: {  	[tilespmem:$0x1FC10] =	vst v63;
	v63 =	vld [tilespmem:$0x23A0]  }
0x289: {  	v48 =	vmul.f32 v48, v52;
	v52 =	vld [tilespmem:$0x2B60]  }
0x28a: {  	v42 =	vmul.f32 v42, v49;
	v49 =	vld [tilespmem:$0x31E0]  }
0x28b: {  	v43 =	vmul.f32 v43, v50;
	v50 =	vld [tilespmem:$0x24F0]  }
0x28c: {  	v48 =	vmul.f32 v56, v48;
	v56 =	vld [tilespmem:$0x2B70]  }
0x28d: {  	[tilespmem:$0x1FBF0] =	vst v63;
	v63 =	vld [tilespmem:$0x2A20]  }
0x28e: {  	v45 =	vmul.f32 v45, v46;
	v46 =	vld [tilespmem:$0x31F0]  }
0x28f: {  	v44 =	vmul.f32 v44, v51;
	v51 =	vld [tilespmem:$0x2500]  }
0x290: {  	v45 =	vmul.f32 v53, v45;
	v53 =	vld [tilespmem:$0x2B80]  }
0x291: {  	v39 =	vmul.f32 v39, v47;
	v42 =	vmul.f32 v57, v42;
	v47 =	vld [tilespmem:$0x3200]  }
0x292: {  	[tilespmem:$0x1FC00] =	vst v63;
	v63 =	vld [tilespmem:$0x30A0]  }
0x293: {  	v44 =	vmul.f32 v59, v44;
	v59 =	vadd.f32 v42, v48;
	v42 =	vld [tilespmem:$0x2510]  }
0x294: {  	v48 =	vld [tilespmem:$0x2B90]  }
0x295: {  	v57 =	vld [tilespmem:$0x1F6A0]  }
0x296: {  	v43 =	vmul.f32 v58, v43;
	v58 =	vld [tilespmem:$0x1F6B0]  }
0x297: {  	[tilespmem:$0x1FC40] =	vst v63;
	v63 =	vld [tilespmem:$0x23B0]  }
0x298: {  	[tilespmem:$0x1FAD0] =	vst v0;
	v0 =	vld [tilespmem:$0x28A0]  }
0x299: {  	[tilespmem:$0x1FAE0] =	vst v37;
	v37 =	vld [tilespmem:$0x22E0]  }
0x29a: {  	[tilespmem:$0x1FB30] =	vst v40;
	v40 =	vld [tilespmem:$0x2FE0]  }
0x29b: {  	[tilespmem:$0x1FB40] =	vst v41;
	v41 =	vld [tilespmem:$0x22F0]  }
0x29c: {  	[tilespmem:$0x1FC20] =	vst v63;
	v63 =	vld [tilespmem:$0x2A30]  }
0x29d: {  	[tilespmem:$0x1FB20] =	vst v38;
	v38 =	vld [tilespmem:$0x2970]  }
0x29e: {  	[tilespmem:$0x1FB80] =	vst v55;
	v55 =	vld [tilespmem:$0x2980]  }
0x29f: {  	v1 =	vmul.f32 v1, v3;
	v3 =	vadd.f32 v43, v59;
	v59 =	vld [tilespmem:$0x1F6C0]  }
0x2a0: {  	v43 =	vld [tilespmem:$0x3210]  }
0x2a1: {  	v3 =	vadd.f32 v44, v3;
	[tilespmem:$0x1FC30] =	vst v63;
	v63 =	vld [tilespmem:$0x30B0]  }
0x2a2: {  	v44 =	vld [tilespmem:$0x1F6E0]  }
0x2a3: {  	v1 =	vmul.f32 v6, v1;
	v3 =	vadd.f32 v45, v3;
	v45 =	vld [tilespmem:$0x2530]  }
0x2a4: {  	v0 =	vmul.f32 v0, v2;
	v2 =	vmul.f32 v54, v39;
	v54 =	vld [tilespmem:$0x1F690]  }
0x2a5: {  	v6 =	vmul.f32 v59, v58;
	v59 =	vmul.f32 v11, v13;
	v13 =	vld [tilespmem:$0x1F720]  }
0x2a6: {  	[tilespmem:$0x1FC70] =	vst v63;
	v63 =	vld [tilespmem:$0x23C0]  }
0x2a7: {  	v4 =	vmul.f32 v4, v5;
	v11 =	vld [tilespmem:$0x3260];
	v0 =	vmul.f32 v7, v0  }
0x2a8: {  	v16 =	vmul.f32 v16, v59;
	v59 =	vld [tilespmem:$0x2BB0]  }
0x2a9: {  	v0 =	vadd.f32 v1, v0;
	v1 =	vmul.f32 v10, v4;
	v10 =	vld [tilespmem:$0x2BE0]  }
0x2aa: {  	v39 =	vmul.f32 v62, v54;
	v54 =	vld [tilespmem:$0x2520]  }
0x2ab: {  	[tilespmem:$0x1FC50] =	vst v63;
	v63 =	vld [tilespmem:$0x2A40]  }
0x2ac: {  	v62 =	vmul.f32 v8, v9;
	v9 =	vld [tilespmem:$0x2560]  }
0x2ad: {  	v5 =	vmul.f32 v57, v39;
	v39 =	vld [tilespmem:$0x1F6D0]  }
0x2ae: {  	v57 =	vld [tilespmem:$0x1F6F0]  }
0x2af: {  	v0 =	vadd.f32 v1, v0;
	v58 =	vmul.f32 v12, v62;
	v62 =	vld [tilespmem:$0x1F700]  }
0x2b0: {  	[tilespmem:$0x1FC60] =	vst v63;
	v63 =	vld [tilespmem:$0x30C0]  }
0x2b1: {  	v12 =	vld [tilespmem:$0x1F710];
	v0 =	vadd.f32 v58, v0  }
0x2b2: {  	v58 =	vld [tilespmem:$0x1F730]  }
0x2b3: {  	v0 =	vadd.f32 v16, v0;
	v16 =	vld [tilespmem:$0x1F770]  }
0x2b4: {  	v7 =	vmul.f32 v57, v44;
	v57 =	vld [tilespmem:$0x2BA0]  }
0x2b5: {  	[tilespmem:$0x1FCA0] =	vst v63;
	v63 =	vld [tilespmem:$0x23D0]  }
0x2b6: {  	v44 =	vld [tilespmem:$0x3220]  }
0x2b7: {  	v8 =	vmul.f32 v13, v12;
	v12 =	vld [tilespmem:$0x1F750]  }
0x2b8: {  	v6 =	vmul.f32 v39, v6;
	v39 =	vmul.f32 v14, v15;
	v15 =	vld [tilespmem:$0x1F760]  }
0x2b9: {  	v14 =	vmul.f32 v17, v19;
	v17 =	vld [tilespmem:$0x1F780]  }
0x2ba: {  	[tilespmem:$0x1FC80] =	vst v63;
	v63 =	vld [tilespmem:$0x2A50]  }
0x2bb: {  	v7 =	vmul.f32 v62, v7;
	v62 =	vld [tilespmem:$0x1F740]  }
0x2bc: {  	v2 =	vadd.f32 v2, v3;
	v3 =	vmul.f32 v58, v8;
	v58 =	vld [tilespmem:$0x3230]  }
0x2bd: {  	v13 =	vmul.f32 v18, v39;
	v18 =	vld [tilespmem:$0x2BC0]  }
0x2be: {  	v39 =	vld [tilespmem:$0x3240]  }
0x2bf: {  	[tilespmem:$0x1FC90] =	vst v63;
	v63 =	vld [tilespmem:$0x30D0]  }
0x2c0: {  	v19 =	vmul.f32 v22, v14;
	v14 =	vld [tilespmem:$0x1F7B0]  }
0x2c1: {  	v22 =	vmul.f32 v20, v21;
	v20 =	vld [tilespmem:$0x1F7D0]  }
0x2c2: {  	v21 =	vld [tilespmem:$0x1F7E0]  }
0x2c3: {  	v0 =	vadd.f32 v13, v0;
	v13 =	vld [tilespmem:$0x1F7A0]  }
0x2c4: {  	[tilespmem:$0x1FCB0] =	vst v63;
	v63 =	vld [tilespmem:$0x23E0]  }
0x2c5: {  	v0 =	vadd.f32 v19, v0;
	v19 =	vld [tilespmem:$0x1F7C0]  }
0x2c6: {  	v8 =	vmul.f32 v12, v62;
	v62 =	vld [tilespmem:$0x2540]  }
0x2c7: {  	v12 =	vld [tilespmem:$0x1F790]  }
0x2c8: {  	[tilespmem:$0x1FFC0] =	vst v18;
	v18 =	vld [tilespmem:$0x2BD0]  }
0x2c9: {  	[tilespmem:$0x1FCC0] =	vst v63;
	v63 =	vld [tilespmem:$0x2A60]  }
0x2ca: {  	[tilespmem:$0x1FFD0] =	vst v39;
	v39 =	vmul.f32 v32, v33;
	v33 =	vld [tilespmem:$0x1F8E0]  }
0x2cb: {  	v32 =	vmul.f32 v55, v61;
	v55 =	vld [tilespmem:$0x1F970]  }
0x2cc: {  	v2 =	vadd.f32 v5, v2;
	v5 =	vmul.f32 v15, v8;
	v15 =	vld [tilespmem:$0x2550]  }
0x2cd: {  	v8 =	vmul.f32 v17, v16;
	v16 =	vmul.f32 v24, v22;
	v24 =	vld [tilespmem:$0x1F7F0]  }
0x2ce: {  	[tilespmem:$0x1FCD0] =	vst v63;
	v63 =	vld [tilespmem:$0x30E0]  }
0x2cf: {  	v17 =	vmul.f32 v23, v25;
	v25 =	vld [tilespmem:$0x1F800]  }
0x2d0: {  	v23 =	vmul.f32 v26, v27;
	v26 =	vld [tilespmem:$0x1F810]  }
0x2d1: {  	v61 =	vld [tilespmem:$0x1F990]  }
0x2d2: {  	v22 =	vmul.f32 v28, v17;
	v28 =	vmul.f32 v29, v31;
	v29 =	vld [tilespmem:$0x1F820]  }
0x2d3: {  	[tilespmem:$0x1FCE0] =	vst v63;
	v63 =	vld [tilespmem:$0x23F0]  }
0x2d4: {  	v27 =	vmul.f32 v30, v23;
	v30 =	vld [tilespmem:$0x1F830]  }
0x2d5: {  	v31 =	vld [tilespmem:$0x1F840]  }
0x2d6: {  	v0 =	vadd.f32 v16, v0;
	v16 =	vld [tilespmem:$0x2C00]  }
0x2d7: {  	v23 =	vld [tilespmem:$0x1F880]  }
0x2d8: {  	[tilespmem:$0x1FCF0] =	vst v63;
	v63 =	vld [tilespmem:$0x2A70]  }
0x2d9: {  	v17 =	vld [tilespmem:$0x3280]  }
0x2da: {  	v2 =	vadd.f32 v6, v2;
	v6 =	vmul.f32 v12, v8;
	v12 =	vld [tilespmem:$0x2570]  }
0x2db: {  	v8 =	vmul.f32 v14, v13;
	v13 =	vld [tilespmem:$0x2BF0]  }
0x2dc: {  	v14 =	vld [tilespmem:$0x3270]  }
0x2dd: {  	[tilespmem:$0x1FD00] =	vst v63;
	v63 =	vld [tilespmem:$0x30F0]  }
0x2de: {  	[tilespmem:$0x1FFF0] =	vst v18;
	v18 =	vld [tilespmem:$0x1F850]  }
0x2df: {  	v34 =	vmul.f32 v34, v28;
	v28 =	vld [tilespmem:$0x1F8B0]  }
0x2e0: {  	v0 =	vadd.f32 v22, v0;
	v22 =	vmul.f32 v35, v37;
	v35 =	vld [tilespmem:$0x1F900]  }
0x2e1: {  	v37 =	vld [tilespmem:$0x1F920]  }
0x2e2: {  	[tilespmem:$0x1FD10] =	vst v63;
	v63 =	vld [tilespmem:$0x2400]  }
0x2e3: {  	v2 =	vadd.f32 v7, v2;
	v7 =	vmul.f32 v19, v8;
	v19 =	vld [tilespmem:$0x1F860]  }
0x2e4: {  	v8 =	vmul.f32 v21, v20;
	v20 =	vld [tilespmem:$0x1F870]  }
0x2e5: {  	[tilespmem:$0x1FFE0] =	vst v15;
	v15 =	vld [tilespmem:$0x2580]  }
0x2e6: {  	v21 =	vmul.f32 v36, v39;
	v36 =	vld [tilespmem:$0x1F910]  }
0x2e7: {  	[tilespmem:$0x1FD20] =	vst v63;
	v63 =	vld [tilespmem:$0x2A80]  }
0x2e8: {  	v39 =	vld [tilespmem:$0x1F940]  }
0x2e9: {  	v0 =	vadd.f32 v27, v0;
	v27 =	vmul.f32 v38, v41;
	v38 =	vld [tilespmem:$0x1F930]  }
0x2ea: {  	v41 =	vld [tilespmem:$0x1F960]  }
0x2eb: {  	v2 =	vadd.f32 v3, v2;
	v3 =	vmul.f32 v24, v8;
	v24 =	vld [tilespmem:$0x1F890]  }
0x2ec: {  	[tilespmem:$0x1FD30] =	vst v63;
	v63 =	vld [tilespmem:$0x3100]  }
0x2ed: {  	v8 =	vmul.f32 v26, v25;
	v25 =	vld [tilespmem:$0x1F8A0]  }
0x2ee: {  	v26 =	vmul.f32 v40, v22;
	v22 =	vld [tilespmem:$0x2C20]  }
0x2ef: {  	v40 =	vld [tilespmem:$0x1F950]  }
0x2f0: {  	v0 =	vadd.f32 v34, v0;
	v34 =	vld [tilespmem:$0x1F8F0]  }
0x2f1: {  	[tilespmem:$0x1FD40] =	vst v63;
	v63 =	vld [tilespmem:$0x2410]  }
0x2f2: {  	v2 =	vadd.f32 v5, v2;
	v5 =	vmul.f32 v29, v8;
	v29 =	vld [tilespmem:$0x1F8C0]  }
0x2f3: {  	v8 =	vmul.f32 v31, v30;
	v30 =	vld [tilespmem:$0x1F8D0]  }
0x2f4: {  	v31 =	vmul.f32 v60, v27;
	v60 =	vld [tilespmem:$0x1F980]  }
0x2f5: {  	v27 =	vld [tilespmem:$0x1F9A0]  }
0x2f6: {  	[tilespmem:$0x1FD50] =	vst v63;
	v63 =	vld [tilespmem:$0x2A90]  }
0x2f7: {  	v0 =	vadd.f32 v21, v0;
	v21 =	vld [tilespmem:$0x25A0]  }
0x2f8: {  	v16 =	vmul.f32 v16, v15;
	v15 =	vld [tilespmem:$0x3320]  }
0x2f9: {  	v2 =	vadd.f32 v6, v2;
	v6 =	vmul.f32 v18, v8;
	v18 =	vld [tilespmem:$0x2590]  }
0x2fa: {  	v8 =	vmul.f32 v20, v19;
	v19 =	vld [tilespmem:$0x2C10]  }
0x2fb: {  	[tilespmem:$0x1FD60] =	vst v63;
	v63 =	vld [tilespmem:$0x3110]  }
0x2fc: {  	v20 =	vld [tilespmem:$0x3290]  }
0x2fd: {  	v0 =	vadd.f32 v26, v0;
	v26 =	vld [tilespmem:$0x32B0]  }
0x2fe: {  	v2 =	vadd.f32 v7, v2;
	v7 =	vmul.f32 v23, v8;
	v23 =	vld [tilespmem:$0x32A0]  }
0x2ff: {  	v8 =	vmul.f32 v25, v24;
	v24 =	vld [tilespmem:$0x25B0]  }
0x300: {  	[tilespmem:$0x1FD70] =	vst v63;
	v63 =	vld [tilespmem:$0x2420]  }
0x301: {  	v25 =	vld [tilespmem:$0x2C30]  }
0x302: {  	v0 =	vadd.f32 v31, v0;
	v31 =	vld [tilespmem:$0x1F9E0]  }
0x303: {  	v2 =	vadd.f32 v3, v2;
	v3 =	vmul.f32 v28, v8;
	v28 =	vld [tilespmem:$0x1F9B0]  }
0x304: {  	v8 =	vmul.f32 v30, v29;
	v29 =	vld [tilespmem:$0x1F9C0]  }
0x305: {  	[tilespmem:$0x1FD80] =	vst v63;
	v63 =	vld [tilespmem:$0x2AA0]  }
0x306: {  	v30 =	vld [tilespmem:$0x1F9D0]  }
0x307: {  	v1 =	vmul.f32 v36, v32;
	v32 =	vld [tilespmem:$0x1F9F0]  }
0x308: {  	v2 =	vadd.f32 v5, v2;
	v5 =	vmul.f32 v33, v8;
	v33 =	vld [tilespmem:$0x1FA00]  }
0x309: {  	v8 =	vmul.f32 v35, v34;
	v34 =	vld [tilespmem:$0x1FA10]  }
0x30a: {  	[tilespmem:$0x1FD90] =	vst v63;
	v63 =	vld [tilespmem:$0x3120]  }
0x30b: {  	v35 =	vld [tilespmem:$0x1FA20]  }
0x30c: {  	v2 =	vadd.f32 v6, v2;
	v6 =	vmul.f32 v39, v8;
	v39 =	vld [tilespmem:$0x1FA60]  }
0x30d: {  	v4 =	vmul.f32 v38, v37;
	v8 =	vmul.f32 v41, v40;
	v40 =	vld [tilespmem:$0x1FA70]  }
0x30e: {  	v41 =	vld [tilespmem:$0x1FA80]  }
0x30f: {  	v0 =	vadd.f32 v1, v0;
	v1 =	vmul.f32 v55, v4;
	v4 =	vmul.f32 v61, v60;
	[tilespmem:$0x1FDA0] =	vst v63;
	v63 =	vld [tilespmem:$0x2430]  }
0x310: {  	v36 =	vld [tilespmem:$0x1FA30]  }
0x311: {  	v0 =	vadd.f32 v1, v0;
	v1 =	vmul.f32 v30, v4;
	v30 =	vld [tilespmem:$0x25D0]  }
0x312: {  	v4 =	vmul.f32 v32, v31;
	v31 =	vld [tilespmem:$0x2C50]  }
0x313: {  	v32 =	vld [tilespmem:$0x32D0]  }
0x314: {  	[tilespmem:$0x1FDB0] =	vst v63;
	v63 =	vld [tilespmem:$0x2AB0]  }
0x315: {  	v2 =	vadd.f32 v7, v2;
	v7 =	vmul.f32 v27, v8;
	v27 =	vld [tilespmem:$0x25C0]  }
0x316: {  	v8 =	vmul.f32 v29, v28;
	v28 =	vld [tilespmem:$0x2C40]  }
0x317: {  	v29 =	vld [tilespmem:$0x32C0]  }
0x318: {  	v2 =	vadd.f32 v3, v2;
	v3 =	vmul.f32 v33, v8;
	v33 =	vld [tilespmem:$0x1FAC0]  }
0x319: {  	[tilespmem:$0x1FDC0] =	vst v63;
	v63 =	vld [tilespmem:$0x3130]  }
0x31a: {  	v8 =	vmul.f32 v35, v34;
	v34 =	vld [tilespmem:$0x1FAD0]  }
0x31b: {  	v35 =	vld [tilespmem:$0x1FAE0]  }
0x31c: {  	v37 =	vld [tilespmem:$0x1FA40]  }
0x31d: {  	v2 =	vadd.f32 v5, v2;
	v5 =	vmul.f32 v39, v8;
	v39 =	vld [tilespmem:$0x1FB20]  }
0x31e: {  	[tilespmem:$0x1FDD0] =	vst v63;
	v63 =	vld [tilespmem:$0x2440]  }
0x31f: {  	v8 =	vmul.f32 v41, v40;
	v40 =	vld [tilespmem:$0x1FB30]  }
0x320: {  	v41 =	vld [tilespmem:$0x1FB40]  }
0x321: {  	v38 =	vld [tilespmem:$0x1FA50]  }
0x322: {  	v55 =	vld [tilespmem:$0x1FA90]  }
0x323: {  	[tilespmem:$0x1FDE0] =	vst v63;
	v63 =	vld [tilespmem:$0x2AC0]  }
0x324: {  	v60 =	vld [tilespmem:$0x1FAA0]  }
0x325: {  	v61 =	vld [tilespmem:$0x1FAB0]  }
0x326: {  	v2 =	vadd.f32 v6, v2;
	v6 =	vmul.f32 v33, v8;
	v33 =	vld [tilespmem:$0x25E0]  }
0x327: {  	v0 =	vadd.f32 v1, v0;
	v1 =	vmul.f32 v36, v4;
	v36 =	vld [tilespmem:$0x1FAF0]  }
0x328: {  	v4 =	vmul.f32 v38, v37;
	[tilespmem:$0x1FDF0] =	vst v63;
	v63 =	vld [tilespmem:$0x3140]  }
0x329: {  	v8 =	vmul.f32 v35, v34;
	v34 =	vld [tilespmem:$0x2C60]  }
0x32a: {  	v0 =	vadd.f32 v1, v0;
	v35 =	vld [tilespmem:$0x32E0];
	v1 =	vmul.f32 v55, v4;
	v4 =	vmul.f32 v61, v60  }
0x32b: {  	v37 =	vld [tilespmem:$0x1FB00]  }
0x32c: {  	v0 =	vadd.f32 v1, v0;
	v1 =	vmul.f32 v36, v4;
	v36 =	vld [tilespmem:$0x1FB80]  }
0x32d: {  	[tilespmem:$0x1FE00] =	vst v63;
	v63 =	vld [tilespmem:$0x2450]  }
0x32e: {  	v38 =	vld [tilespmem:$0x1FB10]  }
0x32f: {  	v55 =	vld [tilespmem:$0x1FB50]  }
0x330: {  	v60 =	vld [tilespmem:$0x1FB60]  }
0x331: {  	v2 =	vadd.f32 v7, v2;
	v7 =	vmul.f32 v39, v8;
	v8 =	vmul.f32 v41, v40;
	v61 =	vld [tilespmem:$0x1FB70]  }
0x332: {  	[tilespmem:$0x1FE10] =	vst v63;
	v63 =	vld [tilespmem:$0x2AD0]  }
0x333: {  	v2 =	vadd.f32 v3, v2;
	v3 =	vmul.f32 v36, v8;
	v36 =	vld [tilespmem:$0x25F0]  }
0x334: {  	v39 =	vld [tilespmem:$0x1FBB0]  }
0x335: {  	v4 =	vmul.f32 v38, v37;
	v37 =	vld [tilespmem:$0x1FB90]  }
0x336: {  	v40 =	vld [tilespmem:$0x1FBC0]  }
0x337: {  	v0 =	vadd.f32 v1, v0;
	v1 =	vmul.f32 v55, v4;
	v4 =	vmul.f32 v61, v60;
	[tilespmem:$0x1FE20] =	vst v63;
	v63 =	vld [tilespmem:$0x3150]  }
0x338: {  	v41 =	vld [tilespmem:$0x1FBD0]  }
0x339: {  	v0 =	vadd.f32 v1, v0;
	v1 =	vmul.f32 v39, v4;
	v39 =	vld [tilespmem:$0x2600]  }
0x33a: {  	v38 =	vld [tilespmem:$0x1FBA0]  }
0x33b: {  	v55 =	vld [tilespmem:$0x1FBE0]  }
0x33c: {  	[tilespmem:$0x1FE30] =	vst v63;
	v63 =	vld [tilespmem:$0x2460]  }
0x33d: {  	v4 =	vmul.f32 v41, v40;
	v40 =	vld [tilespmem:$0x1FC10]  }
0x33e: {  	v60 =	vld [tilespmem:$0x1FBF0]  }
0x33f: {  	v61 =	vld [tilespmem:$0x1FC00]  }
0x340: {  	v8 =	vmul.f32 v38, v37;
	v41 =	vld [tilespmem:$0x1FC20]  }
0x341: {  	[tilespmem:$0x1FE40] =	vst v63;
	v63 =	vld [tilespmem:$0x2AE0]  }
0x342: {  	v2 =	vadd.f32 v5, v2;
	v5 =	vmul.f32 v55, v8;
	v55 =	vld [tilespmem:$0x1FC30]  }
0x343: {  	v37 =	vld [tilespmem:$0x2C70]  }
0x344: {  	v8 =	vmul.f32 v61, v60;
	v60 =	vld [tilespmem:$0x1FC40]  }
0x345: {  	v61 =	vld [tilespmem:$0x1FC50]  }
0x346: {  	[tilespmem:$0x1FE50] =	vst v63;
	v63 =	vld [tilespmem:$0x3160]  }
0x347: {  	v0 =	vadd.f32 v1, v0;
	v1 =	vmul.f32 v40, v4;
	v4 =	vmul.f32 v55, v41;
	v55 =	vld [tilespmem:$0x1FC60]  }
0x348: {  	v38 =	vld [tilespmem:$0x32F0]  }
0x349: {  	v2 =	vadd.f32 v6, v2;
	v6 =	vmul.f32 v60, v8;
	v60 =	vld [tilespmem:$0x1FC70]  }
0x34a: {  	v40 =	vld [tilespmem:$0x2C80]  }
0x34b: {  	v5 =	vadd.f32 v5, v0;
	[tilespmem:$0x1FE60] =	vst v63;
	v63 =	vld [tilespmem:$0x2470]  }
0x34c: {  	v8 =	vmul.f32 v55, v61;
	v61 =	vld [tilespmem:$0x1FC80]  }
0x34d: {  	v2 =	vadd.f32 v7, v2;
	v5 =	vadd.f32 v1, v5;
	v55 =	vld [tilespmem:$0x1FC90]  }
0x34e: {  	v0 =	vmul.f32 v60, v4;
	v60 =	vld [tilespmem:$0x1FCA0]  }
0x34f: {  	v1 =	vadd.f32 v3, v2;
	v2 =	vadd.f32 v6, v5;
	v6 =	vmul.f32 v17, v16;
	v16 =	vld [tilespmem:$0x2630]  }
0x350: {  	[tilespmem:$0x1FE70] =	vst v63;
	v63 =	vld [tilespmem:$0x2AF0]  }
0x351: {  	v41 =	vmul.f32 v13, v12;
	v12 =	vld [tilespmem:$0x2610]  }
0x352: {  	v4 =	vmul.f32 v55, v61;
	v55 =	vld [tilespmem:$0x1FCC0]  }
0x353: {  	v7 =	vmul.f32 v60, v8;
	v60 =	vld [tilespmem:$0x1FCD0]  }
0x354: {  	v13 =	vld [tilespmem:$0x2620]  }
0x355: {  	v61 =	vmul.f32 v10, v9;
	[tilespmem:$0x1FE80] =	vst v63;
	v63 =	vld [tilespmem:$0x3170]  }
0x356: {  	v10 =	vld [tilespmem:$0x1FCB0]  }
0x357: {  	v8 =	vmul.f32 v11, v61;
	v61 =	vmul.f32 v14, v41;
	v41 =	vld [tilespmem:$0x1FCE0]  }
0x358: {  	v3 =	vmul.f32 v60, v55;
	v55 =	vld [tilespmem:$0x1FCF0]  }
0x359: {  	v60 =	vld [tilespmem:$0x1FD00]  }
0x35a: {  	[tilespmem:$0x1FE90] =	vst v63;
	v63 =	vld [tilespmem:$0x2480]  }
0x35b: {  	v9 =	vld [tilespmem:$0x3300];
	v5 =	vadd.f32 v61, v8;
	v61 =	vmul.f32 v19, v18  }
0x35c: {  	v11 =	vld [tilespmem:$0x2C90];
	v4 =	vmul.f32 v10, v4  }
0x35d: {  	v14 =	vld [tilespmem:$0x2CA0];
	v5 =	vadd.f32 v6, v5;
	v3 =	vmul.f32 v41, v3;
	v41 =	vmul.f32 v20, v61  }
0x35e: {  	v4 =	vadd.f32 v4, v7;
	v7 =	vmul.f32 v60, v55;
	v17 =	vld [tilespmem:$0x1FD10];
	v55 =	vmul.f32 v22, v21  }
0x35f: {  	v22 =	vmul.f32 v25, v24;
	[tilespmem:$0x1FEA0] =	vst v63;
	v63 =	vld [tilespmem:$0x2B00]  }
0x360: {  	v10 =	vld [tilespmem:$0x3310];
	v5 =	vadd.f32 v41, v5;
	v21 =	vmul.f32 v23, v55  }
0x361: {  	v41 =	vmul.f32 v26, v22;
	v22 =	vld [tilespmem:$0x2650]  }
0x362: {  	v5 =	vadd.f32 v21, v5;
	v21 =	vld [tilespmem:$0x3340]  }
0x363: {  	v3 =	vadd.f32 v3, v4;
	v26 =	vmul.f32 v31, v30;
	v4 =	vmul.f32 v17, v7;
	v17 =	vld [tilespmem:$0x2CB0]  }
0x364: {  	[tilespmem:$0x1FEB0] =	vst v63;
	v63 =	vld [tilespmem:$0x3180]  }
0x365: {  	v30 =	vmul.f32 v32, v26;
	v26 =	vld [tilespmem:$0x2CE0]  }
0x366: {  	v18 =	vld [tilespmem:$0x1FD20]  }
0x367: {  	v19 =	vld [tilespmem:$0x1FD30]  }
0x368: {  	v17 =	vmul.f32 v17, v16;
	v16 =	vld [tilespmem:$0x26A0]  }
0x369: {  	[tilespmem:$0x1FEC0] =	vst v63;
	v63 =	vld [tilespmem:$0x2490]  }
0x36a: {  	v60 =	vld [tilespmem:$0x1FD40]  }
0x36b: {  	v61 =	vld [tilespmem:$0x1FD50]  }
0x36c: {  	v20 =	vld [tilespmem:$0x1FD60]  }
0x36d: {  	v23 =	vld [tilespmem:$0x1FD70]  }
0x36e: {  	[tilespmem:$0x1FED0] =	vst v63;
	v63 =	vld [tilespmem:$0x2B10]  }
0x36f: {  	v24 =	vld [tilespmem:$0x1FD80]  }
0x370: {  	v7 =	vmul.f32 v19, v18;
	v25 =	vld [tilespmem:$0x1FD90]  }
0x371: {  	v18 =	vld [tilespmem:$0x3330]  }
0x372: {  	v3 =	vadd.f32 v4, v3;
	v19 =	vld [tilespmem:$0x2640];
	v4 =	vmul.f32 v60, v7;
	v7 =	vmul.f32 v20, v61  }
0x373: {  	v55 =	vmul.f32 v28, v27;
	[tilespmem:$0x1FEE0] =	vst v63;
	v63 =	vld [tilespmem:$0x3190]  }
0x374: {  	v3 =	vadd.f32 v4, v3;
	v20 =	vld [tilespmem:$0x2CC0];
	v4 =	vmul.f32 v23, v7  }
0x375: {  	v5 =	vadd.f32 v41, v5;
	v23 =	vld [tilespmem:$0x2CD0];
	v7 =	vmul.f32 v25, v24;
	v25 =	vmul.f32 v29, v55  }
0x376: {  	v60 =	vld [tilespmem:$0x1FDA0]  }
0x377: {  	v31 =	vmul.f32 v34, v33;
	v5 =	vadd.f32 v25, v5;
	v25 =	vld [tilespmem:$0x2660]  }
0x378: {  	[tilespmem:$0x1FEF0] =	vst v63;
	v63 =	vld [tilespmem:$0x24A0]  }
0x379: {  	v35 =	vmul.f32 v35, v31;
	v5 =	vadd.f32 v30, v5;
	v61 =	vld [tilespmem:$0x1FDB0]  }
0x37a: {  	v24 =	vld [tilespmem:$0x1FDC0]  }
0x37b: {  	v5 =	vadd.f32 v35, v5;
	v35 =	vmul.f32 v11, v12;
	v11 =	vld [tilespmem:$0x2680]  }
0x37c: {  	v12 =	vld [tilespmem:$0x3380]  }
0x37d: {  	[tilespmem:$0x1FF00] =	vst v63;
	v63 =	vld [tilespmem:$0x2B20]  }
0x37e: {  	v27 =	vld [tilespmem:$0x1FDD0]  }
0x37f: {  	v3 =	vadd.f32 v4, v3;
	v4 =	vmul.f32 v60, v7;
	v7 =	vmul.f32 v24, v61;
	v24 =	vld [tilespmem:$0x3350]  }
0x380: {  	v61 =	vmul.f32 v40, v39;
	v39 =	vmul.f32 v10, v35;
	v10 =	vld [tilespmem:$0x2D00]  }
0x381: {  	v28 =	vld [tilespmem:$0x1FDE0]  }
0x382: {  	[tilespmem:$0x1FF10] =	vst v63;
	v63 =	vld [tilespmem:$0x31A0]  }
0x383: {  	v29 =	vld [tilespmem:$0x1FDF0]  }
0x384: {  	v40 =	vmul.f32 v14, v13;
	v13 =	vld [tilespmem:$0x2690]  }
0x385: {  	v14 =	vld [tilespmem:$0x2D10]  }
0x386: {  	v32 =	vld [tilespmem:$0x1FE00]  }
0x387: {  	[tilespmem:$0x1FF20] =	vst v63;
	v63 =	vld [tilespmem:$0x24B0]  }
0x388: {  	v3 =	vadd.f32 v4, v3;
	v4 =	vmul.f32 v27, v7;
	v7 =	vmul.f32 v29, v28;
	v28 =	vld [tilespmem:$0x2670]  }
0x389: {  	v29 =	vld [tilespmem:$0x2CF0]  }
0x38a: {  	v33 =	vld [tilespmem:$0x1FE10]  }
0x38b: {  	v34 =	vld [tilespmem:$0x1FE20]  }
0x38c: {  	[tilespmem:$0x1FF30] =	vst v63;
	v63 =	vld [tilespmem:$0x2B30]  }
0x38d: {  	v36 =	vmul.f32 v37, v36;
	v27 =	vld [tilespmem:$0x3360]  }
0x38e: {  	v28 =	vmul.f32 v29, v28;
	v29 =	vld [tilespmem:$0x33B0]  }
0x38f: {  	v60 =	vmul.f32 v38, v36;
	v3 =	vadd.f32 v4, v3;
	v4 =	vmul.f32 v32, v7;
	v37 =	vld [tilespmem:$0x1FE30]  }
0x390: {  	v7 =	vmul.f32 v34, v33;
	v34 =	vmul.f32 v9, v61;
	v9 =	vld [tilespmem:$0x3370]  }
0x391: {  	v5 =	vadd.f32 v60, v5;
	[tilespmem:$0x1FF40] =	vst v63;
	v63 =	vld [tilespmem:$0x31B0]  }
0x392: {  	v61 =	vmul.f32 v15, v40;
	v15 =	vld [tilespmem:$0x3390]  }
0x393: {  	v5 =	vadd.f32 v34, v5;
	v34 =	vmul.f32 v20, v19;
	v19 =	vld [tilespmem:$0x26B0]  }
0x394: {  	v41 =	vld [tilespmem:$0x1FE40]  }
0x395: {  	v55 =	vld [tilespmem:$0x1FE50]  }
0x396: {  	[tilespmem:$0x1FF50] =	vst v63;
	v63 =	vld [tilespmem:$0x24C0]  }
0x397: {  	v31 =	vld [tilespmem:$0x1FE60]  }
0x398: {  	v32 =	vld [tilespmem:$0x1FE70]  }
0x399: {  	v33 =	vld [tilespmem:$0x1FE80]  }
0x39a: {  	v20 =	vld [tilespmem:$0x2D60];
	v5 =	vadd.f32 v39, v5  }
0x39b: {  	v3 =	vadd.f32 v4, v3;
	v4 =	vmul.f32 v37, v7;
	v7 =	vmul.f32 v55, v41;
	[tilespmem:$0x1FF60] =	vst v63;
	v63 =	vld [tilespmem:$0x2B40]  }
0x39c: {  	v5 =	vadd.f32 v61, v5;
	v61 =	vmul.f32 v26, v25;
	v26 =	vld [tilespmem:$0x2D30]  }
0x39d: {  	v3 =	vadd.f32 v4, v3;
	v4 =	vmul.f32 v31, v7;
	v36 =	vld [tilespmem:$0x1FE90]  }
0x39e: {  	v7 =	vmul.f32 v33, v32;
	v33 =	vmul.f32 v18, v17;
	v17 =	vld [tilespmem:$0x2D20]  }
0x39f: {  	v37 =	vld [tilespmem:$0x1FEA0]  }
0x3a0: {  	[tilespmem:$0x1FF70] =	vst v63;
	v63 =	vld [tilespmem:$0x31C0]  }
0x3a1: {  	v38 =	vld [tilespmem:$0x1FEB0]  }
0x3a2: {  	v41 =	vld [tilespmem:$0x1FEC0]  }
0x3a3: {  	v55 =	vld [tilespmem:$0x1FED0]  }
0x3a4: {  	v60 =	vld [tilespmem:$0x1FEE0]  }
0x3a5: {  	[tilespmem:$0x1FF80] =	vst v63;
	v63 =	vld [tilespmem:$0x24D0]  }
0x3a6: {  	v30 =	vld [tilespmem:$0x1FEF0]  }
0x3a7: {  	v31 =	vld [tilespmem:$0x1FF00]  }
0x3a8: {  	v32 =	vld [tilespmem:$0x1FF10]  }
0x3a9: {  	v35 =	vld [tilespmem:$0x1FF20]  }
0x3aa: {  	[tilespmem:$0x1FF90] =	vst v63;
	v63 =	vld [tilespmem:$0x2B50]  }
0x3ab: {  	v3 =	vadd.f32 v4, v3;
	v4 =	vmul.f32 v36, v7;
	v36 =	vld [tilespmem:$0x1FF30]  }
0x3ac: {  	v7 =	vmul.f32 v38, v37;
	v37 =	vld [tilespmem:$0x1FF40]  }
0x3ad: {  	v40 =	vld [tilespmem:$0x1FF50]  }
0x3ae: {  	v3 =	vadd.f32 v4, v3;
	v4 =	vmul.f32 v41, v7;
	v41 =	vld [tilespmem:$0x1FF60]  }
0x3af: {  	v39 =	vmul.f32 v23, v22;
	[tilespmem:$0x1FFA0] =	vst v63;
	v63 =	vld [tilespmem:$0x31D0]  }
0x3b0: {  	v7 =	vmul.f32 v60, v55;
	v55 =	vld [tilespmem:$0x1FF70]  }
0x3b1: {  	v60 =	vmul.f32 v24, v39;
	v23 =	vld [tilespmem:$0x1FF80]  }
0x3b2: {  	v3 =	vadd.f32 v4, v3;
	v4 =	vmul.f32 v30, v7;
	v7 =	vmul.f32 v32, v31;
	v24 =	vld [tilespmem:$0x1FF90]  }
0x3b3: {  	v25 =	vld [tilespmem:$0x1FFA0]  }
0x3b4: {  	v3 =	vadd.f32 v4, v3;
	v4 =	vmul.f32 v35, v7;
	v7 =	vmul.f32 v37, v36;
	[tilespmem:$0x1FFB0] =	vst v63;
	v63 =	vld [tilespmem:$0x24E0]  }
0x3b5: {  	v5 =	vadd.f32 v33, v5;
	v38 =	vmul.f32 v21, v34;
	v30 =	vld [tilespmem:$0x1FFB0]  }
0x3b6: {  	v18 =	vld [tilespmem:$0x33A0];
	v3 =	vadd.f32 v4, v3;
	v4 =	vmul.f32 v40, v7;
	v7 =	vmul.f32 v55, v41  }
0x3b7: {  	v33 =	vmul.f32 v9, v28;
	v28 =	vld [tilespmem:$0x26F0];
	v5 =	vadd.f32 v38, v5;
	v37 =	vmul.f32 v56, v50  }
0x3b8: {  	v50 =	vld [tilespmem:$0x2D50];
	v3 =	vadd.f32 v4, v3;
	v4 =	vmul.f32 v23, v7;
	v7 =	vmul.f32 v25, v24  }
0x3b9: {  	v27 =	vmul.f32 v27, v61;
	v34 =	vmul.f32 v10, v11;
	v5 =	vadd.f32 v60, v5;
	v41 =	vld [tilespmem:$0x26D0]  }
0x3ba: {  	v38 =	vld [tilespmem:$0x33C0];
	v3 =	vadd.f32 v4, v3;
	v31 =	vmul.f32 v52, v63;
	v4 =	vmul.f32 v30, v7  }
0x3bb: {  	v39 =	vmul.f32 v12, v34;
	v60 =	vld [tilespmem:$0x26E0];
	v5 =	vadd.f32 v27, v5  }
0x3bc: {  	v32 =	vld [tilespmem:$0x26C0];
	v56 =	vmul.f32 v48, v42;
	v36 =	vmul.f32 v49, v31;
	v3 =	vadd.f32 v4, v3  }
0x3bd: {  	v5 =	vadd.f32 v33, v5;
	v35 =	vld [tilespmem:$0x2D40];
	v46 =	vmul.f32 v46, v37;
	v40 =	vmul.f32 v14, v13  }
0x3be: {  	v42 =	vld [tilespmem:$0x1FFF0];
	v33 =	vmul.f32 v50, v41;
	v49 =	vmul.f32 v53, v51;
	v3 =	vadd.f32 v36, v3  }
0x3bf: {  	v5 =	vadd.f32 v39, v5;
	v41 =	vld [tilespmem:$0x1FFE0];
	v52 =	vmul.f32 v17, v16;
	v51 =	vmul.f32 v15, v40  }
0x3c0: {  	v25 =	vld [tilespmem:$0x33E0];
	v55 =	vmul.f32 v47, v49;
	v3 =	vadd.f32 v46, v3  }
0x3c1: {  	v63 =	vmul.f32 v26, v19;
	v61 =	vmul.f32 v18, v52;
	v5 =	vadd.f32 v51, v5;
	v36 =	vld [tilespmem:$0x1FFC0]  }
0x3c2: {  	v23 =	vmul.f32 v43, v56;
	v24 =	vmul.f32 v57, v54;
	v53 =	vld [tilespmem:$0x33D0];
	v3 =	vadd.f32 v55, v3  }
0x3c3: {  	v27 =	vmul.f32 v35, v32;
	v26 =	vmul.f32 v29, v63;
	v40 =	vld [tilespmem:$0x1FFD0];
	v5 =	vadd.f32 v61, v5  }
0x3c4: {  	v30 =	vmul.f32 v59, v45;
	v29 =	vmul.f32 v44, v24;
	v31 =	vld [tilespmem:$0x2D70];
	v3 =	vadd.f32 v23, v3  }
0x3c5: {  	v34 =	vld [tilespmem:$0x3250];
	v32 =	vmul.f32 v38, v27;
	v5 =	vadd.f32 v26, v5  }
0x3c6: {  	v37 =	vld [tilespmem:$0x33F0];
	v35 =	vmul.f32 v58, v30;
	v7 =	vmul.f32 v36, v62;
	v3 =	vadd.f32 v29, v3  }
0x3c7: {  	v39 =	vmul.f32 v20, v60;
	v38 =	vmul.f32 v53, v33;
	v5 =	vadd.f32 v32, v5  }
0x3c8: {  	v4 =	vmul.f32 v40, v7;
	v7 =	vmul.f32 v42, v41;
	v3 =	vadd.f32 v35, v3  }
0x3c9: {  	v43 =	vmul.f32 v25, v39;
	v44 =	vmul.f32 v31, v28;
	v5 =	vadd.f32 v38, v5  }
0x3ca: {  	v46 =	vmul.f32 v34, v7;
	v45 =	vadd.f32 v4, v3  }
0x3cb: {  	v0 =	vadd.f32 v0, v2;
	v48 =	vmul.f32 v37, v44;
	v47 =	vadd.f32 v43, v5  }
0x3cc: {  	(xrf2) =	vadd.scan.msk.f32 $0xffff, v1;
	v49 =	vadd.f32 v46, v45  }
0x3cd: {  	(xrf2) =	vadd.scan.msk.f32 $0xffff, v0;
	v1 =	vadd.f32 v48, v47  }
0x3ce: {  	(xrf2) =	vadd.scan.msk.f32 $0xffff, v49  }
0x3cf: {  	(xrf2) =	vadd.scan.msk.f32 $0xffff, v1;
	_ =	sdelay $0x4  }
0x3d0: {  	v50 =	vld [tilespmem:s28+$0x3400]  }
0x3d1: {  	s29 =	sand.u32 $0xC, s26;
	v54 =	vlaneseq.u32;
	v57 =	vlaneseq.u32  }
0x3d2: {  	s31 =	sor.u32 $0x1, s29;
	v63 =	vlaneseq.u32;
	v51, _, _ =	vpop (xrf2);
	v61 =	vlaneseq.u32;
	v53 =	vmov s29  }
0x3d3: {  	s26 =	sadd.s32 $0x8, s26;
	v52, _, _ =	vpop (xrf2);
	vm12 =	veq.s32 v53, v54;
	v55 =	vmov s31;
	s31 =	sor.u32 $0x2, s29;
	v1 =	vbroadcast v51, $0xF  }
0x3d4: {  	p0 =	sne.s32 s26, $0x84;
	v2 =	vbroadcast v52, $0xF;
	s29 =	sor.u32 $0x3, s29;
	vm13 =	veq.s32 v55, v57;
	v58 =	vmov s31;
	v56, _, _ =	vpop (xrf2)  }
.Ltmp0:
0x3d5: {  	v62 =	vmov s29;
	v0 =	vsel vm12, v1, v50;
	v59 =	vbroadcast v56, $0xF;
	v60, _, _ =	vpop (xrf2);
	(pc) =	sbr.rel @p0 .LBB2_2-.Ltmp0, $4  }
0x3d6: {  	vm14 =	veq.s32 v58, v61;
	v0 =	vsel vm13, v2, v0;
	v3 =	vbroadcast v60, $0xF  }
0x3d7: {  	vm15 =	veq.s32 v62, v63;
	v0 =	vsel vm14, v59, v0  }
0x3d8: {  	v0 =	vsel vm15, v3, v0  }
0x3d9: {  	s25 =	sadd.s32 $0x20, s25;
	s24 =	sadd.s32 $0xD0, s24;
	[tilespmem:s28+$0x3400] =	vst v0  }
0x3da: {  	s23 =	sadd.s32 $0x1, s23  }
0x3db: {  	p0 =	sne.s32 s23, s8  }
.Ltmp1:
0x3dc: {  	_ = 	snop;
	(pc) =	sbr.rel @p0 .LBB2_1-.Ltmp1, $4  }
0x3dd: {  	[hbm4b:s7+s2] =	stream.linear.scatter [tilespmem:s22], [sflag:$0x7], $0x80, $0x38;
	[tilespmem:$0x3480] =	vst v63  }
0x3de: {  	_ =	swait.ge [sflag:s9], $0x80  }
0x3df: {  	[sflag:s9] =	ssyncset.done $0x0  }
0x3e0: {  	[sflag:s9] =	ssyncadd.s32 $0xFFFFFF80  }
0x3e1: {  	_ =	sfence.sel $0x180000  }
0x3e2: {  	[bflag:$0x0] =	sbarrier.arrive $0xFFFF  }
0x3e3: {  	p0 =	sne.s32 s0, $0x0;
	_ =	strace $0x90000047  }
0x3e4: {  	s0 =	sadd.s32 @!p0 $0x100000, s1;
	[bflag:$0x2] =	sbarrier.arrive $0xFFFF  }
0x3e5: {  	[sflag:s0] =	ssyncadd.tile.s32 @!p0 $0x1;
	_ =	shalt  }
.Lfunc_end2:
_tile_overlayer_lowered:
.L_overlay_start_2:
0x3e6: {  	(tag) =	ssettag $0x2  }
0x3e7: {  	s0 =	rddreg [dreg:$0x0];
	s2 =	stileid.u32  }
0x3e8: {  	s1 =	rddreg [dreg:$0x1];
	p0 =	sne.s32 s2, $0x0  }
0x3e9: {  	s3 =	rddreg [dreg:$0x2];
	[bflag:$0x3] =	sbarrier.arrive $0xFFFF;
	s2 =	simm.s32 @!p0 $0x1C07  }
0x3ea: {  	[timem:s3], [sflag:s2] =	dma.local @!p0 [hbm:s0], s1  }
0x3eb: {  	s0 =	simm.s32 @!p0 $0x7  }
0x3ec: {  	_ =	swait.ge @!p0 [sflag:s0], s1  }
0x3ed: {  	s1 =	ssub.s32 @!p0 $0x0, s1;
	[sflag:s0] =	ssyncset.done @!p0 $0x0  }
0x3ee: {  	[sflag:s0] =	ssyncadd.s32 @!p0 s1  }
0x3ef: {  	[bflag:$0x3] =	sbarrier.arrive $0xFFFF  }
0x3f0: {  	_ =	shalt  }

</sc_bundles>
